<compile_context>
chip_gen: v7x
topology: tpu7x:2x2x1
jax: 0.10.2.dev20260603
libtpu: 0.0.44.dev20260713+nightly
codegen_flags: <defaults>
</compile_context>

<pallas_src>
import functools

import jax
import jax.numpy as jnp
from jax import lax
from jax.experimental import pallas as pl
from jax.experimental.pallas import tpu as pltpu
from jax.experimental.pallas import tpu_sc as plsc

_VOCAB = 1000000
_VPAD = 1048576
_HID = 64
_OUT = 2
_B = 4096
_L = 200

_NC = 2
_NS = 16
_NW = _NC * _NS
_IPW = _B // _NW
_C0 = 104
_C1 = _L - _C0
_UNROLL = 8

_PROJ_BLK = 65536


def _tc_project(table_t, fc1_w):

    def body(w_ref, x_ref, o_ref):
        o_ref[...] = jax.lax.dot_general(
            w_ref[...], x_ref[...], (((1,), (0,)), ((), ())),
            preferred_element_type=jnp.float32)

    return pl.pallas_call(
        body,
        grid=(-(-_VOCAB // _PROJ_BLK),),
        in_specs=[
            pl.BlockSpec((_OUT, _HID), lambda b: (0, 0)),
            pl.BlockSpec((_HID, _PROJ_BLK), lambda b: (0, b)),
        ],
        out_specs=pl.BlockSpec((_OUT, _PROJ_BLK), lambda b: (0, b)),
        out_shape=jax.ShapeDtypeStruct((_OUT, _VPAD), jnp.float32),
    )(fc1_w, table_t)



_IVCH = _VPAD // _NW
_ICH = 2048


def _sc_interleave(ch0, ch1):
    mesh = plsc.VectorSubcoreMesh(core_axis_name="c", subcore_axis_name="s")

    @functools.partial(
        pl.kernel,
        mesh=mesh,
        compiler_params=pltpu.CompilerParams(
            use_tc_tiling_on_sc=False, needs_layout_passes=False),
        out_type=jax.ShapeDtypeStruct((_VPAD, 16), jnp.float32),
        scratch_types=[
            pltpu.VMEM((_ICH // 16, 16), jnp.float32),
            pltpu.VMEM((_ICH // 16, 16), jnp.float32),
            pltpu.VMEM((_ICH // 16, 16), jnp.float32),
            pltpu.VMEM((_ICH // 16, 16), jnp.float32),
            pltpu.VMEM((_ICH, 16), jnp.float32),
            pltpu.VMEM((_ICH, 16), jnp.float32),
            pltpu.SemaphoreType.DMA,
            pltpu.SemaphoreType.DMA,
            pltpu.SemaphoreType.DMA,
            pltpu.SemaphoreType.DMA,
        ],
    )
    def k(ch0_hbm, ch1_hbm, out_hbm, t0A, t1A, t0B, t1B, bufA, bufB,
          semA, semB, stA, stB):
        wid = lax.axis_index("s") * _NC + lax.axis_index("c")
        vbase = wid * _IVCH
        lanes = lax.iota(jnp.int32, 16)
        zcol = jnp.zeros((16,), jnp.int32)
        onecol = jnp.full((16,), 1, jnp.int32)
        zeros = jnp.zeros((16,), jnp.float32)
        bufs = (bufA, bufB)
        sems = (semA, semB)
        ts = ((t0A, t1A), (t0B, t1B))
        ssems = (stA, stB)
        nch = _IVCH // _ICH
        nq = _ICH // 16

        def zero_rows(buf):
            def zero_row(r, carry):
                buf[r, pl.ds(0, 16)] = zeros
                return carry
            lax.fori_loop(0, _ICH, zero_row, 0)

        zero_rows(bufA)
        zero_rows(bufB)

        def stage(c):
            q0 = (vbase + c * _ICH) // 16
            t0, t1 = ts[c % 2]
            sem = ssems[c % 2]
            pltpu.async_copy(ch0_hbm.at[pl.ds(q0, nq)], t0, sem)
            pltpu.async_copy(ch1_hbm.at[pl.ds(q0, nq)], t1, sem)

        def wait_stage(c):
            q0 = (vbase + c * _ICH) // 16
            t0, t1 = ts[c % 2]
            sem = ssems[c % 2]
            pltpu.make_async_copy(
                ch0_hbm.at[pl.ds(q0, nq)], t0, sem).wait()
            pltpu.make_async_copy(
                ch1_hbm.at[pl.ds(q0, nq)], t1, sem).wait()

        stage(0)
        for c in range(nch):
            buf = bufs[c % 2]
            sem = sems[c % 2]
            t0, t1 = ts[c % 2]
            if c >= 2:
                pltpu.make_async_copy(
                    buf, out_hbm.at[pl.ds(vbase + (c - 2) * _ICH, _ICH)],
                    sem).wait()
            wait_stage(c)

            def fill(s, carry):
                for u in range(4):
                    g = s * 4 + u
                    rows = jnp.full((16,), g * 16, jnp.int32) + lanes
                    plsc.store_scatter(buf, [rows, zcol], t0[g])
                    plsc.store_scatter(buf, [rows, onecol], t1[g])
                return carry

            if c + 1 < nch:
                stage(c + 1)
            lax.fori_loop(0, nq // 4, fill, 0)
            pltpu.async_copy(
                buf, out_hbm.at[pl.ds(vbase + c * _ICH, _ICH)], sem)

        for c in (nch - 2, nch - 1):
            pltpu.make_async_copy(
                bufs[c % 2],
                out_hbm.at[pl.ds(vbase + c * _ICH, _ICH)],
                sems[c % 2]).wait()

    return k(ch0, ch1)


def _sc_pool(text_flat, proj16):
    mesh = plsc.VectorSubcoreMesh(core_axis_name="c", subcore_axis_name="s")

    @functools.partial(
        pl.kernel,
        mesh=mesh,
        compiler_params=pltpu.CompilerParams(
            use_tc_tiling_on_sc=False, needs_layout_passes=False),
        out_type=jax.ShapeDtypeStruct((_B, 16), jnp.float32),
        scratch_types=[
            pltpu.VMEM((_IPW * _L,), jnp.int32),
            pltpu.VMEM((_L, 16), jnp.float32),
            pltpu.VMEM((_L, 16), jnp.float32),
            pltpu.VMEM((_L, 16), jnp.float32),
            pltpu.VMEM((_L, 16), jnp.float32),
            pltpu.VMEM((_IPW, 16), jnp.float32),
            pltpu.SemaphoreType.DMA,
            pltpu.SemaphoreType.DMA,
            pltpu.SemaphoreType.DMA,
            pltpu.SemaphoreType.DMA,
        ],
    )
    def k(text_hbm, proj_hbm, out_hbm, idx_v, rows0, rows1, rows2, rows3,
          part_v, sem0, sem1, sem2, sem3):
        wid = lax.axis_index("s") * _NC + lax.axis_index("c")
        ibase = wid * (_IPW * _L)
        pltpu.sync_copy(text_hbm.at[pl.ds(ibase, _IPW * _L)], idx_v)

        def gather(i, buf, sem):
            off = i * _L
            pltpu.async_copy(
                proj_hbm.at[idx_v.at[pl.ds(off, _C0)]],
                buf.at[pl.ds(0, _C0)], sem)
            pltpu.async_copy(
                proj_hbm.at[idx_v.at[pl.ds(off + _C0, _C1)]],
                buf.at[pl.ds(_C0, _C1)], sem)

        def wait_gather(i, buf, sem):
            off = i * _L
            pltpu.make_async_copy(
                proj_hbm.at[idx_v.at[pl.ds(off, _C0)]],
                buf.at[pl.ds(0, _C0)], sem).wait()
            pltpu.make_async_copy(
                proj_hbm.at[idx_v.at[pl.ds(off + _C0, _C1)]],
                buf.at[pl.ds(_C0, _C1)], sem).wait()

        def reduce_to(i, buf):
            def step(s, accs):
                a = list(accs)
                for r in range(_UNROLL):
                    a[r % 4] = a[r % 4] + buf[s * _UNROLL + r]
                return tuple(a)

            accs = lax.fori_loop(
                0, _L // _UNROLL, step,
                tuple(jnp.zeros((16,), jnp.float32) for _ in range(4)))
            part_v[i, pl.ds(0, 16)] = (
                (accs[0] + accs[1]) + (accs[2] + accs[3]))

        ring = ((rows0, sem0), (rows1, sem1), (rows2, sem2), (rows3, sem3))
        for j in range(3):
            gather(j, ring[j][0], ring[j][1])

        @pl.loop(0, _IPW, step=4)
        def _(i):
            for j in range(4):
                buf, sem = ring[j]

                @pl.when(i + j + 3 < _IPW)
                def _():
                    nbuf, nsem = ring[(j + 3) % 4]
                    gather(i + j + 3, nbuf, nsem)

                wait_gather(i + j, buf, sem)
                reduce_to(i + j, buf)

        pltpu.sync_copy(part_v, out_hbm.at[pl.ds(wid * _IPW, _IPW)])

    return k(text_flat, proj16)


def _tc_head(partial, bias):
    def body(x_ref, b_ref, o_ref):
        o_ref[...] = x_ref[:, 0:_OUT] * (1.0 / _L) + b_ref[...]

    return pl.pallas_call(
        body,
        out_shape=jax.ShapeDtypeStruct((_B, _OUT), jnp.float32),
    )(partial, bias)


def kernel(text, emb_table, fc1_w, fc1_b):
    projT = _tc_project(emb_table.T, fc1_w)
    proj16 = _sc_interleave(
        projT[0].reshape(_VPAD // 16, 16),
        projT[1].reshape(_VPAD // 16, 16),
    )
    part = _sc_pool(text.reshape(-1), proj16)
    return _tc_head(part, fc1_b.reshape(1, _OUT))

# --- scband reference (transcript-rebuilt; emitter-appended) ---
"""Pipeline reference for scband-model-17446157157061 (READ-ONLY COPY).

The authoritative reference and input builder live on the scoring server;
editing this copy changes nothing except your own understanding.
"""

import jax, jax.numpy as jnp
import numpy as np

VOCAB = 1000000
HIDDEN = 64
OUT = 2
B = 4096
L = 200

def setup_inputs(seed: int = 0) -> dict:
    key = jax.random.key(seed)
    k1, k2, k3, k4 = jax.random.split(key, 4)
    text = jax.random.randint(k1, (B, L), 0, VOCAB, dtype=jnp.int64 if jax.config.jax_enable_x64 else jnp.int32)
    emb_table = jax.random.normal(k2, (VOCAB, HIDDEN), dtype=jnp.float32) * 0.02
    fc1_w = jax.random.normal(k3, (OUT, HIDDEN), dtype=jnp.float32) * (1.0 / np.sqrt(HIDDEN))
    fc1_b = jax.random.normal(k4, (OUT,), dtype=jnp.float32) * 0.01
    return {"text": text, "emb_table": emb_table, "fc1_w": fc1_w, "fc1_b": fc1_b}

def reference(text, emb_table, fc1_w, fc1_b):
    # nn.Embedding lookup: gather rows of table
    embedding = jnp.take(emb_table, text, axis=0)  # [B, L, HIDDEN]
    # GlobalAveragePooling1D = torch.mean(embedding, dim=1)
    pooled = jnp.mean(embedding, axis=1)  # [B, HIDDEN]
    # nn.Linear: x @ W.T + b
    out = pooled @ fc1_w.T + fc1_b  # [B, OUT]
    return out

if __name__ == "__main__":
    import jax
    _d = setup_inputs()
    print(jax.jit(kernel)(*tuple(_d.values())))

</pallas_src>

<mosaic_0001>
#map = affine_map<(d0, d1) -> (0, 0)>
module attributes {stable_mosaic.version = 14 : i64} {
  func.func @k(%arg0: i32, %arg1: i32, %arg2: memref<65536x16xf32, #tpu.memory_space<hbm>>, %arg3: memref<65536x16xf32, #tpu.memory_space<hbm>>, %arg4: memref<1048576x16xf32, #tpu.memory_space<hbm>>, %arg5: memref<128x16xf32, #tpu.memory_space<vmem>>, %arg6: memref<128x16xf32, #tpu.memory_space<vmem>>, %arg7: memref<128x16xf32, #tpu.memory_space<vmem>>, %arg8: memref<128x16xf32, #tpu.memory_space<vmem>>, %arg9: memref<2048x16xf32, #tpu.memory_space<vmem>>, %arg10: memref<2048x16xf32, #tpu.memory_space<vmem>>, %arg11: memref<!tpu.dma_semaphore, #tpu.memory_space<semaphore_mem>>, %arg12: memref<!tpu.dma_semaphore, #tpu.memory_space<semaphore_mem>>, %arg13: memref<!tpu.dma_semaphore, #tpu.memory_space<semaphore_mem>>, %arg14: memref<!tpu.dma_semaphore, #tpu.memory_space<semaphore_mem>>) attributes {dimension_semantics = [#tpu.dimension_semantics<core_parallel>, #tpu.dimension_semantics<subcore_parallel>], iteration_bounds = array<i64: 2, 16>, scalar_prefetch = 0 : i64, scratch_operands = 10 : i64, tpu.core_type = #tpu.core_type<sc_vector_subcore>, window_params = [{transform_indices = #map}, {transform_indices = #map}, {transform_indices = #map}]} {
    %mul3A = arith.constant 2 : i32
    %mul3A_0 = arith.muli %arg1, %mul3A : i32
    %add3A = arith.addi %mul3A_0, %arg0 : i32
    %mul3A_1 = arith.constant 32768 : i32
    %mul3A_2 = arith.muli %add3A, %mul3A_1 : i32
    %iota3A = tpu.iota {dimensions = array<i32: 0>} : vector<16xi32>
    %broadcast_in_dim3A = arith.constant 0 : i32
    %broadcast_in_dim3A_3 = vector.broadcast %broadcast_in_dim3A : i32 to vector<16xi32>
    %broadcast_in_dim3A_4 = arith.constant 1 : i32
    %broadcast_in_dim3A_5 = vector.broadcast %broadcast_in_dim3A_4 : i32 to vector<16xi32>
    %broadcast_in_dim3A_6 = arith.constant 0.000000e+00 : f32
    %broadcast_in_dim3A_7 = vector.broadcast %broadcast_in_dim3A_6 : f32 to vector<16xf32>
    %scan3A = arith.constant 0 : i32
    %scan3A_8 = arith.constant 0 : i32
    %scan3A_9 = arith.constant 2048 : i32
    %scan3A_10 = arith.addi %scan3A_8, %scan3A_9 : i32
    %scan3A_11 = arith.constant 1 : i32
    scf.for %scan3A_1385 = %scan3A_8 to %scan3A_10 step %scan3A_11  : i32 {
      %swap3A = arith.index_cast %scan3A_1385 : i32 to index
      %swap3A_1386 = arith.constant 0 : index
      %swap3A_1387 = tpu.vector_load %arg9[%swap3A, %swap3A_1386] {strides = array<i32>} : memref<2048x16xf32, #tpu.memory_space<vmem>>, vector<16xf32>,
      tpu.vector_store %arg9[%swap3A, %swap3A_1386], %broadcast_in_dim3A_7 {strides = array<i32>} : memref<2048x16xf32, #tpu.memory_space<vmem>>, vector<16xf32>,
    }
    %scan3A_12 = arith.constant 2048 : i32
    %scan3A_13 = arith.constant 0 : i32
    %scan3A_14 = arith.constant 0 : i32
    %scan3A_15 = arith.constant 2048 : i32
    %scan3A_16 = arith.addi %scan3A_14, %scan3A_15 : i32
    %scan3A_17 = arith.constant 1 : i32
    scf.for %scan3A_1385 = %scan3A_14 to %scan3A_16 step %scan3A_17  : i32 {
      %swap3A = arith.index_cast %scan3A_1385 : i32 to index
      %swap3A_1386 = arith.constant 0 : index
      %swap3A_1387 = tpu.vector_load %arg10[%swap3A, %swap3A_1386] {strides = array<i32>} : memref<2048x16xf32, #tpu.memory_space<vmem>>, vector<16xf32>,
      tpu.vector_store %arg10[%swap3A, %swap3A_1386], %broadcast_in_dim3A_7 {strides = array<i32>} : memref<2048x16xf32, #tpu.memory_space<vmem>>, vector<16xf32>,
    }
    %scan3A_18 = arith.constant 2048 : i32
    %add3A_19 = arith.constant 0 : i32
    %add3A_20 = arith.addi %mul3A_2, %add3A_19 : i32
    %jit3A = arith.constant 16 : i32
    %div3A = arith.divsi %add3A_20, %jit3A : i32
    %sign3A = arith.constant 0 : i32
    %sign3A_21 = arith.cmpi sgt, %add3A_20, %sign3A : i32
    %sign3A_22 = arith.extui %sign3A_21 : i1 to i32
    %sign3A_23 = arith.constant 0 : i32
    %sign3A_24 = arith.cmpi slt, %add3A_20, %sign3A_23 : i32
    %sign3A_25 = arith.extui %sign3A_24 : i1 to i32
    %sign3A_26 = arith.subi %sign3A_22, %sign3A_25 : i32
    %sign3A_27 = arith.constant 0 : i32
    %sign3A_28 = arith.cmpi sgt, %jit3A, %sign3A_27 : i32
    %sign3A_29 = arith.extui %sign3A_28 : i1 to i32
    %sign3A_30 = arith.constant 0 : i32
    %sign3A_31 = arith.cmpi slt, %jit3A, %sign3A_30 : i32
    %sign3A_32 = arith.extui %sign3A_31 : i1 to i32
    %sign3A_33 = arith.subi %sign3A_29, %sign3A_32 : i32
    %ne3A = arith.cmpi ne, %sign3A_26, %sign3A_33 : i32
    %rem3A = arith.remsi %add3A_20, %jit3A : i32
    %ne3A_34 = arith.constant 0 : i32
    %ne3A_35 = arith.cmpi ne, %rem3A, %ne3A_34 : i32
    %and3A = arith.andi %ne3A, %ne3A_35 : i1
    %sub3A = arith.constant 1 : i32
    %sub3A_36 = arith.subi %div3A, %sub3A : i32
    %select_n3A = arith.select %and3A, %sub3A_36, %div3A : i32
    %dma_start3A = arith.constant 0 : i32
    %dma_start3A_37 = tpu.memref_slice %arg2[%select_n3A, %dma_start3A] : memref<65536x16xf32, #tpu.memory_space<hbm>> -> memref<128x16xf32, #tpu.memory_space<hbm>>
    %dma_start3A_38 = arith.constant 0 : i32
    %dma_start3A_39 = tpu.memref_slice %arg2[%select_n3A, %dma_start3A_38] : memref<65536x16xf32, #tpu.memory_space<hbm>> -> memref<128x16xf32, #tpu.memory_space<hbm>>
    tpu.enqueue_dma source(%dma_start3A_39 : memref<128x16xf32, #tpu.memory_space<hbm>>) target(%arg5 : memref<128x16xf32, #tpu.memory_space<vmem>>) target_semaphore(%arg13 : memref<!tpu.dma_semaphore, #tpu.memory_space<semaphore_mem>>)
    %dma_start3A_40 = arith.constant 0 : i32
    %dma_start3A_41 = tpu.memref_slice %arg3[%select_n3A, %dma_start3A_40] : memref<65536x16xf32, #tpu.memory_space<hbm>> -> memref<128x16xf32, #tpu.memory_space<hbm>>
    %dma_start3A_42 = arith.constant 0 : i32
    %dma_start3A_43 = tpu.memref_slice %arg3[%select_n3A, %dma_start3A_42] : memref<65536x16xf32, #tpu.memory_space<hbm>> -> memref<128x16xf32, #tpu.memory_space<hbm>>
    tpu.enqueue_dma source(%dma_start3A_43 : memref<128x16xf32, #tpu.memory_space<hbm>>) target(%arg6 : memref<128x16xf32, #tpu.memory_space<vmem>>) target_semaphore(%arg13 : memref<!tpu.dma_semaphore, #tpu.memory_space<semaphore_mem>>)
    %add3A_44 = arith.constant 0 : i32
    %add3A_45 = arith.addi %mul3A_2, %add3A_44 : i32
    %jit3A_46 = arith.constant 16 : i32
    %div3A_47 = arith.divsi %add3A_45, %jit3A_46 : i32
    %sign3A_48 = arith.constant 0 : i32
    %sign3A_49 = arith.cmpi sgt, %add3A_45, %sign3A_48 : i32
    %sign3A_50 = arith.extui %sign3A_49 : i1 to i32
    %sign3A_51 = arith.constant 0 : i32
    %sign3A_52 = arith.cmpi slt, %add3A_45, %sign3A_51 : i32
    %sign3A_53 = arith.extui %sign3A_52 : i1 to i32
    %sign3A_54 = arith.subi %sign3A_50, %sign3A_53 : i32
    %sign3A_55 = arith.constant 0 : i32
    %sign3A_56 = arith.cmpi sgt, %jit3A_46, %sign3A_55 : i32
    %sign3A_57 = arith.extui %sign3A_56 : i1 to i32
    %sign3A_58 = arith.constant 0 : i32
    %sign3A_59 = arith.cmpi slt, %jit3A_46, %sign3A_58 : i32
    %sign3A_60 = arith.extui %sign3A_59 : i1 to i32
    %sign3A_61 = arith.subi %sign3A_57, %sign3A_60 : i32
    %ne3A_62 = arith.cmpi ne, %sign3A_54, %sign3A_61 : i32
    %rem3A_63 = arith.remsi %add3A_45, %jit3A_46 : i32
    %ne3A_64 = arith.constant 0 : i32
    %ne3A_65 = arith.cmpi ne, %rem3A_63, %ne3A_64 : i32
    %and3A_66 = arith.andi %ne3A_62, %ne3A_65 : i1
    %sub3A_67 = arith.constant 1 : i32
    %sub3A_68 = arith.subi %div3A_47, %sub3A_67 : i32
    %select_n3A_69 = arith.select %and3A_66, %sub3A_68, %div3A_47 : i32
    %dma_wait3A = arith.constant 0 : i32
    %dma_wait3A_70 = tpu.memref_slice %arg2[%select_n3A_69, %dma_wait3A] : memref<65536x16xf32, #tpu.memory_space<hbm>> -> memref<128x16xf32, #tpu.memory_space<hbm>>
    %dma_wait3A_71 = arith.constant 0 : i32
    %dma_wait3A_72 = tpu.memref_slice %arg2[%select_n3A_69, %dma_wait3A_71] : memref<65536x16xf32, #tpu.memory_space<hbm>> -> memref<128x16xf32, #tpu.memory_space<hbm>>
    tpu.wait_dma2 semaphore(%arg13 : memref<!tpu.dma_semaphore, #tpu.memory_space<semaphore_mem>>) src(%dma_wait3A_72 : memref<128x16xf32, #tpu.memory_space<hbm>>) dst(%arg5 : memref<128x16xf32, #tpu.memory_space<vmem>>)
    %dma_wait3A_73 = arith.constant 0 : i32
    %dma_wait3A_74 = tpu.memref_slice %arg3[%select_n3A_69, %dma_wait3A_73] : memref<65536x16xf32, #tpu.memory_space<hbm>> -> memref<128x16xf32, #tpu.memory_space<hbm>>
    %dma_wait3A_75 = arith.constant 0 : i32
    %dma_wait3A_76 = tpu.memref_slice %arg3[%select_n3A_69, %dma_wait3A_75] : memref<65536x16xf32, #tpu.memory_space<hbm>> -> memref<128x16xf32, #tpu.memory_space<hbm>>
    tpu.wait_dma2 semaphore(%arg13 : memref<!tpu.dma_semaphore, #tpu.memory_space<semaphore_mem>>) src(%dma_wait3A_76 : memref<128x16xf32, #tpu.memory_space<hbm>>) dst(%arg6 : memref<128x16xf32, #tpu.memory_space<vmem>>)
    %add3A_77 = arith.constant 2048 : i32
    %add3A_78 = arith.addi %mul3A_2, %add3A_77 : i32
    %jit3A_79 = arith.constant 16 : i32
    %div3A_80 = arith.divsi %add3A_78, %jit3A_79 : i32
    %sign3A_81 = arith.constant 0 : i32
    %sign3A_82 = arith.cmpi sgt, %add3A_78, %sign3A_81 : i32
    %sign3A_83 = arith.extui %sign3A_82 : i1 to i32
    %sign3A_84 = arith.constant 0 : i32
    %sign3A_85 = arith.cmpi slt, %add3A_78, %sign3A_84 : i32
    %sign3A_86 = arith.extui %sign3A_85 : i1 to i32
    %sign3A_87 = arith.subi %sign3A_83, %sign3A_86 : i32
    %sign3A_88 = arith.constant 0 : i32
    %sign3A_89 = arith.cmpi sgt, %jit3A_79, %sign3A_88 : i32
    %sign3A_90 = arith.extui %sign3A_89 : i1 to i32
    %sign3A_91 = arith.constant 0 : i32
    %sign3A_92 = arith.cmpi slt, %jit3A_79, %sign3A_91 : i32
    %sign3A_93 = arith.extui %sign3A_92 : i1 to i32
    %sign3A_94 = arith.subi %sign3A_90, %sign3A_93 : i32
    %ne3A_95 = arith.cmpi ne, %sign3A_87, %sign3A_94 : i32
    %rem3A_96 = arith.remsi %add3A_78, %jit3A_79 : i32
    %ne3A_97 = arith.constant 0 : i32
    %ne3A_98 = arith.cmpi ne, %rem3A_96, %ne3A_97 : i32
    %and3A_99 = arith.andi %ne3A_95, %ne3A_98 : i1
    %sub3A_100 = arith.constant 1 : i32
    %sub3A_101 = arith.subi %div3A_80, %sub3A_100 : i32
    %select_n3A_102 = arith.select %and3A_99, %sub3A_101, %div3A_80 : i32
    %dma_start3A_103 = arith.constant 0 : i32
    %dma_start3A_104 = tpu.memref_slice %arg2[%select_n3A_102, %dma_start3A_103] : memref<65536x16xf32, #tpu.memory_space<hbm>> -> memref<128x16xf32, #tpu.memory_space<hbm>>
    %dma_start3A_105 = arith.constant 0 : i32
    %dma_start3A_106 = tpu.memref_slice %arg2[%select_n3A_102, %dma_start3A_105] : memref<65536x16xf32, #tpu.memory_space<hbm>> -> memref<128x16xf32, #tpu.memory_space<hbm>>
    tpu.enqueue_dma source(%dma_start3A_106 : memref<128x16xf32, #tpu.memory_space<hbm>>) target(%arg7 : memref<128x16xf32, #tpu.memory_space<vmem>>) target_semaphore(%arg14 : memref<!tpu.dma_semaphore, #tpu.memory_space<semaphore_mem>>)
    %dma_start3A_107 = arith.constant 0 : i32
    %dma_start3A_108 = tpu.memref_slice %arg3[%select_n3A_102, %dma_start3A_107] : memref<65536x16xf32, #tpu.memory_space<hbm>> -> memref<128x16xf32, #tpu.memory_space<hbm>>
    %dma_start3A_109 = arith.constant 0 : i32
    %dma_start3A_110 = tpu.memref_slice %arg3[%select_n3A_102, %dma_start3A_109] : memref<65536x16xf32, #tpu.memory_space<hbm>> -> memref<128x16xf32, #tpu.memory_space<hbm>>
    tpu.enqueue_dma source(%dma_start3A_110 : memref<128x16xf32, #tpu.memory_space<hbm>>) target(%arg8 : memref<128x16xf32, #tpu.memory_space<vmem>>) target_semaphore(%arg14 : memref<!tpu.dma_semaphore, #tpu.memory_space<semaphore_mem>>)
    %scan3A_111 = arith.constant 0 : i32
    %scan3A_112 = arith.constant 0 : i32
    %scan3A_113 = arith.constant 32 : i32
    %scan3A_114 = arith.addi %scan3A_112, %scan3A_113 : i32
    %scan3A_115 = arith.constant 1 : i32
    scf.for %scan3A_1385 = %scan3A_112 to %scan3A_114 step %scan3A_115  : i32 {
      %mul3A_1386 = arith.constant 4 : i32
      %mul3A_1387 = arith.muli %scan3A_1385, %mul3A_1386 : i32
      %add3A_1388 = arith.constant 0 : i32
      %add3A_1389 = arith.addi %mul3A_1387, %add3A_1388 : i32
      %mul3A_1390 = arith.constant 16 : i32
      %mul3A_1391 = arith.muli %add3A_1389, %mul3A_1390 : i32
      %broadcast_in_dim3A_1392 = vector.broadcast %mul3A_1391 : i32 to vector<16xi32>
      %add3A_1393 = arith.addi %broadcast_in_dim3A_1392, %iota3A : vector<16xi32>
      %get3A = arith.index_cast %add3A_1389 : i32 to index
      %get3A_1394 = arith.constant 0 : index
      %get3A_1395 = tpu.vector_load %arg5[%get3A, %get3A_1394] {strides = array<i32>} : memref<128x16xf32, #tpu.memory_space<vmem>>, vector<16xf32>,
      tpu.vector_store_idx %arg9[%add3A_1393, %broadcast_in_dim3A_3], %get3A_1395 : memref<2048x16xf32, #tpu.memory_space<vmem>>[vector<16xi32>, vector<16xi32>], vector<16xf32>,
      %get3A_1396 = arith.index_cast %add3A_1389 : i32 to index
      %get3A_1397 = arith.constant 0 : index
      %get3A_1398 = tpu.vector_load %arg6[%get3A_1396, %get3A_1397] {strides = array<i32>} : memref<128x16xf32, #tpu.memory_space<vmem>>, vector<16xf32>,
      tpu.vector_store_idx %arg9[%add3A_1393, %broadcast_in_dim3A_5], %get3A_1398 : memref<2048x16xf32, #tpu.memory_space<vmem>>[vector<16xi32>, vector<16xi32>], vector<16xf32>,
      %mul3A_1399 = arith.constant 4 : i32
      %mul3A_1400 = arith.muli %scan3A_1385, %mul3A_1399 : i32
      %add3A_1401 = arith.constant 1 : i32
      %add3A_1402 = arith.addi %mul3A_1400, %add3A_1401 : i32
      %mul3A_1403 = arith.constant 16 : i32
      %mul3A_1404 = arith.muli %add3A_1402, %mul3A_1403 : i32
      %broadcast_in_dim3A_1405 = vector.broadcast %mul3A_1404 : i32 to vector<16xi32>
      %add3A_1406 = arith.addi %broadcast_in_dim3A_1405, %iota3A : vector<16xi32>
      %get3A_1407 = arith.index_cast %add3A_1402 : i32 to index
      %get3A_1408 = arith.constant 0 : index
      %get3A_1409 = tpu.vector_load %arg5[%get3A_1407, %get3A_1408] {strides = array<i32>} : memref<128x16xf32, #tpu.memory_space<vmem>>, vector<16xf32>,
      tpu.vector_store_idx %arg9[%add3A_1406, %broadcast_in_dim3A_3], %get3A_1409 : memref<2048x16xf32, #tpu.memory_space<vmem>>[vector<16xi32>, vector<16xi32>], vector<16xf32>,
      %get3A_1410 = arith.index_cast %add3A_1402 : i32 to index
      %get3A_1411 = arith.constant 0 : index
      %get3A_1412 = tpu.vector_load %arg6[%get3A_1410, %get3A_1411] {strides = array<i32>} : memref<128x16xf32, #tpu.memory_space<vmem>>, vector<16xf32>,
      tpu.vector_store_idx %arg9[%add3A_1406, %broadcast_in_dim3A_5], %get3A_1412 : memref<2048x16xf32, #tpu.memory_space<vmem>>[vector<16xi32>, vector<16xi32>], vector<16xf32>,
      %mul3A_1413 = arith.constant 4 : i32
      %mul3A_1414 = arith.muli %scan3A_1385, %mul3A_1413 : i32
      %add3A_1415 = arith.constant 2 : i32
      %add3A_1416 = arith.addi %mul3A_1414, %add3A_1415 : i32
      %mul3A_1417 = arith.constant 16 : i32
      %mul3A_1418 = arith.muli %add3A_1416, %mul3A_1417 : i32
      %broadcast_in_dim3A_1419 = vector.broadcast %mul3A_1418 : i32 to vector<16xi32>
      %add3A_1420 = arith.addi %broadcast_in_dim3A_1419, %iota3A : vector<16xi32>
      %get3A_1421 = arith.index_cast %add3A_1416 : i32 to index
      %get3A_1422 = arith.constant 0 : index
      %get3A_1423 = tpu.vector_load %arg5[%get3A_1421, %get3A_1422] {strides = array<i32>} : memref<128x16xf32, #tpu.memory_space<vmem>>, vector<16xf32>,
      tpu.vector_store_idx %arg9[%add3A_1420, %broadcast_in_dim3A_3], %get3A_1423 : memref<2048x16xf32, #tpu.memory_space<vmem>>[vector<16xi32>, vector<16xi32>], vector<16xf32>,
      %get3A_1424 = arith.index_cast %add3A_1416 : i32 to index
      %get3A_1425 = arith.constant 0 : index
      %get3A_1426 = tpu.vector_load %arg6[%get3A_1424, %get3A_1425] {strides = array<i32>} : memref<128x16xf32, #tpu.memory_space<vmem>>, vector<16xf32>,
      tpu.vector_store_idx %arg9[%add3A_1420, %broadcast_in_dim3A_5], %get3A_1426 : memref<2048x16xf32, #tpu.memory_space<vmem>>[vector<16xi32>, vector<16xi32>], vector<16xf32>,
      %mul3A_1427 = arith.constant 4 : i32
      %mul3A_1428 = arith.muli %scan3A_1385, %mul3A_1427 : i32
      %add3A_1429 = arith.constant 3 : i32
      %add3A_1430 = arith.addi %mul3A_1428, %add3A_1429 : i32
      %mul3A_1431 = arith.constant 16 : i32
      %mul3A_1432 = arith.muli %add3A_1430, %mul3A_1431 : i32
      %broadcast_in_dim3A_1433 = vector.broadcast %mul3A_1432 : i32 to vector<16xi32>
      %add3A_1434 = arith.addi %broadcast_in_dim3A_1433, %iota3A : vector<16xi32>
      %get3A_1435 = arith.index_cast %add3A_1430 : i32 to index
      %get3A_1436 = arith.constant 0 : index
      %get3A_1437 = tpu.vector_load %arg5[%get3A_1435, %get3A_1436] {strides = array<i32>} : memref<128x16xf32, #tpu.memory_space<vmem>>, vector<16xf32>,
      tpu.vector_store_idx %arg9[%add3A_1434, %broadcast_in_dim3A_3], %get3A_1437 : memref<2048x16xf32, #tpu.memory_space<vmem>>[vector<16xi32>, vector<16xi32>], vector<16xf32>,
      %get3A_1438 = arith.index_cast %add3A_1430 : i32 to index
      %get3A_1439 = arith.constant 0 : index
      %get3A_1440 = tpu.vector_load %arg6[%get3A_1438, %get3A_1439] {strides = array<i32>} : memref<128x16xf32, #tpu.memory_space<vmem>>, vector<16xf32>,
      tpu.vector_store_idx %arg9[%add3A_1434, %broadcast_in_dim3A_5], %get3A_1440 : memref<2048x16xf32, #tpu.memory_space<vmem>>[vector<16xi32>, vector<16xi32>], vector<16xf32>,
    }
    %scan3A_116 = arith.constant 32 : i32
    %add3A_117 = arith.constant 0 : i32
    %add3A_118 = arith.addi %mul3A_2, %add3A_117 : i32
    %dma_start3A_119 = arith.constant 0 : i32
    %dma_start3A_120 = tpu.memref_slice %arg4[%add3A_118, %dma_start3A_119] : memref<1048576x16xf32, #tpu.memory_space<hbm>> -> memref<2048x16xf32, #tpu.memory_space<hbm>>
    %dma_start3A_121 = arith.constant 0 : i32
    %dma_start3A_122 = tpu.memref_slice %arg4[%add3A_118, %dma_start3A_121] : memref<1048576x16xf32, #tpu.memory_space<hbm>> -> memref<2048x16xf32, #tpu.memory_space<hbm>>
    tpu.enqueue_dma source(%arg9 : memref<2048x16xf32, #tpu.memory_space<vmem>>) target(%dma_start3A_122 : memref<2048x16xf32, #tpu.memory_space<hbm>>) target_semaphore(%arg11 : memref<!tpu.dma_semaphore, #tpu.memory_space<semaphore_mem>>)
    %add3A_123 = arith.constant 2048 : i32
    %add3A_124 = arith.addi %mul3A_2, %add3A_123 : i32
    %jit3A_125 = arith.constant 16 : i32
    %div3A_126 = arith.divsi %add3A_124, %jit3A_125 : i32
    %sign3A_127 = arith.constant 0 : i32
    %sign3A_128 = arith.cmpi sgt, %add3A_124, %sign3A_127 : i32
    %sign3A_129 = arith.extui %sign3A_128 : i1 to i32
    %sign3A_130 = arith.constant 0 : i32
    %sign3A_131 = arith.cmpi slt, %add3A_124, %sign3A_130 : i32
    %sign3A_132 = arith.extui %sign3A_131 : i1 to i32
    %sign3A_133 = arith.subi %sign3A_129, %sign3A_132 : i32
    %sign3A_134 = arith.constant 0 : i32
    %sign3A_135 = arith.cmpi sgt, %jit3A_125, %sign3A_134 : i32
    %sign3A_136 = arith.extui %sign3A_135 : i1 to i32
    %sign3A_137 = arith.constant 0 : i32
    %sign3A_138 = arith.cmpi slt, %jit3A_125, %sign3A_137 : i32
    %sign3A_139 = arith.extui %sign3A_138 : i1 to i32
    %sign3A_140 = arith.subi %sign3A_136, %sign3A_139 : i32
    %ne3A_141 = arith.cmpi ne, %sign3A_133, %sign3A_140 : i32
    %rem3A_142 = arith.remsi %add3A_124, %jit3A_125 : i32
    %ne3A_143 = arith.constant 0 : i32
    %ne3A_144 = arith.cmpi ne, %rem3A_142, %ne3A_143 : i32
    %and3A_145 = arith.andi %ne3A_141, %ne3A_144 : i1
    %sub3A_146 = arith.constant 1 : i32
    %sub3A_147 = arith.subi %div3A_126, %sub3A_146 : i32
    %select_n3A_148 = arith.select %and3A_145, %sub3A_147, %div3A_126 : i32
    %dma_wait3A_149 = arith.constant 0 : i32
    %dma_wait3A_150 = tpu.memref_slice %arg2[%select_n3A_148, %dma_wait3A_149] : memref<65536x16xf32, #tpu.memory_space<hbm>> -> memref<128x16xf32, #tpu.memory_space<hbm>>
    %dma_wait3A_151 = arith.constant 0 : i32
    %dma_wait3A_152 = tpu.memref_slice %arg2[%select_n3A_148, %dma_wait3A_151] : memref<65536x16xf32, #tpu.memory_space<hbm>> -> memref<128x16xf32, #tpu.memory_space<hbm>>
    tpu.wait_dma2 semaphore(%arg14 : memref<!tpu.dma_semaphore, #tpu.memory_space<semaphore_mem>>) src(%dma_wait3A_152 : memref<128x16xf32, #tpu.memory_space<hbm>>) dst(%arg7 : memref<128x16xf32, #tpu.memory_space<vmem>>)
    %dma_wait3A_153 = arith.constant 0 : i32
    %dma_wait3A_154 = tpu.memref_slice %arg3[%select_n3A_148, %dma_wait3A_153] : memref<65536x16xf32, #tpu.memory_space<hbm>> -> memref<128x16xf32, #tpu.memory_space<hbm>>
    %dma_wait3A_155 = arith.constant 0 : i32
    %dma_wait3A_156 = tpu.memref_slice %arg3[%select_n3A_148, %dma_wait3A_155] : memref<65536x16xf32, #tpu.memory_space<hbm>> -> memref<128x16xf32, #tpu.memory_space<hbm>>
    tpu.wait_dma2 semaphore(%arg14 : memref<!tpu.dma_semaphore, #tpu.memory_space<semaphore_mem>>) src(%dma_wait3A_156 : memref<128x16xf32, #tpu.memory_space<hbm>>) dst(%arg8 : memref<128x16xf32, #tpu.memory_space<vmem>>)
    %add3A_157 = arith.constant 4096 : i32
    %add3A_158 = arith.addi %mul3A_2, %add3A_157 : i32
    %jit3A_159 = arith.constant 16 : i32
    %div3A_160 = arith.divsi %add3A_158, %jit3A_159 : i32
    %sign3A_161 = arith.constant 0 : i32
    %sign3A_162 = arith.cmpi sgt, %add3A_158, %sign3A_161 : i32
    %sign3A_163 = arith.extui %sign3A_162 : i1 to i32
    %sign3A_164 = arith.constant 0 : i32
    %sign3A_165 = arith.cmpi slt, %add3A_158, %sign3A_164 : i32
    %sign3A_166 = arith.extui %sign3A_165 : i1 to i32
    %sign3A_167 = arith.subi %sign3A_163, %sign3A_166 : i32
    %sign3A_168 = arith.constant 0 : i32
    %sign3A_169 = arith.cmpi sgt, %jit3A_159, %sign3A_168 : i32
    %sign3A_170 = arith.extui %sign3A_169 : i1 to i32
    %sign3A_171 = arith.constant 0 : i32
    %sign3A_172 = arith.cmpi slt, %jit3A_159, %sign3A_171 : i32
    %sign3A_173 = arith.extui %sign3A_172 : i1 to i32
    %sign3A_174 = arith.subi %sign3A_170, %sign3A_173 : i32
    %ne3A_175 = arith.cmpi ne, %sign3A_167, %sign3A_174 : i32
    %rem3A_176 = arith.remsi %add3A_158, %jit3A_159 : i32
    %ne3A_177 = arith.constant 0 : i32
    %ne3A_178 = arith.cmpi ne, %rem3A_176, %ne3A_177 : i32
    %and3A_179 = arith.andi %ne3A_175, %ne3A_178 : i1
    %sub3A_180 = arith.constant 1 : i32
    %sub3A_181 = arith.subi %div3A_160, %sub3A_180 : i32
    %select_n3A_182 = arith.select %and3A_179, %sub3A_181, %div3A_160 : i32
    %dma_start3A_183 = arith.constant 0 : i32
    %dma_start3A_184 = tpu.memref_slice %arg2[%select_n3A_182, %dma_start3A_183] : memref<65536x16xf32, #tpu.memory_space<hbm>> -> memref<128x16xf32, #tpu.memory_space<hbm>>
    %dma_start3A_185 = arith.constant 0 : i32
    %dma_start3A_186 = tpu.memref_slice %arg2[%select_n3A_182, %dma_start3A_185] : memref<65536x16xf32, #tpu.memory_space<hbm>> -> memref<128x16xf32, #tpu.memory_space<hbm>>
    tpu.enqueue_dma source(%dma_start3A_186 : memref<128x16xf32, #tpu.memory_space<hbm>>) target(%arg5 : memref<128x16xf32, #tpu.memory_space<vmem>>) target_semaphore(%arg13 : memref<!tpu.dma_semaphore, #tpu.memory_space<semaphore_mem>>)
    %dma_start3A_187 = arith.constant 0 : i32
    %dma_start3A_188 = tpu.memref_slice %arg3[%select_n3A_182, %dma_start3A_187] : memref<65536x16xf32, #tpu.memory_space<hbm>> -> memref<128x16xf32, #tpu.memory_space<hbm>>
    %dma_start3A_189 = arith.constant 0 : i32
    %dma_start3A_190 = tpu.memref_slice %arg3[%select_n3A_182, %dma_start3A_189] : memref<65536x16xf32, #tpu.memory_space<hbm>> -> memref<128x16xf32, #tpu.memory_space<hbm>>
    tpu.enqueue_dma source(%dma_start3A_190 : memref<128x16xf32, #tpu.memory_space<hbm>>) target(%arg6 : memref<128x16xf32, #tpu.memory_space<vmem>>) target_semaphore(%arg13 : memref<!tpu.dma_semaphore, #tpu.memory_space<semaphore_mem>>)
    %scan3A_191 = arith.constant 0 : i32
    %scan3A_192 = arith.constant 0 : i32
    %scan3A_193 = arith.constant 32 : i32
    %scan3A_194 = arith.addi %scan3A_192, %scan3A_193 : i32
    %scan3A_195 = arith.constant 1 : i32
    scf.for %scan3A_1385 = %scan3A_192 to %scan3A_194 step %scan3A_195  : i32 {
      %mul3A_1386 = arith.constant 4 : i32
      %mul3A_1387 = arith.muli %scan3A_1385, %mul3A_1386 : i32
      %add3A_1388 = arith.constant 0 : i32
      %add3A_1389 = arith.addi %mul3A_1387, %add3A_1388 : i32
      %mul3A_1390 = arith.constant 16 : i32
      %mul3A_1391 = arith.muli %add3A_1389, %mul3A_1390 : i32
      %broadcast_in_dim3A_1392 = vector.broadcast %mul3A_1391 : i32 to vector<16xi32>
      %add3A_1393 = arith.addi %broadcast_in_dim3A_1392, %iota3A : vector<16xi32>
      %get3A = arith.index_cast %add3A_1389 : i32 to index
      %get3A_1394 = arith.constant 0 : index
      %get3A_1395 = tpu.vector_load %arg7[%get3A, %get3A_1394] {strides = array<i32>} : memref<128x16xf32, #tpu.memory_space<vmem>>, vector<16xf32>,
      tpu.vector_store_idx %arg10[%add3A_1393, %broadcast_in_dim3A_3], %get3A_1395 : memref<2048x16xf32, #tpu.memory_space<vmem>>[vector<16xi32>, vector<16xi32>], vector<16xf32>,
      %get3A_1396 = arith.index_cast %add3A_1389 : i32 to index
      %get3A_1397 = arith.constant 0 : index
      %get3A_1398 = tpu.vector_load %arg8[%get3A_1396, %get3A_1397] {strides = array<i32>} : memref<128x16xf32, #tpu.memory_space<vmem>>, vector<16xf32>,
      tpu.vector_store_idx %arg10[%add3A_1393, %broadcast_in_dim3A_5], %get3A_1398 : memref<2048x16xf32, #tpu.memory_space<vmem>>[vector<16xi32>, vector<16xi32>], vector<16xf32>,
      %mul3A_1399 = arith.constant 4 : i32
      %mul3A_1400 = arith.muli %scan3A_1385, %mul3A_1399 : i32
      %add3A_1401 = arith.constant 1 : i32
      %add3A_1402 = arith.addi %mul3A_1400, %add3A_1401 : i32
      %mul3A_1403 = arith.constant 16 : i32
      %mul3A_1404 = arith.muli %add3A_1402, %mul3A_1403 : i32
      %broadcast_in_dim3A_1405 = vector.broadcast %mul3A_1404 : i32 to vector<16xi32>
      %add3A_1406 = arith.addi %broadcast_in_dim3A_1405, %iota3A : vector<16xi32>
      %get3A_1407 = arith.index_cast %add3A_1402 : i32 to index
      %get3A_1408 = arith.constant 0 : index
      %get3A_1409 = tpu.vector_load %arg7[%get3A_1407, %get3A_1408] {strides = array<i32>} : memref<128x16xf32, #tpu.memory_space<vmem>>, vector<16xf32>,
      tpu.vector_store_idx %arg10[%add3A_1406, %broadcast_in_dim3A_3], %get3A_1409 : memref<2048x16xf32, #tpu.memory_space<vmem>>[vector<16xi32>, vector<16xi32>], vector<16xf32>,
      %get3A_1410 = arith.index_cast %add3A_1402 : i32 to index
      %get3A_1411 = arith.constant 0 : index
      %get3A_1412 = tpu.vector_load %arg8[%get3A_1410, %get3A_1411] {strides = array<i32>} : memref<128x16xf32, #tpu.memory_space<vmem>>, vector<16xf32>,
      tpu.vector_store_idx %arg10[%add3A_1406, %broadcast_in_dim3A_5], %get3A_1412 : memref<2048x16xf32, #tpu.memory_space<vmem>>[vector<16xi32>, vector<16xi32>], vector<16xf32>,
      %mul3A_1413 = arith.constant 4 : i32
      %mul3A_1414 = arith.muli %scan3A_1385, %mul3A_1413 : i32
      %add3A_1415 = arith.constant 2 : i32
      %add3A_1416 = arith.addi %mul3A_1414, %add3A_1415 : i32
      %mul3A_1417 = arith.constant 16 : i32
      %mul3A_1418 = arith.muli %add3A_1416, %mul3A_1417 : i32
      %broadcast_in_dim3A_1419 = vector.broadcast %mul3A_1418 : i32 to vector<16xi32>
      %add3A_1420 = arith.addi %broadcast_in_dim3A_1419, %iota3A : vector<16xi32>
      %get3A_1421 = arith.index_cast %add3A_1416 : i32 to index
      %get3A_1422 = arith.constant 0 : index
      %get3A_1423 = tpu.vector_load %arg7[%get3A_1421, %get3A_1422] {strides = array<i32>} : memref<128x16xf32, #tpu.memory_space<vmem>>, vector<16xf32>,
      tpu.vector_store_idx %arg10[%add3A_1420, %broadcast_in_dim3A_3], %get3A_1423 : memref<2048x16xf32, #tpu.memory_space<vmem>>[vector<16xi32>, vector<16xi32>], vector<16xf32>,
      %get3A_1424 = arith.index_cast %add3A_1416 : i32 to index
      %get3A_1425 = arith.constant 0 : index
      %get3A_1426 = tpu.vector_load %arg8[%get3A_1424, %get3A_1425] {strides = array<i32>} : memref<128x16xf32, #tpu.memory_space<vmem>>, vector<16xf32>,
      tpu.vector_store_idx %arg10[%add3A_1420, %broadcast_in_dim3A_5], %get3A_1426 : memref<2048x16xf32, #tpu.memory_space<vmem>>[vector<16xi32>, vector<16xi32>], vector<16xf32>,
      %mul3A_1427 = arith.constant 4 : i32
      %mul3A_1428 = arith.muli %scan3A_1385, %mul3A_1427 : i32
      %add3A_1429 = arith.constant 3 : i32
      %add3A_1430 = arith.addi %mul3A_1428, %add3A_1429 : i32
      %mul3A_1431 = arith.constant 16 : i32
      %mul3A_1432 = arith.muli %add3A_1430, %mul3A_1431 : i32
      %broadcast_in_dim3A_1433 = vector.broadcast %mul3A_1432 : i32 to vector<16xi32>
      %add3A_1434 = arith.addi %broadcast_in_dim3A_1433, %iota3A : vector<16xi32>
      %get3A_1435 = arith.index_cast %add3A_1430 : i32 to index
      %get3A_1436 = arith.constant 0 : index
      %get3A_1437 = tpu.vector_load %arg7[%get3A_1435, %get3A_1436] {strides = array<i32>} : memref<128x16xf32, #tpu.memory_space<vmem>>, vector<16xf32>,
      tpu.vector_store_idx %arg10[%add3A_1434, %broadcast_in_dim3A_3], %get3A_1437 : memref<2048x16xf32, #tpu.memory_space<vmem>>[vector<16xi32>, vector<16xi32>], vector<16xf32>,
      %get3A_1438 = arith.index_cast %add3A_1430 : i32 to index
      %get3A_1439 = arith.constant 0 : index
      %get3A_1440 = tpu.vector_load %arg8[%get3A_1438, %get3A_1439] {strides = array<i32>} : memref<128x16xf32, #tpu.memory_space<vmem>>, vector<16xf32>,
      tpu.vector_store_idx %arg10[%add3A_1434, %broadcast_in_dim3A_5], %get3A_1440 : memref<2048x16xf32, #tpu.memory_space<vmem>>[vector<16xi32>, vector<16xi32>], vector<16xf32>,
    }
    %scan3A_196 = arith.constant 32 : i32
    %add3A_197 = arith.constant 2048 : i32
    %add3A_198 = arith.addi %mul3A_2, %add3A_197 : i32
    %dma_start3A_199 = arith.constant 0 : i32
    %dma_start3A_200 = tpu.memref_slice %arg4[%add3A_198, %dma_start3A_199] : memref<1048576x16xf32, #tpu.memory_space<hbm>> -> memref<2048x16xf32, #tpu.memory_space<hbm>>
    %dma_start3A_201 = arith.constant 0 : i32
    %dma_start3A_202 = tpu.memref_slice %arg4[%add3A_198, %dma_start3A_201] : memref<1048576x16xf32, #tpu.memory_space<hbm>> -> memref<2048x16xf32, #tpu.memory_space<hbm>>
    tpu.enqueue_dma source(%arg10 : memref<2048x16xf32, #tpu.memory_space<vmem>>) target(%dma_start3A_202 : memref<2048x16xf32, #tpu.memory_space<hbm>>) target_semaphore(%arg12 : memref<!tpu.dma_semaphore, #tpu.memory_space<semaphore_mem>>)
    %add3A_203 = arith.constant 0 : i32
    %add3A_204 = arith.addi %mul3A_2, %add3A_203 : i32
    %dma_wait3A_205 = arith.constant 0 : i32
    %dma_wait3A_206 = tpu.memref_slice %arg4[%add3A_204, %dma_wait3A_205] : memref<1048576x16xf32, #tpu.memory_space<hbm>> -> memref<2048x16xf32, #tpu.memory_space<hbm>>
    %dma_wait3A_207 = arith.constant 0 : i32
    %dma_wait3A_208 = tpu.memref_slice %arg4[%add3A_204, %dma_wait3A_207] : memref<1048576x16xf32, #tpu.memory_space<hbm>> -> memref<2048x16xf32, #tpu.memory_space<hbm>>
    tpu.wait_dma2 semaphore(%arg11 : memref<!tpu.dma_semaphore, #tpu.memory_space<semaphore_mem>>) src(%arg9 : memref<2048x16xf32, #tpu.memory_space<vmem>>) dst(%dma_wait3A_208 : memref<2048x16xf32, #tpu.memory_space<hbm>>)
    %add3A_209 = arith.constant 4096 : i32
    %add3A_210 = arith.addi %mul3A_2, %add3A_209 : i32
    %jit3A_211 = arith.constant 16 : i32
    %div3A_212 = arith.divsi %add3A_210, %jit3A_211 : i32
    %sign3A_213 = arith.constant 0 : i32
    %sign3A_214 = arith.cmpi sgt, %add3A_210, %sign3A_213 : i32
    %sign3A_215 = arith.extui %sign3A_214 : i1 to i32
    %sign3A_216 = arith.constant 0 : i32
    %sign3A_217 = arith.cmpi slt, %add3A_210, %sign3A_216 : i32
    %sign3A_218 = arith.extui %sign3A_217 : i1 to i32
    %sign3A_219 = arith.subi %sign3A_215, %sign3A_218 : i32
    %sign3A_220 = arith.constant 0 : i32
    %sign3A_221 = arith.cmpi sgt, %jit3A_211, %sign3A_220 : i32
    %sign3A_222 = arith.extui %sign3A_221 : i1 to i32
    %sign3A_223 = arith.constant 0 : i32
    %sign3A_224 = arith.cmpi slt, %jit3A_211, %sign3A_223 : i32
    %sign3A_225 = arith.extui %sign3A_224 : i1 to i32
    %sign3A_226 = arith.subi %sign3A_222, %sign3A_225 : i32
    %ne3A_227 = arith.cmpi ne, %sign3A_219, %sign3A_226 : i32
    %rem3A_228 = arith.remsi %add3A_210, %jit3A_211 : i32
    %ne3A_229 = arith.constant 0 : i32
    %ne3A_230 = arith.cmpi ne, %rem3A_228, %ne3A_229 : i32
    %and3A_231 = arith.andi %ne3A_227, %ne3A_230 : i1
    %sub3A_232 = arith.constant 1 : i32
    %sub3A_233 = arith.subi %div3A_212, %sub3A_232 : i32
    %select_n3A_234 = arith.select %and3A_231, %sub3A_233, %div3A_212 : i32
    %dma_wait3A_235 = arith.constant 0 : i32
    %dma_wait3A_236 = tpu.memref_slice %arg2[%select_n3A_234, %dma_wait3A_235] : memref<65536x16xf32, #tpu.memory_space<hbm>> -> memref<128x16xf32, #tpu.memory_space<hbm>>
    %dma_wait3A_237 = arith.constant 0 : i32
    %dma_wait3A_238 = tpu.memref_slice %arg2[%select_n3A_234, %dma_wait3A_237] : memref<65536x16xf32, #tpu.memory_space<hbm>> -> memref<128x16xf32, #tpu.memory_space<hbm>>
    tpu.wait_dma2 semaphore(%arg13 : memref<!tpu.dma_semaphore, #tpu.memory_space<semaphore_mem>>) src(%dma_wait3A_238 : memref<128x16xf32, #tpu.memory_space<hbm>>) dst(%arg5 : memref<128x16xf32, #tpu.memory_space<vmem>>)
    %dma_wait3A_239 = arith.constant 0 : i32
    %dma_wait3A_240 = tpu.memref_slice %arg3[%select_n3A_234, %dma_wait3A_239] : memref<65536x16xf32, #tpu.memory_space<hbm>> -> memref<128x16xf32, #tpu.memory_space<hbm>>
    %dma_wait3A_241 = arith.constant 0 : i32
    %dma_wait3A_242 = tpu.memref_slice %arg3[%select_n3A_234, %dma_wait3A_241] : memref<65536x16xf32, #tpu.memory_space<hbm>> -> memref<128x16xf32, #tpu.memory_space<hbm>>
    tpu.wait_dma2 semaphore(%arg13 : memref<!tpu.dma_semaphore, #tpu.memory_space<semaphore_mem>>) src(%dma_wait3A_242 : memref<128x16xf32, #tpu.memory_space<hbm>>) dst(%arg6 : memref<128x16xf32, #tpu.memory_space<vmem>>)
    %add3A_243 = arith.constant 6144 : i32
    %add3A_244 = arith.addi %mul3A_2, %add3A_243 : i32
    %jit3A_245 = arith.constant 16 : i32
    %div3A_246 = arith.divsi %add3A_244, %jit3A_245 : i32
    %sign3A_247 = arith.constant 0 : i32
    %sign3A_248 = arith.cmpi sgt, %add3A_244, %sign3A_247 : i32
    %sign3A_249 = arith.extui %sign3A_248 : i1 to i32
    %sign3A_250 = arith.constant 0 : i32
    %sign3A_251 = arith.cmpi slt, %add3A_244, %sign3A_250 : i32
    %sign3A_252 = arith.extui %sign3A_251 : i1 to i32
    %sign3A_253 = arith.subi %sign3A_249, %sign3A_252 : i32
    %sign3A_254 = arith.constant 0 : i32
    %sign3A_255 = arith.cmpi sgt, %jit3A_245, %sign3A_254 : i32
    %sign3A_256 = arith.extui %sign3A_255 : i1 to i32
    %sign3A_257 = arith.constant 0 : i32
    %sign3A_258 = arith.cmpi slt, %jit3A_245, %sign3A_257 : i32
    %sign3A_259 = arith.extui %sign3A_258 : i1 to i32
    %sign3A_260 = arith.subi %sign3A_256, %sign3A_259 : i32
    %ne3A_261 = arith.cmpi ne, %sign3A_253, %sign3A_260 : i32
    %rem3A_262 = arith.remsi %add3A_244, %jit3A_245 : i32
    %ne3A_263 = arith.constant 0 : i32
    %ne3A_264 = arith.cmpi ne, %rem3A_262, %ne3A_263 : i32
    %and3A_265 = arith.andi %ne3A_261, %ne3A_264 : i1
    %sub3A_266 = arith.constant 1 : i32
    %sub3A_267 = arith.subi %div3A_246, %sub3A_266 : i32
    %select_n3A_268 = arith.select %and3A_265, %sub3A_267, %div3A_246 : i32
    %dma_start3A_269 = arith.constant 0 : i32
    %dma_start3A_270 = tpu.memref_slice %arg2[%select_n3A_268, %dma_start3A_269] : memref<65536x16xf32, #tpu.memory_space<hbm>> -> memref<128x16xf32, #tpu.memory_space<hbm>>
    %dma_start3A_271 = arith.constant 0 : i32
    %dma_start3A_272 = tpu.memref_slice %arg2[%select_n3A_268, %dma_start3A_271] : memref<65536x16xf32, #tpu.memory_space<hbm>> -> memref<128x16xf32, #tpu.memory_space<hbm>>
    tpu.enqueue_dma source(%dma_start3A_272 : memref<128x16xf32, #tpu.memory_space<hbm>>) target(%arg7 : memref<128x16xf32, #tpu.memory_space<vmem>>) target_semaphore(%arg14 : memref<!tpu.dma_semaphore, #tpu.memory_space<semaphore_mem>>)
    %dma_start3A_273 = arith.constant 0 : i32
    %dma_start3A_274 = tpu.memref_slice %arg3[%select_n3A_268, %dma_start3A_273] : memref<65536x16xf32, #tpu.memory_space<hbm>> -> memref<128x16xf32, #tpu.memory_space<hbm>>
    %dma_start3A_275 = arith.constant 0 : i32
    %dma_start3A_276 = tpu.memref_slice %arg3[%select_n3A_268, %dma_start3A_275] : memref<65536x16xf32, #tpu.memory_space<hbm>> -> memref<128x16xf32, #tpu.memory_space<hbm>>
    tpu.enqueue_dma source(%dma_start3A_276 : memref<128x16xf32, #tpu.memory_space<hbm>>) target(%arg8 : memref<128x16xf32, #tpu.memory_space<vmem>>) target_semaphore(%arg14 : memref<!tpu.dma_semaphore, #tpu.memory_space<semaphore_mem>>)
    %scan3A_277 = arith.constant 0 : i32
    %scan3A_278 = arith.constant 0 : i32
    %scan3A_279 = arith.constant 32 : i32
    %scan3A_280 = arith.addi %scan3A_278, %scan3A_279 : i32
    %scan3A_281 = arith.constant 1 : i32
    scf.for %scan3A_1385 = %scan3A_278 to %scan3A_280 step %scan3A_281  : i32 {
      %mul3A_1386 = arith.constant 4 : i32
      %mul3A_1387 = arith.muli %scan3A_1385, %mul3A_1386 : i32
      %add3A_1388 = arith.constant 0 : i32
      %add3A_1389 = arith.addi %mul3A_1387, %add3A_1388 : i32
      %mul3A_1390 = arith.constant 16 : i32
      %mul3A_1391 = arith.muli %add3A_1389, %mul3A_1390 : i32
      %broadcast_in_dim3A_1392 = vector.broadcast %mul3A_1391 : i32 to vector<16xi32>
      %add3A_1393 = arith.addi %broadcast_in_dim3A_1392, %iota3A : vector<16xi32>
      %get3A = arith.index_cast %add3A_1389 : i32 to index
      %get3A_1394 = arith.constant 0 : index
      %get3A_1395 = tpu.vector_load %arg5[%get3A, %get3A_1394] {strides = array<i32>} : memref<128x16xf32, #tpu.memory_space<vmem>>, vector<16xf32>,
      tpu.vector_store_idx %arg9[%add3A_1393, %broadcast_in_dim3A_3], %get3A_1395 : memref<2048x16xf32, #tpu.memory_space<vmem>>[vector<16xi32>, vector<16xi32>], vector<16xf32>,
      %get3A_1396 = arith.index_cast %add3A_1389 : i32 to index
      %get3A_1397 = arith.constant 0 : index
      %get3A_1398 = tpu.vector_load %arg6[%get3A_1396, %get3A_1397] {strides = array<i32>} : memref<128x16xf32, #tpu.memory_space<vmem>>, vector<16xf32>,
      tpu.vector_store_idx %arg9[%add3A_1393, %broadcast_in_dim3A_5], %get3A_1398 : memref<2048x16xf32, #tpu.memory_space<vmem>>[vector<16xi32>, vector<16xi32>], vector<16xf32>,
      %mul3A_1399 = arith.constant 4 : i32
      %mul3A_1400 = arith.muli %scan3A_1385, %mul3A_1399 : i32
      %add3A_1401 = arith.constant 1 : i32
      %add3A_1402 = arith.addi %mul3A_1400, %add3A_1401 : i32
      %mul3A_1403 = arith.constant 16 : i32
      %mul3A_1404 = arith.muli %add3A_1402, %mul3A_1403 : i32
      %broadcast_in_dim3A_1405 = vector.broadcast %mul3A_1404 : i32 to vector<16xi32>
      %add3A_1406 = arith.addi %broadcast_in_dim3A_1405, %iota3A : vector<16xi32>
      %get3A_1407 = arith.index_cast %add3A_1402 : i32 to index
      %get3A_1408 = arith.constant 0 : index
      %get3A_1409 = tpu.vector_load %arg5[%get3A_1407, %get3A_1408] {strides = array<i32>} : memref<128x16xf32, #tpu.memory_space<vmem>>, vector<16xf32>,
      tpu.vector_store_idx %arg9[%add3A_1406, %broadcast_in_dim3A_3], %get3A_1409 : memref<2048x16xf32, #tpu.memory_space<vmem>>[vector<16xi32>, vector<16xi32>], vector<16xf32>,
      %get3A_1410 = arith.index_cast %add3A_1402 : i32 to index
      %get3A_1411 = arith.constant 0 : index
      %get3A_1412 = tpu.vector_load %arg6[%get3A_1410, %get3A_1411] {strides = array<i32>} : memref<128x16xf32, #tpu.memory_space<vmem>>, vector<16xf32>,
      tpu.vector_store_idx %arg9[%add3A_1406, %broadcast_in_dim3A_5], %get3A_1412 : memref<2048x16xf32, #tpu.memory_space<vmem>>[vector<16xi32>, vector<16xi32>], vector<16xf32>,
      %mul3A_1413 = arith.constant 4 : i32
      %mul3A_1414 = arith.muli %scan3A_1385, %mul3A_1413 : i32
      %add3A_1415 = arith.constant 2 : i32
      %add3A_1416 = arith.addi %mul3A_1414, %add3A_1415 : i32
      %mul3A_1417 = arith.constant 16 : i32
      %mul3A_1418 = arith.muli %add3A_1416, %mul3A_1417 : i32
      %broadcast_in_dim3A_1419 = vector.broadcast %mul3A_1418 : i32 to vector<16xi32>
      %add3A_1420 = arith.addi %broadcast_in_dim3A_1419, %iota3A : vector<16xi32>
      %get3A_1421 = arith.index_cast %add3A_1416 : i32 to index
      %get3A_1422 = arith.constant 0 : index
      %get3A_1423 = tpu.vector_load %arg5[%get3A_1421, %get3A_1422] {strides = array<i32>} : memref<128x16xf32, #tpu.memory_space<vmem>>, vector<16xf32>,
      tpu.vector_store_idx %arg9[%add3A_1420, %broadcast_in_dim3A_3], %get3A_1423 : memref<2048x16xf32, #tpu.memory_space<vmem>>[vector<16xi32>, vector<16xi32>], vector<16xf32>,
      %get3A_1424 = arith.index_cast %add3A_1416 : i32 to index
      %get3A_1425 = arith.constant 0 : index
      %get3A_1426 = tpu.vector_load %arg6[%get3A_1424, %get3A_1425] {strides = array<i32>} : memref<128x16xf32, #tpu.memory_space<vmem>>, vector<16xf32>,
      tpu.vector_store_idx %arg9[%add3A_1420, %broadcast_in_dim3A_5], %get3A_1426 : memref<2048x16xf32, #tpu.memory_space<vmem>>[vector<16xi32>, vector<16xi32>], vector<16xf32>,
      %mul3A_1427 = arith.constant 4 : i32
      %mul3A_1428 = arith.muli %scan3A_1385, %mul3A_1427 : i32
      %add3A_1429 = arith.constant 3 : i32
      %add3A_1430 = arith.addi %mul3A_1428, %add3A_1429 : i32
      %mul3A_1431 = arith.constant 16 : i32
      %mul3A_1432 = arith.muli %add3A_1430, %mul3A_1431 : i32
      %broadcast_in_dim3A_1433 = vector.broadcast %mul3A_1432 : i32 to vector<16xi32>
      %add3A_1434 = arith.addi %broadcast_in_dim3A_1433, %iota3A : vector<16xi32>
      %get3A_1435 = arith.index_cast %add3A_1430 : i32 to index
      %get3A_1436 = arith.constant 0 : index
      %get3A_1437 = tpu.vector_load %arg5[%get3A_1435, %get3A_1436] {strides = array<i32>} : memref<128x16xf32, #tpu.memory_space<vmem>>, vector<16xf32>,
      tpu.vector_store_idx %arg9[%add3A_1434, %broadcast_in_dim3A_3], %get3A_1437 : memref<2048x16xf32, #tpu.memory_space<vmem>>[vector<16xi32>, vector<16xi32>], vector<16xf32>,
      %get3A_1438 = arith.index_cast %add3A_1430 : i32 to index
      %get3A_1439 = arith.constant 0 : index
      %get3A_1440 = tpu.vector_load %arg6[%get3A_1438, %get3A_1439] {strides = array<i32>} : memref<128x16xf32, #tpu.memory_space<vmem>>, vector<16xf32>,
      tpu.vector_store_idx %arg9[%add3A_1434, %broadcast_in_dim3A_5], %get3A_1440 : memref<2048x16xf32, #tpu.memory_space<vmem>>[vector<16xi32>, vector<16xi32>], vector<16xf32>,
    }
    %scan3A_282 = arith.constant 32 : i32
    %add3A_283 = arith.constant 4096 : i32
    %add3A_284 = arith.addi %mul3A_2, %add3A_283 : i32
    %dma_start3A_285 = arith.constant 0 : i32
    %dma_start3A_286 = tpu.memref_slice %arg4[%add3A_284, %dma_start3A_285] : memref<1048576x16xf32, #tpu.memory_space<hbm>> -> memref<2048x16xf32, #tpu.memory_space<hbm>>
    %dma_start3A_287 = arith.constant 0 : i32
    %dma_start3A_288 = tpu.memref_slice %arg4[%add3A_284, %dma_start3A_287] : memref<1048576x16xf32, #tpu.memory_space<hbm>> -> memref<2048x16xf32, #tpu.memory_space<hbm>>
    tpu.enqueue_dma source(%arg9 : memref<2048x16xf32, #tpu.memory_space<vmem>>) target(%dma_start3A_288 : memref<2048x16xf32, #tpu.memory_space<hbm>>) target_semaphore(%arg11 : memref<!tpu.dma_semaphore, #tpu.memory_space<semaphore_mem>>)
    %add3A_289 = arith.constant 2048 : i32
    %add3A_290 = arith.addi %mul3A_2, %add3A_289 : i32
    %dma_wait3A_291 = arith.constant 0 : i32
    %dma_wait3A_292 = tpu.memref_slice %arg4[%add3A_290, %dma_wait3A_291] : memref<1048576x16xf32, #tpu.memory_space<hbm>> -> memref<2048x16xf32, #tpu.memory_space<hbm>>
    %dma_wait3A_293 = arith.constant 0 : i32
    %dma_wait3A_294 = tpu.memref_slice %arg4[%add3A_290, %dma_wait3A_293] : memref<1048576x16xf32, #tpu.memory_space<hbm>> -> memref<2048x16xf32, #tpu.memory_space<hbm>>
    tpu.wait_dma2 semaphore(%arg12 : memref<!tpu.dma_semaphore, #tpu.memory_space<semaphore_mem>>) src(%arg10 : memref<2048x16xf32, #tpu.memory_space<vmem>>) dst(%dma_wait3A_294 : memref<2048x16xf32, #tpu.memory_space<hbm>>)
    %add3A_295 = arith.constant 6144 : i32
    %add3A_296 = arith.addi %mul3A_2, %add3A_295 : i32
    %jit3A_297 = arith.constant 16 : i32
    %div3A_298 = arith.divsi %add3A_296, %jit3A_297 : i32
    %sign3A_299 = arith.constant 0 : i32
    %sign3A_300 = arith.cmpi sgt, %add3A_296, %sign3A_299 : i32
    %sign3A_301 = arith.extui %sign3A_300 : i1 to i32
    %sign3A_302 = arith.constant 0 : i32
    %sign3A_303 = arith.cmpi slt, %add3A_296, %sign3A_302 : i32
    %sign3A_304 = arith.extui %sign3A_303 : i1 to i32
    %sign3A_305 = arith.subi %sign3A_301, %sign3A_304 : i32
    %sign3A_306 = arith.constant 0 : i32
    %sign3A_307 = arith.cmpi sgt, %jit3A_297, %sign3A_306 : i32
    %sign3A_308 = arith.extui %sign3A_307 : i1 to i32
    %sign3A_309 = arith.constant 0 : i32
    %sign3A_310 = arith.cmpi slt, %jit3A_297, %sign3A_309 : i32
    %sign3A_311 = arith.extui %sign3A_310 : i1 to i32
    %sign3A_312 = arith.subi %sign3A_308, %sign3A_311 : i32
    %ne3A_313 = arith.cmpi ne, %sign3A_305, %sign3A_312 : i32
    %rem3A_314 = arith.remsi %add3A_296, %jit3A_297 : i32
    %ne3A_315 = arith.constant 0 : i32
    %ne3A_316 = arith.cmpi ne, %rem3A_314, %ne3A_315 : i32
    %and3A_317 = arith.andi %ne3A_313, %ne3A_316 : i1
    %sub3A_318 = arith.constant 1 : i32
    %sub3A_319 = arith.subi %div3A_298, %sub3A_318 : i32
    %select_n3A_320 = arith.select %and3A_317, %sub3A_319, %div3A_298 : i32
    %dma_wait3A_321 = arith.constant 0 : i32
    %dma_wait3A_322 = tpu.memref_slice %arg2[%select_n3A_320, %dma_wait3A_321] : memref<65536x16xf32, #tpu.memory_space<hbm>> -> memref<128x16xf32, #tpu.memory_space<hbm>>
    %dma_wait3A_323 = arith.constant 0 : i32
    %dma_wait3A_324 = tpu.memref_slice %arg2[%select_n3A_320, %dma_wait3A_323] : memref<65536x16xf32, #tpu.memory_space<hbm>> -> memref<128x16xf32, #tpu.memory_space<hbm>>
    tpu.wait_dma2 semaphore(%arg14 : memref<!tpu.dma_semaphore, #tpu.memory_space<semaphore_mem>>) src(%dma_wait3A_324 : memref<128x16xf32, #tpu.memory_space<hbm>>) dst(%arg7 : memref<128x16xf32, #tpu.memory_space<vmem>>)
    %dma_wait3A_325 = arith.constant 0 : i32
    %dma_wait3A_326 = tpu.memref_slice %arg3[%select_n3A_320, %dma_wait3A_325] : memref<65536x16xf32, #tpu.memory_space<hbm>> -> memref<128x16xf32, #tpu.memory_space<hbm>>
    %dma_wait3A_327 = arith.constant 0 : i32
    %dma_wait3A_328 = tpu.memref_slice %arg3[%select_n3A_320, %dma_wait3A_327] : memref<65536x16xf32, #tpu.memory_space<hbm>> -> memref<128x16xf32, #tpu.memory_space<hbm>>
    tpu.wait_dma2 semaphore(%arg14 : memref<!tpu.dma_semaphore, #tpu.memory_space<semaphore_mem>>) src(%dma_wait3A_328 : memref<128x16xf32, #tpu.memory_space<hbm>>) dst(%arg8 : memref<128x16xf32, #tpu.memory_space<vmem>>)
    %add3A_329 = arith.constant 8192 : i32
    %add3A_330 = arith.addi %mul3A_2, %add3A_329 : i32
    %jit3A_331 = arith.constant 16 : i32
    %div3A_332 = arith.divsi %add3A_330, %jit3A_331 : i32
    %sign3A_333 = arith.constant 0 : i32
    %sign3A_334 = arith.cmpi sgt, %add3A_330, %sign3A_333 : i32
    %sign3A_335 = arith.extui %sign3A_334 : i1 to i32
    %sign3A_336 = arith.constant 0 : i32
    %sign3A_337 = arith.cmpi slt, %add3A_330, %sign3A_336 : i32
    %sign3A_338 = arith.extui %sign3A_337 : i1 to i32
    %sign3A_339 = arith.subi %sign3A_335, %sign3A_338 : i32
    %sign3A_340 = arith.constant 0 : i32
    %sign3A_341 = arith.cmpi sgt, %jit3A_331, %sign3A_340 : i32
    %sign3A_342 = arith.extui %sign3A_341 : i1 to i32
    %sign3A_343 = arith.constant 0 : i32
    %sign3A_344 = arith.cmpi slt, %jit3A_331, %sign3A_343 : i32
    %sign3A_345 = arith.extui %sign3A_344 : i1 to i32
    %sign3A_346 = arith.subi %sign3A_342, %sign3A_345 : i32
    %ne3A_347 = arith.cmpi ne, %sign3A_339, %sign3A_346 : i32
    %rem3A_348 = arith.remsi %add3A_330, %jit3A_331 : i32
    %ne3A_349 = arith.constant 0 : i32
    %ne3A_350 = arith.cmpi ne, %rem3A_348, %ne3A_349 : i32
    %and3A_351 = arith.andi %ne3A_347, %ne3A_350 : i1
    %sub3A_352 = arith.constant 1 : i32
    %sub3A_353 = arith.subi %div3A_332, %sub3A_352 : i32
    %select_n3A_354 = arith.select %and3A_351, %sub3A_353, %div3A_332 : i32
    %dma_start3A_355 = arith.constant 0 : i32
    %dma_start3A_356 = tpu.memref_slice %arg2[%select_n3A_354, %dma_start3A_355] : memref<65536x16xf32, #tpu.memory_space<hbm>> -> memref<128x16xf32, #tpu.memory_space<hbm>>
    %dma_start3A_357 = arith.constant 0 : i32
    %dma_start3A_358 = tpu.memref_slice %arg2[%select_n3A_354, %dma_start3A_357] : memref<65536x16xf32, #tpu.memory_space<hbm>> -> memref<128x16xf32, #tpu.memory_space<hbm>>
    tpu.enqueue_dma source(%dma_start3A_358 : memref<128x16xf32, #tpu.memory_space<hbm>>) target(%arg5 : memref<128x16xf32, #tpu.memory_space<vmem>>) target_semaphore(%arg13 : memref<!tpu.dma_semaphore, #tpu.memory_space<semaphore_mem>>)
    %dma_start3A_359 = arith.constant 0 : i32
    %dma_start3A_360 = tpu.memref_slice %arg3[%select_n3A_354, %dma_start3A_359] : memref<65536x16xf32, #tpu.memory_space<hbm>> -> memref<128x16xf32, #tpu.memory_space<hbm>>
    %dma_start3A_361 = arith.constant 0 : i32
    %dma_start3A_362 = tpu.memref_slice %arg3[%select_n3A_354, %dma_start3A_361] : memref<65536x16xf32, #tpu.memory_space<hbm>> -> memref<128x16xf32, #tpu.memory_space<hbm>>
    tpu.enqueue_dma source(%dma_start3A_362 : memref<128x16xf32, #tpu.memory_space<hbm>>) target(%arg6 : memref<128x16xf32, #tpu.memory_space<vmem>>) target_semaphore(%arg13 : memref<!tpu.dma_semaphore, #tpu.memory_space<semaphore_mem>>)
    %scan3A_363 = arith.constant 0 : i32
    %scan3A_364 = arith.constant 0 : i32
    %scan3A_365 = arith.constant 32 : i32
    %scan3A_366 = arith.addi %scan3A_364, %scan3A_365 : i32
    %scan3A_367 = arith.constant 1 : i32
    scf.for %scan3A_1385 = %scan3A_364 to %scan3A_366 step %scan3A_367  : i32 {
      %mul3A_1386 = arith.constant 4 : i32
      %mul3A_1387 = arith.muli %scan3A_1385, %mul3A_1386 : i32
      %add3A_1388 = arith.constant 0 : i32
      %add3A_1389 = arith.addi %mul3A_1387, %add3A_1388 : i32
      %mul3A_1390 = arith.constant 16 : i32
      %mul3A_1391 = arith.muli %add3A_1389, %mul3A_1390 : i32
      %broadcast_in_dim3A_1392 = vector.broadcast %mul3A_1391 : i32 to vector<16xi32>
      %add3A_1393 = arith.addi %broadcast_in_dim3A_1392, %iota3A : vector<16xi32>
      %get3A = arith.index_cast %add3A_1389 : i32 to index
      %get3A_1394 = arith.constant 0 : index
      %get3A_1395 = tpu.vector_load %arg7[%get3A, %get3A_1394] {strides = array<i32>} : memref<128x16xf32, #tpu.memory_space<vmem>>, vector<16xf32>,
      tpu.vector_store_idx %arg10[%add3A_1393, %broadcast_in_dim3A_3], %get3A_1395 : memref<2048x16xf32, #tpu.memory_space<vmem>>[vector<16xi32>, vector<16xi32>], vector<16xf32>,
      %get3A_1396 = arith.index_cast %add3A_1389 : i32 to index
      %get3A_1397 = arith.constant 0 : index
      %get3A_1398 = tpu.vector_load %arg8[%get3A_1396, %get3A_1397] {strides = array<i32>} : memref<128x16xf32, #tpu.memory_space<vmem>>, vector<16xf32>,
      tpu.vector_store_idx %arg10[%add3A_1393, %broadcast_in_dim3A_5], %get3A_1398 : memref<2048x16xf32, #tpu.memory_space<vmem>>[vector<16xi32>, vector<16xi32>], vector<16xf32>,
      %mul3A_1399 = arith.constant 4 : i32
      %mul3A_1400 = arith.muli %scan3A_1385, %mul3A_1399 : i32
      %add3A_1401 = arith.constant 1 : i32
      %add3A_1402 = arith.addi %mul3A_1400, %add3A_1401 : i32
      %mul3A_1403 = arith.constant 16 : i32
      %mul3A_1404 = arith.muli %add3A_1402, %mul3A_1403 : i32
      %broadcast_in_dim3A_1405 = vector.broadcast %mul3A_1404 : i32 to vector<16xi32>
      %add3A_1406 = arith.addi %broadcast_in_dim3A_1405, %iota3A : vector<16xi32>
      %get3A_1407 = arith.index_cast %add3A_1402 : i32 to index
      %get3A_1408 = arith.constant 0 : index
      %get3A_1409 = tpu.vector_load %arg7[%get3A_1407, %get3A_1408] {strides = array<i32>} : memref<128x16xf32, #tpu.memory_space<vmem>>, vector<16xf32>,
      tpu.vector_store_idx %arg10[%add3A_1406, %broadcast_in_dim3A_3], %get3A_1409 : memref<2048x16xf32, #tpu.memory_space<vmem>>[vector<16xi32>, vector<16xi32>], vector<16xf32>,
      %get3A_1410 = arith.index_cast %add3A_1402 : i32 to index
      %get3A_1411 = arith.constant 0 : index
      %get3A_1412 = tpu.vector_load %arg8[%get3A_1410, %get3A_1411] {strides = array<i32>} : memref<128x16xf32, #tpu.memory_space<vmem>>, vector<16xf32>,
      tpu.vector_store_idx %arg10[%add3A_1406, %broadcast_in_dim3A_5], %get3A_1412 : memref<2048x16xf32, #tpu.memory_space<vmem>>[vector<16xi32>, vector<16xi32>], vector<16xf32>,
      %mul3A_1413 = arith.constant 4 : i32
      %mul3A_1414 = arith.muli %scan3A_1385, %mul3A_1413 : i32
      %add3A_1415 = arith.constant 2 : i32
      %add3A_1416 = arith.addi %mul3A_1414, %add3A_1415 : i32
      %mul3A_1417 = arith.constant 16 : i32
      %mul3A_1418 = arith.muli %add3A_1416, %mul3A_1417 : i32
      %broadcast_in_dim3A_1419 = vector.broadcast %mul3A_1418 : i32 to vector<16xi32>
      %add3A_1420 = arith.addi %broadcast_in_dim3A_1419, %iota3A : vector<16xi32>
      %get3A_1421 = arith.index_cast %add3A_1416 : i32 to index
      %get3A_1422 = arith.constant 0 : index
      %get3A_1423 = tpu.vector_load %arg7[%get3A_1421, %get3A_1422] {strides = array<i32>} : memref<128x16xf32, #tpu.memory_space<vmem>>, vector<16xf32>,
      tpu.vector_store_idx %arg10[%add3A_1420, %broadcast_in_dim3A_3], %get3A_1423 : memref<2048x16xf32, #tpu.memory_space<vmem>>[vector<16xi32>, vector<16xi32>], vector<16xf32>,
      %get3A_1424 = arith.index_cast %add3A_1416 : i32 to index
      %get3A_1425 = arith.constant 0 : index
      %get3A_1426 = tpu.vector_load %arg8[%get3A_1424, %get3A_1425] {strides = array<i32>} : memref<128x16xf32, #tpu.memory_space<vmem>>, vector<16xf32>,
      tpu.vector_store_idx %arg10[%add3A_1420, %broadcast_in_dim3A_5], %get3A_1426 : memref<2048x16xf32, #tpu.memory_space<vmem>>[vector<16xi32>, vector<16xi32>], vector<16xf32>,
      %mul3A_1427 = arith.constant 4 : i32
      %mul3A_1428 = arith.muli %scan3A_1385, %mul3A_1427 : i32
      %add3A_1429 = arith.constant 3 : i32
      %add3A_1430 = arith.addi %mul3A_1428, %add3A_1429 : i32
      %mul3A_1431 = arith.constant 16 : i32
      %mul3A_1432 = arith.muli %add3A_1430, %mul3A_1431 : i32
      %broadcast_in_dim3A_1433 = vector.broadcast %mul3A_1432 : i32 to vector<16xi32>
      %add3A_1434 = arith.addi %broadcast_in_dim3A_1433, %iota3A : vector<16xi32>
      %get3A_1435 = arith.index_cast %add3A_1430 : i32 to index
      %get3A_1436 = arith.constant 0 : index
      %get3A_1437 = tpu.vector_load %arg7[%get3A_1435, %get3A_1436] {strides = array<i32>} : memref<128x16xf32, #tpu.memory_space<vmem>>, vector<16xf32>,
      tpu.vector_store_idx %arg10[%add3A_1434, %broadcast_in_dim3A_3], %get3A_1437 : memref<2048x16xf32, #tpu.memory_space<vmem>>[vector<16xi32>, vector<16xi32>], vector<16xf32>,
      %get3A_1438 = arith.index_cast %add3A_1430 : i32 to index
      %get3A_1439 = arith.constant 0 : index
      %get3A_1440 = tpu.vector_load %arg8[%get3A_1438, %get3A_1439] {strides = array<i32>} : memref<128x16xf32, #tpu.memory_space<vmem>>, vector<16xf32>,
      tpu.vector_store_idx %arg10[%add3A_1434, %broadcast_in_dim3A_5], %get3A_1440 : memref<2048x16xf32, #tpu.memory_space<vmem>>[vector<16xi32>, vector<16xi32>], vector<16xf32>,
    }
    %scan3A_368 = arith.constant 32 : i32
    %add3A_369 = arith.constant 6144 : i32
    %add3A_370 = arith.addi %mul3A_2, %add3A_369 : i32
    %dma_start3A_371 = arith.constant 0 : i32
    %dma_start3A_372 = tpu.memref_slice %arg4[%add3A_370, %dma_start3A_371] : memref<1048576x16xf32, #tpu.memory_space<hbm>> -> memref<2048x16xf32, #tpu.memory_space<hbm>>
    %dma_start3A_373 = arith.constant 0 : i32
    %dma_start3A_374 = tpu.memref_slice %arg4[%add3A_370, %dma_start3A_373] : memref<1048576x16xf32, #tpu.memory_space<hbm>> -> memref<2048x16xf32, #tpu.memory_space<hbm>>
    tpu.enqueue_dma source(%arg10 : memref<2048x16xf32, #tpu.memory_space<vmem>>) target(%dma_start3A_374 : memref<2048x16xf32, #tpu.memory_space<hbm>>) target_semaphore(%arg12 : memref<!tpu.dma_semaphore, #tpu.memory_space<semaphore_mem>>)
    %add3A_375 = arith.constant 4096 : i32
    %add3A_376 = arith.addi %mul3A_2, %add3A_375 : i32
    %dma_wait3A_377 = arith.constant 0 : i32
    %dma_wait3A_378 = tpu.memref_slice %arg4[%add3A_376, %dma_wait3A_377] : memref<1048576x16xf32, #tpu.memory_space<hbm>> -> memref<2048x16xf32, #tpu.memory_space<hbm>>
    %dma_wait3A_379 = arith.constant 0 : i32
    %dma_wait3A_380 = tpu.memref_slice %arg4[%add3A_376, %dma_wait3A_379] : memref<1048576x16xf32, #tpu.memory_space<hbm>> -> memref<2048x16xf32, #tpu.memory_space<hbm>>
    tpu.wait_dma2 semaphore(%arg11 : memref<!tpu.dma_semaphore, #tpu.memory_space<semaphore_mem>>) src(%arg9 : memref<2048x16xf32, #tpu.memory_space<vmem>>) dst(%dma_wait3A_380 : memref<2048x16xf32, #tpu.memory_space<hbm>>)
    %add3A_381 = arith.constant 8192 : i32
    %add3A_382 = arith.addi %mul3A_2, %add3A_381 : i32
    %jit3A_383 = arith.constant 16 : i32
    %div3A_384 = arith.divsi %add3A_382, %jit3A_383 : i32
    %sign3A_385 = arith.constant 0 : i32
    %sign3A_386 = arith.cmpi sgt, %add3A_382, %sign3A_385 : i32
    %sign3A_387 = arith.extui %sign3A_386 : i1 to i32
    %sign3A_388 = arith.constant 0 : i32
    %sign3A_389 = arith.cmpi slt, %add3A_382, %sign3A_388 : i32
    %sign3A_390 = arith.extui %sign3A_389 : i1 to i32
    %sign3A_391 = arith.subi %sign3A_387, %sign3A_390 : i32
    %sign3A_392 = arith.constant 0 : i32
    %sign3A_393 = arith.cmpi sgt, %jit3A_383, %sign3A_392 : i32
    %sign3A_394 = arith.extui %sign3A_393 : i1 to i32
    %sign3A_395 = arith.constant 0 : i32
    %sign3A_396 = arith.cmpi slt, %jit3A_383, %sign3A_395 : i32
    %sign3A_397 = arith.extui %sign3A_396 : i1 to i32
    %sign3A_398 = arith.subi %sign3A_394, %sign3A_397 : i32
    %ne3A_399 = arith.cmpi ne, %sign3A_391, %sign3A_398 : i32
    %rem3A_400 = arith.remsi %add3A_382, %jit3A_383 : i32
    %ne3A_401 = arith.constant 0 : i32
    %ne3A_402 = arith.cmpi ne, %rem3A_400, %ne3A_401 : i32
    %and3A_403 = arith.andi %ne3A_399, %ne3A_402 : i1
    %sub3A_404 = arith.constant 1 : i32
    %sub3A_405 = arith.subi %div3A_384, %sub3A_404 : i32
    %select_n3A_406 = arith.select %and3A_403, %sub3A_405, %div3A_384 : i32
    %dma_wait3A_407 = arith.constant 0 : i32
    %dma_wait3A_408 = tpu.memref_slice %arg2[%select_n3A_406, %dma_wait3A_407] : memref<65536x16xf32, #tpu.memory_space<hbm>> -> memref<128x16xf32, #tpu.memory_space<hbm>>
    %dma_wait3A_409 = arith.constant 0 : i32
    %dma_wait3A_410 = tpu.memref_slice %arg2[%select_n3A_406, %dma_wait3A_409] : memref<65536x16xf32, #tpu.memory_space<hbm>> -> memref<128x16xf32, #tpu.memory_space<hbm>>
    tpu.wait_dma2 semaphore(%arg13 : memref<!tpu.dma_semaphore, #tpu.memory_space<semaphore_mem>>) src(%dma_wait3A_410 : memref<128x16xf32, #tpu.memory_space<hbm>>) dst(%arg5 : memref<128x16xf32, #tpu.memory_space<vmem>>)
    %dma_wait3A_411 = arith.constant 0 : i32
    %dma_wait3A_412 = tpu.memref_slice %arg3[%select_n3A_406, %dma_wait3A_411] : memref<65536x16xf32, #tpu.memory_space<hbm>> -> memref<128x16xf32, #tpu.memory_space<hbm>>
    %dma_wait3A_413 = arith.constant 0 : i32
    %dma_wait3A_414 = tpu.memref_slice %arg3[%select_n3A_406, %dma_wait3A_413] : memref<65536x16xf32, #tpu.memory_space<hbm>> -> memref<128x16xf32, #tpu.memory_space<hbm>>
    tpu.wait_dma2 semaphore(%arg13 : memref<!tpu.dma_semaphore, #tpu.memory_space<semaphore_mem>>) src(%dma_wait3A_414 : memref<128x16xf32, #tpu.memory_space<hbm>>) dst(%arg6 : memref<128x16xf32, #tpu.memory_space<vmem>>)
    %add3A_415 = arith.constant 10240 : i32
    %add3A_416 = arith.addi %mul3A_2, %add3A_415 : i32
    %jit3A_417 = arith.constant 16 : i32
    %div3A_418 = arith.divsi %add3A_416, %jit3A_417 : i32
    %sign3A_419 = arith.constant 0 : i32
    %sign3A_420 = arith.cmpi sgt, %add3A_416, %sign3A_419 : i32
    %sign3A_421 = arith.extui %sign3A_420 : i1 to i32
    %sign3A_422 = arith.constant 0 : i32
    %sign3A_423 = arith.cmpi slt, %add3A_416, %sign3A_422 : i32
    %sign3A_424 = arith.extui %sign3A_423 : i1 to i32
    %sign3A_425 = arith.subi %sign3A_421, %sign3A_424 : i32
    %sign3A_426 = arith.constant 0 : i32
    %sign3A_427 = arith.cmpi sgt, %jit3A_417, %sign3A_426 : i32
    %sign3A_428 = arith.extui %sign3A_427 : i1 to i32
    %sign3A_429 = arith.constant 0 : i32
    %sign3A_430 = arith.cmpi slt, %jit3A_417, %sign3A_429 : i32
    %sign3A_431 = arith.extui %sign3A_430 : i1 to i32
    %sign3A_432 = arith.subi %sign3A_428, %sign3A_431 : i32
    %ne3A_433 = arith.cmpi ne, %sign3A_425, %sign3A_432 : i32
    %rem3A_434 = arith.remsi %add3A_416, %jit3A_417 : i32
    %ne3A_435 = arith.constant 0 : i32
    %ne3A_436 = arith.cmpi ne, %rem3A_434, %ne3A_435 : i32
    %and3A_437 = arith.andi %ne3A_433, %ne3A_436 : i1
    %sub3A_438 = arith.constant 1 : i32
    %sub3A_439 = arith.subi %div3A_418, %sub3A_438 : i32
    %select_n3A_440 = arith.select %and3A_437, %sub3A_439, %div3A_418 : i32
    %dma_start3A_441 = arith.constant 0 : i32
    %dma_start3A_442 = tpu.memref_slice %arg2[%select_n3A_440, %dma_start3A_441] : memref<65536x16xf32, #tpu.memory_space<hbm>> -> memref<128x16xf32, #tpu.memory_space<hbm>>
    %dma_start3A_443 = arith.constant 0 : i32
    %dma_start3A_444 = tpu.memref_slice %arg2[%select_n3A_440, %dma_start3A_443] : memref<65536x16xf32, #tpu.memory_space<hbm>> -> memref<128x16xf32, #tpu.memory_space<hbm>>
    tpu.enqueue_dma source(%dma_start3A_444 : memref<128x16xf32, #tpu.memory_space<hbm>>) target(%arg7 : memref<128x16xf32, #tpu.memory_space<vmem>>) target_semaphore(%arg14 : memref<!tpu.dma_semaphore, #tpu.memory_space<semaphore_mem>>)
    %dma_start3A_445 = arith.constant 0 : i32
    %dma_start3A_446 = tpu.memref_slice %arg3[%select_n3A_440, %dma_start3A_445] : memref<65536x16xf32, #tpu.memory_space<hbm>> -> memref<128x16xf32, #tpu.memory_space<hbm>>
    %dma_start3A_447 = arith.constant 0 : i32
    %dma_start3A_448 = tpu.memref_slice %arg3[%select_n3A_440, %dma_start3A_447] : memref<65536x16xf32, #tpu.memory_space<hbm>> -> memref<128x16xf32, #tpu.memory_space<hbm>>
    tpu.enqueue_dma source(%dma_start3A_448 : memref<128x16xf32, #tpu.memory_space<hbm>>) target(%arg8 : memref<128x16xf32, #tpu.memory_space<vmem>>) target_semaphore(%arg14 : memref<!tpu.dma_semaphore, #tpu.memory_space<semaphore_mem>>)
    %scan3A_449 = arith.constant 0 : i32
    %scan3A_450 = arith.constant 0 : i32
    %scan3A_451 = arith.constant 32 : i32
    %scan3A_452 = arith.addi %scan3A_450, %scan3A_451 : i32
    %scan3A_453 = arith.constant 1 : i32
    scf.for %scan3A_1385 = %scan3A_450 to %scan3A_452 step %scan3A_453  : i32 {
      %mul3A_1386 = arith.constant 4 : i32
      %mul3A_1387 = arith.muli %scan3A_1385, %mul3A_1386 : i32
      %add3A_1388 = arith.constant 0 : i32
      %add3A_1389 = arith.addi %mul3A_1387, %add3A_1388 : i32
      %mul3A_1390 = arith.constant 16 : i32
      %mul3A_1391 = arith.muli %add3A_1389, %mul3A_1390 : i32
      %broadcast_in_dim3A_1392 = vector.broadcast %mul3A_1391 : i32 to vector<16xi32>
      %add3A_1393 = arith.addi %broadcast_in_dim3A_1392, %iota3A : vector<16xi32>
      %get3A = arith.index_cast %add3A_1389 : i32 to index
      %get3A_1394 = arith.constant 0 : index
      %get3A_1395 = tpu.vector_load %arg5[%get3A, %get3A_1394] {strides = array<i32>} : memref<128x16xf32, #tpu.memory_space<vmem>>, vector<16xf32>,
      tpu.vector_store_idx %arg9[%add3A_1393, %broadcast_in_dim3A_3], %get3A_1395 : memref<2048x16xf32, #tpu.memory_space<vmem>>[vector<16xi32>, vector<16xi32>], vector<16xf32>,
      %get3A_1396 = arith.index_cast %add3A_1389 : i32 to index
      %get3A_1397 = arith.constant 0 : index
      %get3A_1398 = tpu.vector_load %arg6[%get3A_1396, %get3A_1397] {strides = array<i32>} : memref<128x16xf32, #tpu.memory_space<vmem>>, vector<16xf32>,
      tpu.vector_store_idx %arg9[%add3A_1393, %broadcast_in_dim3A_5], %get3A_1398 : memref<2048x16xf32, #tpu.memory_space<vmem>>[vector<16xi32>, vector<16xi32>], vector<16xf32>,
      %mul3A_1399 = arith.constant 4 : i32
      %mul3A_1400 = arith.muli %scan3A_1385, %mul3A_1399 : i32
      %add3A_1401 = arith.constant 1 : i32
      %add3A_1402 = arith.addi %mul3A_1400, %add3A_1401 : i32
      %mul3A_1403 = arith.constant 16 : i32
      %mul3A_1404 = arith.muli %add3A_1402, %mul3A_1403 : i32
      %broadcast_in_dim3A_1405 = vector.broadcast %mul3A_1404 : i32 to vector<16xi32>
      %add3A_1406 = arith.addi %broadcast_in_dim3A_1405, %iota3A : vector<16xi32>
      %get3A_1407 = arith.index_cast %add3A_1402 : i32 to index
      %get3A_1408 = arith.constant 0 : index
      %get3A_1409 = tpu.vector_load %arg5[%get3A_1407, %get3A_1408] {strides = array<i32>} : memref<128x16xf32, #tpu.memory_space<vmem>>, vector<16xf32>,
      tpu.vector_store_idx %arg9[%add3A_1406, %broadcast_in_dim3A_3], %get3A_1409 : memref<2048x16xf32, #tpu.memory_space<vmem>>[vector<16xi32>, vector<16xi32>], vector<16xf32>,
      %get3A_1410 = arith.index_cast %add3A_1402 : i32 to index
      %get3A_1411 = arith.constant 0 : index
      %get3A_1412 = tpu.vector_load %arg6[%get3A_1410, %get3A_1411] {strides = array<i32>} : memref<128x16xf32, #tpu.memory_space<vmem>>, vector<16xf32>,
      tpu.vector_store_idx %arg9[%add3A_1406, %broadcast_in_dim3A_5], %get3A_1412 : memref<2048x16xf32, #tpu.memory_space<vmem>>[vector<16xi32>, vector<16xi32>], vector<16xf32>,
      %mul3A_1413 = arith.constant 4 : i32
      %mul3A_1414 = arith.muli %scan3A_1385, %mul3A_1413 : i32
      %add3A_1415 = arith.constant 2 : i32
      %add3A_1416 = arith.addi %mul3A_1414, %add3A_1415 : i32
      %mul3A_1417 = arith.constant 16 : i32
      %mul3A_1418 = arith.muli %add3A_1416, %mul3A_1417 : i32
      %broadcast_in_dim3A_1419 = vector.broadcast %mul3A_1418 : i32 to vector<16xi32>
      %add3A_1420 = arith.addi %broadcast_in_dim3A_1419, %iota3A : vector<16xi32>
      %get3A_1421 = arith.index_cast %add3A_1416 : i32 to index
      %get3A_1422 = arith.constant 0 : index
      %get3A_1423 = tpu.vector_load %arg5[%get3A_1421, %get3A_1422] {strides = array<i32>} : memref<128x16xf32, #tpu.memory_space<vmem>>, vector<16xf32>,
      tpu.vector_store_idx %arg9[%add3A_1420, %broadcast_in_dim3A_3], %get3A_1423 : memref<2048x16xf32, #tpu.memory_space<vmem>>[vector<16xi32>, vector<16xi32>], vector<16xf32>,
      %get3A_1424 = arith.index_cast %add3A_1416 : i32 to index
      %get3A_1425 = arith.constant 0 : index
      %get3A_1426 = tpu.vector_load %arg6[%get3A_1424, %get3A_1425] {strides = array<i32>} : memref<128x16xf32, #tpu.memory_space<vmem>>, vector<16xf32>,
      tpu.vector_store_idx %arg9[%add3A_1420, %broadcast_in_dim3A_5], %get3A_1426 : memref<2048x16xf32, #tpu.memory_space<vmem>>[vector<16xi32>, vector<16xi32>], vector<16xf32>,
      %mul3A_1427 = arith.constant 4 : i32
      %mul3A_1428 = arith.muli %scan3A_1385, %mul3A_1427 : i32
      %add3A_1429 = arith.constant 3 : i32
      %add3A_1430 = arith.addi %mul3A_1428, %add3A_1429 : i32
      %mul3A_1431 = arith.constant 16 : i32
      %mul3A_1432 = arith.muli %add3A_1430, %mul3A_1431 : i32
      %broadcast_in_dim3A_1433 = vector.broadcast %mul3A_1432 : i32 to vector<16xi32>
      %add3A_1434 = arith.addi %broadcast_in_dim3A_1433, %iota3A : vector<16xi32>
      %get3A_1435 = arith.index_cast %add3A_1430 : i32 to index
      %get3A_1436 = arith.constant 0 : index
      %get3A_1437 = tpu.vector_load %arg5[%get3A_1435, %get3A_1436] {strides = array<i32>} : memref<128x16xf32, #tpu.memory_space<vmem>>, vector<16xf32>,
      tpu.vector_store_idx %arg9[%add3A_1434, %broadcast_in_dim3A_3], %get3A_1437 : memref<2048x16xf32, #tpu.memory_space<vmem>>[vector<16xi32>, vector<16xi32>], vector<16xf32>,
      %get3A_1438 = arith.index_cast %add3A_1430 : i32 to index
      %get3A_1439 = arith.constant 0 : index
      %get3A_1440 = tpu.vector_load %arg6[%get3A_1438, %get3A_1439] {strides = array<i32>} : memref<128x16xf32, #tpu.memory_space<vmem>>, vector<16xf32>,
      tpu.vector_store_idx %arg9[%add3A_1434, %broadcast_in_dim3A_5], %get3A_1440 : memref<2048x16xf32, #tpu.memory_space<vmem>>[vector<16xi32>, vector<16xi32>], vector<16xf32>,
    }
    %scan3A_454 = arith.constant 32 : i32
    %add3A_455 = arith.constant 8192 : i32
    %add3A_456 = arith.addi %mul3A_2, %add3A_455 : i32
    %dma_start3A_457 = arith.constant 0 : i32
    %dma_start3A_458 = tpu.memref_slice %arg4[%add3A_456, %dma_start3A_457] : memref<1048576x16xf32, #tpu.memory_space<hbm>> -> memref<2048x16xf32, #tpu.memory_space<hbm>>
    %dma_start3A_459 = arith.constant 0 : i32
    %dma_start3A_460 = tpu.memref_slice %arg4[%add3A_456, %dma_start3A_459] : memref<1048576x16xf32, #tpu.memory_space<hbm>> -> memref<2048x16xf32, #tpu.memory_space<hbm>>
    tpu.enqueue_dma source(%arg9 : memref<2048x16xf32, #tpu.memory_space<vmem>>) target(%dma_start3A_460 : memref<2048x16xf32, #tpu.memory_space<hbm>>) target_semaphore(%arg11 : memref<!tpu.dma_semaphore, #tpu.memory_space<semaphore_mem>>)
    %add3A_461 = arith.constant 6144 : i32
    %add3A_462 = arith.addi %mul3A_2, %add3A_461 : i32
    %dma_wait3A_463 = arith.constant 0 : i32
    %dma_wait3A_464 = tpu.memref_slice %arg4[%add3A_462, %dma_wait3A_463] : memref<1048576x16xf32, #tpu.memory_space<hbm>> -> memref<2048x16xf32, #tpu.memory_space<hbm>>
    %dma_wait3A_465 = arith.constant 0 : i32
    %dma_wait3A_466 = tpu.memref_slice %arg4[%add3A_462, %dma_wait3A_465] : memref<1048576x16xf32, #tpu.memory_space<hbm>> -> memref<2048x16xf32, #tpu.memory_space<hbm>>
    tpu.wait_dma2 semaphore(%arg12 : memref<!tpu.dma_semaphore, #tpu.memory_space<semaphore_mem>>) src(%arg10 : memref<2048x16xf32, #tpu.memory_space<vmem>>) dst(%dma_wait3A_466 : memref<2048x16xf32, #tpu.memory_space<hbm>>)
    %add3A_467 = arith.constant 10240 : i32
    %add3A_468 = arith.addi %mul3A_2, %add3A_467 : i32
    %jit3A_469 = arith.constant 16 : i32
    %div3A_470 = arith.divsi %add3A_468, %jit3A_469 : i32
    %sign3A_471 = arith.constant 0 : i32
    %sign3A_472 = arith.cmpi sgt, %add3A_468, %sign3A_471 : i32
    %sign3A_473 = arith.extui %sign3A_472 : i1 to i32
    %sign3A_474 = arith.constant 0 : i32
    %sign3A_475 = arith.cmpi slt, %add3A_468, %sign3A_474 : i32
    %sign3A_476 = arith.extui %sign3A_475 : i1 to i32
    %sign3A_477 = arith.subi %sign3A_473, %sign3A_476 : i32
    %sign3A_478 = arith.constant 0 : i32
    %sign3A_479 = arith.cmpi sgt, %jit3A_469, %sign3A_478 : i32
    %sign3A_480 = arith.extui %sign3A_479 : i1 to i32
    %sign3A_481 = arith.constant 0 : i32
    %sign3A_482 = arith.cmpi slt, %jit3A_469, %sign3A_481 : i32
    %sign3A_483 = arith.extui %sign3A_482 : i1 to i32
    %sign3A_484 = arith.subi %sign3A_480, %sign3A_483 : i32
    %ne3A_485 = arith.cmpi ne, %sign3A_477, %sign3A_484 : i32
    %rem3A_486 = arith.remsi %add3A_468, %jit3A_469 : i32
    %ne3A_487 = arith.constant 0 : i32
    %ne3A_488 = arith.cmpi ne, %rem3A_486, %ne3A_487 : i32
    %and3A_489 = arith.andi %ne3A_485, %ne3A_488 : i1
    %sub3A_490 = arith.constant 1 : i32
    %sub3A_491 = arith.subi %div3A_470, %sub3A_490 : i32
    %select_n3A_492 = arith.select %and3A_489, %sub3A_491, %div3A_470 : i32
    %dma_wait3A_493 = arith.constant 0 : i32
    %dma_wait3A_494 = tpu.memref_slice %arg2[%select_n3A_492, %dma_wait3A_493] : memref<65536x16xf32, #tpu.memory_space<hbm>> -> memref<128x16xf32, #tpu.memory_space<hbm>>
    %dma_wait3A_495 = arith.constant 0 : i32
    %dma_wait3A_496 = tpu.memref_slice %arg2[%select_n3A_492, %dma_wait3A_495] : memref<65536x16xf32, #tpu.memory_space<hbm>> -> memref<128x16xf32, #tpu.memory_space<hbm>>
    tpu.wait_dma2 semaphore(%arg14 : memref<!tpu.dma_semaphore, #tpu.memory_space<semaphore_mem>>) src(%dma_wait3A_496 : memref<128x16xf32, #tpu.memory_space<hbm>>) dst(%arg7 : memref<128x16xf32, #tpu.memory_space<vmem>>)
    %dma_wait3A_497 = arith.constant 0 : i32
    %dma_wait3A_498 = tpu.memref_slice %arg3[%select_n3A_492, %dma_wait3A_497] : memref<65536x16xf32, #tpu.memory_space<hbm>> -> memref<128x16xf32, #tpu.memory_space<hbm>>
    %dma_wait3A_499 = arith.constant 0 : i32
    %dma_wait3A_500 = tpu.memref_slice %arg3[%select_n3A_492, %dma_wait3A_499] : memref<65536x16xf32, #tpu.memory_space<hbm>> -> memref<128x16xf32, #tpu.memory_space<hbm>>
    tpu.wait_dma2 semaphore(%arg14 : memref<!tpu.dma_semaphore, #tpu.memory_space<semaphore_mem>>) src(%dma_wait3A_500 : memref<128x16xf32, #tpu.memory_space<hbm>>) dst(%arg8 : memref<128x16xf32, #tpu.memory_space<vmem>>)
    %add3A_501 = arith.constant 12288 : i32
    %add3A_502 = arith.addi %mul3A_2, %add3A_501 : i32
    %jit3A_503 = arith.constant 16 : i32
    %div3A_504 = arith.divsi %add3A_502, %jit3A_503 : i32
    %sign3A_505 = arith.constant 0 : i32
    %sign3A_506 = arith.cmpi sgt, %add3A_502, %sign3A_505 : i32
    %sign3A_507 = arith.extui %sign3A_506 : i1 to i32
    %sign3A_508 = arith.constant 0 : i32
    %sign3A_509 = arith.cmpi slt, %add3A_502, %sign3A_508 : i32
    %sign3A_510 = arith.extui %sign3A_509 : i1 to i32
    %sign3A_511 = arith.subi %sign3A_507, %sign3A_510 : i32
    %sign3A_512 = arith.constant 0 : i32
    %sign3A_513 = arith.cmpi sgt, %jit3A_503, %sign3A_512 : i32
    %sign3A_514 = arith.extui %sign3A_513 : i1 to i32
    %sign3A_515 = arith.constant 0 : i32
    %sign3A_516 = arith.cmpi slt, %jit3A_503, %sign3A_515 : i32
    %sign3A_517 = arith.extui %sign3A_516 : i1 to i32
    %sign3A_518 = arith.subi %sign3A_514, %sign3A_517 : i32
    %ne3A_519 = arith.cmpi ne, %sign3A_511, %sign3A_518 : i32
    %rem3A_520 = arith.remsi %add3A_502, %jit3A_503 : i32
    %ne3A_521 = arith.constant 0 : i32
    %ne3A_522 = arith.cmpi ne, %rem3A_520, %ne3A_521 : i32
    %and3A_523 = arith.andi %ne3A_519, %ne3A_522 : i1
    %sub3A_524 = arith.constant 1 : i32
    %sub3A_525 = arith.subi %div3A_504, %sub3A_524 : i32
    %select_n3A_526 = arith.select %and3A_523, %sub3A_525, %div3A_504 : i32
    %dma_start3A_527 = arith.constant 0 : i32
    %dma_start3A_528 = tpu.memref_slice %arg2[%select_n3A_526, %dma_start3A_527] : memref<65536x16xf32, #tpu.memory_space<hbm>> -> memref<128x16xf32, #tpu.memory_space<hbm>>
    %dma_start3A_529 = arith.constant 0 : i32
    %dma_start3A_530 = tpu.memref_slice %arg2[%select_n3A_526, %dma_start3A_529] : memref<65536x16xf32, #tpu.memory_space<hbm>> -> memref<128x16xf32, #tpu.memory_space<hbm>>
    tpu.enqueue_dma source(%dma_start3A_530 : memref<128x16xf32, #tpu.memory_space<hbm>>) target(%arg5 : memref<128x16xf32, #tpu.memory_space<vmem>>) target_semaphore(%arg13 : memref<!tpu.dma_semaphore, #tpu.memory_space<semaphore_mem>>)
    %dma_start3A_531 = arith.constant 0 : i32
    %dma_start3A_532 = tpu.memref_slice %arg3[%select_n3A_526, %dma_start3A_531] : memref<65536x16xf32, #tpu.memory_space<hbm>> -> memref<128x16xf32, #tpu.memory_space<hbm>>
    %dma_start3A_533 = arith.constant 0 : i32
    %dma_start3A_534 = tpu.memref_slice %arg3[%select_n3A_526, %dma_start3A_533] : memref<65536x16xf32, #tpu.memory_space<hbm>> -> memref<128x16xf32, #tpu.memory_space<hbm>>
    tpu.enqueue_dma source(%dma_start3A_534 : memref<128x16xf32, #tpu.memory_space<hbm>>) target(%arg6 : memref<128x16xf32, #tpu.memory_space<vmem>>) target_semaphore(%arg13 : memref<!tpu.dma_semaphore, #tpu.memory_space<semaphore_mem>>)
    %scan3A_535 = arith.constant 0 : i32
    %scan3A_536 = arith.constant 0 : i32
    %scan3A_537 = arith.constant 32 : i32
    %scan3A_538 = arith.addi %scan3A_536, %scan3A_537 : i32
    %scan3A_539 = arith.constant 1 : i32
    scf.for %scan3A_1385 = %scan3A_536 to %scan3A_538 step %scan3A_539  : i32 {
      %mul3A_1386 = arith.constant 4 : i32
      %mul3A_1387 = arith.muli %scan3A_1385, %mul3A_1386 : i32
      %add3A_1388 = arith.constant 0 : i32
      %add3A_1389 = arith.addi %mul3A_1387, %add3A_1388 : i32
      %mul3A_1390 = arith.constant 16 : i32
      %mul3A_1391 = arith.muli %add3A_1389, %mul3A_1390 : i32
      %broadcast_in_dim3A_1392 = vector.broadcast %mul3A_1391 : i32 to vector<16xi32>
      %add3A_1393 = arith.addi %broadcast_in_dim3A_1392, %iota3A : vector<16xi32>
      %get3A = arith.index_cast %add3A_1389 : i32 to index
      %get3A_1394 = arith.constant 0 : index
      %get3A_1395 = tpu.vector_load %arg7[%get3A, %get3A_1394] {strides = array<i32>} : memref<128x16xf32, #tpu.memory_space<vmem>>, vector<16xf32>,
      tpu.vector_store_idx %arg10[%add3A_1393, %broadcast_in_dim3A_3], %get3A_1395 : memref<2048x16xf32, #tpu.memory_space<vmem>>[vector<16xi32>, vector<16xi32>], vector<16xf32>,
      %get3A_1396 = arith.index_cast %add3A_1389 : i32 to index
      %get3A_1397 = arith.constant 0 : index
      %get3A_1398 = tpu.vector_load %arg8[%get3A_1396, %get3A_1397] {strides = array<i32>} : memref<128x16xf32, #tpu.memory_space<vmem>>, vector<16xf32>,
      tpu.vector_store_idx %arg10[%add3A_1393, %broadcast_in_dim3A_5], %get3A_1398 : memref<2048x16xf32, #tpu.memory_space<vmem>>[vector<16xi32>, vector<16xi32>], vector<16xf32>,
      %mul3A_1399 = arith.constant 4 : i32
      %mul3A_1400 = arith.muli %scan3A_1385, %mul3A_1399 : i32
      %add3A_1401 = arith.constant 1 : i32
      %add3A_1402 = arith.addi %mul3A_1400, %add3A_1401 : i32
      %mul3A_1403 = arith.constant 16 : i32
      %mul3A_1404 = arith.muli %add3A_1402, %mul3A_1403 : i32
      %broadcast_in_dim3A_1405 = vector.broadcast %mul3A_1404 : i32 to vector<16xi32>
      %add3A_1406 = arith.addi %broadcast_in_dim3A_1405, %iota3A : vector<16xi32>
      %get3A_1407 = arith.index_cast %add3A_1402 : i32 to index
      %get3A_1408 = arith.constant 0 : index
      %get3A_1409 = tpu.vector_load %arg7[%get3A_1407, %get3A_1408] {strides = array<i32>} : memref<128x16xf32, #tpu.memory_space<vmem>>, vector<16xf32>,
      tpu.vector_store_idx %arg10[%add3A_1406, %broadcast_in_dim3A_3], %get3A_1409 : memref<2048x16xf32, #tpu.memory_space<vmem>>[vector<16xi32>, vector<16xi32>], vector<16xf32>,
      %get3A_1410 = arith.index_cast %add3A_1402 : i32 to index
      %get3A_1411 = arith.constant 0 : index
      %get3A_1412 = tpu.vector_load %arg8[%get3A_1410, %get3A_1411] {strides = array<i32>} : memref<128x16xf32, #tpu.memory_space<vmem>>, vector<16xf32>,
      tpu.vector_store_idx %arg10[%add3A_1406, %broadcast_in_dim3A_5], %get3A_1412 : memref<2048x16xf32, #tpu.memory_space<vmem>>[vector<16xi32>, vector<16xi32>], vector<16xf32>,
      %mul3A_1413 = arith.constant 4 : i32
      %mul3A_1414 = arith.muli %scan3A_1385, %mul3A_1413 : i32
      %add3A_1415 = arith.constant 2 : i32
      %add3A_1416 = arith.addi %mul3A_1414, %add3A_1415 : i32
      %mul3A_1417 = arith.constant 16 : i32
      %mul3A_1418 = arith.muli %add3A_1416, %mul3A_1417 : i32
      %broadcast_in_dim3A_1419 = vector.broadcast %mul3A_1418 : i32 to vector<16xi32>
      %add3A_1420 = arith.addi %broadcast_in_dim3A_1419, %iota3A : vector<16xi32>
      %get3A_1421 = arith.index_cast %add3A_1416 : i32 to index
      %get3A_1422 = arith.constant 0 : index
      %get3A_1423 = tpu.vector_load %arg7[%get3A_1421, %get3A_1422] {strides = array<i32>} : memref<128x16xf32, #tpu.memory_space<vmem>>, vector<16xf32>,
      tpu.vector_store_idx %arg10[%add3A_1420, %broadcast_in_dim3A_3], %get3A_1423 : memref<2048x16xf32, #tpu.memory_space<vmem>>[vector<16xi32>, vector<16xi32>], vector<16xf32>,
      %get3A_1424 = arith.index_cast %add3A_1416 : i32 to index
      %get3A_1425 = arith.constant 0 : index
      %get3A_1426 = tpu.vector_load %arg8[%get3A_1424, %get3A_1425] {strides = array<i32>} : memref<128x16xf32, #tpu.memory_space<vmem>>, vector<16xf32>,
      tpu.vector_store_idx %arg10[%add3A_1420, %broadcast_in_dim3A_5], %get3A_1426 : memref<2048x16xf32, #tpu.memory_space<vmem>>[vector<16xi32>, vector<16xi32>], vector<16xf32>,
      %mul3A_1427 = arith.constant 4 : i32
      %mul3A_1428 = arith.muli %scan3A_1385, %mul3A_1427 : i32
      %add3A_1429 = arith.constant 3 : i32
      %add3A_1430 = arith.addi %mul3A_1428, %add3A_1429 : i32
      %mul3A_1431 = arith.constant 16 : i32
      %mul3A_1432 = arith.muli %add3A_1430, %mul3A_1431 : i32
      %broadcast_in_dim3A_1433 = vector.broadcast %mul3A_1432 : i32 to vector<16xi32>
      %add3A_1434 = arith.addi %broadcast_in_dim3A_1433, %iota3A : vector<16xi32>
      %get3A_1435 = arith.index_cast %add3A_1430 : i32 to index
      %get3A_1436 = arith.constant 0 : index
      %get3A_1437 = tpu.vector_load %arg7[%get3A_1435, %get3A_1436] {strides = array<i32>} : memref<128x16xf32, #tpu.memory_space<vmem>>, vector<16xf32>,
      tpu.vector_store_idx %arg10[%add3A_1434, %broadcast_in_dim3A_3], %get3A_1437 : memref<2048x16xf32, #tpu.memory_space<vmem>>[vector<16xi32>, vector<16xi32>], vector<16xf32>,
      %get3A_1438 = arith.index_cast %add3A_1430 : i32 to index
      %get3A_1439 = arith.constant 0 : index
      %get3A_1440 = tpu.vector_load %arg8[%get3A_1438, %get3A_1439] {strides = array<i32>} : memref<128x16xf32, #tpu.memory_space<vmem>>, vector<16xf32>,
      tpu.vector_store_idx %arg10[%add3A_1434, %broadcast_in_dim3A_5], %get3A_1440 : memref<2048x16xf32, #tpu.memory_space<vmem>>[vector<16xi32>, vector<16xi32>], vector<16xf32>,
    }
    %scan3A_540 = arith.constant 32 : i32
    %add3A_541 = arith.constant 10240 : i32
    %add3A_542 = arith.addi %mul3A_2, %add3A_541 : i32
    %dma_start3A_543 = arith.constant 0 : i32
    %dma_start3A_544 = tpu.memref_slice %arg4[%add3A_542, %dma_start3A_543] : memref<1048576x16xf32, #tpu.memory_space<hbm>> -> memref<2048x16xf32, #tpu.memory_space<hbm>>
    %dma_start3A_545 = arith.constant 0 : i32
    %dma_start3A_546 = tpu.memref_slice %arg4[%add3A_542, %dma_start3A_545] : memref<1048576x16xf32, #tpu.memory_space<hbm>> -> memref<2048x16xf32, #tpu.memory_space<hbm>>
    tpu.enqueue_dma source(%arg10 : memref<2048x16xf32, #tpu.memory_space<vmem>>) target(%dma_start3A_546 : memref<2048x16xf32, #tpu.memory_space<hbm>>) target_semaphore(%arg12 : memref<!tpu.dma_semaphore, #tpu.memory_space<semaphore_mem>>)
    %add3A_547 = arith.constant 8192 : i32
    %add3A_548 = arith.addi %mul3A_2, %add3A_547 : i32
    %dma_wait3A_549 = arith.constant 0 : i32
    %dma_wait3A_550 = tpu.memref_slice %arg4[%add3A_548, %dma_wait3A_549] : memref<1048576x16xf32, #tpu.memory_space<hbm>> -> memref<2048x16xf32, #tpu.memory_space<hbm>>
    %dma_wait3A_551 = arith.constant 0 : i32
    %dma_wait3A_552 = tpu.memref_slice %arg4[%add3A_548, %dma_wait3A_551] : memref<1048576x16xf32, #tpu.memory_space<hbm>> -> memref<2048x16xf32, #tpu.memory_space<hbm>>
    tpu.wait_dma2 semaphore(%arg11 : memref<!tpu.dma_semaphore, #tpu.memory_space<semaphore_mem>>) src(%arg9 : memref<2048x16xf32, #tpu.memory_space<vmem>>) dst(%dma_wait3A_552 : memref<2048x16xf32, #tpu.memory_space<hbm>>)
    %add3A_553 = arith.constant 12288 : i32
    %add3A_554 = arith.addi %mul3A_2, %add3A_553 : i32
    %jit3A_555 = arith.constant 16 : i32
    %div3A_556 = arith.divsi %add3A_554, %jit3A_555 : i32
    %sign3A_557 = arith.constant 0 : i32
    %sign3A_558 = arith.cmpi sgt, %add3A_554, %sign3A_557 : i32
    %sign3A_559 = arith.extui %sign3A_558 : i1 to i32
    %sign3A_560 = arith.constant 0 : i32
    %sign3A_561 = arith.cmpi slt, %add3A_554, %sign3A_560 : i32
    %sign3A_562 = arith.extui %sign3A_561 : i1 to i32
    %sign3A_563 = arith.subi %sign3A_559, %sign3A_562 : i32
    %sign3A_564 = arith.constant 0 : i32
    %sign3A_565 = arith.cmpi sgt, %jit3A_555, %sign3A_564 : i32
    %sign3A_566 = arith.extui %sign3A_565 : i1 to i32
    %sign3A_567 = arith.constant 0 : i32
    %sign3A_568 = arith.cmpi slt, %jit3A_555, %sign3A_567 : i32
    %sign3A_569 = arith.extui %sign3A_568 : i1 to i32
    %sign3A_570 = arith.subi %sign3A_566, %sign3A_569 : i32
    %ne3A_571 = arith.cmpi ne, %sign3A_563, %sign3A_570 : i32
    %rem3A_572 = arith.remsi %add3A_554, %jit3A_555 : i32
    %ne3A_573 = arith.constant 0 : i32
    %ne3A_574 = arith.cmpi ne, %rem3A_572, %ne3A_573 : i32
    %and3A_575 = arith.andi %ne3A_571, %ne3A_574 : i1
    %sub3A_576 = arith.constant 1 : i32
    %sub3A_577 = arith.subi %div3A_556, %sub3A_576 : i32
    %select_n3A_578 = arith.select %and3A_575, %sub3A_577, %div3A_556 : i32
    %dma_wait3A_579 = arith.constant 0 : i32
    %dma_wait3A_580 = tpu.memref_slice %arg2[%select_n3A_578, %dma_wait3A_579] : memref<65536x16xf32, #tpu.memory_space<hbm>> -> memref<128x16xf32, #tpu.memory_space<hbm>>
    %dma_wait3A_581 = arith.constant 0 : i32
    %dma_wait3A_582 = tpu.memref_slice %arg2[%select_n3A_578, %dma_wait3A_581] : memref<65536x16xf32, #tpu.memory_space<hbm>> -> memref<128x16xf32, #tpu.memory_space<hbm>>
    tpu.wait_dma2 semaphore(%arg13 : memref<!tpu.dma_semaphore, #tpu.memory_space<semaphore_mem>>) src(%dma_wait3A_582 : memref<128x16xf32, #tpu.memory_space<hbm>>) dst(%arg5 : memref<128x16xf32, #tpu.memory_space<vmem>>)
    %dma_wait3A_583 = arith.constant 0 : i32
    %dma_wait3A_584 = tpu.memref_slice %arg3[%select_n3A_578, %dma_wait3A_583] : memref<65536x16xf32, #tpu.memory_space<hbm>> -> memref<128x16xf32, #tpu.memory_space<hbm>>
    %dma_wait3A_585 = arith.constant 0 : i32
    %dma_wait3A_586 = tpu.memref_slice %arg3[%select_n3A_578, %dma_wait3A_585] : memref<65536x16xf32, #tpu.memory_space<hbm>> -> memref<128x16xf32, #tpu.memory_space<hbm>>
    tpu.wait_dma2 semaphore(%arg13 : memref<!tpu.dma_semaphore, #tpu.memory_space<semaphore_mem>>) src(%dma_wait3A_586 : memref<128x16xf32, #tpu.memory_space<hbm>>) dst(%arg6 : memref<128x16xf32, #tpu.memory_space<vmem>>)
    %add3A_587 = arith.constant 14336 : i32
    %add3A_588 = arith.addi %mul3A_2, %add3A_587 : i32
    %jit3A_589 = arith.constant 16 : i32
    %div3A_590 = arith.divsi %add3A_588, %jit3A_589 : i32
    %sign3A_591 = arith.constant 0 : i32
    %sign3A_592 = arith.cmpi sgt, %add3A_588, %sign3A_591 : i32
    %sign3A_593 = arith.extui %sign3A_592 : i1 to i32
    %sign3A_594 = arith.constant 0 : i32
    %sign3A_595 = arith.cmpi slt, %add3A_588, %sign3A_594 : i32
    %sign3A_596 = arith.extui %sign3A_595 : i1 to i32
    %sign3A_597 = arith.subi %sign3A_593, %sign3A_596 : i32
    %sign3A_598 = arith.constant 0 : i32
    %sign3A_599 = arith.cmpi sgt, %jit3A_589, %sign3A_598 : i32
    %sign3A_600 = arith.extui %sign3A_599 : i1 to i32
    %sign3A_601 = arith.constant 0 : i32
    %sign3A_602 = arith.cmpi slt, %jit3A_589, %sign3A_601 : i32
    %sign3A_603 = arith.extui %sign3A_602 : i1 to i32
    %sign3A_604 = arith.subi %sign3A_600, %sign3A_603 : i32
    %ne3A_605 = arith.cmpi ne, %sign3A_597, %sign3A_604 : i32
    %rem3A_606 = arith.remsi %add3A_588, %jit3A_589 : i32
    %ne3A_607 = arith.constant 0 : i32
    %ne3A_608 = arith.cmpi ne, %rem3A_606, %ne3A_607 : i32
    %and3A_609 = arith.andi %ne3A_605, %ne3A_608 : i1
    %sub3A_610 = arith.constant 1 : i32
    %sub3A_611 = arith.subi %div3A_590, %sub3A_610 : i32
    %select_n3A_612 = arith.select %and3A_609, %sub3A_611, %div3A_590 : i32
    %dma_start3A_613 = arith.constant 0 : i32
    %dma_start3A_614 = tpu.memref_slice %arg2[%select_n3A_612, %dma_start3A_613] : memref<65536x16xf32, #tpu.memory_space<hbm>> -> memref<128x16xf32, #tpu.memory_space<hbm>>
    %dma_start3A_615 = arith.constant 0 : i32
    %dma_start3A_616 = tpu.memref_slice %arg2[%select_n3A_612, %dma_start3A_615] : memref<65536x16xf32, #tpu.memory_space<hbm>> -> memref<128x16xf32, #tpu.memory_space<hbm>>
    tpu.enqueue_dma source(%dma_start3A_616 : memref<128x16xf32, #tpu.memory_space<hbm>>) target(%arg7 : memref<128x16xf32, #tpu.memory_space<vmem>>) target_semaphore(%arg14 : memref<!tpu.dma_semaphore, #tpu.memory_space<semaphore_mem>>)
    %dma_start3A_617 = arith.constant 0 : i32
    %dma_start3A_618 = tpu.memref_slice %arg3[%select_n3A_612, %dma_start3A_617] : memref<65536x16xf32, #tpu.memory_space<hbm>> -> memref<128x16xf32, #tpu.memory_space<hbm>>
    %dma_start3A_619 = arith.constant 0 : i32
    %dma_start3A_620 = tpu.memref_slice %arg3[%select_n3A_612, %dma_start3A_619] : memref<65536x16xf32, #tpu.memory_space<hbm>> -> memref<128x16xf32, #tpu.memory_space<hbm>>
    tpu.enqueue_dma source(%dma_start3A_620 : memref<128x16xf32, #tpu.memory_space<hbm>>) target(%arg8 : memref<128x16xf32, #tpu.memory_space<vmem>>) target_semaphore(%arg14 : memref<!tpu.dma_semaphore, #tpu.memory_space<semaphore_mem>>)
    %scan3A_621 = arith.constant 0 : i32
    %scan3A_622 = arith.constant 0 : i32
    %scan3A_623 = arith.constant 32 : i32
    %scan3A_624 = arith.addi %scan3A_622, %scan3A_623 : i32
    %scan3A_625 = arith.constant 1 : i32
    scf.for %scan3A_1385 = %scan3A_622 to %scan3A_624 step %scan3A_625  : i32 {
      %mul3A_1386 = arith.constant 4 : i32
      %mul3A_1387 = arith.muli %scan3A_1385, %mul3A_1386 : i32
      %add3A_1388 = arith.constant 0 : i32
      %add3A_1389 = arith.addi %mul3A_1387, %add3A_1388 : i32
      %mul3A_1390 = arith.constant 16 : i32
      %mul3A_1391 = arith.muli %add3A_1389, %mul3A_1390 : i32
      %broadcast_in_dim3A_1392 = vector.broadcast %mul3A_1391 : i32 to vector<16xi32>
      %add3A_1393 = arith.addi %broadcast_in_dim3A_1392, %iota3A : vector<16xi32>
      %get3A = arith.index_cast %add3A_1389 : i32 to index
      %get3A_1394 = arith.constant 0 : index
      %get3A_1395 = tpu.vector_load %arg5[%get3A, %get3A_1394] {strides = array<i32>} : memref<128x16xf32, #tpu.memory_space<vmem>>, vector<16xf32>,
      tpu.vector_store_idx %arg9[%add3A_1393, %broadcast_in_dim3A_3], %get3A_1395 : memref<2048x16xf32, #tpu.memory_space<vmem>>[vector<16xi32>, vector<16xi32>], vector<16xf32>,
      %get3A_1396 = arith.index_cast %add3A_1389 : i32 to index
      %get3A_1397 = arith.constant 0 : index
      %get3A_1398 = tpu.vector_load %arg6[%get3A_1396, %get3A_1397] {strides = array<i32>} : memref<128x16xf32, #tpu.memory_space<vmem>>, vector<16xf32>,
      tpu.vector_store_idx %arg9[%add3A_1393, %broadcast_in_dim3A_5], %get3A_1398 : memref<2048x16xf32, #tpu.memory_space<vmem>>[vector<16xi32>, vector<16xi32>], vector<16xf32>,
      %mul3A_1399 = arith.constant 4 : i32
      %mul3A_1400 = arith.muli %scan3A_1385, %mul3A_1399 : i32
      %add3A_1401 = arith.constant 1 : i32
      %add3A_1402 = arith.addi %mul3A_1400, %add3A_1401 : i32
      %mul3A_1403 = arith.constant 16 : i32
      %mul3A_1404 = arith.muli %add3A_1402, %mul3A_1403 : i32
      %broadcast_in_dim3A_1405 = vector.broadcast %mul3A_1404 : i32 to vector<16xi32>
      %add3A_1406 = arith.addi %broadcast_in_dim3A_1405, %iota3A : vector<16xi32>
      %get3A_1407 = arith.index_cast %add3A_1402 : i32 to index
      %get3A_1408 = arith.constant 0 : index
      %get3A_1409 = tpu.vector_load %arg5[%get3A_1407, %get3A_1408] {strides = array<i32>} : memref<128x16xf32, #tpu.memory_space<vmem>>, vector<16xf32>,
      tpu.vector_store_idx %arg9[%add3A_1406, %broadcast_in_dim3A_3], %get3A_1409 : memref<2048x16xf32, #tpu.memory_space<vmem>>[vector<16xi32>, vector<16xi32>], vector<16xf32>,
      %get3A_1410 = arith.index_cast %add3A_1402 : i32 to index
      %get3A_1411 = arith.constant 0 : index
      %get3A_1412 = tpu.vector_load %arg6[%get3A_1410, %get3A_1411] {strides = array<i32>} : memref<128x16xf32, #tpu.memory_space<vmem>>, vector<16xf32>,
      tpu.vector_store_idx %arg9[%add3A_1406, %broadcast_in_dim3A_5], %get3A_1412 : memref<2048x16xf32, #tpu.memory_space<vmem>>[vector<16xi32>, vector<16xi32>], vector<16xf32>,
      %mul3A_1413 = arith.constant 4 : i32
      %mul3A_1414 = arith.muli %scan3A_1385, %mul3A_1413 : i32
      %add3A_1415 = arith.constant 2 : i32
      %add3A_1416 = arith.addi %mul3A_1414, %add3A_1415 : i32
      %mul3A_1417 = arith.constant 16 : i32
      %mul3A_1418 = arith.muli %add3A_1416, %mul3A_1417 : i32
      %broadcast_in_dim3A_1419 = vector.broadcast %mul3A_1418 : i32 to vector<16xi32>
      %add3A_1420 = arith.addi %broadcast_in_dim3A_1419, %iota3A : vector<16xi32>
      %get3A_1421 = arith.index_cast %add3A_1416 : i32 to index
      %get3A_1422 = arith.constant 0 : index
      %get3A_1423 = tpu.vector_load %arg5[%get3A_1421, %get3A_1422] {strides = array<i32>} : memref<128x16xf32, #tpu.memory_space<vmem>>, vector<16xf32>,
      tpu.vector_store_idx %arg9[%add3A_1420, %broadcast_in_dim3A_3], %get3A_1423 : memref<2048x16xf32, #tpu.memory_space<vmem>>[vector<16xi32>, vector<16xi32>], vector<16xf32>,
      %get3A_1424 = arith.index_cast %add3A_1416 : i32 to index
      %get3A_1425 = arith.constant 0 : index
      %get3A_1426 = tpu.vector_load %arg6[%get3A_1424, %get3A_1425] {strides = array<i32>} : memref<128x16xf32, #tpu.memory_space<vmem>>, vector<16xf32>,
      tpu.vector_store_idx %arg9[%add3A_1420, %broadcast_in_dim3A_5], %get3A_1426 : memref<2048x16xf32, #tpu.memory_space<vmem>>[vector<16xi32>, vector<16xi32>], vector<16xf32>,
      %mul3A_1427 = arith.constant 4 : i32
      %mul3A_1428 = arith.muli %scan3A_1385, %mul3A_1427 : i32
      %add3A_1429 = arith.constant 3 : i32
      %add3A_1430 = arith.addi %mul3A_1428, %add3A_1429 : i32
      %mul3A_1431 = arith.constant 16 : i32
      %mul3A_1432 = arith.muli %add3A_1430, %mul3A_1431 : i32
      %broadcast_in_dim3A_1433 = vector.broadcast %mul3A_1432 : i32 to vector<16xi32>
      %add3A_1434 = arith.addi %broadcast_in_dim3A_1433, %iota3A : vector<16xi32>
      %get3A_1435 = arith.index_cast %add3A_1430 : i32 to index
      %get3A_1436 = arith.constant 0 : index
      %get3A_1437 = tpu.vector_load %arg5[%get3A_1435, %get3A_1436] {strides = array<i32>} : memref<128x16xf32, #tpu.memory_space<vmem>>, vector<16xf32>,
      tpu.vector_store_idx %arg9[%add3A_1434, %broadcast_in_dim3A_3], %get3A_1437 : memref<2048x16xf32, #tpu.memory_space<vmem>>[vector<16xi32>, vector<16xi32>], vector<16xf32>,
      %get3A_1438 = arith.index_cast %add3A_1430 : i32 to index
      %get3A_1439 = arith.constant 0 : index
      %get3A_1440 = tpu.vector_load %arg6[%get3A_1438, %get3A_1439] {strides = array<i32>} : memref<128x16xf32, #tpu.memory_space<vmem>>, vector<16xf32>,
      tpu.vector_store_idx %arg9[%add3A_1434, %broadcast_in_dim3A_5], %get3A_1440 : memref<2048x16xf32, #tpu.memory_space<vmem>>[vector<16xi32>, vector<16xi32>], vector<16xf32>,
    }
    %scan3A_626 = arith.constant 32 : i32
    %add3A_627 = arith.constant 12288 : i32
    %add3A_628 = arith.addi %mul3A_2, %add3A_627 : i32
    %dma_start3A_629 = arith.constant 0 : i32
    %dma_start3A_630 = tpu.memref_slice %arg4[%add3A_628, %dma_start3A_629] : memref<1048576x16xf32, #tpu.memory_space<hbm>> -> memref<2048x16xf32, #tpu.memory_space<hbm>>
    %dma_start3A_631 = arith.constant 0 : i32
    %dma_start3A_632 = tpu.memref_slice %arg4[%add3A_628, %dma_start3A_631] : memref<1048576x16xf32, #tpu.memory_space<hbm>> -> memref<2048x16xf32, #tpu.memory_space<hbm>>
    tpu.enqueue_dma source(%arg9 : memref<2048x16xf32, #tpu.memory_space<vmem>>) target(%dma_start3A_632 : memref<2048x16xf32, #tpu.memory_space<hbm>>) target_semaphore(%arg11 : memref<!tpu.dma_semaphore, #tpu.memory_space<semaphore_mem>>)
    %add3A_633 = arith.constant 10240 : i32
    %add3A_634 = arith.addi %mul3A_2, %add3A_633 : i32
    %dma_wait3A_635 = arith.constant 0 : i32
    %dma_wait3A_636 = tpu.memref_slice %arg4[%add3A_634, %dma_wait3A_635] : memref<1048576x16xf32, #tpu.memory_space<hbm>> -> memref<2048x16xf32, #tpu.memory_space<hbm>>
    %dma_wait3A_637 = arith.constant 0 : i32
    %dma_wait3A_638 = tpu.memref_slice %arg4[%add3A_634, %dma_wait3A_637] : memref<1048576x16xf32, #tpu.memory_space<hbm>> -> memref<2048x16xf32, #tpu.memory_space<hbm>>
    tpu.wait_dma2 semaphore(%arg12 : memref<!tpu.dma_semaphore, #tpu.memory_space<semaphore_mem>>) src(%arg10 : memref<2048x16xf32, #tpu.memory_space<vmem>>) dst(%dma_wait3A_638 : memref<2048x16xf32, #tpu.memory_space<hbm>>)
    %add3A_639 = arith.constant 14336 : i32
    %add3A_640 = arith.addi %mul3A_2, %add3A_639 : i32
    %jit3A_641 = arith.constant 16 : i32
    %div3A_642 = arith.divsi %add3A_640, %jit3A_641 : i32
    %sign3A_643 = arith.constant 0 : i32
    %sign3A_644 = arith.cmpi sgt, %add3A_640, %sign3A_643 : i32
    %sign3A_645 = arith.extui %sign3A_644 : i1 to i32
    %sign3A_646 = arith.constant 0 : i32
    %sign3A_647 = arith.cmpi slt, %add3A_640, %sign3A_646 : i32
    %sign3A_648 = arith.extui %sign3A_647 : i1 to i32
    %sign3A_649 = arith.subi %sign3A_645, %sign3A_648 : i32
    %sign3A_650 = arith.constant 0 : i32
    %sign3A_651 = arith.cmpi sgt, %jit3A_641, %sign3A_650 : i32
    %sign3A_652 = arith.extui %sign3A_651 : i1 to i32
    %sign3A_653 = arith.constant 0 : i32
    %sign3A_654 = arith.cmpi slt, %jit3A_641, %sign3A_653 : i32
    %sign3A_655 = arith.extui %sign3A_654 : i1 to i32
    %sign3A_656 = arith.subi %sign3A_652, %sign3A_655 : i32
    %ne3A_657 = arith.cmpi ne, %sign3A_649, %sign3A_656 : i32
    %rem3A_658 = arith.remsi %add3A_640, %jit3A_641 : i32
    %ne3A_659 = arith.constant 0 : i32
    %ne3A_660 = arith.cmpi ne, %rem3A_658, %ne3A_659 : i32
    %and3A_661 = arith.andi %ne3A_657, %ne3A_660 : i1
    %sub3A_662 = arith.constant 1 : i32
    %sub3A_663 = arith.subi %div3A_642, %sub3A_662 : i32
    %select_n3A_664 = arith.select %and3A_661, %sub3A_663, %div3A_642 : i32
    %dma_wait3A_665 = arith.constant 0 : i32
    %dma_wait3A_666 = tpu.memref_slice %arg2[%select_n3A_664, %dma_wait3A_665] : memref<65536x16xf32, #tpu.memory_space<hbm>> -> memref<128x16xf32, #tpu.memory_space<hbm>>
    %dma_wait3A_667 = arith.constant 0 : i32
    %dma_wait3A_668 = tpu.memref_slice %arg2[%select_n3A_664, %dma_wait3A_667] : memref<65536x16xf32, #tpu.memory_space<hbm>> -> memref<128x16xf32, #tpu.memory_space<hbm>>
    tpu.wait_dma2 semaphore(%arg14 : memref<!tpu.dma_semaphore, #tpu.memory_space<semaphore_mem>>) src(%dma_wait3A_668 : memref<128x16xf32, #tpu.memory_space<hbm>>) dst(%arg7 : memref<128x16xf32, #tpu.memory_space<vmem>>)
    %dma_wait3A_669 = arith.constant 0 : i32
    %dma_wait3A_670 = tpu.memref_slice %arg3[%select_n3A_664, %dma_wait3A_669] : memref<65536x16xf32, #tpu.memory_space<hbm>> -> memref<128x16xf32, #tpu.memory_space<hbm>>
    %dma_wait3A_671 = arith.constant 0 : i32
    %dma_wait3A_672 = tpu.memref_slice %arg3[%select_n3A_664, %dma_wait3A_671] : memref<65536x16xf32, #tpu.memory_space<hbm>> -> memref<128x16xf32, #tpu.memory_space<hbm>>
    tpu.wait_dma2 semaphore(%arg14 : memref<!tpu.dma_semaphore, #tpu.memory_space<semaphore_mem>>) src(%dma_wait3A_672 : memref<128x16xf32, #tpu.memory_space<hbm>>) dst(%arg8 : memref<128x16xf32, #tpu.memory_space<vmem>>)
    %add3A_673 = arith.constant 16384 : i32
    %add3A_674 = arith.addi %mul3A_2, %add3A_673 : i32
    %jit3A_675 = arith.constant 16 : i32
    %div3A_676 = arith.divsi %add3A_674, %jit3A_675 : i32
    %sign3A_677 = arith.constant 0 : i32
    %sign3A_678 = arith.cmpi sgt, %add3A_674, %sign3A_677 : i32
    %sign3A_679 = arith.extui %sign3A_678 : i1 to i32
    %sign3A_680 = arith.constant 0 : i32
    %sign3A_681 = arith.cmpi slt, %add3A_674, %sign3A_680 : i32
    %sign3A_682 = arith.extui %sign3A_681 : i1 to i32
    %sign3A_683 = arith.subi %sign3A_679, %sign3A_682 : i32
    %sign3A_684 = arith.constant 0 : i32
    %sign3A_685 = arith.cmpi sgt, %jit3A_675, %sign3A_684 : i32
    %sign3A_686 = arith.extui %sign3A_685 : i1 to i32
    %sign3A_687 = arith.constant 0 : i32
    %sign3A_688 = arith.cmpi slt, %jit3A_675, %sign3A_687 : i32
    %sign3A_689 = arith.extui %sign3A_688 : i1 to i32
    %sign3A_690 = arith.subi %sign3A_686, %sign3A_689 : i32
    %ne3A_691 = arith.cmpi ne, %sign3A_683, %sign3A_690 : i32
    %rem3A_692 = arith.remsi %add3A_674, %jit3A_675 : i32
    %ne3A_693 = arith.constant 0 : i32
    %ne3A_694 = arith.cmpi ne, %rem3A_692, %ne3A_693 : i32
    %and3A_695 = arith.andi %ne3A_691, %ne3A_694 : i1
    %sub3A_696 = arith.constant 1 : i32
    %sub3A_697 = arith.subi %div3A_676, %sub3A_696 : i32
    %select_n3A_698 = arith.select %and3A_695, %sub3A_697, %div3A_676 : i32
    %dma_start3A_699 = arith.constant 0 : i32
    %dma_start3A_700 = tpu.memref_slice %arg2[%select_n3A_698, %dma_start3A_699] : memref<65536x16xf32, #tpu.memory_space<hbm>> -> memref<128x16xf32, #tpu.memory_space<hbm>>
    %dma_start3A_701 = arith.constant 0 : i32
    %dma_start3A_702 = tpu.memref_slice %arg2[%select_n3A_698, %dma_start3A_701] : memref<65536x16xf32, #tpu.memory_space<hbm>> -> memref<128x16xf32, #tpu.memory_space<hbm>>
    tpu.enqueue_dma source(%dma_start3A_702 : memref<128x16xf32, #tpu.memory_space<hbm>>) target(%arg5 : memref<128x16xf32, #tpu.memory_space<vmem>>) target_semaphore(%arg13 : memref<!tpu.dma_semaphore, #tpu.memory_space<semaphore_mem>>)
    %dma_start3A_703 = arith.constant 0 : i32
    %dma_start3A_704 = tpu.memref_slice %arg3[%select_n3A_698, %dma_start3A_703] : memref<65536x16xf32, #tpu.memory_space<hbm>> -> memref<128x16xf32, #tpu.memory_space<hbm>>
    %dma_start3A_705 = arith.constant 0 : i32
    %dma_start3A_706 = tpu.memref_slice %arg3[%select_n3A_698, %dma_start3A_705] : memref<65536x16xf32, #tpu.memory_space<hbm>> -> memref<128x16xf32, #tpu.memory_space<hbm>>
    tpu.enqueue_dma source(%dma_start3A_706 : memref<128x16xf32, #tpu.memory_space<hbm>>) target(%arg6 : memref<128x16xf32, #tpu.memory_space<vmem>>) target_semaphore(%arg13 : memref<!tpu.dma_semaphore, #tpu.memory_space<semaphore_mem>>)
    %scan3A_707 = arith.constant 0 : i32
    %scan3A_708 = arith.constant 0 : i32
    %scan3A_709 = arith.constant 32 : i32
    %scan3A_710 = arith.addi %scan3A_708, %scan3A_709 : i32
    %scan3A_711 = arith.constant 1 : i32
    scf.for %scan3A_1385 = %scan3A_708 to %scan3A_710 step %scan3A_711  : i32 {
      %mul3A_1386 = arith.constant 4 : i32
      %mul3A_1387 = arith.muli %scan3A_1385, %mul3A_1386 : i32
      %add3A_1388 = arith.constant 0 : i32
      %add3A_1389 = arith.addi %mul3A_1387, %add3A_1388 : i32
      %mul3A_1390 = arith.constant 16 : i32
      %mul3A_1391 = arith.muli %add3A_1389, %mul3A_1390 : i32
      %broadcast_in_dim3A_1392 = vector.broadcast %mul3A_1391 : i32 to vector<16xi32>
      %add3A_1393 = arith.addi %broadcast_in_dim3A_1392, %iota3A : vector<16xi32>
      %get3A = arith.index_cast %add3A_1389 : i32 to index
      %get3A_1394 = arith.constant 0 : index
      %get3A_1395 = tpu.vector_load %arg7[%get3A, %get3A_1394] {strides = array<i32>} : memref<128x16xf32, #tpu.memory_space<vmem>>, vector<16xf32>,
      tpu.vector_store_idx %arg10[%add3A_1393, %broadcast_in_dim3A_3], %get3A_1395 : memref<2048x16xf32, #tpu.memory_space<vmem>>[vector<16xi32>, vector<16xi32>], vector<16xf32>,
      %get3A_1396 = arith.index_cast %add3A_1389 : i32 to index
      %get3A_1397 = arith.constant 0 : index
      %get3A_1398 = tpu.vector_load %arg8[%get3A_1396, %get3A_1397] {strides = array<i32>} : memref<128x16xf32, #tpu.memory_space<vmem>>, vector<16xf32>,
      tpu.vector_store_idx %arg10[%add3A_1393, %broadcast_in_dim3A_5], %get3A_1398 : memref<2048x16xf32, #tpu.memory_space<vmem>>[vector<16xi32>, vector<16xi32>], vector<16xf32>,
      %mul3A_1399 = arith.constant 4 : i32
      %mul3A_1400 = arith.muli %scan3A_1385, %mul3A_1399 : i32
      %add3A_1401 = arith.constant 1 : i32
      %add3A_1402 = arith.addi %mul3A_1400, %add3A_1401 : i32
      %mul3A_1403 = arith.constant 16 : i32
      %mul3A_1404 = arith.muli %add3A_1402, %mul3A_1403 : i32
      %broadcast_in_dim3A_1405 = vector.broadcast %mul3A_1404 : i32 to vector<16xi32>
      %add3A_1406 = arith.addi %broadcast_in_dim3A_1405, %iota3A : vector<16xi32>
      %get3A_1407 = arith.index_cast %add3A_1402 : i32 to index
      %get3A_1408 = arith.constant 0 : index
      %get3A_1409 = tpu.vector_load %arg7[%get3A_1407, %get3A_1408] {strides = array<i32>} : memref<128x16xf32, #tpu.memory_space<vmem>>, vector<16xf32>,
      tpu.vector_store_idx %arg10[%add3A_1406, %broadcast_in_dim3A_3], %get3A_1409 : memref<2048x16xf32, #tpu.memory_space<vmem>>[vector<16xi32>, vector<16xi32>], vector<16xf32>,
      %get3A_1410 = arith.index_cast %add3A_1402 : i32 to index
      %get3A_1411 = arith.constant 0 : index
      %get3A_1412 = tpu.vector_load %arg8[%get3A_1410, %get3A_1411] {strides = array<i32>} : memref<128x16xf32, #tpu.memory_space<vmem>>, vector<16xf32>,
      tpu.vector_store_idx %arg10[%add3A_1406, %broadcast_in_dim3A_5], %get3A_1412 : memref<2048x16xf32, #tpu.memory_space<vmem>>[vector<16xi32>, vector<16xi32>], vector<16xf32>,
      %mul3A_1413 = arith.constant 4 : i32
      %mul3A_1414 = arith.muli %scan3A_1385, %mul3A_1413 : i32
      %add3A_1415 = arith.constant 2 : i32
      %add3A_1416 = arith.addi %mul3A_1414, %add3A_1415 : i32
      %mul3A_1417 = arith.constant 16 : i32
      %mul3A_1418 = arith.muli %add3A_1416, %mul3A_1417 : i32
      %broadcast_in_dim3A_1419 = vector.broadcast %mul3A_1418 : i32 to vector<16xi32>
      %add3A_1420 = arith.addi %broadcast_in_dim3A_1419, %iota3A : vector<16xi32>
      %get3A_1421 = arith.index_cast %add3A_1416 : i32 to index
      %get3A_1422 = arith.constant 0 : index
      %get3A_1423 = tpu.vector_load %arg7[%get3A_1421, %get3A_1422] {strides = array<i32>} : memref<128x16xf32, #tpu.memory_space<vmem>>, vector<16xf32>,
      tpu.vector_store_idx %arg10[%add3A_1420, %broadcast_in_dim3A_3], %get3A_1423 : memref<2048x16xf32, #tpu.memory_space<vmem>>[vector<16xi32>, vector<16xi32>], vector<16xf32>,
      %get3A_1424 = arith.index_cast %add3A_1416 : i32 to index
      %get3A_1425 = arith.constant 0 : index
      %get3A_1426 = tpu.vector_load %arg8[%get3A_1424, %get3A_1425] {strides = array<i32>} : memref<128x16xf32, #tpu.memory_space<vmem>>, vector<16xf32>,
      tpu.vector_store_idx %arg10[%add3A_1420, %broadcast_in_dim3A_5], %get3A_1426 : memref<2048x16xf32, #tpu.memory_space<vmem>>[vector<16xi32>, vector<16xi32>], vector<16xf32>,
      %mul3A_1427 = arith.constant 4 : i32
      %mul3A_1428 = arith.muli %scan3A_1385, %mul3A_1427 : i32
      %add3A_1429 = arith.constant 3 : i32
      %add3A_1430 = arith.addi %mul3A_1428, %add3A_1429 : i32
      %mul3A_1431 = arith.constant 16 : i32
      %mul3A_1432 = arith.muli %add3A_1430, %mul3A_1431 : i32
      %broadcast_in_dim3A_1433 = vector.broadcast %mul3A_1432 : i32 to vector<16xi32>
      %add3A_1434 = arith.addi %broadcast_in_dim3A_1433, %iota3A : vector<16xi32>
      %get3A_1435 = arith.index_cast %add3A_1430 : i32 to index
      %get3A_1436 = arith.constant 0 : index
      %get3A_1437 = tpu.vector_load %arg7[%get3A_1435, %get3A_1436] {strides = array<i32>} : memref<128x16xf32, #tpu.memory_space<vmem>>, vector<16xf32>,
      tpu.vector_store_idx %arg10[%add3A_1434, %broadcast_in_dim3A_3], %get3A_1437 : memref<2048x16xf32, #tpu.memory_space<vmem>>[vector<16xi32>, vector<16xi32>], vector<16xf32>,
      %get3A_1438 = arith.index_cast %add3A_1430 : i32 to index
      %get3A_1439 = arith.constant 0 : index
      %get3A_1440 = tpu.vector_load %arg8[%get3A_1438, %get3A_1439] {strides = array<i32>} : memref<128x16xf32, #tpu.memory_space<vmem>>, vector<16xf32>,
      tpu.vector_store_idx %arg10[%add3A_1434, %broadcast_in_dim3A_5], %get3A_1440 : memref<2048x16xf32, #tpu.memory_space<vmem>>[vector<16xi32>, vector<16xi32>], vector<16xf32>,
    }
    %scan3A_712 = arith.constant 32 : i32
    %add3A_713 = arith.constant 14336 : i32
    %add3A_714 = arith.addi %mul3A_2, %add3A_713 : i32
    %dma_start3A_715 = arith.constant 0 : i32
    %dma_start3A_716 = tpu.memref_slice %arg4[%add3A_714, %dma_start3A_715] : memref<1048576x16xf32, #tpu.memory_space<hbm>> -> memref<2048x16xf32, #tpu.memory_space<hbm>>
    %dma_start3A_717 = arith.constant 0 : i32
    %dma_start3A_718 = tpu.memref_slice %arg4[%add3A_714, %dma_start3A_717] : memref<1048576x16xf32, #tpu.memory_space<hbm>> -> memref<2048x16xf32, #tpu.memory_space<hbm>>
    tpu.enqueue_dma source(%arg10 : memref<2048x16xf32, #tpu.memory_space<vmem>>) target(%dma_start3A_718 : memref<2048x16xf32, #tpu.memory_space<hbm>>) target_semaphore(%arg12 : memref<!tpu.dma_semaphore, #tpu.memory_space<semaphore_mem>>)
    %add3A_719 = arith.constant 12288 : i32
    %add3A_720 = arith.addi %mul3A_2, %add3A_719 : i32
    %dma_wait3A_721 = arith.constant 0 : i32
    %dma_wait3A_722 = tpu.memref_slice %arg4[%add3A_720, %dma_wait3A_721] : memref<1048576x16xf32, #tpu.memory_space<hbm>> -> memref<2048x16xf32, #tpu.memory_space<hbm>>
    %dma_wait3A_723 = arith.constant 0 : i32
    %dma_wait3A_724 = tpu.memref_slice %arg4[%add3A_720, %dma_wait3A_723] : memref<1048576x16xf32, #tpu.memory_space<hbm>> -> memref<2048x16xf32, #tpu.memory_space<hbm>>
    tpu.wait_dma2 semaphore(%arg11 : memref<!tpu.dma_semaphore, #tpu.memory_space<semaphore_mem>>) src(%arg9 : memref<2048x16xf32, #tpu.memory_space<vmem>>) dst(%dma_wait3A_724 : memref<2048x16xf32, #tpu.memory_space<hbm>>)
    %add3A_725 = arith.constant 16384 : i32
    %add3A_726 = arith.addi %mul3A_2, %add3A_725 : i32
    %jit3A_727 = arith.constant 16 : i32
    %div3A_728 = arith.divsi %add3A_726, %jit3A_727 : i32
    %sign3A_729 = arith.constant 0 : i32
    %sign3A_730 = arith.cmpi sgt, %add3A_726, %sign3A_729 : i32
    %sign3A_731 = arith.extui %sign3A_730 : i1 to i32
    %sign3A_732 = arith.constant 0 : i32
    %sign3A_733 = arith.cmpi slt, %add3A_726, %sign3A_732 : i32
    %sign3A_734 = arith.extui %sign3A_733 : i1 to i32
    %sign3A_735 = arith.subi %sign3A_731, %sign3A_734 : i32
    %sign3A_736 = arith.constant 0 : i32
    %sign3A_737 = arith.cmpi sgt, %jit3A_727, %sign3A_736 : i32
    %sign3A_738 = arith.extui %sign3A_737 : i1 to i32
    %sign3A_739 = arith.constant 0 : i32
    %sign3A_740 = arith.cmpi slt, %jit3A_727, %sign3A_739 : i32
    %sign3A_741 = arith.extui %sign3A_740 : i1 to i32
    %sign3A_742 = arith.subi %sign3A_738, %sign3A_741 : i32
    %ne3A_743 = arith.cmpi ne, %sign3A_735, %sign3A_742 : i32
    %rem3A_744 = arith.remsi %add3A_726, %jit3A_727 : i32
    %ne3A_745 = arith.constant 0 : i32
    %ne3A_746 = arith.cmpi ne, %rem3A_744, %ne3A_745 : i32
    %and3A_747 = arith.andi %ne3A_743, %ne3A_746 : i1
    %sub3A_748 = arith.constant 1 : i32
    %sub3A_749 = arith.subi %div3A_728, %sub3A_748 : i32
    %select_n3A_750 = arith.select %and3A_747, %sub3A_749, %div3A_728 : i32
    %dma_wait3A_751 = arith.constant 0 : i32
    %dma_wait3A_752 = tpu.memref_slice %arg2[%select_n3A_750, %dma_wait3A_751] : memref<65536x16xf32, #tpu.memory_space<hbm>> -> memref<128x16xf32, #tpu.memory_space<hbm>>
    %dma_wait3A_753 = arith.constant 0 : i32
    %dma_wait3A_754 = tpu.memref_slice %arg2[%select_n3A_750, %dma_wait3A_753] : memref<65536x16xf32, #tpu.memory_space<hbm>> -> memref<128x16xf32, #tpu.memory_space<hbm>>
    tpu.wait_dma2 semaphore(%arg13 : memref<!tpu.dma_semaphore, #tpu.memory_space<semaphore_mem>>) src(%dma_wait3A_754 : memref<128x16xf32, #tpu.memory_space<hbm>>) dst(%arg5 : memref<128x16xf32, #tpu.memory_space<vmem>>)
    %dma_wait3A_755 = arith.constant 0 : i32
    %dma_wait3A_756 = tpu.memref_slice %arg3[%select_n3A_750, %dma_wait3A_755] : memref<65536x16xf32, #tpu.memory_space<hbm>> -> memref<128x16xf32, #tpu.memory_space<hbm>>
    %dma_wait3A_757 = arith.constant 0 : i32
    %dma_wait3A_758 = tpu.memref_slice %arg3[%select_n3A_750, %dma_wait3A_757] : memref<65536x16xf32, #tpu.memory_space<hbm>> -> memref<128x16xf32, #tpu.memory_space<hbm>>
    tpu.wait_dma2 semaphore(%arg13 : memref<!tpu.dma_semaphore, #tpu.memory_space<semaphore_mem>>) src(%dma_wait3A_758 : memref<128x16xf32, #tpu.memory_space<hbm>>) dst(%arg6 : memref<128x16xf32, #tpu.memory_space<vmem>>)
    %add3A_759 = arith.constant 18432 : i32
    %add3A_760 = arith.addi %mul3A_2, %add3A_759 : i32
    %jit3A_761 = arith.constant 16 : i32
    %div3A_762 = arith.divsi %add3A_760, %jit3A_761 : i32
    %sign3A_763 = arith.constant 0 : i32
    %sign3A_764 = arith.cmpi sgt, %add3A_760, %sign3A_763 : i32
    %sign3A_765 = arith.extui %sign3A_764 : i1 to i32
    %sign3A_766 = arith.constant 0 : i32
    %sign3A_767 = arith.cmpi slt, %add3A_760, %sign3A_766 : i32
    %sign3A_768 = arith.extui %sign3A_767 : i1 to i32
    %sign3A_769 = arith.subi %sign3A_765, %sign3A_768 : i32
    %sign3A_770 = arith.constant 0 : i32
    %sign3A_771 = arith.cmpi sgt, %jit3A_761, %sign3A_770 : i32
    %sign3A_772 = arith.extui %sign3A_771 : i1 to i32
    %sign3A_773 = arith.constant 0 : i32
    %sign3A_774 = arith.cmpi slt, %jit3A_761, %sign3A_773 : i32
    %sign3A_775 = arith.extui %sign3A_774 : i1 to i32
    %sign3A_776 = arith.subi %sign3A_772, %sign3A_775 : i32
    %ne3A_777 = arith.cmpi ne, %sign3A_769, %sign3A_776 : i32
    %rem3A_778 = arith.remsi %add3A_760, %jit3A_761 : i32
    %ne3A_779 = arith.constant 0 : i32
    %ne3A_780 = arith.cmpi ne, %rem3A_778, %ne3A_779 : i32
    %and3A_781 = arith.andi %ne3A_777, %ne3A_780 : i1
    %sub3A_782 = arith.constant 1 : i32
    %sub3A_783 = arith.subi %div3A_762, %sub3A_782 : i32
    %select_n3A_784 = arith.select %and3A_781, %sub3A_783, %div3A_762 : i32
    %dma_start3A_785 = arith.constant 0 : i32
    %dma_start3A_786 = tpu.memref_slice %arg2[%select_n3A_784, %dma_start3A_785] : memref<65536x16xf32, #tpu.memory_space<hbm>> -> memref<128x16xf32, #tpu.memory_space<hbm>>
    %dma_start3A_787 = arith.constant 0 : i32
    %dma_start3A_788 = tpu.memref_slice %arg2[%select_n3A_784, %dma_start3A_787] : memref<65536x16xf32, #tpu.memory_space<hbm>> -> memref<128x16xf32, #tpu.memory_space<hbm>>
    tpu.enqueue_dma source(%dma_start3A_788 : memref<128x16xf32, #tpu.memory_space<hbm>>) target(%arg7 : memref<128x16xf32, #tpu.memory_space<vmem>>) target_semaphore(%arg14 : memref<!tpu.dma_semaphore, #tpu.memory_space<semaphore_mem>>)
    %dma_start3A_789 = arith.constant 0 : i32
    %dma_start3A_790 = tpu.memref_slice %arg3[%select_n3A_784, %dma_start3A_789] : memref<65536x16xf32, #tpu.memory_space<hbm>> -> memref<128x16xf32, #tpu.memory_space<hbm>>
    %dma_start3A_791 = arith.constant 0 : i32
    %dma_start3A_792 = tpu.memref_slice %arg3[%select_n3A_784, %dma_start3A_791] : memref<65536x16xf32, #tpu.memory_space<hbm>> -> memref<128x16xf32, #tpu.memory_space<hbm>>
    tpu.enqueue_dma source(%dma_start3A_792 : memref<128x16xf32, #tpu.memory_space<hbm>>) target(%arg8 : memref<128x16xf32, #tpu.memory_space<vmem>>) target_semaphore(%arg14 : memref<!tpu.dma_semaphore, #tpu.memory_space<semaphore_mem>>)
    %scan3A_793 = arith.constant 0 : i32
    %scan3A_794 = arith.constant 0 : i32
    %scan3A_795 = arith.constant 32 : i32
    %scan3A_796 = arith.addi %scan3A_794, %scan3A_795 : i32
    %scan3A_797 = arith.constant 1 : i32
    scf.for %scan3A_1385 = %scan3A_794 to %scan3A_796 step %scan3A_797  : i32 {
      %mul3A_1386 = arith.constant 4 : i32
      %mul3A_1387 = arith.muli %scan3A_1385, %mul3A_1386 : i32
      %add3A_1388 = arith.constant 0 : i32
      %add3A_1389 = arith.addi %mul3A_1387, %add3A_1388 : i32
      %mul3A_1390 = arith.constant 16 : i32
      %mul3A_1391 = arith.muli %add3A_1389, %mul3A_1390 : i32
      %broadcast_in_dim3A_1392 = vector.broadcast %mul3A_1391 : i32 to vector<16xi32>
      %add3A_1393 = arith.addi %broadcast_in_dim3A_1392, %iota3A : vector<16xi32>
      %get3A = arith.index_cast %add3A_1389 : i32 to index
      %get3A_1394 = arith.constant 0 : index
      %get3A_1395 = tpu.vector_load %arg5[%get3A, %get3A_1394] {strides = array<i32>} : memref<128x16xf32, #tpu.memory_space<vmem>>, vector<16xf32>,
      tpu.vector_store_idx %arg9[%add3A_1393, %broadcast_in_dim3A_3], %get3A_1395 : memref<2048x16xf32, #tpu.memory_space<vmem>>[vector<16xi32>, vector<16xi32>], vector<16xf32>,
      %get3A_1396 = arith.index_cast %add3A_1389 : i32 to index
      %get3A_1397 = arith.constant 0 : index
      %get3A_1398 = tpu.vector_load %arg6[%get3A_1396, %get3A_1397] {strides = array<i32>} : memref<128x16xf32, #tpu.memory_space<vmem>>, vector<16xf32>,
      tpu.vector_store_idx %arg9[%add3A_1393, %broadcast_in_dim3A_5], %get3A_1398 : memref<2048x16xf32, #tpu.memory_space<vmem>>[vector<16xi32>, vector<16xi32>], vector<16xf32>,
      %mul3A_1399 = arith.constant 4 : i32
      %mul3A_1400 = arith.muli %scan3A_1385, %mul3A_1399 : i32
      %add3A_1401 = arith.constant 1 : i32
      %add3A_1402 = arith.addi %mul3A_1400, %add3A_1401 : i32
      %mul3A_1403 = arith.constant 16 : i32
      %mul3A_1404 = arith.muli %add3A_1402, %mul3A_1403 : i32
      %broadcast_in_dim3A_1405 = vector.broadcast %mul3A_1404 : i32 to vector<16xi32>
      %add3A_1406 = arith.addi %broadcast_in_dim3A_1405, %iota3A : vector<16xi32>
      %get3A_1407 = arith.index_cast %add3A_1402 : i32 to index
      %get3A_1408 = arith.constant 0 : index
      %get3A_1409 = tpu.vector_load %arg5[%get3A_1407, %get3A_1408] {strides = array<i32>} : memref<128x16xf32, #tpu.memory_space<vmem>>, vector<16xf32>,
      tpu.vector_store_idx %arg9[%add3A_1406, %broadcast_in_dim3A_3], %get3A_1409 : memref<2048x16xf32, #tpu.memory_space<vmem>>[vector<16xi32>, vector<16xi32>], vector<16xf32>,
      %get3A_1410 = arith.index_cast %add3A_1402 : i32 to index
      %get3A_1411 = arith.constant 0 : index
      %get3A_1412 = tpu.vector_load %arg6[%get3A_1410, %get3A_1411] {strides = array<i32>} : memref<128x16xf32, #tpu.memory_space<vmem>>, vector<16xf32>,
      tpu.vector_store_idx %arg9[%add3A_1406, %broadcast_in_dim3A_5], %get3A_1412 : memref<2048x16xf32, #tpu.memory_space<vmem>>[vector<16xi32>, vector<16xi32>], vector<16xf32>,
      %mul3A_1413 = arith.constant 4 : i32
      %mul3A_1414 = arith.muli %scan3A_1385, %mul3A_1413 : i32
      %add3A_1415 = arith.constant 2 : i32
      %add3A_1416 = arith.addi %mul3A_1414, %add3A_1415 : i32
      %mul3A_1417 = arith.constant 16 : i32
      %mul3A_1418 = arith.muli %add3A_1416, %mul3A_1417 : i32
      %broadcast_in_dim3A_1419 = vector.broadcast %mul3A_1418 : i32 to vector<16xi32>
      %add3A_1420 = arith.addi %broadcast_in_dim3A_1419, %iota3A : vector<16xi32>
      %get3A_1421 = arith.index_cast %add3A_1416 : i32 to index
      %get3A_1422 = arith.constant 0 : index
      %get3A_1423 = tpu.vector_load %arg5[%get3A_1421, %get3A_1422] {strides = array<i32>} : memref<128x16xf32, #tpu.memory_space<vmem>>, vector<16xf32>,
      tpu.vector_store_idx %arg9[%add3A_1420, %broadcast_in_dim3A_3], %get3A_1423 : memref<2048x16xf32, #tpu.memory_space<vmem>>[vector<16xi32>, vector<16xi32>], vector<16xf32>,
      %get3A_1424 = arith.index_cast %add3A_1416 : i32 to index
      %get3A_1425 = arith.constant 0 : index
      %get3A_1426 = tpu.vector_load %arg6[%get3A_1424, %get3A_1425] {strides = array<i32>} : memref<128x16xf32, #tpu.memory_space<vmem>>, vector<16xf32>,
      tpu.vector_store_idx %arg9[%add3A_1420, %broadcast_in_dim3A_5], %get3A_1426 : memref<2048x16xf32, #tpu.memory_space<vmem>>[vector<16xi32>, vector<16xi32>], vector<16xf32>,
      %mul3A_1427 = arith.constant 4 : i32
      %mul3A_1428 = arith.muli %scan3A_1385, %mul3A_1427 : i32
      %add3A_1429 = arith.constant 3 : i32
      %add3A_1430 = arith.addi %mul3A_1428, %add3A_1429 : i32
      %mul3A_1431 = arith.constant 16 : i32
      %mul3A_1432 = arith.muli %add3A_1430, %mul3A_1431 : i32
      %broadcast_in_dim3A_1433 = vector.broadcast %mul3A_1432 : i32 to vector<16xi32>
      %add3A_1434 = arith.addi %broadcast_in_dim3A_1433, %iota3A : vector<16xi32>
      %get3A_1435 = arith.index_cast %add3A_1430 : i32 to index
      %get3A_1436 = arith.constant 0 : index
      %get3A_1437 = tpu.vector_load %arg5[%get3A_1435, %get3A_1436] {strides = array<i32>} : memref<128x16xf32, #tpu.memory_space<vmem>>, vector<16xf32>,
      tpu.vector_store_idx %arg9[%add3A_1434, %broadcast_in_dim3A_3], %get3A_1437 : memref<2048x16xf32, #tpu.memory_space<vmem>>[vector<16xi32>, vector<16xi32>], vector<16xf32>,
      %get3A_1438 = arith.index_cast %add3A_1430 : i32 to index
      %get3A_1439 = arith.constant 0 : index
      %get3A_1440 = tpu.vector_load %arg6[%get3A_1438, %get3A_1439] {strides = array<i32>} : memref<128x16xf32, #tpu.memory_space<vmem>>, vector<16xf32>,
      tpu.vector_store_idx %arg9[%add3A_1434, %broadcast_in_dim3A_5], %get3A_1440 : memref<2048x16xf32, #tpu.memory_space<vmem>>[vector<16xi32>, vector<16xi32>], vector<16xf32>,
    }
    %scan3A_798 = arith.constant 32 : i32
    %add3A_799 = arith.constant 16384 : i32
    %add3A_800 = arith.addi %mul3A_2, %add3A_799 : i32
    %dma_start3A_801 = arith.constant 0 : i32
    %dma_start3A_802 = tpu.memref_slice %arg4[%add3A_800, %dma_start3A_801] : memref<1048576x16xf32, #tpu.memory_space<hbm>> -> memref<2048x16xf32, #tpu.memory_space<hbm>>
    %dma_start3A_803 = arith.constant 0 : i32
    %dma_start3A_804 = tpu.memref_slice %arg4[%add3A_800, %dma_start3A_803] : memref<1048576x16xf32, #tpu.memory_space<hbm>> -> memref<2048x16xf32, #tpu.memory_space<hbm>>
    tpu.enqueue_dma source(%arg9 : memref<2048x16xf32, #tpu.memory_space<vmem>>) target(%dma_start3A_804 : memref<2048x16xf32, #tpu.memory_space<hbm>>) target_semaphore(%arg11 : memref<!tpu.dma_semaphore, #tpu.memory_space<semaphore_mem>>)
    %add3A_805 = arith.constant 14336 : i32
    %add3A_806 = arith.addi %mul3A_2, %add3A_805 : i32
    %dma_wait3A_807 = arith.constant 0 : i32
    %dma_wait3A_808 = tpu.memref_slice %arg4[%add3A_806, %dma_wait3A_807] : memref<1048576x16xf32, #tpu.memory_space<hbm>> -> memref<2048x16xf32, #tpu.memory_space<hbm>>
    %dma_wait3A_809 = arith.constant 0 : i32
    %dma_wait3A_810 = tpu.memref_slice %arg4[%add3A_806, %dma_wait3A_809] : memref<1048576x16xf32, #tpu.memory_space<hbm>> -> memref<2048x16xf32, #tpu.memory_space<hbm>>
    tpu.wait_dma2 semaphore(%arg12 : memref<!tpu.dma_semaphore, #tpu.memory_space<semaphore_mem>>) src(%arg10 : memref<2048x16xf32, #tpu.memory_space<vmem>>) dst(%dma_wait3A_810 : memref<2048x16xf32, #tpu.memory_space<hbm>>)
    %add3A_811 = arith.constant 18432 : i32
    %add3A_812 = arith.addi %mul3A_2, %add3A_811 : i32
    %jit3A_813 = arith.constant 16 : i32
    %div3A_814 = arith.divsi %add3A_812, %jit3A_813 : i32
    %sign3A_815 = arith.constant 0 : i32
    %sign3A_816 = arith.cmpi sgt, %add3A_812, %sign3A_815 : i32
    %sign3A_817 = arith.extui %sign3A_816 : i1 to i32
    %sign3A_818 = arith.constant 0 : i32
    %sign3A_819 = arith.cmpi slt, %add3A_812, %sign3A_818 : i32
    %sign3A_820 = arith.extui %sign3A_819 : i1 to i32
    %sign3A_821 = arith.subi %sign3A_817, %sign3A_820 : i32
    %sign3A_822 = arith.constant 0 : i32
    %sign3A_823 = arith.cmpi sgt, %jit3A_813, %sign3A_822 : i32
    %sign3A_824 = arith.extui %sign3A_823 : i1 to i32
    %sign3A_825 = arith.constant 0 : i32
    %sign3A_826 = arith.cmpi slt, %jit3A_813, %sign3A_825 : i32
    %sign3A_827 = arith.extui %sign3A_826 : i1 to i32
    %sign3A_828 = arith.subi %sign3A_824, %sign3A_827 : i32
    %ne3A_829 = arith.cmpi ne, %sign3A_821, %sign3A_828 : i32
    %rem3A_830 = arith.remsi %add3A_812, %jit3A_813 : i32
    %ne3A_831 = arith.constant 0 : i32
    %ne3A_832 = arith.cmpi ne, %rem3A_830, %ne3A_831 : i32
    %and3A_833 = arith.andi %ne3A_829, %ne3A_832 : i1
    %sub3A_834 = arith.constant 1 : i32
    %sub3A_835 = arith.subi %div3A_814, %sub3A_834 : i32
    %select_n3A_836 = arith.select %and3A_833, %sub3A_835, %div3A_814 : i32
    %dma_wait3A_837 = arith.constant 0 : i32
    %dma_wait3A_838 = tpu.memref_slice %arg2[%select_n3A_836, %dma_wait3A_837] : memref<65536x16xf32, #tpu.memory_space<hbm>> -> memref<128x16xf32, #tpu.memory_space<hbm>>
    %dma_wait3A_839 = arith.constant 0 : i32
    %dma_wait3A_840 = tpu.memref_slice %arg2[%select_n3A_836, %dma_wait3A_839] : memref<65536x16xf32, #tpu.memory_space<hbm>> -> memref<128x16xf32, #tpu.memory_space<hbm>>
    tpu.wait_dma2 semaphore(%arg14 : memref<!tpu.dma_semaphore, #tpu.memory_space<semaphore_mem>>) src(%dma_wait3A_840 : memref<128x16xf32, #tpu.memory_space<hbm>>) dst(%arg7 : memref<128x16xf32, #tpu.memory_space<vmem>>)
    %dma_wait3A_841 = arith.constant 0 : i32
    %dma_wait3A_842 = tpu.memref_slice %arg3[%select_n3A_836, %dma_wait3A_841] : memref<65536x16xf32, #tpu.memory_space<hbm>> -> memref<128x16xf32, #tpu.memory_space<hbm>>
    %dma_wait3A_843 = arith.constant 0 : i32
    %dma_wait3A_844 = tpu.memref_slice %arg3[%select_n3A_836, %dma_wait3A_843] : memref<65536x16xf32, #tpu.memory_space<hbm>> -> memref<128x16xf32, #tpu.memory_space<hbm>>
    tpu.wait_dma2 semaphore(%arg14 : memref<!tpu.dma_semaphore, #tpu.memory_space<semaphore_mem>>) src(%dma_wait3A_844 : memref<128x16xf32, #tpu.memory_space<hbm>>) dst(%arg8 : memref<128x16xf32, #tpu.memory_space<vmem>>)
    %add3A_845 = arith.constant 20480 : i32
    %add3A_846 = arith.addi %mul3A_2, %add3A_845 : i32
    %jit3A_847 = arith.constant 16 : i32
    %div3A_848 = arith.divsi %add3A_846, %jit3A_847 : i32
    %sign3A_849 = arith.constant 0 : i32
    %sign3A_850 = arith.cmpi sgt, %add3A_846, %sign3A_849 : i32
    %sign3A_851 = arith.extui %sign3A_850 : i1 to i32
    %sign3A_852 = arith.constant 0 : i32
    %sign3A_853 = arith.cmpi slt, %add3A_846, %sign3A_852 : i32
    %sign3A_854 = arith.extui %sign3A_853 : i1 to i32
    %sign3A_855 = arith.subi %sign3A_851, %sign3A_854 : i32
    %sign3A_856 = arith.constant 0 : i32
    %sign3A_857 = arith.cmpi sgt, %jit3A_847, %sign3A_856 : i32
    %sign3A_858 = arith.extui %sign3A_857 : i1 to i32
    %sign3A_859 = arith.constant 0 : i32
    %sign3A_860 = arith.cmpi slt, %jit3A_847, %sign3A_859 : i32
    %sign3A_861 = arith.extui %sign3A_860 : i1 to i32
    %sign3A_862 = arith.subi %sign3A_858, %sign3A_861 : i32
    %ne3A_863 = arith.cmpi ne, %sign3A_855, %sign3A_862 : i32
    %rem3A_864 = arith.remsi %add3A_846, %jit3A_847 : i32
    %ne3A_865 = arith.constant 0 : i32
    %ne3A_866 = arith.cmpi ne, %rem3A_864, %ne3A_865 : i32
    %and3A_867 = arith.andi %ne3A_863, %ne3A_866 : i1
    %sub3A_868 = arith.constant 1 : i32
    %sub3A_869 = arith.subi %div3A_848, %sub3A_868 : i32
    %select_n3A_870 = arith.select %and3A_867, %sub3A_869, %div3A_848 : i32
    %dma_start3A_871 = arith.constant 0 : i32
    %dma_start3A_872 = tpu.memref_slice %arg2[%select_n3A_870, %dma_start3A_871] : memref<65536x16xf32, #tpu.memory_space<hbm>> -> memref<128x16xf32, #tpu.memory_space<hbm>>
    %dma_start3A_873 = arith.constant 0 : i32
    %dma_start3A_874 = tpu.memref_slice %arg2[%select_n3A_870, %dma_start3A_873] : memref<65536x16xf32, #tpu.memory_space<hbm>> -> memref<128x16xf32, #tpu.memory_space<hbm>>
    tpu.enqueue_dma source(%dma_start3A_874 : memref<128x16xf32, #tpu.memory_space<hbm>>) target(%arg5 : memref<128x16xf32, #tpu.memory_space<vmem>>) target_semaphore(%arg13 : memref<!tpu.dma_semaphore, #tpu.memory_space<semaphore_mem>>)
    %dma_start3A_875 = arith.constant 0 : i32
    %dma_start3A_876 = tpu.memref_slice %arg3[%select_n3A_870, %dma_start3A_875] : memref<65536x16xf32, #tpu.memory_space<hbm>> -> memref<128x16xf32, #tpu.memory_space<hbm>>
    %dma_start3A_877 = arith.constant 0 : i32
    %dma_start3A_878 = tpu.memref_slice %arg3[%select_n3A_870, %dma_start3A_877] : memref<65536x16xf32, #tpu.memory_space<hbm>> -> memref<128x16xf32, #tpu.memory_space<hbm>>
    tpu.enqueue_dma source(%dma_start3A_878 : memref<128x16xf32, #tpu.memory_space<hbm>>) target(%arg6 : memref<128x16xf32, #tpu.memory_space<vmem>>) target_semaphore(%arg13 : memref<!tpu.dma_semaphore, #tpu.memory_space<semaphore_mem>>)
    %scan3A_879 = arith.constant 0 : i32
    %scan3A_880 = arith.constant 0 : i32
    %scan3A_881 = arith.constant 32 : i32
    %scan3A_882 = arith.addi %scan3A_880, %scan3A_881 : i32
    %scan3A_883 = arith.constant 1 : i32
    scf.for %scan3A_1385 = %scan3A_880 to %scan3A_882 step %scan3A_883  : i32 {
      %mul3A_1386 = arith.constant 4 : i32
      %mul3A_1387 = arith.muli %scan3A_1385, %mul3A_1386 : i32
      %add3A_1388 = arith.constant 0 : i32
      %add3A_1389 = arith.addi %mul3A_1387, %add3A_1388 : i32
      %mul3A_1390 = arith.constant 16 : i32
      %mul3A_1391 = arith.muli %add3A_1389, %mul3A_1390 : i32
      %broadcast_in_dim3A_1392 = vector.broadcast %mul3A_1391 : i32 to vector<16xi32>
      %add3A_1393 = arith.addi %broadcast_in_dim3A_1392, %iota3A : vector<16xi32>
      %get3A = arith.index_cast %add3A_1389 : i32 to index
      %get3A_1394 = arith.constant 0 : index
      %get3A_1395 = tpu.vector_load %arg7[%get3A, %get3A_1394] {strides = array<i32>} : memref<128x16xf32, #tpu.memory_space<vmem>>, vector<16xf32>,
      tpu.vector_store_idx %arg10[%add3A_1393, %broadcast_in_dim3A_3], %get3A_1395 : memref<2048x16xf32, #tpu.memory_space<vmem>>[vector<16xi32>, vector<16xi32>], vector<16xf32>,
      %get3A_1396 = arith.index_cast %add3A_1389 : i32 to index
      %get3A_1397 = arith.constant 0 : index
      %get3A_1398 = tpu.vector_load %arg8[%get3A_1396, %get3A_1397] {strides = array<i32>} : memref<128x16xf32, #tpu.memory_space<vmem>>, vector<16xf32>,
      tpu.vector_store_idx %arg10[%add3A_1393, %broadcast_in_dim3A_5], %get3A_1398 : memref<2048x16xf32, #tpu.memory_space<vmem>>[vector<16xi32>, vector<16xi32>], vector<16xf32>,
      %mul3A_1399 = arith.constant 4 : i32
      %mul3A_1400 = arith.muli %scan3A_1385, %mul3A_1399 : i32
      %add3A_1401 = arith.constant 1 : i32
      %add3A_1402 = arith.addi %mul3A_1400, %add3A_1401 : i32
      %mul3A_1403 = arith.constant 16 : i32
      %mul3A_1404 = arith.muli %add3A_1402, %mul3A_1403 : i32
      %broadcast_in_dim3A_1405 = vector.broadcast %mul3A_1404 : i32 to vector<16xi32>
      %add3A_1406 = arith.addi %broadcast_in_dim3A_1405, %iota3A : vector<16xi32>
      %get3A_1407 = arith.index_cast %add3A_1402 : i32 to index
      %get3A_1408 = arith.constant 0 : index
      %get3A_1409 = tpu.vector_load %arg7[%get3A_1407, %get3A_1408] {strides = array<i32>} : memref<128x16xf32, #tpu.memory_space<vmem>>, vector<16xf32>,
      tpu.vector_store_idx %arg10[%add3A_1406, %broadcast_in_dim3A_3], %get3A_1409 : memref<2048x16xf32, #tpu.memory_space<vmem>>[vector<16xi32>, vector<16xi32>], vector<16xf32>,
      %get3A_1410 = arith.index_cast %add3A_1402 : i32 to index
      %get3A_1411 = arith.constant 0 : index
      %get3A_1412 = tpu.vector_load %arg8[%get3A_1410, %get3A_1411] {strides = array<i32>} : memref<128x16xf32, #tpu.memory_space<vmem>>, vector<16xf32>,
      tpu.vector_store_idx %arg10[%add3A_1406, %broadcast_in_dim3A_5], %get3A_1412 : memref<2048x16xf32, #tpu.memory_space<vmem>>[vector<16xi32>, vector<16xi32>], vector<16xf32>,
      %mul3A_1413 = arith.constant 4 : i32
      %mul3A_1414 = arith.muli %scan3A_1385, %mul3A_1413 : i32
      %add3A_1415 = arith.constant 2 : i32
      %add3A_1416 = arith.addi %mul3A_1414, %add3A_1415 : i32
      %mul3A_1417 = arith.constant 16 : i32
      %mul3A_1418 = arith.muli %add3A_1416, %mul3A_1417 : i32
      %broadcast_in_dim3A_1419 = vector.broadcast %mul3A_1418 : i32 to vector<16xi32>
      %add3A_1420 = arith.addi %broadcast_in_dim3A_1419, %iota3A : vector<16xi32>
      %get3A_1421 = arith.index_cast %add3A_1416 : i32 to index
      %get3A_1422 = arith.constant 0 : index
      %get3A_1423 = tpu.vector_load %arg7[%get3A_1421, %get3A_1422] {strides = array<i32>} : memref<128x16xf32, #tpu.memory_space<vmem>>, vector<16xf32>,
      tpu.vector_store_idx %arg10[%add3A_1420, %broadcast_in_dim3A_3], %get3A_1423 : memref<2048x16xf32, #tpu.memory_space<vmem>>[vector<16xi32>, vector<16xi32>], vector<16xf32>,
      %get3A_1424 = arith.index_cast %add3A_1416 : i32 to index
      %get3A_1425 = arith.constant 0 : index
      %get3A_1426 = tpu.vector_load %arg8[%get3A_1424, %get3A_1425] {strides = array<i32>} : memref<128x16xf32, #tpu.memory_space<vmem>>, vector<16xf32>,
      tpu.vector_store_idx %arg10[%add3A_1420, %broadcast_in_dim3A_5], %get3A_1426 : memref<2048x16xf32, #tpu.memory_space<vmem>>[vector<16xi32>, vector<16xi32>], vector<16xf32>,
      %mul3A_1427 = arith.constant 4 : i32
      %mul3A_1428 = arith.muli %scan3A_1385, %mul3A_1427 : i32
      %add3A_1429 = arith.constant 3 : i32
      %add3A_1430 = arith.addi %mul3A_1428, %add3A_1429 : i32
      %mul3A_1431 = arith.constant 16 : i32
      %mul3A_1432 = arith.muli %add3A_1430, %mul3A_1431 : i32
      %broadcast_in_dim3A_1433 = vector.broadcast %mul3A_1432 : i32 to vector<16xi32>
      %add3A_1434 = arith.addi %broadcast_in_dim3A_1433, %iota3A : vector<16xi32>
      %get3A_1435 = arith.index_cast %add3A_1430 : i32 to index
      %get3A_1436 = arith.constant 0 : index
      %get3A_1437 = tpu.vector_load %arg7[%get3A_1435, %get3A_1436] {strides = array<i32>} : memref<128x16xf32, #tpu.memory_space<vmem>>, vector<16xf32>,
      tpu.vector_store_idx %arg10[%add3A_1434, %broadcast_in_dim3A_3], %get3A_1437 : memref<2048x16xf32, #tpu.memory_space<vmem>>[vector<16xi32>, vector<16xi32>], vector<16xf32>,
      %get3A_1438 = arith.index_cast %add3A_1430 : i32 to index
      %get3A_1439 = arith.constant 0 : index
      %get3A_1440 = tpu.vector_load %arg8[%get3A_1438, %get3A_1439] {strides = array<i32>} : memref<128x16xf32, #tpu.memory_space<vmem>>, vector<16xf32>,
      tpu.vector_store_idx %arg10[%add3A_1434, %broadcast_in_dim3A_5], %get3A_1440 : memref<2048x16xf32, #tpu.memory_space<vmem>>[vector<16xi32>, vector<16xi32>], vector<16xf32>,
    }
    %scan3A_884 = arith.constant 32 : i32
    %add3A_885 = arith.constant 18432 : i32
    %add3A_886 = arith.addi %mul3A_2, %add3A_885 : i32
    %dma_start3A_887 = arith.constant 0 : i32
    %dma_start3A_888 = tpu.memref_slice %arg4[%add3A_886, %dma_start3A_887] : memref<1048576x16xf32, #tpu.memory_space<hbm>> -> memref<2048x16xf32, #tpu.memory_space<hbm>>
    %dma_start3A_889 = arith.constant 0 : i32
    %dma_start3A_890 = tpu.memref_slice %arg4[%add3A_886, %dma_start3A_889] : memref<1048576x16xf32, #tpu.memory_space<hbm>> -> memref<2048x16xf32, #tpu.memory_space<hbm>>
    tpu.enqueue_dma source(%arg10 : memref<2048x16xf32, #tpu.memory_space<vmem>>) target(%dma_start3A_890 : memref<2048x16xf32, #tpu.memory_space<hbm>>) target_semaphore(%arg12 : memref<!tpu.dma_semaphore, #tpu.memory_space<semaphore_mem>>)
    %add3A_891 = arith.constant 16384 : i32
    %add3A_892 = arith.addi %mul3A_2, %add3A_891 : i32
    %dma_wait3A_893 = arith.constant 0 : i32
    %dma_wait3A_894 = tpu.memref_slice %arg4[%add3A_892, %dma_wait3A_893] : memref<1048576x16xf32, #tpu.memory_space<hbm>> -> memref<2048x16xf32, #tpu.memory_space<hbm>>
    %dma_wait3A_895 = arith.constant 0 : i32
    %dma_wait3A_896 = tpu.memref_slice %arg4[%add3A_892, %dma_wait3A_895] : memref<1048576x16xf32, #tpu.memory_space<hbm>> -> memref<2048x16xf32, #tpu.memory_space<hbm>>
    tpu.wait_dma2 semaphore(%arg11 : memref<!tpu.dma_semaphore, #tpu.memory_space<semaphore_mem>>) src(%arg9 : memref<2048x16xf32, #tpu.memory_space<vmem>>) dst(%dma_wait3A_896 : memref<2048x16xf32, #tpu.memory_space<hbm>>)
    %add3A_897 = arith.constant 20480 : i32
    %add3A_898 = arith.addi %mul3A_2, %add3A_897 : i32
    %jit3A_899 = arith.constant 16 : i32
    %div3A_900 = arith.divsi %add3A_898, %jit3A_899 : i32
    %sign3A_901 = arith.constant 0 : i32
    %sign3A_902 = arith.cmpi sgt, %add3A_898, %sign3A_901 : i32
    %sign3A_903 = arith.extui %sign3A_902 : i1 to i32
    %sign3A_904 = arith.constant 0 : i32
    %sign3A_905 = arith.cmpi slt, %add3A_898, %sign3A_904 : i32
    %sign3A_906 = arith.extui %sign3A_905 : i1 to i32
    %sign3A_907 = arith.subi %sign3A_903, %sign3A_906 : i32
    %sign3A_908 = arith.constant 0 : i32
    %sign3A_909 = arith.cmpi sgt, %jit3A_899, %sign3A_908 : i32
    %sign3A_910 = arith.extui %sign3A_909 : i1 to i32
    %sign3A_911 = arith.constant 0 : i32
    %sign3A_912 = arith.cmpi slt, %jit3A_899, %sign3A_911 : i32
    %sign3A_913 = arith.extui %sign3A_912 : i1 to i32
    %sign3A_914 = arith.subi %sign3A_910, %sign3A_913 : i32
    %ne3A_915 = arith.cmpi ne, %sign3A_907, %sign3A_914 : i32
    %rem3A_916 = arith.remsi %add3A_898, %jit3A_899 : i32
    %ne3A_917 = arith.constant 0 : i32
    %ne3A_918 = arith.cmpi ne, %rem3A_916, %ne3A_917 : i32
    %and3A_919 = arith.andi %ne3A_915, %ne3A_918 : i1
    %sub3A_920 = arith.constant 1 : i32
    %sub3A_921 = arith.subi %div3A_900, %sub3A_920 : i32
    %select_n3A_922 = arith.select %and3A_919, %sub3A_921, %div3A_900 : i32
    %dma_wait3A_923 = arith.constant 0 : i32
    %dma_wait3A_924 = tpu.memref_slice %arg2[%select_n3A_922, %dma_wait3A_923] : memref<65536x16xf32, #tpu.memory_space<hbm>> -> memref<128x16xf32, #tpu.memory_space<hbm>>
    %dma_wait3A_925 = arith.constant 0 : i32
    %dma_wait3A_926 = tpu.memref_slice %arg2[%select_n3A_922, %dma_wait3A_925] : memref<65536x16xf32, #tpu.memory_space<hbm>> -> memref<128x16xf32, #tpu.memory_space<hbm>>
    tpu.wait_dma2 semaphore(%arg13 : memref<!tpu.dma_semaphore, #tpu.memory_space<semaphore_mem>>) src(%dma_wait3A_926 : memref<128x16xf32, #tpu.memory_space<hbm>>) dst(%arg5 : memref<128x16xf32, #tpu.memory_space<vmem>>)
    %dma_wait3A_927 = arith.constant 0 : i32
    %dma_wait3A_928 = tpu.memref_slice %arg3[%select_n3A_922, %dma_wait3A_927] : memref<65536x16xf32, #tpu.memory_space<hbm>> -> memref<128x16xf32, #tpu.memory_space<hbm>>
    %dma_wait3A_929 = arith.constant 0 : i32
    %dma_wait3A_930 = tpu.memref_slice %arg3[%select_n3A_922, %dma_wait3A_929] : memref<65536x16xf32, #tpu.memory_space<hbm>> -> memref<128x16xf32, #tpu.memory_space<hbm>>
    tpu.wait_dma2 semaphore(%arg13 : memref<!tpu.dma_semaphore, #tpu.memory_space<semaphore_mem>>) src(%dma_wait3A_930 : memref<128x16xf32, #tpu.memory_space<hbm>>) dst(%arg6 : memref<128x16xf32, #tpu.memory_space<vmem>>)
    %add3A_931 = arith.constant 22528 : i32
    %add3A_932 = arith.addi %mul3A_2, %add3A_931 : i32
    %jit3A_933 = arith.constant 16 : i32
    %div3A_934 = arith.divsi %add3A_932, %jit3A_933 : i32
    %sign3A_935 = arith.constant 0 : i32
    %sign3A_936 = arith.cmpi sgt, %add3A_932, %sign3A_935 : i32
    %sign3A_937 = arith.extui %sign3A_936 : i1 to i32
    %sign3A_938 = arith.constant 0 : i32
    %sign3A_939 = arith.cmpi slt, %add3A_932, %sign3A_938 : i32
    %sign3A_940 = arith.extui %sign3A_939 : i1 to i32
    %sign3A_941 = arith.subi %sign3A_937, %sign3A_940 : i32
    %sign3A_942 = arith.constant 0 : i32
    %sign3A_943 = arith.cmpi sgt, %jit3A_933, %sign3A_942 : i32
    %sign3A_944 = arith.extui %sign3A_943 : i1 to i32
    %sign3A_945 = arith.constant 0 : i32
    %sign3A_946 = arith.cmpi slt, %jit3A_933, %sign3A_945 : i32
    %sign3A_947 = arith.extui %sign3A_946 : i1 to i32
    %sign3A_948 = arith.subi %sign3A_944, %sign3A_947 : i32
    %ne3A_949 = arith.cmpi ne, %sign3A_941, %sign3A_948 : i32
    %rem3A_950 = arith.remsi %add3A_932, %jit3A_933 : i32
    %ne3A_951 = arith.constant 0 : i32
    %ne3A_952 = arith.cmpi ne, %rem3A_950, %ne3A_951 : i32
    %and3A_953 = arith.andi %ne3A_949, %ne3A_952 : i1
    %sub3A_954 = arith.constant 1 : i32
    %sub3A_955 = arith.subi %div3A_934, %sub3A_954 : i32
    %select_n3A_956 = arith.select %and3A_953, %sub3A_955, %div3A_934 : i32
    %dma_start3A_957 = arith.constant 0 : i32
    %dma_start3A_958 = tpu.memref_slice %arg2[%select_n3A_956, %dma_start3A_957] : memref<65536x16xf32, #tpu.memory_space<hbm>> -> memref<128x16xf32, #tpu.memory_space<hbm>>
    %dma_start3A_959 = arith.constant 0 : i32
    %dma_start3A_960 = tpu.memref_slice %arg2[%select_n3A_956, %dma_start3A_959] : memref<65536x16xf32, #tpu.memory_space<hbm>> -> memref<128x16xf32, #tpu.memory_space<hbm>>
    tpu.enqueue_dma source(%dma_start3A_960 : memref<128x16xf32, #tpu.memory_space<hbm>>) target(%arg7 : memref<128x16xf32, #tpu.memory_space<vmem>>) target_semaphore(%arg14 : memref<!tpu.dma_semaphore, #tpu.memory_space<semaphore_mem>>)
    %dma_start3A_961 = arith.constant 0 : i32
    %dma_start3A_962 = tpu.memref_slice %arg3[%select_n3A_956, %dma_start3A_961] : memref<65536x16xf32, #tpu.memory_space<hbm>> -> memref<128x16xf32, #tpu.memory_space<hbm>>
    %dma_start3A_963 = arith.constant 0 : i32
    %dma_start3A_964 = tpu.memref_slice %arg3[%select_n3A_956, %dma_start3A_963] : memref<65536x16xf32, #tpu.memory_space<hbm>> -> memref<128x16xf32, #tpu.memory_space<hbm>>
    tpu.enqueue_dma source(%dma_start3A_964 : memref<128x16xf32, #tpu.memory_space<hbm>>) target(%arg8 : memref<128x16xf32, #tpu.memory_space<vmem>>) target_semaphore(%arg14 : memref<!tpu.dma_semaphore, #tpu.memory_space<semaphore_mem>>)
    %scan3A_965 = arith.constant 0 : i32
    %scan3A_966 = arith.constant 0 : i32
    %scan3A_967 = arith.constant 32 : i32
    %scan3A_968 = arith.addi %scan3A_966, %scan3A_967 : i32
    %scan3A_969 = arith.constant 1 : i32
    scf.for %scan3A_1385 = %scan3A_966 to %scan3A_968 step %scan3A_969  : i32 {
      %mul3A_1386 = arith.constant 4 : i32
      %mul3A_1387 = arith.muli %scan3A_1385, %mul3A_1386 : i32
      %add3A_1388 = arith.constant 0 : i32
      %add3A_1389 = arith.addi %mul3A_1387, %add3A_1388 : i32
      %mul3A_1390 = arith.constant 16 : i32
      %mul3A_1391 = arith.muli %add3A_1389, %mul3A_1390 : i32
      %broadcast_in_dim3A_1392 = vector.broadcast %mul3A_1391 : i32 to vector<16xi32>
      %add3A_1393 = arith.addi %broadcast_in_dim3A_1392, %iota3A : vector<16xi32>
      %get3A = arith.index_cast %add3A_1389 : i32 to index
      %get3A_1394 = arith.constant 0 : index
      %get3A_1395 = tpu.vector_load %arg5[%get3A, %get3A_1394] {strides = array<i32>} : memref<128x16xf32, #tpu.memory_space<vmem>>, vector<16xf32>,
      tpu.vector_store_idx %arg9[%add3A_1393, %broadcast_in_dim3A_3], %get3A_1395 : memref<2048x16xf32, #tpu.memory_space<vmem>>[vector<16xi32>, vector<16xi32>], vector<16xf32>,
      %get3A_1396 = arith.index_cast %add3A_1389 : i32 to index
      %get3A_1397 = arith.constant 0 : index
      %get3A_1398 = tpu.vector_load %arg6[%get3A_1396, %get3A_1397] {strides = array<i32>} : memref<128x16xf32, #tpu.memory_space<vmem>>, vector<16xf32>,
      tpu.vector_store_idx %arg9[%add3A_1393, %broadcast_in_dim3A_5], %get3A_1398 : memref<2048x16xf32, #tpu.memory_space<vmem>>[vector<16xi32>, vector<16xi32>], vector<16xf32>,
      %mul3A_1399 = arith.constant 4 : i32
      %mul3A_1400 = arith.muli %scan3A_1385, %mul3A_1399 : i32
      %add3A_1401 = arith.constant 1 : i32
      %add3A_1402 = arith.addi %mul3A_1400, %add3A_1401 : i32
      %mul3A_1403 = arith.constant 16 : i32
      %mul3A_1404 = arith.muli %add3A_1402, %mul3A_1403 : i32
      %broadcast_in_dim3A_1405 = vector.broadcast %mul3A_1404 : i32 to vector<16xi32>
      %add3A_1406 = arith.addi %broadcast_in_dim3A_1405, %iota3A : vector<16xi32>
      %get3A_1407 = arith.index_cast %add3A_1402 : i32 to index
      %get3A_1408 = arith.constant 0 : index
      %get3A_1409 = tpu.vector_load %arg5[%get3A_1407, %get3A_1408] {strides = array<i32>} : memref<128x16xf32, #tpu.memory_space<vmem>>, vector<16xf32>,
      tpu.vector_store_idx %arg9[%add3A_1406, %broadcast_in_dim3A_3], %get3A_1409 : memref<2048x16xf32, #tpu.memory_space<vmem>>[vector<16xi32>, vector<16xi32>], vector<16xf32>,
      %get3A_1410 = arith.index_cast %add3A_1402 : i32 to index
      %get3A_1411 = arith.constant 0 : index
      %get3A_1412 = tpu.vector_load %arg6[%get3A_1410, %get3A_1411] {strides = array<i32>} : memref<128x16xf32, #tpu.memory_space<vmem>>, vector<16xf32>,
      tpu.vector_store_idx %arg9[%add3A_1406, %broadcast_in_dim3A_5], %get3A_1412 : memref<2048x16xf32, #tpu.memory_space<vmem>>[vector<16xi32>, vector<16xi32>], vector<16xf32>,
      %mul3A_1413 = arith.constant 4 : i32
      %mul3A_1414 = arith.muli %scan3A_1385, %mul3A_1413 : i32
      %add3A_1415 = arith.constant 2 : i32
      %add3A_1416 = arith.addi %mul3A_1414, %add3A_1415 : i32
      %mul3A_1417 = arith.constant 16 : i32
      %mul3A_1418 = arith.muli %add3A_1416, %mul3A_1417 : i32
      %broadcast_in_dim3A_1419 = vector.broadcast %mul3A_1418 : i32 to vector<16xi32>
      %add3A_1420 = arith.addi %broadcast_in_dim3A_1419, %iota3A : vector<16xi32>
      %get3A_1421 = arith.index_cast %add3A_1416 : i32 to index
      %get3A_1422 = arith.constant 0 : index
      %get3A_1423 = tpu.vector_load %arg5[%get3A_1421, %get3A_1422] {strides = array<i32>} : memref<128x16xf32, #tpu.memory_space<vmem>>, vector<16xf32>,
      tpu.vector_store_idx %arg9[%add3A_1420, %broadcast_in_dim3A_3], %get3A_1423 : memref<2048x16xf32, #tpu.memory_space<vmem>>[vector<16xi32>, vector<16xi32>], vector<16xf32>,
      %get3A_1424 = arith.index_cast %add3A_1416 : i32 to index
      %get3A_1425 = arith.constant 0 : index
      %get3A_1426 = tpu.vector_load %arg6[%get3A_1424, %get3A_1425] {strides = array<i32>} : memref<128x16xf32, #tpu.memory_space<vmem>>, vector<16xf32>,
      tpu.vector_store_idx %arg9[%add3A_1420, %broadcast_in_dim3A_5], %get3A_1426 : memref<2048x16xf32, #tpu.memory_space<vmem>>[vector<16xi32>, vector<16xi32>], vector<16xf32>,
      %mul3A_1427 = arith.constant 4 : i32
      %mul3A_1428 = arith.muli %scan3A_1385, %mul3A_1427 : i32
      %add3A_1429 = arith.constant 3 : i32
      %add3A_1430 = arith.addi %mul3A_1428, %add3A_1429 : i32
      %mul3A_1431 = arith.constant 16 : i32
      %mul3A_1432 = arith.muli %add3A_1430, %mul3A_1431 : i32
      %broadcast_in_dim3A_1433 = vector.broadcast %mul3A_1432 : i32 to vector<16xi32>
      %add3A_1434 = arith.addi %broadcast_in_dim3A_1433, %iota3A : vector<16xi32>
      %get3A_1435 = arith.index_cast %add3A_1430 : i32 to index
      %get3A_1436 = arith.constant 0 : index
      %get3A_1437 = tpu.vector_load %arg5[%get3A_1435, %get3A_1436] {strides = array<i32>} : memref<128x16xf32, #tpu.memory_space<vmem>>, vector<16xf32>,
      tpu.vector_store_idx %arg9[%add3A_1434, %broadcast_in_dim3A_3], %get3A_1437 : memref<2048x16xf32, #tpu.memory_space<vmem>>[vector<16xi32>, vector<16xi32>], vector<16xf32>,
      %get3A_1438 = arith.index_cast %add3A_1430 : i32 to index
      %get3A_1439 = arith.constant 0 : index
      %get3A_1440 = tpu.vector_load %arg6[%get3A_1438, %get3A_1439] {strides = array<i32>} : memref<128x16xf32, #tpu.memory_space<vmem>>, vector<16xf32>,
      tpu.vector_store_idx %arg9[%add3A_1434, %broadcast_in_dim3A_5], %get3A_1440 : memref<2048x16xf32, #tpu.memory_space<vmem>>[vector<16xi32>, vector<16xi32>], vector<16xf32>,
    }
    %scan3A_970 = arith.constant 32 : i32
    %add3A_971 = arith.constant 20480 : i32
    %add3A_972 = arith.addi %mul3A_2, %add3A_971 : i32
    %dma_start3A_973 = arith.constant 0 : i32
    %dma_start3A_974 = tpu.memref_slice %arg4[%add3A_972, %dma_start3A_973] : memref<1048576x16xf32, #tpu.memory_space<hbm>> -> memref<2048x16xf32, #tpu.memory_space<hbm>>
    %dma_start3A_975 = arith.constant 0 : i32
    %dma_start3A_976 = tpu.memref_slice %arg4[%add3A_972, %dma_start3A_975] : memref<1048576x16xf32, #tpu.memory_space<hbm>> -> memref<2048x16xf32, #tpu.memory_space<hbm>>
    tpu.enqueue_dma source(%arg9 : memref<2048x16xf32, #tpu.memory_space<vmem>>) target(%dma_start3A_976 : memref<2048x16xf32, #tpu.memory_space<hbm>>) target_semaphore(%arg11 : memref<!tpu.dma_semaphore, #tpu.memory_space<semaphore_mem>>)
    %add3A_977 = arith.constant 18432 : i32
    %add3A_978 = arith.addi %mul3A_2, %add3A_977 : i32
    %dma_wait3A_979 = arith.constant 0 : i32
    %dma_wait3A_980 = tpu.memref_slice %arg4[%add3A_978, %dma_wait3A_979] : memref<1048576x16xf32, #tpu.memory_space<hbm>> -> memref<2048x16xf32, #tpu.memory_space<hbm>>
    %dma_wait3A_981 = arith.constant 0 : i32
    %dma_wait3A_982 = tpu.memref_slice %arg4[%add3A_978, %dma_wait3A_981] : memref<1048576x16xf32, #tpu.memory_space<hbm>> -> memref<2048x16xf32, #tpu.memory_space<hbm>>
    tpu.wait_dma2 semaphore(%arg12 : memref<!tpu.dma_semaphore, #tpu.memory_space<semaphore_mem>>) src(%arg10 : memref<2048x16xf32, #tpu.memory_space<vmem>>) dst(%dma_wait3A_982 : memref<2048x16xf32, #tpu.memory_space<hbm>>)
    %add3A_983 = arith.constant 22528 : i32
    %add3A_984 = arith.addi %mul3A_2, %add3A_983 : i32
    %jit3A_985 = arith.constant 16 : i32
    %div3A_986 = arith.divsi %add3A_984, %jit3A_985 : i32
    %sign3A_987 = arith.constant 0 : i32
    %sign3A_988 = arith.cmpi sgt, %add3A_984, %sign3A_987 : i32
    %sign3A_989 = arith.extui %sign3A_988 : i1 to i32
    %sign3A_990 = arith.constant 0 : i32
    %sign3A_991 = arith.cmpi slt, %add3A_984, %sign3A_990 : i32
    %sign3A_992 = arith.extui %sign3A_991 : i1 to i32
    %sign3A_993 = arith.subi %sign3A_989, %sign3A_992 : i32
    %sign3A_994 = arith.constant 0 : i32
    %sign3A_995 = arith.cmpi sgt, %jit3A_985, %sign3A_994 : i32
    %sign3A_996 = arith.extui %sign3A_995 : i1 to i32
    %sign3A_997 = arith.constant 0 : i32
    %sign3A_998 = arith.cmpi slt, %jit3A_985, %sign3A_997 : i32
    %sign3A_999 = arith.extui %sign3A_998 : i1 to i32
    %sign3A_1000 = arith.subi %sign3A_996, %sign3A_999 : i32
    %ne3A_1001 = arith.cmpi ne, %sign3A_993, %sign3A_1000 : i32
    %rem3A_1002 = arith.remsi %add3A_984, %jit3A_985 : i32
    %ne3A_1003 = arith.constant 0 : i32
    %ne3A_1004 = arith.cmpi ne, %rem3A_1002, %ne3A_1003 : i32
    %and3A_1005 = arith.andi %ne3A_1001, %ne3A_1004 : i1
    %sub3A_1006 = arith.constant 1 : i32
    %sub3A_1007 = arith.subi %div3A_986, %sub3A_1006 : i32
    %select_n3A_1008 = arith.select %and3A_1005, %sub3A_1007, %div3A_986 : i32
    %dma_wait3A_1009 = arith.constant 0 : i32
    %dma_wait3A_1010 = tpu.memref_slice %arg2[%select_n3A_1008, %dma_wait3A_1009] : memref<65536x16xf32, #tpu.memory_space<hbm>> -> memref<128x16xf32, #tpu.memory_space<hbm>>
    %dma_wait3A_1011 = arith.constant 0 : i32
    %dma_wait3A_1012 = tpu.memref_slice %arg2[%select_n3A_1008, %dma_wait3A_1011] : memref<65536x16xf32, #tpu.memory_space<hbm>> -> memref<128x16xf32, #tpu.memory_space<hbm>>
    tpu.wait_dma2 semaphore(%arg14 : memref<!tpu.dma_semaphore, #tpu.memory_space<semaphore_mem>>) src(%dma_wait3A_1012 : memref<128x16xf32, #tpu.memory_space<hbm>>) dst(%arg7 : memref<128x16xf32, #tpu.memory_space<vmem>>)
    %dma_wait3A_1013 = arith.constant 0 : i32
    %dma_wait3A_1014 = tpu.memref_slice %arg3[%select_n3A_1008, %dma_wait3A_1013] : memref<65536x16xf32, #tpu.memory_space<hbm>> -> memref<128x16xf32, #tpu.memory_space<hbm>>
    %dma_wait3A_1015 = arith.constant 0 : i32
    %dma_wait3A_1016 = tpu.memref_slice %arg3[%select_n3A_1008, %dma_wait3A_1015] : memref<65536x16xf32, #tpu.memory_space<hbm>> -> memref<128x16xf32, #tpu.memory_space<hbm>>
    tpu.wait_dma2 semaphore(%arg14 : memref<!tpu.dma_semaphore, #tpu.memory_space<semaphore_mem>>) src(%dma_wait3A_1016 : memref<128x16xf32, #tpu.memory_space<hbm>>) dst(%arg8 : memref<128x16xf32, #tpu.memory_space<vmem>>)
    %add3A_1017 = arith.constant 24576 : i32
    %add3A_1018 = arith.addi %mul3A_2, %add3A_1017 : i32
    %jit3A_1019 = arith.constant 16 : i32
    %div3A_1020 = arith.divsi %add3A_1018, %jit3A_1019 : i32
    %sign3A_1021 = arith.constant 0 : i32
    %sign3A_1022 = arith.cmpi sgt, %add3A_1018, %sign3A_1021 : i32
    %sign3A_1023 = arith.extui %sign3A_1022 : i1 to i32
    %sign3A_1024 = arith.constant 0 : i32
    %sign3A_1025 = arith.cmpi slt, %add3A_1018, %sign3A_1024 : i32
    %sign3A_1026 = arith.extui %sign3A_1025 : i1 to i32
    %sign3A_1027 = arith.subi %sign3A_1023, %sign3A_1026 : i32
    %sign3A_1028 = arith.constant 0 : i32
    %sign3A_1029 = arith.cmpi sgt, %jit3A_1019, %sign3A_1028 : i32
    %sign3A_1030 = arith.extui %sign3A_1029 : i1 to i32
    %sign3A_1031 = arith.constant 0 : i32
    %sign3A_1032 = arith.cmpi slt, %jit3A_1019, %sign3A_1031 : i32
    %sign3A_1033 = arith.extui %sign3A_1032 : i1 to i32
    %sign3A_1034 = arith.subi %sign3A_1030, %sign3A_1033 : i32
    %ne3A_1035 = arith.cmpi ne, %sign3A_1027, %sign3A_1034 : i32
    %rem3A_1036 = arith.remsi %add3A_1018, %jit3A_1019 : i32
    %ne3A_1037 = arith.constant 0 : i32
    %ne3A_1038 = arith.cmpi ne, %rem3A_1036, %ne3A_1037 : i32
    %and3A_1039 = arith.andi %ne3A_1035, %ne3A_1038 : i1
    %sub3A_1040 = arith.constant 1 : i32
    %sub3A_1041 = arith.subi %div3A_1020, %sub3A_1040 : i32
    %select_n3A_1042 = arith.select %and3A_1039, %sub3A_1041, %div3A_1020 : i32
    %dma_start3A_1043 = arith.constant 0 : i32
    %dma_start3A_1044 = tpu.memref_slice %arg2[%select_n3A_1042, %dma_start3A_1043] : memref<65536x16xf32, #tpu.memory_space<hbm>> -> memref<128x16xf32, #tpu.memory_space<hbm>>
    %dma_start3A_1045 = arith.constant 0 : i32
    %dma_start3A_1046 = tpu.memref_slice %arg2[%select_n3A_1042, %dma_start3A_1045] : memref<65536x16xf32, #tpu.memory_space<hbm>> -> memref<128x16xf32, #tpu.memory_space<hbm>>
    tpu.enqueue_dma source(%dma_start3A_1046 : memref<128x16xf32, #tpu.memory_space<hbm>>) target(%arg5 : memref<128x16xf32, #tpu.memory_space<vmem>>) target_semaphore(%arg13 : memref<!tpu.dma_semaphore, #tpu.memory_space<semaphore_mem>>)
    %dma_start3A_1047 = arith.constant 0 : i32
    %dma_start3A_1048 = tpu.memref_slice %arg3[%select_n3A_1042, %dma_start3A_1047] : memref<65536x16xf32, #tpu.memory_space<hbm>> -> memref<128x16xf32, #tpu.memory_space<hbm>>
    %dma_start3A_1049 = arith.constant 0 : i32
    %dma_start3A_1050 = tpu.memref_slice %arg3[%select_n3A_1042, %dma_start3A_1049] : memref<65536x16xf32, #tpu.memory_space<hbm>> -> memref<128x16xf32, #tpu.memory_space<hbm>>
    tpu.enqueue_dma source(%dma_start3A_1050 : memref<128x16xf32, #tpu.memory_space<hbm>>) target(%arg6 : memref<128x16xf32, #tpu.memory_space<vmem>>) target_semaphore(%arg13 : memref<!tpu.dma_semaphore, #tpu.memory_space<semaphore_mem>>)
    %scan3A_1051 = arith.constant 0 : i32
    %scan3A_1052 = arith.constant 0 : i32
    %scan3A_1053 = arith.constant 32 : i32
    %scan3A_1054 = arith.addi %scan3A_1052, %scan3A_1053 : i32
    %scan3A_1055 = arith.constant 1 : i32
    scf.for %scan3A_1385 = %scan3A_1052 to %scan3A_1054 step %scan3A_1055  : i32 {
      %mul3A_1386 = arith.constant 4 : i32
      %mul3A_1387 = arith.muli %scan3A_1385, %mul3A_1386 : i32
      %add3A_1388 = arith.constant 0 : i32
      %add3A_1389 = arith.addi %mul3A_1387, %add3A_1388 : i32
      %mul3A_1390 = arith.constant 16 : i32
      %mul3A_1391 = arith.muli %add3A_1389, %mul3A_1390 : i32
      %broadcast_in_dim3A_1392 = vector.broadcast %mul3A_1391 : i32 to vector<16xi32>
      %add3A_1393 = arith.addi %broadcast_in_dim3A_1392, %iota3A : vector<16xi32>
      %get3A = arith.index_cast %add3A_1389 : i32 to index
      %get3A_1394 = arith.constant 0 : index
      %get3A_1395 = tpu.vector_load %arg7[%get3A, %get3A_1394] {strides = array<i32>} : memref<128x16xf32, #tpu.memory_space<vmem>>, vector<16xf32>,
      tpu.vector_store_idx %arg10[%add3A_1393, %broadcast_in_dim3A_3], %get3A_1395 : memref<2048x16xf32, #tpu.memory_space<vmem>>[vector<16xi32>, vector<16xi32>], vector<16xf32>,
      %get3A_1396 = arith.index_cast %add3A_1389 : i32 to index
      %get3A_1397 = arith.constant 0 : index
      %get3A_1398 = tpu.vector_load %arg8[%get3A_1396, %get3A_1397] {strides = array<i32>} : memref<128x16xf32, #tpu.memory_space<vmem>>, vector<16xf32>,
      tpu.vector_store_idx %arg10[%add3A_1393, %broadcast_in_dim3A_5], %get3A_1398 : memref<2048x16xf32, #tpu.memory_space<vmem>>[vector<16xi32>, vector<16xi32>], vector<16xf32>,
      %mul3A_1399 = arith.constant 4 : i32
      %mul3A_1400 = arith.muli %scan3A_1385, %mul3A_1399 : i32
      %add3A_1401 = arith.constant 1 : i32
      %add3A_1402 = arith.addi %mul3A_1400, %add3A_1401 : i32
      %mul3A_1403 = arith.constant 16 : i32
      %mul3A_1404 = arith.muli %add3A_1402, %mul3A_1403 : i32
      %broadcast_in_dim3A_1405 = vector.broadcast %mul3A_1404 : i32 to vector<16xi32>
      %add3A_1406 = arith.addi %broadcast_in_dim3A_1405, %iota3A : vector<16xi32>
      %get3A_1407 = arith.index_cast %add3A_1402 : i32 to index
      %get3A_1408 = arith.constant 0 : index
      %get3A_1409 = tpu.vector_load %arg7[%get3A_1407, %get3A_1408] {strides = array<i32>} : memref<128x16xf32, #tpu.memory_space<vmem>>, vector<16xf32>,
      tpu.vector_store_idx %arg10[%add3A_1406, %broadcast_in_dim3A_3], %get3A_1409 : memref<2048x16xf32, #tpu.memory_space<vmem>>[vector<16xi32>, vector<16xi32>], vector<16xf32>,
      %get3A_1410 = arith.index_cast %add3A_1402 : i32 to index
      %get3A_1411 = arith.constant 0 : index
      %get3A_1412 = tpu.vector_load %arg8[%get3A_1410, %get3A_1411] {strides = array<i32>} : memref<128x16xf32, #tpu.memory_space<vmem>>, vector<16xf32>,
      tpu.vector_store_idx %arg10[%add3A_1406, %broadcast_in_dim3A_5], %get3A_1412 : memref<2048x16xf32, #tpu.memory_space<vmem>>[vector<16xi32>, vector<16xi32>], vector<16xf32>,
      %mul3A_1413 = arith.constant 4 : i32
      %mul3A_1414 = arith.muli %scan3A_1385, %mul3A_1413 : i32
      %add3A_1415 = arith.constant 2 : i32
      %add3A_1416 = arith.addi %mul3A_1414, %add3A_1415 : i32
      %mul3A_1417 = arith.constant 16 : i32
      %mul3A_1418 = arith.muli %add3A_1416, %mul3A_1417 : i32
      %broadcast_in_dim3A_1419 = vector.broadcast %mul3A_1418 : i32 to vector<16xi32>
      %add3A_1420 = arith.addi %broadcast_in_dim3A_1419, %iota3A : vector<16xi32>
      %get3A_1421 = arith.index_cast %add3A_1416 : i32 to index
      %get3A_1422 = arith.constant 0 : index
      %get3A_1423 = tpu.vector_load %arg7[%get3A_1421, %get3A_1422] {strides = array<i32>} : memref<128x16xf32, #tpu.memory_space<vmem>>, vector<16xf32>,
      tpu.vector_store_idx %arg10[%add3A_1420, %broadcast_in_dim3A_3], %get3A_1423 : memref<2048x16xf32, #tpu.memory_space<vmem>>[vector<16xi32>, vector<16xi32>], vector<16xf32>,
      %get3A_1424 = arith.index_cast %add3A_1416 : i32 to index
      %get3A_1425 = arith.constant 0 : index
      %get3A_1426 = tpu.vector_load %arg8[%get3A_1424, %get3A_1425] {strides = array<i32>} : memref<128x16xf32, #tpu.memory_space<vmem>>, vector<16xf32>,
      tpu.vector_store_idx %arg10[%add3A_1420, %broadcast_in_dim3A_5], %get3A_1426 : memref<2048x16xf32, #tpu.memory_space<vmem>>[vector<16xi32>, vector<16xi32>], vector<16xf32>,
      %mul3A_1427 = arith.constant 4 : i32
      %mul3A_1428 = arith.muli %scan3A_1385, %mul3A_1427 : i32
      %add3A_1429 = arith.constant 3 : i32
      %add3A_1430 = arith.addi %mul3A_1428, %add3A_1429 : i32
      %mul3A_1431 = arith.constant 16 : i32
      %mul3A_1432 = arith.muli %add3A_1430, %mul3A_1431 : i32
      %broadcast_in_dim3A_1433 = vector.broadcast %mul3A_1432 : i32 to vector<16xi32>
      %add3A_1434 = arith.addi %broadcast_in_dim3A_1433, %iota3A : vector<16xi32>
      %get3A_1435 = arith.index_cast %add3A_1430 : i32 to index
      %get3A_1436 = arith.constant 0 : index
      %get3A_1437 = tpu.vector_load %arg7[%get3A_1435, %get3A_1436] {strides = array<i32>} : memref<128x16xf32, #tpu.memory_space<vmem>>, vector<16xf32>,
      tpu.vector_store_idx %arg10[%add3A_1434, %broadcast_in_dim3A_3], %get3A_1437 : memref<2048x16xf32, #tpu.memory_space<vmem>>[vector<16xi32>, vector<16xi32>], vector<16xf32>,
      %get3A_1438 = arith.index_cast %add3A_1430 : i32 to index
      %get3A_1439 = arith.constant 0 : index
      %get3A_1440 = tpu.vector_load %arg8[%get3A_1438, %get3A_1439] {strides = array<i32>} : memref<128x16xf32, #tpu.memory_space<vmem>>, vector<16xf32>,
      tpu.vector_store_idx %arg10[%add3A_1434, %broadcast_in_dim3A_5], %get3A_1440 : memref<2048x16xf32, #tpu.memory_space<vmem>>[vector<16xi32>, vector<16xi32>], vector<16xf32>,
    }
    %scan3A_1056 = arith.constant 32 : i32
    %add3A_1057 = arith.constant 22528 : i32
    %add3A_1058 = arith.addi %mul3A_2, %add3A_1057 : i32
    %dma_start3A_1059 = arith.constant 0 : i32
    %dma_start3A_1060 = tpu.memref_slice %arg4[%add3A_1058, %dma_start3A_1059] : memref<1048576x16xf32, #tpu.memory_space<hbm>> -> memref<2048x16xf32, #tpu.memory_space<hbm>>
    %dma_start3A_1061 = arith.constant 0 : i32
    %dma_start3A_1062 = tpu.memref_slice %arg4[%add3A_1058, %dma_start3A_1061] : memref<1048576x16xf32, #tpu.memory_space<hbm>> -> memref<2048x16xf32, #tpu.memory_space<hbm>>
    tpu.enqueue_dma source(%arg10 : memref<2048x16xf32, #tpu.memory_space<vmem>>) target(%dma_start3A_1062 : memref<2048x16xf32, #tpu.memory_space<hbm>>) target_semaphore(%arg12 : memref<!tpu.dma_semaphore, #tpu.memory_space<semaphore_mem>>)
    %add3A_1063 = arith.constant 20480 : i32
    %add3A_1064 = arith.addi %mul3A_2, %add3A_1063 : i32
    %dma_wait3A_1065 = arith.constant 0 : i32
    %dma_wait3A_1066 = tpu.memref_slice %arg4[%add3A_1064, %dma_wait3A_1065] : memref<1048576x16xf32, #tpu.memory_space<hbm>> -> memref<2048x16xf32, #tpu.memory_space<hbm>>
    %dma_wait3A_1067 = arith.constant 0 : i32
    %dma_wait3A_1068 = tpu.memref_slice %arg4[%add3A_1064, %dma_wait3A_1067] : memref<1048576x16xf32, #tpu.memory_space<hbm>> -> memref<2048x16xf32, #tpu.memory_space<hbm>>
    tpu.wait_dma2 semaphore(%arg11 : memref<!tpu.dma_semaphore, #tpu.memory_space<semaphore_mem>>) src(%arg9 : memref<2048x16xf32, #tpu.memory_space<vmem>>) dst(%dma_wait3A_1068 : memref<2048x16xf32, #tpu.memory_space<hbm>>)
    %add3A_1069 = arith.constant 24576 : i32
    %add3A_1070 = arith.addi %mul3A_2, %add3A_1069 : i32
    %jit3A_1071 = arith.constant 16 : i32
    %div3A_1072 = arith.divsi %add3A_1070, %jit3A_1071 : i32
    %sign3A_1073 = arith.constant 0 : i32
    %sign3A_1074 = arith.cmpi sgt, %add3A_1070, %sign3A_1073 : i32
    %sign3A_1075 = arith.extui %sign3A_1074 : i1 to i32
    %sign3A_1076 = arith.constant 0 : i32
    %sign3A_1077 = arith.cmpi slt, %add3A_1070, %sign3A_1076 : i32
    %sign3A_1078 = arith.extui %sign3A_1077 : i1 to i32
    %sign3A_1079 = arith.subi %sign3A_1075, %sign3A_1078 : i32
    %sign3A_1080 = arith.constant 0 : i32
    %sign3A_1081 = arith.cmpi sgt, %jit3A_1071, %sign3A_1080 : i32
    %sign3A_1082 = arith.extui %sign3A_1081 : i1 to i32
    %sign3A_1083 = arith.constant 0 : i32
    %sign3A_1084 = arith.cmpi slt, %jit3A_1071, %sign3A_1083 : i32
    %sign3A_1085 = arith.extui %sign3A_1084 : i1 to i32
    %sign3A_1086 = arith.subi %sign3A_1082, %sign3A_1085 : i32
    %ne3A_1087 = arith.cmpi ne, %sign3A_1079, %sign3A_1086 : i32
    %rem3A_1088 = arith.remsi %add3A_1070, %jit3A_1071 : i32
    %ne3A_1089 = arith.constant 0 : i32
    %ne3A_1090 = arith.cmpi ne, %rem3A_1088, %ne3A_1089 : i32
    %and3A_1091 = arith.andi %ne3A_1087, %ne3A_1090 : i1
    %sub3A_1092 = arith.constant 1 : i32
    %sub3A_1093 = arith.subi %div3A_1072, %sub3A_1092 : i32
    %select_n3A_1094 = arith.select %and3A_1091, %sub3A_1093, %div3A_1072 : i32
    %dma_wait3A_1095 = arith.constant 0 : i32
    %dma_wait3A_1096 = tpu.memref_slice %arg2[%select_n3A_1094, %dma_wait3A_1095] : memref<65536x16xf32, #tpu.memory_space<hbm>> -> memref<128x16xf32, #tpu.memory_space<hbm>>
    %dma_wait3A_1097 = arith.constant 0 : i32
    %dma_wait3A_1098 = tpu.memref_slice %arg2[%select_n3A_1094, %dma_wait3A_1097] : memref<65536x16xf32, #tpu.memory_space<hbm>> -> memref<128x16xf32, #tpu.memory_space<hbm>>
    tpu.wait_dma2 semaphore(%arg13 : memref<!tpu.dma_semaphore, #tpu.memory_space<semaphore_mem>>) src(%dma_wait3A_1098 : memref<128x16xf32, #tpu.memory_space<hbm>>) dst(%arg5 : memref<128x16xf32, #tpu.memory_space<vmem>>)
    %dma_wait3A_1099 = arith.constant 0 : i32
    %dma_wait3A_1100 = tpu.memref_slice %arg3[%select_n3A_1094, %dma_wait3A_1099] : memref<65536x16xf32, #tpu.memory_space<hbm>> -> memref<128x16xf32, #tpu.memory_space<hbm>>
    %dma_wait3A_1101 = arith.constant 0 : i32
    %dma_wait3A_1102 = tpu.memref_slice %arg3[%select_n3A_1094, %dma_wait3A_1101] : memref<65536x16xf32, #tpu.memory_space<hbm>> -> memref<128x16xf32, #tpu.memory_space<hbm>>
    tpu.wait_dma2 semaphore(%arg13 : memref<!tpu.dma_semaphore, #tpu.memory_space<semaphore_mem>>) src(%dma_wait3A_1102 : memref<128x16xf32, #tpu.memory_space<hbm>>) dst(%arg6 : memref<128x16xf32, #tpu.memory_space<vmem>>)
    %add3A_1103 = arith.constant 26624 : i32
    %add3A_1104 = arith.addi %mul3A_2, %add3A_1103 : i32
    %jit3A_1105 = arith.constant 16 : i32
    %div3A_1106 = arith.divsi %add3A_1104, %jit3A_1105 : i32
    %sign3A_1107 = arith.constant 0 : i32
    %sign3A_1108 = arith.cmpi sgt, %add3A_1104, %sign3A_1107 : i32
    %sign3A_1109 = arith.extui %sign3A_1108 : i1 to i32
    %sign3A_1110 = arith.constant 0 : i32
    %sign3A_1111 = arith.cmpi slt, %add3A_1104, %sign3A_1110 : i32
    %sign3A_1112 = arith.extui %sign3A_1111 : i1 to i32
    %sign3A_1113 = arith.subi %sign3A_1109, %sign3A_1112 : i32
    %sign3A_1114 = arith.constant 0 : i32
    %sign3A_1115 = arith.cmpi sgt, %jit3A_1105, %sign3A_1114 : i32
    %sign3A_1116 = arith.extui %sign3A_1115 : i1 to i32
    %sign3A_1117 = arith.constant 0 : i32
    %sign3A_1118 = arith.cmpi slt, %jit3A_1105, %sign3A_1117 : i32
    %sign3A_1119 = arith.extui %sign3A_1118 : i1 to i32
    %sign3A_1120 = arith.subi %sign3A_1116, %sign3A_1119 : i32
    %ne3A_1121 = arith.cmpi ne, %sign3A_1113, %sign3A_1120 : i32
    %rem3A_1122 = arith.remsi %add3A_1104, %jit3A_1105 : i32
    %ne3A_1123 = arith.constant 0 : i32
    %ne3A_1124 = arith.cmpi ne, %rem3A_1122, %ne3A_1123 : i32
    %and3A_1125 = arith.andi %ne3A_1121, %ne3A_1124 : i1
    %sub3A_1126 = arith.constant 1 : i32
    %sub3A_1127 = arith.subi %div3A_1106, %sub3A_1126 : i32
    %select_n3A_1128 = arith.select %and3A_1125, %sub3A_1127, %div3A_1106 : i32
    %dma_start3A_1129 = arith.constant 0 : i32
    %dma_start3A_1130 = tpu.memref_slice %arg2[%select_n3A_1128, %dma_start3A_1129] : memref<65536x16xf32, #tpu.memory_space<hbm>> -> memref<128x16xf32, #tpu.memory_space<hbm>>
    %dma_start3A_1131 = arith.constant 0 : i32
    %dma_start3A_1132 = tpu.memref_slice %arg2[%select_n3A_1128, %dma_start3A_1131] : memref<65536x16xf32, #tpu.memory_space<hbm>> -> memref<128x16xf32, #tpu.memory_space<hbm>>
    tpu.enqueue_dma source(%dma_start3A_1132 : memref<128x16xf32, #tpu.memory_space<hbm>>) target(%arg7 : memref<128x16xf32, #tpu.memory_space<vmem>>) target_semaphore(%arg14 : memref<!tpu.dma_semaphore, #tpu.memory_space<semaphore_mem>>)
    %dma_start3A_1133 = arith.constant 0 : i32
    %dma_start3A_1134 = tpu.memref_slice %arg3[%select_n3A_1128, %dma_start3A_1133] : memref<65536x16xf32, #tpu.memory_space<hbm>> -> memref<128x16xf32, #tpu.memory_space<hbm>>
    %dma_start3A_1135 = arith.constant 0 : i32
    %dma_start3A_1136 = tpu.memref_slice %arg3[%select_n3A_1128, %dma_start3A_1135] : memref<65536x16xf32, #tpu.memory_space<hbm>> -> memref<128x16xf32, #tpu.memory_space<hbm>>
    tpu.enqueue_dma source(%dma_start3A_1136 : memref<128x16xf32, #tpu.memory_space<hbm>>) target(%arg8 : memref<128x16xf32, #tpu.memory_space<vmem>>) target_semaphore(%arg14 : memref<!tpu.dma_semaphore, #tpu.memory_space<semaphore_mem>>)
    %scan3A_1137 = arith.constant 0 : i32
    %scan3A_1138 = arith.constant 0 : i32
    %scan3A_1139 = arith.constant 32 : i32
    %scan3A_1140 = arith.addi %scan3A_1138, %scan3A_1139 : i32
    %scan3A_1141 = arith.constant 1 : i32
    scf.for %scan3A_1385 = %scan3A_1138 to %scan3A_1140 step %scan3A_1141  : i32 {
      %mul3A_1386 = arith.constant 4 : i32
      %mul3A_1387 = arith.muli %scan3A_1385, %mul3A_1386 : i32
      %add3A_1388 = arith.constant 0 : i32
      %add3A_1389 = arith.addi %mul3A_1387, %add3A_1388 : i32
      %mul3A_1390 = arith.constant 16 : i32
      %mul3A_1391 = arith.muli %add3A_1389, %mul3A_1390 : i32
      %broadcast_in_dim3A_1392 = vector.broadcast %mul3A_1391 : i32 to vector<16xi32>
      %add3A_1393 = arith.addi %broadcast_in_dim3A_1392, %iota3A : vector<16xi32>
      %get3A = arith.index_cast %add3A_1389 : i32 to index
      %get3A_1394 = arith.constant 0 : index
      %get3A_1395 = tpu.vector_load %arg5[%get3A, %get3A_1394] {strides = array<i32>} : memref<128x16xf32, #tpu.memory_space<vmem>>, vector<16xf32>,
      tpu.vector_store_idx %arg9[%add3A_1393, %broadcast_in_dim3A_3], %get3A_1395 : memref<2048x16xf32, #tpu.memory_space<vmem>>[vector<16xi32>, vector<16xi32>], vector<16xf32>,
      %get3A_1396 = arith.index_cast %add3A_1389 : i32 to index
      %get3A_1397 = arith.constant 0 : index
      %get3A_1398 = tpu.vector_load %arg6[%get3A_1396, %get3A_1397] {strides = array<i32>} : memref<128x16xf32, #tpu.memory_space<vmem>>, vector<16xf32>,
      tpu.vector_store_idx %arg9[%add3A_1393, %broadcast_in_dim3A_5], %get3A_1398 : memref<2048x16xf32, #tpu.memory_space<vmem>>[vector<16xi32>, vector<16xi32>], vector<16xf32>,
      %mul3A_1399 = arith.constant 4 : i32
      %mul3A_1400 = arith.muli %scan3A_1385, %mul3A_1399 : i32
      %add3A_1401 = arith.constant 1 : i32
      %add3A_1402 = arith.addi %mul3A_1400, %add3A_1401 : i32
      %mul3A_1403 = arith.constant 16 : i32
      %mul3A_1404 = arith.muli %add3A_1402, %mul3A_1403 : i32
      %broadcast_in_dim3A_1405 = vector.broadcast %mul3A_1404 : i32 to vector<16xi32>
      %add3A_1406 = arith.addi %broadcast_in_dim3A_1405, %iota3A : vector<16xi32>
      %get3A_1407 = arith.index_cast %add3A_1402 : i32 to index
      %get3A_1408 = arith.constant 0 : index
      %get3A_1409 = tpu.vector_load %arg5[%get3A_1407, %get3A_1408] {strides = array<i32>} : memref<128x16xf32, #tpu.memory_space<vmem>>, vector<16xf32>,
      tpu.vector_store_idx %arg9[%add3A_1406, %broadcast_in_dim3A_3], %get3A_1409 : memref<2048x16xf32, #tpu.memory_space<vmem>>[vector<16xi32>, vector<16xi32>], vector<16xf32>,
      %get3A_1410 = arith.index_cast %add3A_1402 : i32 to index
      %get3A_1411 = arith.constant 0 : index
      %get3A_1412 = tpu.vector_load %arg6[%get3A_1410, %get3A_1411] {strides = array<i32>} : memref<128x16xf32, #tpu.memory_space<vmem>>, vector<16xf32>,
      tpu.vector_store_idx %arg9[%add3A_1406, %broadcast_in_dim3A_5], %get3A_1412 : memref<2048x16xf32, #tpu.memory_space<vmem>>[vector<16xi32>, vector<16xi32>], vector<16xf32>,
      %mul3A_1413 = arith.constant 4 : i32
      %mul3A_1414 = arith.muli %scan3A_1385, %mul3A_1413 : i32
      %add3A_1415 = arith.constant 2 : i32
      %add3A_1416 = arith.addi %mul3A_1414, %add3A_1415 : i32
      %mul3A_1417 = arith.constant 16 : i32
      %mul3A_1418 = arith.muli %add3A_1416, %mul3A_1417 : i32
      %broadcast_in_dim3A_1419 = vector.broadcast %mul3A_1418 : i32 to vector<16xi32>
      %add3A_1420 = arith.addi %broadcast_in_dim3A_1419, %iota3A : vector<16xi32>
      %get3A_1421 = arith.index_cast %add3A_1416 : i32 to index
      %get3A_1422 = arith.constant 0 : index
      %get3A_1423 = tpu.vector_load %arg5[%get3A_1421, %get3A_1422] {strides = array<i32>} : memref<128x16xf32, #tpu.memory_space<vmem>>, vector<16xf32>,
      tpu.vector_store_idx %arg9[%add3A_1420, %broadcast_in_dim3A_3], %get3A_1423 : memref<2048x16xf32, #tpu.memory_space<vmem>>[vector<16xi32>, vector<16xi32>], vector<16xf32>,
      %get3A_1424 = arith.index_cast %add3A_1416 : i32 to index
      %get3A_1425 = arith.constant 0 : index
      %get3A_1426 = tpu.vector_load %arg6[%get3A_1424, %get3A_1425] {strides = array<i32>} : memref<128x16xf32, #tpu.memory_space<vmem>>, vector<16xf32>,
      tpu.vector_store_idx %arg9[%add3A_1420, %broadcast_in_dim3A_5], %get3A_1426 : memref<2048x16xf32, #tpu.memory_space<vmem>>[vector<16xi32>, vector<16xi32>], vector<16xf32>,
      %mul3A_1427 = arith.constant 4 : i32
      %mul3A_1428 = arith.muli %scan3A_1385, %mul3A_1427 : i32
      %add3A_1429 = arith.constant 3 : i32
      %add3A_1430 = arith.addi %mul3A_1428, %add3A_1429 : i32
      %mul3A_1431 = arith.constant 16 : i32
      %mul3A_1432 = arith.muli %add3A_1430, %mul3A_1431 : i32
      %broadcast_in_dim3A_1433 = vector.broadcast %mul3A_1432 : i32 to vector<16xi32>
      %add3A_1434 = arith.addi %broadcast_in_dim3A_1433, %iota3A : vector<16xi32>
      %get3A_1435 = arith.index_cast %add3A_1430 : i32 to index
      %get3A_1436 = arith.constant 0 : index
      %get3A_1437 = tpu.vector_load %arg5[%get3A_1435, %get3A_1436] {strides = array<i32>} : memref<128x16xf32, #tpu.memory_space<vmem>>, vector<16xf32>,
      tpu.vector_store_idx %arg9[%add3A_1434, %broadcast_in_dim3A_3], %get3A_1437 : memref<2048x16xf32, #tpu.memory_space<vmem>>[vector<16xi32>, vector<16xi32>], vector<16xf32>,
      %get3A_1438 = arith.index_cast %add3A_1430 : i32 to index
      %get3A_1439 = arith.constant 0 : index
      %get3A_1440 = tpu.vector_load %arg6[%get3A_1438, %get3A_1439] {strides = array<i32>} : memref<128x16xf32, #tpu.memory_space<vmem>>, vector<16xf32>,
      tpu.vector_store_idx %arg9[%add3A_1434, %broadcast_in_dim3A_5], %get3A_1440 : memref<2048x16xf32, #tpu.memory_space<vmem>>[vector<16xi32>, vector<16xi32>], vector<16xf32>,
    }
    %scan3A_1142 = arith.constant 32 : i32
    %add3A_1143 = arith.constant 24576 : i32
    %add3A_1144 = arith.addi %mul3A_2, %add3A_1143 : i32
    %dma_start3A_1145 = arith.constant 0 : i32
    %dma_start3A_1146 = tpu.memref_slice %arg4[%add3A_1144, %dma_start3A_1145] : memref<1048576x16xf32, #tpu.memory_space<hbm>> -> memref<2048x16xf32, #tpu.memory_space<hbm>>
    %dma_start3A_1147 = arith.constant 0 : i32
    %dma_start3A_1148 = tpu.memref_slice %arg4[%add3A_1144, %dma_start3A_1147] : memref<1048576x16xf32, #tpu.memory_space<hbm>> -> memref<2048x16xf32, #tpu.memory_space<hbm>>
    tpu.enqueue_dma source(%arg9 : memref<2048x16xf32, #tpu.memory_space<vmem>>) target(%dma_start3A_1148 : memref<2048x16xf32, #tpu.memory_space<hbm>>) target_semaphore(%arg11 : memref<!tpu.dma_semaphore, #tpu.memory_space<semaphore_mem>>)
    %add3A_1149 = arith.constant 22528 : i32
    %add3A_1150 = arith.addi %mul3A_2, %add3A_1149 : i32
    %dma_wait3A_1151 = arith.constant 0 : i32
    %dma_wait3A_1152 = tpu.memref_slice %arg4[%add3A_1150, %dma_wait3A_1151] : memref<1048576x16xf32, #tpu.memory_space<hbm>> -> memref<2048x16xf32, #tpu.memory_space<hbm>>
    %dma_wait3A_1153 = arith.constant 0 : i32
    %dma_wait3A_1154 = tpu.memref_slice %arg4[%add3A_1150, %dma_wait3A_1153] : memref<1048576x16xf32, #tpu.memory_space<hbm>> -> memref<2048x16xf32, #tpu.memory_space<hbm>>
    tpu.wait_dma2 semaphore(%arg12 : memref<!tpu.dma_semaphore, #tpu.memory_space<semaphore_mem>>) src(%arg10 : memref<2048x16xf32, #tpu.memory_space<vmem>>) dst(%dma_wait3A_1154 : memref<2048x16xf32, #tpu.memory_space<hbm>>)
    %add3A_1155 = arith.constant 26624 : i32
    %add3A_1156 = arith.addi %mul3A_2, %add3A_1155 : i32
    %jit3A_1157 = arith.constant 16 : i32
    %div3A_1158 = arith.divsi %add3A_1156, %jit3A_1157 : i32
    %sign3A_1159 = arith.constant 0 : i32
    %sign3A_1160 = arith.cmpi sgt, %add3A_1156, %sign3A_1159 : i32
    %sign3A_1161 = arith.extui %sign3A_1160 : i1 to i32
    %sign3A_1162 = arith.constant 0 : i32
    %sign3A_1163 = arith.cmpi slt, %add3A_1156, %sign3A_1162 : i32
    %sign3A_1164 = arith.extui %sign3A_1163 : i1 to i32
    %sign3A_1165 = arith.subi %sign3A_1161, %sign3A_1164 : i32
    %sign3A_1166 = arith.constant 0 : i32
    %sign3A_1167 = arith.cmpi sgt, %jit3A_1157, %sign3A_1166 : i32
    %sign3A_1168 = arith.extui %sign3A_1167 : i1 to i32
    %sign3A_1169 = arith.constant 0 : i32
    %sign3A_1170 = arith.cmpi slt, %jit3A_1157, %sign3A_1169 : i32
    %sign3A_1171 = arith.extui %sign3A_1170 : i1 to i32
    %sign3A_1172 = arith.subi %sign3A_1168, %sign3A_1171 : i32
    %ne3A_1173 = arith.cmpi ne, %sign3A_1165, %sign3A_1172 : i32
    %rem3A_1174 = arith.remsi %add3A_1156, %jit3A_1157 : i32
    %ne3A_1175 = arith.constant 0 : i32
    %ne3A_1176 = arith.cmpi ne, %rem3A_1174, %ne3A_1175 : i32
    %and3A_1177 = arith.andi %ne3A_1173, %ne3A_1176 : i1
    %sub3A_1178 = arith.constant 1 : i32
    %sub3A_1179 = arith.subi %div3A_1158, %sub3A_1178 : i32
    %select_n3A_1180 = arith.select %and3A_1177, %sub3A_1179, %div3A_1158 : i32
    %dma_wait3A_1181 = arith.constant 0 : i32
    %dma_wait3A_1182 = tpu.memref_slice %arg2[%select_n3A_1180, %dma_wait3A_1181] : memref<65536x16xf32, #tpu.memory_space<hbm>> -> memref<128x16xf32, #tpu.memory_space<hbm>>
    %dma_wait3A_1183 = arith.constant 0 : i32
    %dma_wait3A_1184 = tpu.memref_slice %arg2[%select_n3A_1180, %dma_wait3A_1183] : memref<65536x16xf32, #tpu.memory_space<hbm>> -> memref<128x16xf32, #tpu.memory_space<hbm>>
    tpu.wait_dma2 semaphore(%arg14 : memref<!tpu.dma_semaphore, #tpu.memory_space<semaphore_mem>>) src(%dma_wait3A_1184 : memref<128x16xf32, #tpu.memory_space<hbm>>) dst(%arg7 : memref<128x16xf32, #tpu.memory_space<vmem>>)
    %dma_wait3A_1185 = arith.constant 0 : i32
    %dma_wait3A_1186 = tpu.memref_slice %arg3[%select_n3A_1180, %dma_wait3A_1185] : memref<65536x16xf32, #tpu.memory_space<hbm>> -> memref<128x16xf32, #tpu.memory_space<hbm>>
    %dma_wait3A_1187 = arith.constant 0 : i32
    %dma_wait3A_1188 = tpu.memref_slice %arg3[%select_n3A_1180, %dma_wait3A_1187] : memref<65536x16xf32, #tpu.memory_space<hbm>> -> memref<128x16xf32, #tpu.memory_space<hbm>>
    tpu.wait_dma2 semaphore(%arg14 : memref<!tpu.dma_semaphore, #tpu.memory_space<semaphore_mem>>) src(%dma_wait3A_1188 : memref<128x16xf32, #tpu.memory_space<hbm>>) dst(%arg8 : memref<128x16xf32, #tpu.memory_space<vmem>>)
    %add3A_1189 = arith.constant 28672 : i32
    %add3A_1190 = arith.addi %mul3A_2, %add3A_1189 : i32
    %jit3A_1191 = arith.constant 16 : i32
    %div3A_1192 = arith.divsi %add3A_1190, %jit3A_1191 : i32
    %sign3A_1193 = arith.constant 0 : i32
    %sign3A_1194 = arith.cmpi sgt, %add3A_1190, %sign3A_1193 : i32
    %sign3A_1195 = arith.extui %sign3A_1194 : i1 to i32
    %sign3A_1196 = arith.constant 0 : i32
    %sign3A_1197 = arith.cmpi slt, %add3A_1190, %sign3A_1196 : i32
    %sign3A_1198 = arith.extui %sign3A_1197 : i1 to i32
    %sign3A_1199 = arith.subi %sign3A_1195, %sign3A_1198 : i32
    %sign3A_1200 = arith.constant 0 : i32
    %sign3A_1201 = arith.cmpi sgt, %jit3A_1191, %sign3A_1200 : i32
    %sign3A_1202 = arith.extui %sign3A_1201 : i1 to i32
    %sign3A_1203 = arith.constant 0 : i32
    %sign3A_1204 = arith.cmpi slt, %jit3A_1191, %sign3A_1203 : i32
    %sign3A_1205 = arith.extui %sign3A_1204 : i1 to i32
    %sign3A_1206 = arith.subi %sign3A_1202, %sign3A_1205 : i32
    %ne3A_1207 = arith.cmpi ne, %sign3A_1199, %sign3A_1206 : i32
    %rem3A_1208 = arith.remsi %add3A_1190, %jit3A_1191 : i32
    %ne3A_1209 = arith.constant 0 : i32
    %ne3A_1210 = arith.cmpi ne, %rem3A_1208, %ne3A_1209 : i32
    %and3A_1211 = arith.andi %ne3A_1207, %ne3A_1210 : i1
    %sub3A_1212 = arith.constant 1 : i32
    %sub3A_1213 = arith.subi %div3A_1192, %sub3A_1212 : i32
    %select_n3A_1214 = arith.select %and3A_1211, %sub3A_1213, %div3A_1192 : i32
    %dma_start3A_1215 = arith.constant 0 : i32
    %dma_start3A_1216 = tpu.memref_slice %arg2[%select_n3A_1214, %dma_start3A_1215] : memref<65536x16xf32, #tpu.memory_space<hbm>> -> memref<128x16xf32, #tpu.memory_space<hbm>>
    %dma_start3A_1217 = arith.constant 0 : i32
    %dma_start3A_1218 = tpu.memref_slice %arg2[%select_n3A_1214, %dma_start3A_1217] : memref<65536x16xf32, #tpu.memory_space<hbm>> -> memref<128x16xf32, #tpu.memory_space<hbm>>
    tpu.enqueue_dma source(%dma_start3A_1218 : memref<128x16xf32, #tpu.memory_space<hbm>>) target(%arg5 : memref<128x16xf32, #tpu.memory_space<vmem>>) target_semaphore(%arg13 : memref<!tpu.dma_semaphore, #tpu.memory_space<semaphore_mem>>)
    %dma_start3A_1219 = arith.constant 0 : i32
    %dma_start3A_1220 = tpu.memref_slice %arg3[%select_n3A_1214, %dma_start3A_1219] : memref<65536x16xf32, #tpu.memory_space<hbm>> -> memref<128x16xf32, #tpu.memory_space<hbm>>
    %dma_start3A_1221 = arith.constant 0 : i32
    %dma_start3A_1222 = tpu.memref_slice %arg3[%select_n3A_1214, %dma_start3A_1221] : memref<65536x16xf32, #tpu.memory_space<hbm>> -> memref<128x16xf32, #tpu.memory_space<hbm>>
    tpu.enqueue_dma source(%dma_start3A_1222 : memref<128x16xf32, #tpu.memory_space<hbm>>) target(%arg6 : memref<128x16xf32, #tpu.memory_space<vmem>>) target_semaphore(%arg13 : memref<!tpu.dma_semaphore, #tpu.memory_space<semaphore_mem>>)
    %scan3A_1223 = arith.constant 0 : i32
    %scan3A_1224 = arith.constant 0 : i32
    %scan3A_1225 = arith.constant 32 : i32
    %scan3A_1226 = arith.addi %scan3A_1224, %scan3A_1225 : i32
    %scan3A_1227 = arith.constant 1 : i32
    scf.for %scan3A_1385 = %scan3A_1224 to %scan3A_1226 step %scan3A_1227  : i32 {
      %mul3A_1386 = arith.constant 4 : i32
      %mul3A_1387 = arith.muli %scan3A_1385, %mul3A_1386 : i32
      %add3A_1388 = arith.constant 0 : i32
      %add3A_1389 = arith.addi %mul3A_1387, %add3A_1388 : i32
      %mul3A_1390 = arith.constant 16 : i32
      %mul3A_1391 = arith.muli %add3A_1389, %mul3A_1390 : i32
      %broadcast_in_dim3A_1392 = vector.broadcast %mul3A_1391 : i32 to vector<16xi32>
      %add3A_1393 = arith.addi %broadcast_in_dim3A_1392, %iota3A : vector<16xi32>
      %get3A = arith.index_cast %add3A_1389 : i32 to index
      %get3A_1394 = arith.constant 0 : index
      %get3A_1395 = tpu.vector_load %arg7[%get3A, %get3A_1394] {strides = array<i32>} : memref<128x16xf32, #tpu.memory_space<vmem>>, vector<16xf32>,
      tpu.vector_store_idx %arg10[%add3A_1393, %broadcast_in_dim3A_3], %get3A_1395 : memref<2048x16xf32, #tpu.memory_space<vmem>>[vector<16xi32>, vector<16xi32>], vector<16xf32>,
      %get3A_1396 = arith.index_cast %add3A_1389 : i32 to index
      %get3A_1397 = arith.constant 0 : index
      %get3A_1398 = tpu.vector_load %arg8[%get3A_1396, %get3A_1397] {strides = array<i32>} : memref<128x16xf32, #tpu.memory_space<vmem>>, vector<16xf32>,
      tpu.vector_store_idx %arg10[%add3A_1393, %broadcast_in_dim3A_5], %get3A_1398 : memref<2048x16xf32, #tpu.memory_space<vmem>>[vector<16xi32>, vector<16xi32>], vector<16xf32>,
      %mul3A_1399 = arith.constant 4 : i32
      %mul3A_1400 = arith.muli %scan3A_1385, %mul3A_1399 : i32
      %add3A_1401 = arith.constant 1 : i32
      %add3A_1402 = arith.addi %mul3A_1400, %add3A_1401 : i32
      %mul3A_1403 = arith.constant 16 : i32
      %mul3A_1404 = arith.muli %add3A_1402, %mul3A_1403 : i32
      %broadcast_in_dim3A_1405 = vector.broadcast %mul3A_1404 : i32 to vector<16xi32>
      %add3A_1406 = arith.addi %broadcast_in_dim3A_1405, %iota3A : vector<16xi32>
      %get3A_1407 = arith.index_cast %add3A_1402 : i32 to index
      %get3A_1408 = arith.constant 0 : index
      %get3A_1409 = tpu.vector_load %arg7[%get3A_1407, %get3A_1408] {strides = array<i32>} : memref<128x16xf32, #tpu.memory_space<vmem>>, vector<16xf32>,
      tpu.vector_store_idx %arg10[%add3A_1406, %broadcast_in_dim3A_3], %get3A_1409 : memref<2048x16xf32, #tpu.memory_space<vmem>>[vector<16xi32>, vector<16xi32>], vector<16xf32>,
      %get3A_1410 = arith.index_cast %add3A_1402 : i32 to index
      %get3A_1411 = arith.constant 0 : index
      %get3A_1412 = tpu.vector_load %arg8[%get3A_1410, %get3A_1411] {strides = array<i32>} : memref<128x16xf32, #tpu.memory_space<vmem>>, vector<16xf32>,
      tpu.vector_store_idx %arg10[%add3A_1406, %broadcast_in_dim3A_5], %get3A_1412 : memref<2048x16xf32, #tpu.memory_space<vmem>>[vector<16xi32>, vector<16xi32>], vector<16xf32>,
      %mul3A_1413 = arith.constant 4 : i32
      %mul3A_1414 = arith.muli %scan3A_1385, %mul3A_1413 : i32
      %add3A_1415 = arith.constant 2 : i32
      %add3A_1416 = arith.addi %mul3A_1414, %add3A_1415 : i32
      %mul3A_1417 = arith.constant 16 : i32
      %mul3A_1418 = arith.muli %add3A_1416, %mul3A_1417 : i32
      %broadcast_in_dim3A_1419 = vector.broadcast %mul3A_1418 : i32 to vector<16xi32>
      %add3A_1420 = arith.addi %broadcast_in_dim3A_1419, %iota3A : vector<16xi32>
      %get3A_1421 = arith.index_cast %add3A_1416 : i32 to index
      %get3A_1422 = arith.constant 0 : index
      %get3A_1423 = tpu.vector_load %arg7[%get3A_1421, %get3A_1422] {strides = array<i32>} : memref<128x16xf32, #tpu.memory_space<vmem>>, vector<16xf32>,
      tpu.vector_store_idx %arg10[%add3A_1420, %broadcast_in_dim3A_3], %get3A_1423 : memref<2048x16xf32, #tpu.memory_space<vmem>>[vector<16xi32>, vector<16xi32>], vector<16xf32>,
      %get3A_1424 = arith.index_cast %add3A_1416 : i32 to index
      %get3A_1425 = arith.constant 0 : index
      %get3A_1426 = tpu.vector_load %arg8[%get3A_1424, %get3A_1425] {strides = array<i32>} : memref<128x16xf32, #tpu.memory_space<vmem>>, vector<16xf32>,
      tpu.vector_store_idx %arg10[%add3A_1420, %broadcast_in_dim3A_5], %get3A_1426 : memref<2048x16xf32, #tpu.memory_space<vmem>>[vector<16xi32>, vector<16xi32>], vector<16xf32>,
      %mul3A_1427 = arith.constant 4 : i32
      %mul3A_1428 = arith.muli %scan3A_1385, %mul3A_1427 : i32
      %add3A_1429 = arith.constant 3 : i32
      %add3A_1430 = arith.addi %mul3A_1428, %add3A_1429 : i32
      %mul3A_1431 = arith.constant 16 : i32
      %mul3A_1432 = arith.muli %add3A_1430, %mul3A_1431 : i32
      %broadcast_in_dim3A_1433 = vector.broadcast %mul3A_1432 : i32 to vector<16xi32>
      %add3A_1434 = arith.addi %broadcast_in_dim3A_1433, %iota3A : vector<16xi32>
      %get3A_1435 = arith.index_cast %add3A_1430 : i32 to index
      %get3A_1436 = arith.constant 0 : index
      %get3A_1437 = tpu.vector_load %arg7[%get3A_1435, %get3A_1436] {strides = array<i32>} : memref<128x16xf32, #tpu.memory_space<vmem>>, vector<16xf32>,
      tpu.vector_store_idx %arg10[%add3A_1434, %broadcast_in_dim3A_3], %get3A_1437 : memref<2048x16xf32, #tpu.memory_space<vmem>>[vector<16xi32>, vector<16xi32>], vector<16xf32>,
      %get3A_1438 = arith.index_cast %add3A_1430 : i32 to index
      %get3A_1439 = arith.constant 0 : index
      %get3A_1440 = tpu.vector_load %arg8[%get3A_1438, %get3A_1439] {strides = array<i32>} : memref<128x16xf32, #tpu.memory_space<vmem>>, vector<16xf32>,
      tpu.vector_store_idx %arg10[%add3A_1434, %broadcast_in_dim3A_5], %get3A_1440 : memref<2048x16xf32, #tpu.memory_space<vmem>>[vector<16xi32>, vector<16xi32>], vector<16xf32>,
    }
    %scan3A_1228 = arith.constant 32 : i32
    %add3A_1229 = arith.constant 26624 : i32
    %add3A_1230 = arith.addi %mul3A_2, %add3A_1229 : i32
    %dma_start3A_1231 = arith.constant 0 : i32
    %dma_start3A_1232 = tpu.memref_slice %arg4[%add3A_1230, %dma_start3A_1231] : memref<1048576x16xf32, #tpu.memory_space<hbm>> -> memref<2048x16xf32, #tpu.memory_space<hbm>>
    %dma_start3A_1233 = arith.constant 0 : i32
    %dma_start3A_1234 = tpu.memref_slice %arg4[%add3A_1230, %dma_start3A_1233] : memref<1048576x16xf32, #tpu.memory_space<hbm>> -> memref<2048x16xf32, #tpu.memory_space<hbm>>
    tpu.enqueue_dma source(%arg10 : memref<2048x16xf32, #tpu.memory_space<vmem>>) target(%dma_start3A_1234 : memref<2048x16xf32, #tpu.memory_space<hbm>>) target_semaphore(%arg12 : memref<!tpu.dma_semaphore, #tpu.memory_space<semaphore_mem>>)
    %add3A_1235 = arith.constant 24576 : i32
    %add3A_1236 = arith.addi %mul3A_2, %add3A_1235 : i32
    %dma_wait3A_1237 = arith.constant 0 : i32
    %dma_wait3A_1238 = tpu.memref_slice %arg4[%add3A_1236, %dma_wait3A_1237] : memref<1048576x16xf32, #tpu.memory_space<hbm>> -> memref<2048x16xf32, #tpu.memory_space<hbm>>
    %dma_wait3A_1239 = arith.constant 0 : i32
    %dma_wait3A_1240 = tpu.memref_slice %arg4[%add3A_1236, %dma_wait3A_1239] : memref<1048576x16xf32, #tpu.memory_space<hbm>> -> memref<2048x16xf32, #tpu.memory_space<hbm>>
    tpu.wait_dma2 semaphore(%arg11 : memref<!tpu.dma_semaphore, #tpu.memory_space<semaphore_mem>>) src(%arg9 : memref<2048x16xf32, #tpu.memory_space<vmem>>) dst(%dma_wait3A_1240 : memref<2048x16xf32, #tpu.memory_space<hbm>>)
    %add3A_1241 = arith.constant 28672 : i32
    %add3A_1242 = arith.addi %mul3A_2, %add3A_1241 : i32
    %jit3A_1243 = arith.constant 16 : i32
    %div3A_1244 = arith.divsi %add3A_1242, %jit3A_1243 : i32
    %sign3A_1245 = arith.constant 0 : i32
    %sign3A_1246 = arith.cmpi sgt, %add3A_1242, %sign3A_1245 : i32
    %sign3A_1247 = arith.extui %sign3A_1246 : i1 to i32
    %sign3A_1248 = arith.constant 0 : i32
    %sign3A_1249 = arith.cmpi slt, %add3A_1242, %sign3A_1248 : i32
    %sign3A_1250 = arith.extui %sign3A_1249 : i1 to i32
    %sign3A_1251 = arith.subi %sign3A_1247, %sign3A_1250 : i32
    %sign3A_1252 = arith.constant 0 : i32
    %sign3A_1253 = arith.cmpi sgt, %jit3A_1243, %sign3A_1252 : i32
    %sign3A_1254 = arith.extui %sign3A_1253 : i1 to i32
    %sign3A_1255 = arith.constant 0 : i32
    %sign3A_1256 = arith.cmpi slt, %jit3A_1243, %sign3A_1255 : i32
    %sign3A_1257 = arith.extui %sign3A_1256 : i1 to i32
    %sign3A_1258 = arith.subi %sign3A_1254, %sign3A_1257 : i32
    %ne3A_1259 = arith.cmpi ne, %sign3A_1251, %sign3A_1258 : i32
    %rem3A_1260 = arith.remsi %add3A_1242, %jit3A_1243 : i32
    %ne3A_1261 = arith.constant 0 : i32
    %ne3A_1262 = arith.cmpi ne, %rem3A_1260, %ne3A_1261 : i32
    %and3A_1263 = arith.andi %ne3A_1259, %ne3A_1262 : i1
    %sub3A_1264 = arith.constant 1 : i32
    %sub3A_1265 = arith.subi %div3A_1244, %sub3A_1264 : i32
    %select_n3A_1266 = arith.select %and3A_1263, %sub3A_1265, %div3A_1244 : i32
    %dma_wait3A_1267 = arith.constant 0 : i32
    %dma_wait3A_1268 = tpu.memref_slice %arg2[%select_n3A_1266, %dma_wait3A_1267] : memref<65536x16xf32, #tpu.memory_space<hbm>> -> memref<128x16xf32, #tpu.memory_space<hbm>>
    %dma_wait3A_1269 = arith.constant 0 : i32
    %dma_wait3A_1270 = tpu.memref_slice %arg2[%select_n3A_1266, %dma_wait3A_1269] : memref<65536x16xf32, #tpu.memory_space<hbm>> -> memref<128x16xf32, #tpu.memory_space<hbm>>
    tpu.wait_dma2 semaphore(%arg13 : memref<!tpu.dma_semaphore, #tpu.memory_space<semaphore_mem>>) src(%dma_wait3A_1270 : memref<128x16xf32, #tpu.memory_space<hbm>>) dst(%arg5 : memref<128x16xf32, #tpu.memory_space<vmem>>)
    %dma_wait3A_1271 = arith.constant 0 : i32
    %dma_wait3A_1272 = tpu.memref_slice %arg3[%select_n3A_1266, %dma_wait3A_1271] : memref<65536x16xf32, #tpu.memory_space<hbm>> -> memref<128x16xf32, #tpu.memory_space<hbm>>
    %dma_wait3A_1273 = arith.constant 0 : i32
    %dma_wait3A_1274 = tpu.memref_slice %arg3[%select_n3A_1266, %dma_wait3A_1273] : memref<65536x16xf32, #tpu.memory_space<hbm>> -> memref<128x16xf32, #tpu.memory_space<hbm>>
    tpu.wait_dma2 semaphore(%arg13 : memref<!tpu.dma_semaphore, #tpu.memory_space<semaphore_mem>>) src(%dma_wait3A_1274 : memref<128x16xf32, #tpu.memory_space<hbm>>) dst(%arg6 : memref<128x16xf32, #tpu.memory_space<vmem>>)
    %add3A_1275 = arith.constant 30720 : i32
    %add3A_1276 = arith.addi %mul3A_2, %add3A_1275 : i32
    %jit3A_1277 = arith.constant 16 : i32
    %div3A_1278 = arith.divsi %add3A_1276, %jit3A_1277 : i32
    %sign3A_1279 = arith.constant 0 : i32
    %sign3A_1280 = arith.cmpi sgt, %add3A_1276, %sign3A_1279 : i32
    %sign3A_1281 = arith.extui %sign3A_1280 : i1 to i32
    %sign3A_1282 = arith.constant 0 : i32
    %sign3A_1283 = arith.cmpi slt, %add3A_1276, %sign3A_1282 : i32
    %sign3A_1284 = arith.extui %sign3A_1283 : i1 to i32
    %sign3A_1285 = arith.subi %sign3A_1281, %sign3A_1284 : i32
    %sign3A_1286 = arith.constant 0 : i32
    %sign3A_1287 = arith.cmpi sgt, %jit3A_1277, %sign3A_1286 : i32
    %sign3A_1288 = arith.extui %sign3A_1287 : i1 to i32
    %sign3A_1289 = arith.constant 0 : i32
    %sign3A_1290 = arith.cmpi slt, %jit3A_1277, %sign3A_1289 : i32
    %sign3A_1291 = arith.extui %sign3A_1290 : i1 to i32
    %sign3A_1292 = arith.subi %sign3A_1288, %sign3A_1291 : i32
    %ne3A_1293 = arith.cmpi ne, %sign3A_1285, %sign3A_1292 : i32
    %rem3A_1294 = arith.remsi %add3A_1276, %jit3A_1277 : i32
    %ne3A_1295 = arith.constant 0 : i32
    %ne3A_1296 = arith.cmpi ne, %rem3A_1294, %ne3A_1295 : i32
    %and3A_1297 = arith.andi %ne3A_1293, %ne3A_1296 : i1
    %sub3A_1298 = arith.constant 1 : i32
    %sub3A_1299 = arith.subi %div3A_1278, %sub3A_1298 : i32
    %select_n3A_1300 = arith.select %and3A_1297, %sub3A_1299, %div3A_1278 : i32
    %dma_start3A_1301 = arith.constant 0 : i32
    %dma_start3A_1302 = tpu.memref_slice %arg2[%select_n3A_1300, %dma_start3A_1301] : memref<65536x16xf32, #tpu.memory_space<hbm>> -> memref<128x16xf32, #tpu.memory_space<hbm>>
    %dma_start3A_1303 = arith.constant 0 : i32
    %dma_start3A_1304 = tpu.memref_slice %arg2[%select_n3A_1300, %dma_start3A_1303] : memref<65536x16xf32, #tpu.memory_space<hbm>> -> memref<128x16xf32, #tpu.memory_space<hbm>>
    tpu.enqueue_dma source(%dma_start3A_1304 : memref<128x16xf32, #tpu.memory_space<hbm>>) target(%arg7 : memref<128x16xf32, #tpu.memory_space<vmem>>) target_semaphore(%arg14 : memref<!tpu.dma_semaphore, #tpu.memory_space<semaphore_mem>>)
    %dma_start3A_1305 = arith.constant 0 : i32
    %dma_start3A_1306 = tpu.memref_slice %arg3[%select_n3A_1300, %dma_start3A_1305] : memref<65536x16xf32, #tpu.memory_space<hbm>> -> memref<128x16xf32, #tpu.memory_space<hbm>>
    %dma_start3A_1307 = arith.constant 0 : i32
    %dma_start3A_1308 = tpu.memref_slice %arg3[%select_n3A_1300, %dma_start3A_1307] : memref<65536x16xf32, #tpu.memory_space<hbm>> -> memref<128x16xf32, #tpu.memory_space<hbm>>
    tpu.enqueue_dma source(%dma_start3A_1308 : memref<128x16xf32, #tpu.memory_space<hbm>>) target(%arg8 : memref<128x16xf32, #tpu.memory_space<vmem>>) target_semaphore(%arg14 : memref<!tpu.dma_semaphore, #tpu.memory_space<semaphore_mem>>)
    %scan3A_1309 = arith.constant 0 : i32
    %scan3A_1310 = arith.constant 0 : i32
    %scan3A_1311 = arith.constant 32 : i32
    %scan3A_1312 = arith.addi %scan3A_1310, %scan3A_1311 : i32
    %scan3A_1313 = arith.constant 1 : i32
    scf.for %scan3A_1385 = %scan3A_1310 to %scan3A_1312 step %scan3A_1313  : i32 {
      %mul3A_1386 = arith.constant 4 : i32
      %mul3A_1387 = arith.muli %scan3A_1385, %mul3A_1386 : i32
      %add3A_1388 = arith.constant 0 : i32
      %add3A_1389 = arith.addi %mul3A_1387, %add3A_1388 : i32
      %mul3A_1390 = arith.constant 16 : i32
      %mul3A_1391 = arith.muli %add3A_1389, %mul3A_1390 : i32
      %broadcast_in_dim3A_1392 = vector.broadcast %mul3A_1391 : i32 to vector<16xi32>
      %add3A_1393 = arith.addi %broadcast_in_dim3A_1392, %iota3A : vector<16xi32>
      %get3A = arith.index_cast %add3A_1389 : i32 to index
      %get3A_1394 = arith.constant 0 : index
      %get3A_1395 = tpu.vector_load %arg5[%get3A, %get3A_1394] {strides = array<i32>} : memref<128x16xf32, #tpu.memory_space<vmem>>, vector<16xf32>,
      tpu.vector_store_idx %arg9[%add3A_1393, %broadcast_in_dim3A_3], %get3A_1395 : memref<2048x16xf32, #tpu.memory_space<vmem>>[vector<16xi32>, vector<16xi32>], vector<16xf32>,
      %get3A_1396 = arith.index_cast %add3A_1389 : i32 to index
      %get3A_1397 = arith.constant 0 : index
      %get3A_1398 = tpu.vector_load %arg6[%get3A_1396, %get3A_1397] {strides = array<i32>} : memref<128x16xf32, #tpu.memory_space<vmem>>, vector<16xf32>,
      tpu.vector_store_idx %arg9[%add3A_1393, %broadcast_in_dim3A_5], %get3A_1398 : memref<2048x16xf32, #tpu.memory_space<vmem>>[vector<16xi32>, vector<16xi32>], vector<16xf32>,
      %mul3A_1399 = arith.constant 4 : i32
      %mul3A_1400 = arith.muli %scan3A_1385, %mul3A_1399 : i32
      %add3A_1401 = arith.constant 1 : i32
      %add3A_1402 = arith.addi %mul3A_1400, %add3A_1401 : i32
      %mul3A_1403 = arith.constant 16 : i32
      %mul3A_1404 = arith.muli %add3A_1402, %mul3A_1403 : i32
      %broadcast_in_dim3A_1405 = vector.broadcast %mul3A_1404 : i32 to vector<16xi32>
      %add3A_1406 = arith.addi %broadcast_in_dim3A_1405, %iota3A : vector<16xi32>
      %get3A_1407 = arith.index_cast %add3A_1402 : i32 to index
      %get3A_1408 = arith.constant 0 : index
      %get3A_1409 = tpu.vector_load %arg5[%get3A_1407, %get3A_1408] {strides = array<i32>} : memref<128x16xf32, #tpu.memory_space<vmem>>, vector<16xf32>,
      tpu.vector_store_idx %arg9[%add3A_1406, %broadcast_in_dim3A_3], %get3A_1409 : memref<2048x16xf32, #tpu.memory_space<vmem>>[vector<16xi32>, vector<16xi32>], vector<16xf32>,
      %get3A_1410 = arith.index_cast %add3A_1402 : i32 to index
      %get3A_1411 = arith.constant 0 : index
      %get3A_1412 = tpu.vector_load %arg6[%get3A_1410, %get3A_1411] {strides = array<i32>} : memref<128x16xf32, #tpu.memory_space<vmem>>, vector<16xf32>,
      tpu.vector_store_idx %arg9[%add3A_1406, %broadcast_in_dim3A_5], %get3A_1412 : memref<2048x16xf32, #tpu.memory_space<vmem>>[vector<16xi32>, vector<16xi32>], vector<16xf32>,
      %mul3A_1413 = arith.constant 4 : i32
      %mul3A_1414 = arith.muli %scan3A_1385, %mul3A_1413 : i32
      %add3A_1415 = arith.constant 2 : i32
      %add3A_1416 = arith.addi %mul3A_1414, %add3A_1415 : i32
      %mul3A_1417 = arith.constant 16 : i32
      %mul3A_1418 = arith.muli %add3A_1416, %mul3A_1417 : i32
      %broadcast_in_dim3A_1419 = vector.broadcast %mul3A_1418 : i32 to vector<16xi32>
      %add3A_1420 = arith.addi %broadcast_in_dim3A_1419, %iota3A : vector<16xi32>
      %get3A_1421 = arith.index_cast %add3A_1416 : i32 to index
      %get3A_1422 = arith.constant 0 : index
      %get3A_1423 = tpu.vector_load %arg5[%get3A_1421, %get3A_1422] {strides = array<i32>} : memref<128x16xf32, #tpu.memory_space<vmem>>, vector<16xf32>,
      tpu.vector_store_idx %arg9[%add3A_1420, %broadcast_in_dim3A_3], %get3A_1423 : memref<2048x16xf32, #tpu.memory_space<vmem>>[vector<16xi32>, vector<16xi32>], vector<16xf32>,
      %get3A_1424 = arith.index_cast %add3A_1416 : i32 to index
      %get3A_1425 = arith.constant 0 : index
      %get3A_1426 = tpu.vector_load %arg6[%get3A_1424, %get3A_1425] {strides = array<i32>} : memref<128x16xf32, #tpu.memory_space<vmem>>, vector<16xf32>,
      tpu.vector_store_idx %arg9[%add3A_1420, %broadcast_in_dim3A_5], %get3A_1426 : memref<2048x16xf32, #tpu.memory_space<vmem>>[vector<16xi32>, vector<16xi32>], vector<16xf32>,
      %mul3A_1427 = arith.constant 4 : i32
      %mul3A_1428 = arith.muli %scan3A_1385, %mul3A_1427 : i32
      %add3A_1429 = arith.constant 3 : i32
      %add3A_1430 = arith.addi %mul3A_1428, %add3A_1429 : i32
      %mul3A_1431 = arith.constant 16 : i32
      %mul3A_1432 = arith.muli %add3A_1430, %mul3A_1431 : i32
      %broadcast_in_dim3A_1433 = vector.broadcast %mul3A_1432 : i32 to vector<16xi32>
      %add3A_1434 = arith.addi %broadcast_in_dim3A_1433, %iota3A : vector<16xi32>
      %get3A_1435 = arith.index_cast %add3A_1430 : i32 to index
      %get3A_1436 = arith.constant 0 : index
      %get3A_1437 = tpu.vector_load %arg5[%get3A_1435, %get3A_1436] {strides = array<i32>} : memref<128x16xf32, #tpu.memory_space<vmem>>, vector<16xf32>,
      tpu.vector_store_idx %arg9[%add3A_1434, %broadcast_in_dim3A_3], %get3A_1437 : memref<2048x16xf32, #tpu.memory_space<vmem>>[vector<16xi32>, vector<16xi32>], vector<16xf32>,
      %get3A_1438 = arith.index_cast %add3A_1430 : i32 to index
      %get3A_1439 = arith.constant 0 : index
      %get3A_1440 = tpu.vector_load %arg6[%get3A_1438, %get3A_1439] {strides = array<i32>} : memref<128x16xf32, #tpu.memory_space<vmem>>, vector<16xf32>,
      tpu.vector_store_idx %arg9[%add3A_1434, %broadcast_in_dim3A_5], %get3A_1440 : memref<2048x16xf32, #tpu.memory_space<vmem>>[vector<16xi32>, vector<16xi32>], vector<16xf32>,
    }
    %scan3A_1314 = arith.constant 32 : i32
    %add3A_1315 = arith.constant 28672 : i32
    %add3A_1316 = arith.addi %mul3A_2, %add3A_1315 : i32
    %dma_start3A_1317 = arith.constant 0 : i32
    %dma_start3A_1318 = tpu.memref_slice %arg4[%add3A_1316, %dma_start3A_1317] : memref<1048576x16xf32, #tpu.memory_space<hbm>> -> memref<2048x16xf32, #tpu.memory_space<hbm>>
    %dma_start3A_1319 = arith.constant 0 : i32
    %dma_start3A_1320 = tpu.memref_slice %arg4[%add3A_1316, %dma_start3A_1319] : memref<1048576x16xf32, #tpu.memory_space<hbm>> -> memref<2048x16xf32, #tpu.memory_space<hbm>>
    tpu.enqueue_dma source(%arg9 : memref<2048x16xf32, #tpu.memory_space<vmem>>) target(%dma_start3A_1320 : memref<2048x16xf32, #tpu.memory_space<hbm>>) target_semaphore(%arg11 : memref<!tpu.dma_semaphore, #tpu.memory_space<semaphore_mem>>)
    %add3A_1321 = arith.constant 26624 : i32
    %add3A_1322 = arith.addi %mul3A_2, %add3A_1321 : i32
    %dma_wait3A_1323 = arith.constant 0 : i32
    %dma_wait3A_1324 = tpu.memref_slice %arg4[%add3A_1322, %dma_wait3A_1323] : memref<1048576x16xf32, #tpu.memory_space<hbm>> -> memref<2048x16xf32, #tpu.memory_space<hbm>>
    %dma_wait3A_1325 = arith.constant 0 : i32
    %dma_wait3A_1326 = tpu.memref_slice %arg4[%add3A_1322, %dma_wait3A_1325] : memref<1048576x16xf32, #tpu.memory_space<hbm>> -> memref<2048x16xf32, #tpu.memory_space<hbm>>
    tpu.wait_dma2 semaphore(%arg12 : memref<!tpu.dma_semaphore, #tpu.memory_space<semaphore_mem>>) src(%arg10 : memref<2048x16xf32, #tpu.memory_space<vmem>>) dst(%dma_wait3A_1326 : memref<2048x16xf32, #tpu.memory_space<hbm>>)
    %add3A_1327 = arith.constant 30720 : i32
    %add3A_1328 = arith.addi %mul3A_2, %add3A_1327 : i32
    %jit3A_1329 = arith.constant 16 : i32
    %div3A_1330 = arith.divsi %add3A_1328, %jit3A_1329 : i32
    %sign3A_1331 = arith.constant 0 : i32
    %sign3A_1332 = arith.cmpi sgt, %add3A_1328, %sign3A_1331 : i32
    %sign3A_1333 = arith.extui %sign3A_1332 : i1 to i32
    %sign3A_1334 = arith.constant 0 : i32
    %sign3A_1335 = arith.cmpi slt, %add3A_1328, %sign3A_1334 : i32
    %sign3A_1336 = arith.extui %sign3A_1335 : i1 to i32
    %sign3A_1337 = arith.subi %sign3A_1333, %sign3A_1336 : i32
    %sign3A_1338 = arith.constant 0 : i32
    %sign3A_1339 = arith.cmpi sgt, %jit3A_1329, %sign3A_1338 : i32
    %sign3A_1340 = arith.extui %sign3A_1339 : i1 to i32
    %sign3A_1341 = arith.constant 0 : i32
    %sign3A_1342 = arith.cmpi slt, %jit3A_1329, %sign3A_1341 : i32
    %sign3A_1343 = arith.extui %sign3A_1342 : i1 to i32
    %sign3A_1344 = arith.subi %sign3A_1340, %sign3A_1343 : i32
    %ne3A_1345 = arith.cmpi ne, %sign3A_1337, %sign3A_1344 : i32
    %rem3A_1346 = arith.remsi %add3A_1328, %jit3A_1329 : i32
    %ne3A_1347 = arith.constant 0 : i32
    %ne3A_1348 = arith.cmpi ne, %rem3A_1346, %ne3A_1347 : i32
    %and3A_1349 = arith.andi %ne3A_1345, %ne3A_1348 : i1
    %sub3A_1350 = arith.constant 1 : i32
    %sub3A_1351 = arith.subi %div3A_1330, %sub3A_1350 : i32
    %select_n3A_1352 = arith.select %and3A_1349, %sub3A_1351, %div3A_1330 : i32
    %dma_wait3A_1353 = arith.constant 0 : i32
    %dma_wait3A_1354 = tpu.memref_slice %arg2[%select_n3A_1352, %dma_wait3A_1353] : memref<65536x16xf32, #tpu.memory_space<hbm>> -> memref<128x16xf32, #tpu.memory_space<hbm>>
    %dma_wait3A_1355 = arith.constant 0 : i32
    %dma_wait3A_1356 = tpu.memref_slice %arg2[%select_n3A_1352, %dma_wait3A_1355] : memref<65536x16xf32, #tpu.memory_space<hbm>> -> memref<128x16xf32, #tpu.memory_space<hbm>>
    tpu.wait_dma2 semaphore(%arg14 : memref<!tpu.dma_semaphore, #tpu.memory_space<semaphore_mem>>) src(%dma_wait3A_1356 : memref<128x16xf32, #tpu.memory_space<hbm>>) dst(%arg7 : memref<128x16xf32, #tpu.memory_space<vmem>>)
    %dma_wait3A_1357 = arith.constant 0 : i32
    %dma_wait3A_1358 = tpu.memref_slice %arg3[%select_n3A_1352, %dma_wait3A_1357] : memref<65536x16xf32, #tpu.memory_space<hbm>> -> memref<128x16xf32, #tpu.memory_space<hbm>>
    %dma_wait3A_1359 = arith.constant 0 : i32
    %dma_wait3A_1360 = tpu.memref_slice %arg3[%select_n3A_1352, %dma_wait3A_1359] : memref<65536x16xf32, #tpu.memory_space<hbm>> -> memref<128x16xf32, #tpu.memory_space<hbm>>
    tpu.wait_dma2 semaphore(%arg14 : memref<!tpu.dma_semaphore, #tpu.memory_space<semaphore_mem>>) src(%dma_wait3A_1360 : memref<128x16xf32, #tpu.memory_space<hbm>>) dst(%arg8 : memref<128x16xf32, #tpu.memory_space<vmem>>)
    %scan3A_1361 = arith.constant 0 : i32
    %scan3A_1362 = arith.constant 0 : i32
    %scan3A_1363 = arith.constant 32 : i32
    %scan3A_1364 = arith.addi %scan3A_1362, %scan3A_1363 : i32
    %scan3A_1365 = arith.constant 1 : i32
    scf.for %scan3A_1385 = %scan3A_1362 to %scan3A_1364 step %scan3A_1365  : i32 {
      %mul3A_1386 = arith.constant 4 : i32
      %mul3A_1387 = arith.muli %scan3A_1385, %mul3A_1386 : i32
      %add3A_1388 = arith.constant 0 : i32
      %add3A_1389 = arith.addi %mul3A_1387, %add3A_1388 : i32
      %mul3A_1390 = arith.constant 16 : i32
      %mul3A_1391 = arith.muli %add3A_1389, %mul3A_1390 : i32
      %broadcast_in_dim3A_1392 = vector.broadcast %mul3A_1391 : i32 to vector<16xi32>
      %add3A_1393 = arith.addi %broadcast_in_dim3A_1392, %iota3A : vector<16xi32>
      %get3A = arith.index_cast %add3A_1389 : i32 to index
      %get3A_1394 = arith.constant 0 : index
      %get3A_1395 = tpu.vector_load %arg7[%get3A, %get3A_1394] {strides = array<i32>} : memref<128x16xf32, #tpu.memory_space<vmem>>, vector<16xf32>,
      tpu.vector_store_idx %arg10[%add3A_1393, %broadcast_in_dim3A_3], %get3A_1395 : memref<2048x16xf32, #tpu.memory_space<vmem>>[vector<16xi32>, vector<16xi32>], vector<16xf32>,
      %get3A_1396 = arith.index_cast %add3A_1389 : i32 to index
      %get3A_1397 = arith.constant 0 : index
      %get3A_1398 = tpu.vector_load %arg8[%get3A_1396, %get3A_1397] {strides = array<i32>} : memref<128x16xf32, #tpu.memory_space<vmem>>, vector<16xf32>,
      tpu.vector_store_idx %arg10[%add3A_1393, %broadcast_in_dim3A_5], %get3A_1398 : memref<2048x16xf32, #tpu.memory_space<vmem>>[vector<16xi32>, vector<16xi32>], vector<16xf32>,
      %mul3A_1399 = arith.constant 4 : i32
      %mul3A_1400 = arith.muli %scan3A_1385, %mul3A_1399 : i32
      %add3A_1401 = arith.constant 1 : i32
      %add3A_1402 = arith.addi %mul3A_1400, %add3A_1401 : i32
      %mul3A_1403 = arith.constant 16 : i32
      %mul3A_1404 = arith.muli %add3A_1402, %mul3A_1403 : i32
      %broadcast_in_dim3A_1405 = vector.broadcast %mul3A_1404 : i32 to vector<16xi32>
      %add3A_1406 = arith.addi %broadcast_in_dim3A_1405, %iota3A : vector<16xi32>
      %get3A_1407 = arith.index_cast %add3A_1402 : i32 to index
      %get3A_1408 = arith.constant 0 : index
      %get3A_1409 = tpu.vector_load %arg7[%get3A_1407, %get3A_1408] {strides = array<i32>} : memref<128x16xf32, #tpu.memory_space<vmem>>, vector<16xf32>,
      tpu.vector_store_idx %arg10[%add3A_1406, %broadcast_in_dim3A_3], %get3A_1409 : memref<2048x16xf32, #tpu.memory_space<vmem>>[vector<16xi32>, vector<16xi32>], vector<16xf32>,
      %get3A_1410 = arith.index_cast %add3A_1402 : i32 to index
      %get3A_1411 = arith.constant 0 : index
      %get3A_1412 = tpu.vector_load %arg8[%get3A_1410, %get3A_1411] {strides = array<i32>} : memref<128x16xf32, #tpu.memory_space<vmem>>, vector<16xf32>,
      tpu.vector_store_idx %arg10[%add3A_1406, %broadcast_in_dim3A_5], %get3A_1412 : memref<2048x16xf32, #tpu.memory_space<vmem>>[vector<16xi32>, vector<16xi32>], vector<16xf32>,
      %mul3A_1413 = arith.constant 4 : i32
      %mul3A_1414 = arith.muli %scan3A_1385, %mul3A_1413 : i32
      %add3A_1415 = arith.constant 2 : i32
      %add3A_1416 = arith.addi %mul3A_1414, %add3A_1415 : i32
      %mul3A_1417 = arith.constant 16 : i32
      %mul3A_1418 = arith.muli %add3A_1416, %mul3A_1417 : i32
      %broadcast_in_dim3A_1419 = vector.broadcast %mul3A_1418 : i32 to vector<16xi32>
      %add3A_1420 = arith.addi %broadcast_in_dim3A_1419, %iota3A : vector<16xi32>
      %get3A_1421 = arith.index_cast %add3A_1416 : i32 to index
      %get3A_1422 = arith.constant 0 : index
      %get3A_1423 = tpu.vector_load %arg7[%get3A_1421, %get3A_1422] {strides = array<i32>} : memref<128x16xf32, #tpu.memory_space<vmem>>, vector<16xf32>,
      tpu.vector_store_idx %arg10[%add3A_1420, %broadcast_in_dim3A_3], %get3A_1423 : memref<2048x16xf32, #tpu.memory_space<vmem>>[vector<16xi32>, vector<16xi32>], vector<16xf32>,
      %get3A_1424 = arith.index_cast %add3A_1416 : i32 to index
      %get3A_1425 = arith.constant 0 : index
      %get3A_1426 = tpu.vector_load %arg8[%get3A_1424, %get3A_1425] {strides = array<i32>} : memref<128x16xf32, #tpu.memory_space<vmem>>, vector<16xf32>,
      tpu.vector_store_idx %arg10[%add3A_1420, %broadcast_in_dim3A_5], %get3A_1426 : memref<2048x16xf32, #tpu.memory_space<vmem>>[vector<16xi32>, vector<16xi32>], vector<16xf32>,
      %mul3A_1427 = arith.constant 4 : i32
      %mul3A_1428 = arith.muli %scan3A_1385, %mul3A_1427 : i32
      %add3A_1429 = arith.constant 3 : i32
      %add3A_1430 = arith.addi %mul3A_1428, %add3A_1429 : i32
      %mul3A_1431 = arith.constant 16 : i32
      %mul3A_1432 = arith.muli %add3A_1430, %mul3A_1431 : i32
      %broadcast_in_dim3A_1433 = vector.broadcast %mul3A_1432 : i32 to vector<16xi32>
      %add3A_1434 = arith.addi %broadcast_in_dim3A_1433, %iota3A : vector<16xi32>
      %get3A_1435 = arith.index_cast %add3A_1430 : i32 to index
      %get3A_1436 = arith.constant 0 : index
      %get3A_1437 = tpu.vector_load %arg7[%get3A_1435, %get3A_1436] {strides = array<i32>} : memref<128x16xf32, #tpu.memory_space<vmem>>, vector<16xf32>,
      tpu.vector_store_idx %arg10[%add3A_1434, %broadcast_in_dim3A_3], %get3A_1437 : memref<2048x16xf32, #tpu.memory_space<vmem>>[vector<16xi32>, vector<16xi32>], vector<16xf32>,
      %get3A_1438 = arith.index_cast %add3A_1430 : i32 to index
      %get3A_1439 = arith.constant 0 : index
      %get3A_1440 = tpu.vector_load %arg8[%get3A_1438, %get3A_1439] {strides = array<i32>} : memref<128x16xf32, #tpu.memory_space<vmem>>, vector<16xf32>,
      tpu.vector_store_idx %arg10[%add3A_1434, %broadcast_in_dim3A_5], %get3A_1440 : memref<2048x16xf32, #tpu.memory_space<vmem>>[vector<16xi32>, vector<16xi32>], vector<16xf32>,
    }
    %scan3A_1366 = arith.constant 32 : i32
    %add3A_1367 = arith.constant 30720 : i32
    %add3A_1368 = arith.addi %mul3A_2, %add3A_1367 : i32
    %dma_start3A_1369 = arith.constant 0 : i32
    %dma_start3A_1370 = tpu.memref_slice %arg4[%add3A_1368, %dma_start3A_1369] : memref<1048576x16xf32, #tpu.memory_space<hbm>> -> memref<2048x16xf32, #tpu.memory_space<hbm>>
    %dma_start3A_1371 = arith.constant 0 : i32
    %dma_start3A_1372 = tpu.memref_slice %arg4[%add3A_1368, %dma_start3A_1371] : memref<1048576x16xf32, #tpu.memory_space<hbm>> -> memref<2048x16xf32, #tpu.memory_space<hbm>>
    tpu.enqueue_dma source(%arg10 : memref<2048x16xf32, #tpu.memory_space<vmem>>) target(%dma_start3A_1372 : memref<2048x16xf32, #tpu.memory_space<hbm>>) target_semaphore(%arg12 : memref<!tpu.dma_semaphore, #tpu.memory_space<semaphore_mem>>)
    %add3A_1373 = arith.constant 28672 : i32
    %add3A_1374 = arith.addi %mul3A_2, %add3A_1373 : i32
    %dma_wait3A_1375 = arith.constant 0 : i32
    %dma_wait3A_1376 = tpu.memref_slice %arg4[%add3A_1374, %dma_wait3A_1375] : memref<1048576x16xf32, #tpu.memory_space<hbm>> -> memref<2048x16xf32, #tpu.memory_space<hbm>>
    %dma_wait3A_1377 = arith.constant 0 : i32
    %dma_wait3A_1378 = tpu.memref_slice %arg4[%add3A_1374, %dma_wait3A_1377] : memref<1048576x16xf32, #tpu.memory_space<hbm>> -> memref<2048x16xf32, #tpu.memory_space<hbm>>
    tpu.wait_dma2 semaphore(%arg11 : memref<!tpu.dma_semaphore, #tpu.memory_space<semaphore_mem>>) src(%arg9 : memref<2048x16xf32, #tpu.memory_space<vmem>>) dst(%dma_wait3A_1378 : memref<2048x16xf32, #tpu.memory_space<hbm>>)
    %add3A_1379 = arith.constant 30720 : i32
    %add3A_1380 = arith.addi %mul3A_2, %add3A_1379 : i32
    %dma_wait3A_1381 = arith.constant 0 : i32
    %dma_wait3A_1382 = tpu.memref_slice %arg4[%add3A_1380, %dma_wait3A_1381] : memref<1048576x16xf32, #tpu.memory_space<hbm>> -> memref<2048x16xf32, #tpu.memory_space<hbm>>
    %dma_wait3A_1383 = arith.constant 0 : i32
    %dma_wait3A_1384 = tpu.memref_slice %arg4[%add3A_1380, %dma_wait3A_1383] : memref<1048576x16xf32, #tpu.memory_space<hbm>> -> memref<2048x16xf32, #tpu.memory_space<hbm>>
    tpu.wait_dma2 semaphore(%arg12 : memref<!tpu.dma_semaphore, #tpu.memory_space<semaphore_mem>>) src(%arg10 : memref<2048x16xf32, #tpu.memory_space<vmem>>) dst(%dma_wait3A_1384 : memref<2048x16xf32, #tpu.memory_space<hbm>>)
    return
  }
}

#map = affine_map<(d0, d1) -> (0)>
#map1 = affine_map<(d0, d1) -> (0, 0)>
module attributes {stable_mosaic.version = 14 : i64} {
  func.func @k(%arg0: i32, %arg1: i32, %arg2: memref<819200xi32, #tpu.memory_space<hbm>>, %arg3: memref<1048576x16xf32, #tpu.memory_space<hbm>>, %arg4: memref<4096x16xf32, #tpu.memory_space<hbm>>, %arg5: memref<25600xi32, #tpu.memory_space<vmem>>, %arg6: memref<200x16xf32, #tpu.memory_space<vmem>>, %arg7: memref<200x16xf32, #tpu.memory_space<vmem>>, %arg8: memref<200x16xf32, #tpu.memory_space<vmem>>, %arg9: memref<200x16xf32, #tpu.memory_space<vmem>>, %arg10: memref<128x16xf32, #tpu.memory_space<vmem>>, %arg11: memref<!tpu.dma_semaphore, #tpu.memory_space<semaphore_mem>>, %arg12: memref<!tpu.dma_semaphore, #tpu.memory_space<semaphore_mem>>, %arg13: memref<!tpu.dma_semaphore, #tpu.memory_space<semaphore_mem>>, %arg14: memref<!tpu.dma_semaphore, #tpu.memory_space<semaphore_mem>>) attributes {dimension_semantics = [#tpu.dimension_semantics<core_parallel>, #tpu.dimension_semantics<subcore_parallel>], iteration_bounds = array<i64: 2, 16>, scalar_prefetch = 0 : i64, scratch_operands = 10 : i64, tpu.core_type = #tpu.core_type<sc_vector_subcore>, window_params = [{transform_indices = #map}, {transform_indices = #map1}, {transform_indices = #map1}]} {
    %mul3A = arith.constant 2 : i32
    %mul3A_0 = arith.muli %arg1, %mul3A : i32
    %add3A = arith.addi %mul3A_0, %arg0 : i32
    %mul3A_1 = arith.constant 25600 : i32
    %mul3A_2 = arith.muli %add3A, %mul3A_1 : i32
    "tpu.region"() ({
      %run_scoped3A = tpu.sem_alloc : memref<!tpu.dma_semaphore, #tpu.memory_space<semaphore_mem>>
      %dma_start3A_56 = tpu.memref_slice %arg2[%mul3A_2] : memref<819200xi32, #tpu.memory_space<hbm>> -> memref<25600xi32, #tpu.memory_space<hbm>>
      %dma_start3A_57 = tpu.memref_slice %arg2[%mul3A_2] : memref<819200xi32, #tpu.memory_space<hbm>> -> memref<25600xi32, #tpu.memory_space<hbm>>
      tpu.enqueue_dma source(%dma_start3A_57 : memref<25600xi32, #tpu.memory_space<hbm>>) target(%arg5 : memref<25600xi32, #tpu.memory_space<vmem>>) target_semaphore(%run_scoped3A : memref<!tpu.dma_semaphore, #tpu.memory_space<semaphore_mem>>)
      %dma_wait3A = tpu.memref_slice %arg2[%mul3A_2] : memref<819200xi32, #tpu.memory_space<hbm>> -> memref<25600xi32, #tpu.memory_space<hbm>>
      %dma_wait3A_58 = tpu.memref_slice %arg2[%mul3A_2] : memref<819200xi32, #tpu.memory_space<hbm>> -> memref<25600xi32, #tpu.memory_space<hbm>>
      tpu.wait_dma2 semaphore(%run_scoped3A : memref<!tpu.dma_semaphore, #tpu.memory_space<semaphore_mem>>) src(%dma_wait3A_58 : memref<25600xi32, #tpu.memory_space<hbm>>) dst(%arg5 : memref<25600xi32, #tpu.memory_space<vmem>>)
      tpu.yield
    }) : () -> ()
    %dma_start3A = arith.constant 0 : i32
    %dma_start3A_3 = arith.constant 0 : i32
    %dma_start3A_4 = tpu.memref_slice %arg6[%dma_start3A, %dma_start3A_3] : memref<200x16xf32, #tpu.memory_space<vmem>> -> memref<104x16xf32, #tpu.memory_space<vmem>>
    %dma_start3A_5 = arith.constant 0 : i32
    %dma_start3A_6 = tpu.memref_slice %arg5[%dma_start3A_5] : memref<25600xi32, #tpu.memory_space<vmem>> -> memref<104xi32, #tpu.memory_space<vmem>>
    %dma_start3A_7 = arith.constant 0 : i32
    %dma_start3A_8 = arith.constant 0 : i32
    %dma_start3A_9 = tpu.memref_slice %arg3[%dma_start3A_7, %dma_start3A_8] : memref<1048576x16xf32, #tpu.memory_space<hbm>> -> memref<1048576x16xf32, #tpu.memory_space<hbm>>
    tpu.enqueue_indirect_dma source(%dma_start3A_9 : memref<1048576x16xf32, #tpu.memory_space<hbm>>) target(%dma_start3A_4 : memref<104x16xf32, #tpu.memory_space<vmem>>) offsets(%dma_start3A_6 : memref<104xi32, #tpu.memory_space<vmem>>) semaphore(%arg11 : memref<!tpu.dma_semaphore, #tpu.memory_space<semaphore_mem>>)
    %dma_start3A_10 = arith.constant 104 : i32
    %dma_start3A_11 = arith.constant 0 : i32
    %dma_start3A_12 = tpu.memref_slice %arg6[%dma_start3A_10, %dma_start3A_11] : memref<200x16xf32, #tpu.memory_space<vmem>> -> memref<96x16xf32, #tpu.memory_space<vmem>>
    %dma_start3A_13 = arith.constant 104 : i32
    %dma_start3A_14 = tpu.memref_slice %arg5[%dma_start3A_13] : memref<25600xi32, #tpu.memory_space<vmem>> -> memref<96xi32, #tpu.memory_space<vmem>>
    %dma_start3A_15 = arith.constant 0 : i32
    %dma_start3A_16 = arith.constant 0 : i32
    %dma_start3A_17 = tpu.memref_slice %arg3[%dma_start3A_15, %dma_start3A_16] : memref<1048576x16xf32, #tpu.memory_space<hbm>> -> memref<1048576x16xf32, #tpu.memory_space<hbm>>
    tpu.enqueue_indirect_dma source(%dma_start3A_17 : memref<1048576x16xf32, #tpu.memory_space<hbm>>) target(%dma_start3A_12 : memref<96x16xf32, #tpu.memory_space<vmem>>) offsets(%dma_start3A_14 : memref<96xi32, #tpu.memory_space<vmem>>) semaphore(%arg11 : memref<!tpu.dma_semaphore, #tpu.memory_space<semaphore_mem>>)
    %dma_start3A_18 = arith.constant 0 : i32
    %dma_start3A_19 = arith.constant 0 : i32
    %dma_start3A_20 = tpu.memref_slice %arg7[%dma_start3A_18, %dma_start3A_19] : memref<200x16xf32, #tpu.memory_space<vmem>> -> memref<104x16xf32, #tpu.memory_space<vmem>>
    %dma_start3A_21 = arith.constant 200 : i32
    %dma_start3A_22 = tpu.memref_slice %arg5[%dma_start3A_21] : memref<25600xi32, #tpu.memory_space<vmem>> -> memref<104xi32, #tpu.memory_space<vmem>>
    %dma_start3A_23 = arith.constant 0 : i32
    %dma_start3A_24 = arith.constant 0 : i32
    %dma_start3A_25 = tpu.memref_slice %arg3[%dma_start3A_23, %dma_start3A_24] : memref<1048576x16xf32, #tpu.memory_space<hbm>> -> memref<1048576x16xf32, #tpu.memory_space<hbm>>
    tpu.enqueue_indirect_dma source(%dma_start3A_25 : memref<1048576x16xf32, #tpu.memory_space<hbm>>) target(%dma_start3A_20 : memref<104x16xf32, #tpu.memory_space<vmem>>) offsets(%dma_start3A_22 : memref<104xi32, #tpu.memory_space<vmem>>) semaphore(%arg12 : memref<!tpu.dma_semaphore, #tpu.memory_space<semaphore_mem>>)
    %dma_start3A_26 = arith.constant 104 : i32
    %dma_start3A_27 = arith.constant 0 : i32
    %dma_start3A_28 = tpu.memref_slice %arg7[%dma_start3A_26, %dma_start3A_27] : memref<200x16xf32, #tpu.memory_space<vmem>> -> memref<96x16xf32, #tpu.memory_space<vmem>>
    %dma_start3A_29 = arith.constant 304 : i32
    %dma_start3A_30 = tpu.memref_slice %arg5[%dma_start3A_29] : memref<25600xi32, #tpu.memory_space<vmem>> -> memref<96xi32, #tpu.memory_space<vmem>>
    %dma_start3A_31 = arith.constant 0 : i32
    %dma_start3A_32 = arith.constant 0 : i32
    %dma_start3A_33 = tpu.memref_slice %arg3[%dma_start3A_31, %dma_start3A_32] : memref<1048576x16xf32, #tpu.memory_space<hbm>> -> memref<1048576x16xf32, #tpu.memory_space<hbm>>
    tpu.enqueue_indirect_dma source(%dma_start3A_33 : memref<1048576x16xf32, #tpu.memory_space<hbm>>) target(%dma_start3A_28 : memref<96x16xf32, #tpu.memory_space<vmem>>) offsets(%dma_start3A_30 : memref<96xi32, #tpu.memory_space<vmem>>) semaphore(%arg12 : memref<!tpu.dma_semaphore, #tpu.memory_space<semaphore_mem>>)
    %dma_start3A_34 = arith.constant 0 : i32
    %dma_start3A_35 = arith.constant 0 : i32
    %dma_start3A_36 = tpu.memref_slice %arg8[%dma_start3A_34, %dma_start3A_35] : memref<200x16xf32, #tpu.memory_space<vmem>> -> memref<104x16xf32, #tpu.memory_space<vmem>>
    %dma_start3A_37 = arith.constant 400 : i32
    %dma_start3A_38 = tpu.memref_slice %arg5[%dma_start3A_37] : memref<25600xi32, #tpu.memory_space<vmem>> -> memref<104xi32, #tpu.memory_space<vmem>>
    %dma_start3A_39 = arith.constant 0 : i32
    %dma_start3A_40 = arith.constant 0 : i32
    %dma_start3A_41 = tpu.memref_slice %arg3[%dma_start3A_39, %dma_start3A_40] : memref<1048576x16xf32, #tpu.memory_space<hbm>> -> memref<1048576x16xf32, #tpu.memory_space<hbm>>
    tpu.enqueue_indirect_dma source(%dma_start3A_41 : memref<1048576x16xf32, #tpu.memory_space<hbm>>) target(%dma_start3A_36 : memref<104x16xf32, #tpu.memory_space<vmem>>) offsets(%dma_start3A_38 : memref<104xi32, #tpu.memory_space<vmem>>) semaphore(%arg13 : memref<!tpu.dma_semaphore, #tpu.memory_space<semaphore_mem>>)
    %dma_start3A_42 = arith.constant 104 : i32
    %dma_start3A_43 = arith.constant 0 : i32
    %dma_start3A_44 = tpu.memref_slice %arg8[%dma_start3A_42, %dma_start3A_43] : memref<200x16xf32, #tpu.memory_space<vmem>> -> memref<96x16xf32, #tpu.memory_space<vmem>>
    %dma_start3A_45 = arith.constant 504 : i32
    %dma_start3A_46 = tpu.memref_slice %arg5[%dma_start3A_45] : memref<25600xi32, #tpu.memory_space<vmem>> -> memref<96xi32, #tpu.memory_space<vmem>>
    %dma_start3A_47 = arith.constant 0 : i32
    %dma_start3A_48 = arith.constant 0 : i32
    %dma_start3A_49 = tpu.memref_slice %arg3[%dma_start3A_47, %dma_start3A_48] : memref<1048576x16xf32, #tpu.memory_space<hbm>> -> memref<1048576x16xf32, #tpu.memory_space<hbm>>
    tpu.enqueue_indirect_dma source(%dma_start3A_49 : memref<1048576x16xf32, #tpu.memory_space<hbm>>) target(%dma_start3A_44 : memref<96x16xf32, #tpu.memory_space<vmem>>) offsets(%dma_start3A_46 : memref<96xi32, #tpu.memory_space<vmem>>) semaphore(%arg13 : memref<!tpu.dma_semaphore, #tpu.memory_space<semaphore_mem>>)
    %scan3A = arith.constant 0 : i32
    %scan3A_50 = arith.constant 32 : i32
    %scan3A_51 = arith.addi %scan3A, %scan3A_50 : i32
    %scan3A_52 = arith.constant 1 : i32
    scf.for %scan3A_56 = %scan3A to %scan3A_51 step %scan3A_52  : i32 {
      %mul3A_57 = arith.constant 4 : i32
      %mul3A_58 = arith.muli %scan3A_56, %mul3A_57 : i32
      %add3A_59 = arith.constant 0 : i32
      %add3A_60 = arith.addi %add3A_59, %mul3A_58 : i32
      %add3A_61 = arith.constant 0 : i32
      %add3A_62 = arith.addi %add3A_60, %add3A_61 : i32
      %add3A_63 = arith.constant 3 : i32
      %add3A_64 = arith.addi %add3A_62, %add3A_63 : i32
      %lt3A = arith.constant 128 : i32
      %lt3A_65 = arith.cmpi slt, %add3A_64, %lt3A : i32
      %convert_element_type3A = arith.extui %lt3A_65 : i1 to i32
      %cond3A = arith.constant 0 : i32
      %cond3A_66 = arith.cmpi ne, %convert_element_type3A, %cond3A : i32
      scf.if %cond3A_66 {
        %add3A_259 = arith.constant 0 : i32
        %add3A_260 = arith.addi %add3A_60, %add3A_259 : i32
        %add3A_261 = arith.constant 3 : i32
        %add3A_262 = arith.addi %add3A_260, %add3A_261 : i32
        %mul3A_263 = arith.constant 200 : i32
        %mul3A_264 = arith.muli %add3A_262, %mul3A_263 : i32
        %dma_start3A_265 = arith.constant 0 : i32
        %dma_start3A_266 = arith.constant 0 : i32
        %dma_start3A_267 = tpu.memref_slice %arg9[%dma_start3A_265, %dma_start3A_266] : memref<200x16xf32, #tpu.memory_space<vmem>> -> memref<104x16xf32, #tpu.memory_space<vmem>>
        %dma_start3A_268 = tpu.memref_slice %arg5[%mul3A_264] : memref<25600xi32, #tpu.memory_space<vmem>> -> memref<104xi32, #tpu.memory_space<vmem>>
        %dma_start3A_269 = arith.constant 0 : i32
        %dma_start3A_270 = arith.constant 0 : i32
        %dma_start3A_271 = tpu.memref_slice %arg3[%dma_start3A_269, %dma_start3A_270] : memref<1048576x16xf32, #tpu.memory_space<hbm>> -> memref<1048576x16xf32, #tpu.memory_space<hbm>>
        tpu.enqueue_indirect_dma source(%dma_start3A_271 : memref<1048576x16xf32, #tpu.memory_space<hbm>>) target(%dma_start3A_267 : memref<104x16xf32, #tpu.memory_space<vmem>>) offsets(%dma_start3A_268 : memref<104xi32, #tpu.memory_space<vmem>>) semaphore(%arg14 : memref<!tpu.dma_semaphore, #tpu.memory_space<semaphore_mem>>)
        %add3A_272 = arith.constant 104 : i32
        %add3A_273 = arith.addi %mul3A_264, %add3A_272 : i32
        %dma_start3A_274 = arith.constant 104 : i32
        %dma_start3A_275 = arith.constant 0 : i32
        %dma_start3A_276 = tpu.memref_slice %arg9[%dma_start3A_274, %dma_start3A_275] : memref<200x16xf32, #tpu.memory_space<vmem>> -> memref<96x16xf32, #tpu.memory_space<vmem>>
        %dma_start3A_277 = tpu.memref_slice %arg5[%add3A_273] : memref<25600xi32, #tpu.memory_space<vmem>> -> memref<96xi32, #tpu.memory_space<vmem>>
        %dma_start3A_278 = arith.constant 0 : i32
        %dma_start3A_279 = arith.constant 0 : i32
        %dma_start3A_280 = tpu.memref_slice %arg3[%dma_start3A_278, %dma_start3A_279] : memref<1048576x16xf32, #tpu.memory_space<hbm>> -> memref<1048576x16xf32, #tpu.memory_space<hbm>>
        tpu.enqueue_indirect_dma source(%dma_start3A_280 : memref<1048576x16xf32, #tpu.memory_space<hbm>>) target(%dma_start3A_276 : memref<96x16xf32, #tpu.memory_space<vmem>>) offsets(%dma_start3A_277 : memref<96xi32, #tpu.memory_space<vmem>>) semaphore(%arg14 : memref<!tpu.dma_semaphore, #tpu.memory_space<semaphore_mem>>)
      } else {
      }
      %add3A_67 = arith.constant 0 : i32
      %add3A_68 = arith.addi %add3A_60, %add3A_67 : i32
      %mul3A_69 = arith.constant 200 : i32
      %mul3A_70 = arith.muli %add3A_68, %mul3A_69 : i32
      %dma_wait3A = arith.constant 0 : i32
      %dma_wait3A_71 = arith.constant 0 : i32
      %dma_wait3A_72 = tpu.memref_slice %arg6[%dma_wait3A, %dma_wait3A_71] : memref<200x16xf32, #tpu.memory_space<vmem>> -> memref<104x16xf32, #tpu.memory_space<vmem>>
      %dma_wait3A_73 = tpu.memref_slice %arg5[%mul3A_70] : memref<25600xi32, #tpu.memory_space<vmem>> -> memref<104xi32, #tpu.memory_space<vmem>>
      %dma_wait3A_74 = arith.constant 0 : i32
      %dma_wait3A_75 = arith.constant 0 : i32
      %dma_wait3A_76 = tpu.memref_slice %arg3[%dma_wait3A_74, %dma_wait3A_75] : memref<1048576x16xf32, #tpu.memory_space<hbm>> -> memref<1048576x16xf32, #tpu.memory_space<hbm>>
      tpu.wait_indirect_dma semaphore(%arg11 : memref<!tpu.dma_semaphore, #tpu.memory_space<semaphore_mem>>) src(%dma_wait3A_76 : memref<1048576x16xf32, #tpu.memory_space<hbm>>) dst(%dma_wait3A_72 : memref<104x16xf32, #tpu.memory_space<vmem>>)
      %add3A_77 = arith.constant 104 : i32
      %add3A_78 = arith.addi %mul3A_70, %add3A_77 : i32
      %dma_wait3A_79 = arith.constant 104 : i32
      %dma_wait3A_80 = arith.constant 0 : i32
      %dma_wait3A_81 = tpu.memref_slice %arg6[%dma_wait3A_79, %dma_wait3A_80] : memref<200x16xf32, #tpu.memory_space<vmem>> -> memref<96x16xf32, #tpu.memory_space<vmem>>
      %dma_wait3A_82 = tpu.memref_slice %arg5[%add3A_78] : memref<25600xi32, #tpu.memory_space<vmem>> -> memref<96xi32, #tpu.memory_space<vmem>>
      %dma_wait3A_83 = arith.constant 0 : i32
      %dma_wait3A_84 = arith.constant 0 : i32
      %dma_wait3A_85 = tpu.memref_slice %arg3[%dma_wait3A_83, %dma_wait3A_84] : memref<1048576x16xf32, #tpu.memory_space<hbm>> -> memref<1048576x16xf32, #tpu.memory_space<hbm>>
      tpu.wait_indirect_dma semaphore(%arg11 : memref<!tpu.dma_semaphore, #tpu.memory_space<semaphore_mem>>) src(%dma_wait3A_85 : memref<1048576x16xf32, #tpu.memory_space<hbm>>) dst(%dma_wait3A_81 : memref<96x16xf32, #tpu.memory_space<vmem>>)
      %add3A_86 = arith.constant 0 : i32
      %add3A_87 = arith.addi %add3A_60, %add3A_86 : i32
      %broadcast_in_dim3A = arith.constant 0.000000e+00 : f32
      %broadcast_in_dim3A_88 = vector.broadcast %broadcast_in_dim3A : f32 to vector<16xf32>
      %broadcast_in_dim3A_89 = arith.constant 0.000000e+00 : f32
      %broadcast_in_dim3A_90 = vector.broadcast %broadcast_in_dim3A_89 : f32 to vector<16xf32>
      %broadcast_in_dim3A_91 = arith.constant 0.000000e+00 : f32
      %broadcast_in_dim3A_92 = vector.broadcast %broadcast_in_dim3A_91 : f32 to vector<16xf32>
      %broadcast_in_dim3A_93 = arith.constant 0.000000e+00 : f32
      %broadcast_in_dim3A_94 = vector.broadcast %broadcast_in_dim3A_93 : f32 to vector<16xf32>
      %scan3A_95 = arith.constant 0 : i32
      %scan3A_96 = arith.constant 25 : i32
      %scan3A_97 = arith.addi %scan3A_95, %scan3A_96 : i32
      %scan3A_98 = arith.constant 1 : i32
      %scan3A_99:4 = scf.for %scan3A_259 = %scan3A_95 to %scan3A_97 step %scan3A_98 iter_args(%scan3A_260 = %broadcast_in_dim3A_88, %scan3A_261 = %broadcast_in_dim3A_90, %scan3A_262 = %broadcast_in_dim3A_92, %scan3A_263 = %broadcast_in_dim3A_94) -> (vector<16xf32>, vector<16xf32>, vector<16xf32>, vector<16xf32>)  : i32 {
        %mul3A_264 = arith.constant 8 : i32
        %mul3A_265 = arith.muli %scan3A_259, %mul3A_264 : i32
        %add3A_266 = arith.constant 0 : i32
        %add3A_267 = arith.addi %mul3A_265, %add3A_266 : i32
        %get3A = arith.index_cast %add3A_267 : i32 to index
        %get3A_268 = arith.constant 0 : index
        %get3A_269 = tpu.vector_load %arg6[%get3A, %get3A_268] {strides = array<i32>} : memref<200x16xf32, #tpu.memory_space<vmem>>, vector<16xf32>,
        %add3A_270 = arith.addf %scan3A_260, %get3A_269 : vector<16xf32>
        %mul3A_271 = arith.constant 8 : i32
        %mul3A_272 = arith.muli %scan3A_259, %mul3A_271 : i32
        %add3A_273 = arith.constant 1 : i32
        %add3A_274 = arith.addi %mul3A_272, %add3A_273 : i32
        %get3A_275 = arith.index_cast %add3A_274 : i32 to index
        %get3A_276 = arith.constant 0 : index
        %get3A_277 = tpu.vector_load %arg6[%get3A_275, %get3A_276] {strides = array<i32>} : memref<200x16xf32, #tpu.memory_space<vmem>>, vector<16xf32>,
        %add3A_278 = arith.addf %scan3A_261, %get3A_277 : vector<16xf32>
        %mul3A_279 = arith.constant 8 : i32
        %mul3A_280 = arith.muli %scan3A_259, %mul3A_279 : i32
        %add3A_281 = arith.constant 2 : i32
        %add3A_282 = arith.addi %mul3A_280, %add3A_281 : i32
        %get3A_283 = arith.index_cast %add3A_282 : i32 to index
        %get3A_284 = arith.constant 0 : index
        %get3A_285 = tpu.vector_load %arg6[%get3A_283, %get3A_284] {strides = array<i32>} : memref<200x16xf32, #tpu.memory_space<vmem>>, vector<16xf32>,
        %add3A_286 = arith.addf %scan3A_262, %get3A_285 : vector<16xf32>
        %mul3A_287 = arith.constant 8 : i32
        %mul3A_288 = arith.muli %scan3A_259, %mul3A_287 : i32
        %add3A_289 = arith.constant 3 : i32
        %add3A_290 = arith.addi %mul3A_288, %add3A_289 : i32
        %get3A_291 = arith.index_cast %add3A_290 : i32 to index
        %get3A_292 = arith.constant 0 : index
        %get3A_293 = tpu.vector_load %arg6[%get3A_291, %get3A_292] {strides = array<i32>} : memref<200x16xf32, #tpu.memory_space<vmem>>, vector<16xf32>,
        %add3A_294 = arith.addf %scan3A_263, %get3A_293 : vector<16xf32>
        %mul3A_295 = arith.constant 8 : i32
        %mul3A_296 = arith.muli %scan3A_259, %mul3A_295 : i32
        %add3A_297 = arith.constant 4 : i32
        %add3A_298 = arith.addi %mul3A_296, %add3A_297 : i32
        %get3A_299 = arith.index_cast %add3A_298 : i32 to index
        %get3A_300 = arith.constant 0 : index
        %get3A_301 = tpu.vector_load %arg6[%get3A_299, %get3A_300] {strides = array<i32>} : memref<200x16xf32, #tpu.memory_space<vmem>>, vector<16xf32>,
        %add3A_302 = arith.addf %add3A_270, %get3A_301 : vector<16xf32>
        %mul3A_303 = arith.constant 8 : i32
        %mul3A_304 = arith.muli %scan3A_259, %mul3A_303 : i32
        %add3A_305 = arith.constant 5 : i32
        %add3A_306 = arith.addi %mul3A_304, %add3A_305 : i32
        %get3A_307 = arith.index_cast %add3A_306 : i32 to index
        %get3A_308 = arith.constant 0 : index
        %get3A_309 = tpu.vector_load %arg6[%get3A_307, %get3A_308] {strides = array<i32>} : memref<200x16xf32, #tpu.memory_space<vmem>>, vector<16xf32>,
        %add3A_310 = arith.addf %add3A_278, %get3A_309 : vector<16xf32>
        %mul3A_311 = arith.constant 8 : i32
        %mul3A_312 = arith.muli %scan3A_259, %mul3A_311 : i32
        %add3A_313 = arith.constant 6 : i32
        %add3A_314 = arith.addi %mul3A_312, %add3A_313 : i32
        %get3A_315 = arith.index_cast %add3A_314 : i32 to index
        %get3A_316 = arith.constant 0 : index
        %get3A_317 = tpu.vector_load %arg6[%get3A_315, %get3A_316] {strides = array<i32>} : memref<200x16xf32, #tpu.memory_space<vmem>>, vector<16xf32>,
        %add3A_318 = arith.addf %add3A_286, %get3A_317 : vector<16xf32>
        %mul3A_319 = arith.constant 8 : i32
        %mul3A_320 = arith.muli %scan3A_259, %mul3A_319 : i32
        %add3A_321 = arith.constant 7 : i32
        %add3A_322 = arith.addi %mul3A_320, %add3A_321 : i32
        %get3A_323 = arith.index_cast %add3A_322 : i32 to index
        %get3A_324 = arith.constant 0 : index
        %get3A_325 = tpu.vector_load %arg6[%get3A_323, %get3A_324] {strides = array<i32>} : memref<200x16xf32, #tpu.memory_space<vmem>>, vector<16xf32>,
        %add3A_326 = arith.addf %add3A_294, %get3A_325 : vector<16xf32>
        scf.yield %add3A_302, %add3A_310, %add3A_318, %add3A_326 : vector<16xf32>, vector<16xf32>, vector<16xf32>, vector<16xf32>
      }
      %scan3A_100 = arith.constant 25 : i32
      %add3A_101 = arith.addf %scan3A_99#0, %scan3A_99#1 : vector<16xf32>
      %add3A_102 = arith.addf %scan3A_99#2, %scan3A_99#3 : vector<16xf32>
      %add3A_103 = arith.addf %add3A_101, %add3A_102 : vector<16xf32>
      %swap3A = arith.index_cast %add3A_87 : i32 to index
      %swap3A_104 = arith.constant 0 : index
      %swap3A_105 = tpu.vector_load %arg10[%swap3A, %swap3A_104] {strides = array<i32>} : memref<128x16xf32, #tpu.memory_space<vmem>>, vector<16xf32>,
      tpu.vector_store %arg10[%swap3A, %swap3A_104], %add3A_103 {strides = array<i32>} : memref<128x16xf32, #tpu.memory_space<vmem>>, vector<16xf32>,
      %add3A_106 = arith.constant 1 : i32
      %add3A_107 = arith.addi %add3A_60, %add3A_106 : i32
      %add3A_108 = arith.constant 3 : i32
      %add3A_109 = arith.addi %add3A_107, %add3A_108 : i32
      %lt3A_110 = arith.constant 128 : i32
      %lt3A_111 = arith.cmpi slt, %add3A_109, %lt3A_110 : i32
      %convert_element_type3A_112 = arith.extui %lt3A_111 : i1 to i32
      %cond3A_113 = arith.constant 0 : i32
      %cond3A_114 = arith.cmpi ne, %convert_element_type3A_112, %cond3A_113 : i32
      scf.if %cond3A_114 {
        %add3A_259 = arith.constant 1 : i32
        %add3A_260 = arith.addi %add3A_60, %add3A_259 : i32
        %add3A_261 = arith.constant 3 : i32
        %add3A_262 = arith.addi %add3A_260, %add3A_261 : i32
        %mul3A_263 = arith.constant 200 : i32
        %mul3A_264 = arith.muli %add3A_262, %mul3A_263 : i32
        %dma_start3A_265 = arith.constant 0 : i32
        %dma_start3A_266 = arith.constant 0 : i32
        %dma_start3A_267 = tpu.memref_slice %arg6[%dma_start3A_265, %dma_start3A_266] : memref<200x16xf32, #tpu.memory_space<vmem>> -> memref<104x16xf32, #tpu.memory_space<vmem>>
        %dma_start3A_268 = tpu.memref_slice %arg5[%mul3A_264] : memref<25600xi32, #tpu.memory_space<vmem>> -> memref<104xi32, #tpu.memory_space<vmem>>
        %dma_start3A_269 = arith.constant 0 : i32
        %dma_start3A_270 = arith.constant 0 : i32
        %dma_start3A_271 = tpu.memref_slice %arg3[%dma_start3A_269, %dma_start3A_270] : memref<1048576x16xf32, #tpu.memory_space<hbm>> -> memref<1048576x16xf32, #tpu.memory_space<hbm>>
        tpu.enqueue_indirect_dma source(%dma_start3A_271 : memref<1048576x16xf32, #tpu.memory_space<hbm>>) target(%dma_start3A_267 : memref<104x16xf32, #tpu.memory_space<vmem>>) offsets(%dma_start3A_268 : memref<104xi32, #tpu.memory_space<vmem>>) semaphore(%arg11 : memref<!tpu.dma_semaphore, #tpu.memory_space<semaphore_mem>>)
        %add3A_272 = arith.constant 104 : i32
        %add3A_273 = arith.addi %mul3A_264, %add3A_272 : i32
        %dma_start3A_274 = arith.constant 104 : i32
        %dma_start3A_275 = arith.constant 0 : i32
        %dma_start3A_276 = tpu.memref_slice %arg6[%dma_start3A_274, %dma_start3A_275] : memref<200x16xf32, #tpu.memory_space<vmem>> -> memref<96x16xf32, #tpu.memory_space<vmem>>
        %dma_start3A_277 = tpu.memref_slice %arg5[%add3A_273] : memref<25600xi32, #tpu.memory_space<vmem>> -> memref<96xi32, #tpu.memory_space<vmem>>
        %dma_start3A_278 = arith.constant 0 : i32
        %dma_start3A_279 = arith.constant 0 : i32
        %dma_start3A_280 = tpu.memref_slice %arg3[%dma_start3A_278, %dma_start3A_279] : memref<1048576x16xf32, #tpu.memory_space<hbm>> -> memref<1048576x16xf32, #tpu.memory_space<hbm>>
        tpu.enqueue_indirect_dma source(%dma_start3A_280 : memref<1048576x16xf32, #tpu.memory_space<hbm>>) target(%dma_start3A_276 : memref<96x16xf32, #tpu.memory_space<vmem>>) offsets(%dma_start3A_277 : memref<96xi32, #tpu.memory_space<vmem>>) semaphore(%arg11 : memref<!tpu.dma_semaphore, #tpu.memory_space<semaphore_mem>>)
      } else {
      }
      %add3A_115 = arith.constant 1 : i32
      %add3A_116 = arith.addi %add3A_60, %add3A_115 : i32
      %mul3A_117 = arith.constant 200 : i32
      %mul3A_118 = arith.muli %add3A_116, %mul3A_117 : i32
      %dma_wait3A_119 = arith.constant 0 : i32
      %dma_wait3A_120 = arith.constant 0 : i32
      %dma_wait3A_121 = tpu.memref_slice %arg7[%dma_wait3A_119, %dma_wait3A_120] : memref<200x16xf32, #tpu.memory_space<vmem>> -> memref<104x16xf32, #tpu.memory_space<vmem>>
      %dma_wait3A_122 = tpu.memref_slice %arg5[%mul3A_118] : memref<25600xi32, #tpu.memory_space<vmem>> -> memref<104xi32, #tpu.memory_space<vmem>>
      %dma_wait3A_123 = arith.constant 0 : i32
      %dma_wait3A_124 = arith.constant 0 : i32
      %dma_wait3A_125 = tpu.memref_slice %arg3[%dma_wait3A_123, %dma_wait3A_124] : memref<1048576x16xf32, #tpu.memory_space<hbm>> -> memref<1048576x16xf32, #tpu.memory_space<hbm>>
      tpu.wait_indirect_dma semaphore(%arg12 : memref<!tpu.dma_semaphore, #tpu.memory_space<semaphore_mem>>) src(%dma_wait3A_125 : memref<1048576x16xf32, #tpu.memory_space<hbm>>) dst(%dma_wait3A_121 : memref<104x16xf32, #tpu.memory_space<vmem>>)
      %add3A_126 = arith.constant 104 : i32
      %add3A_127 = arith.addi %mul3A_118, %add3A_126 : i32
      %dma_wait3A_128 = arith.constant 104 : i32
      %dma_wait3A_129 = arith.constant 0 : i32
      %dma_wait3A_130 = tpu.memref_slice %arg7[%dma_wait3A_128, %dma_wait3A_129] : memref<200x16xf32, #tpu.memory_space<vmem>> -> memref<96x16xf32, #tpu.memory_space<vmem>>
      %dma_wait3A_131 = tpu.memref_slice %arg5[%add3A_127] : memref<25600xi32, #tpu.memory_space<vmem>> -> memref<96xi32, #tpu.memory_space<vmem>>
      %dma_wait3A_132 = arith.constant 0 : i32
      %dma_wait3A_133 = arith.constant 0 : i32
      %dma_wait3A_134 = tpu.memref_slice %arg3[%dma_wait3A_132, %dma_wait3A_133] : memref<1048576x16xf32, #tpu.memory_space<hbm>> -> memref<1048576x16xf32, #tpu.memory_space<hbm>>
      tpu.wait_indirect_dma semaphore(%arg12 : memref<!tpu.dma_semaphore, #tpu.memory_space<semaphore_mem>>) src(%dma_wait3A_134 : memref<1048576x16xf32, #tpu.memory_space<hbm>>) dst(%dma_wait3A_130 : memref<96x16xf32, #tpu.memory_space<vmem>>)
      %add3A_135 = arith.constant 1 : i32
      %add3A_136 = arith.addi %add3A_60, %add3A_135 : i32
      %broadcast_in_dim3A_137 = arith.constant 0.000000e+00 : f32
      %broadcast_in_dim3A_138 = vector.broadcast %broadcast_in_dim3A_137 : f32 to vector<16xf32>
      %broadcast_in_dim3A_139 = arith.constant 0.000000e+00 : f32
      %broadcast_in_dim3A_140 = vector.broadcast %broadcast_in_dim3A_139 : f32 to vector<16xf32>
      %broadcast_in_dim3A_141 = arith.constant 0.000000e+00 : f32
      %broadcast_in_dim3A_142 = vector.broadcast %broadcast_in_dim3A_141 : f32 to vector<16xf32>
      %broadcast_in_dim3A_143 = arith.constant 0.000000e+00 : f32
      %broadcast_in_dim3A_144 = vector.broadcast %broadcast_in_dim3A_143 : f32 to vector<16xf32>
      %scan3A_145 = arith.constant 0 : i32
      %scan3A_146 = arith.constant 25 : i32
      %scan3A_147 = arith.addi %scan3A_145, %scan3A_146 : i32
      %scan3A_148 = arith.constant 1 : i32
      %scan3A_149:4 = scf.for %scan3A_259 = %scan3A_145 to %scan3A_147 step %scan3A_148 iter_args(%scan3A_260 = %broadcast_in_dim3A_138, %scan3A_261 = %broadcast_in_dim3A_140, %scan3A_262 = %broadcast_in_dim3A_142, %scan3A_263 = %broadcast_in_dim3A_144) -> (vector<16xf32>, vector<16xf32>, vector<16xf32>, vector<16xf32>)  : i32 {
        %mul3A_264 = arith.constant 8 : i32
        %mul3A_265 = arith.muli %scan3A_259, %mul3A_264 : i32
        %add3A_266 = arith.constant 0 : i32
        %add3A_267 = arith.addi %mul3A_265, %add3A_266 : i32
        %get3A = arith.index_cast %add3A_267 : i32 to index
        %get3A_268 = arith.constant 0 : index
        %get3A_269 = tpu.vector_load %arg7[%get3A, %get3A_268] {strides = array<i32>} : memref<200x16xf32, #tpu.memory_space<vmem>>, vector<16xf32>,
        %add3A_270 = arith.addf %scan3A_260, %get3A_269 : vector<16xf32>
        %mul3A_271 = arith.constant 8 : i32
        %mul3A_272 = arith.muli %scan3A_259, %mul3A_271 : i32
        %add3A_273 = arith.constant 1 : i32
        %add3A_274 = arith.addi %mul3A_272, %add3A_273 : i32
        %get3A_275 = arith.index_cast %add3A_274 : i32 to index
        %get3A_276 = arith.constant 0 : index
        %get3A_277 = tpu.vector_load %arg7[%get3A_275, %get3A_276] {strides = array<i32>} : memref<200x16xf32, #tpu.memory_space<vmem>>, vector<16xf32>,
        %add3A_278 = arith.addf %scan3A_261, %get3A_277 : vector<16xf32>
        %mul3A_279 = arith.constant 8 : i32
        %mul3A_280 = arith.muli %scan3A_259, %mul3A_279 : i32
        %add3A_281 = arith.constant 2 : i32
        %add3A_282 = arith.addi %mul3A_280, %add3A_281 : i32
        %get3A_283 = arith.index_cast %add3A_282 : i32 to index
        %get3A_284 = arith.constant 0 : index
        %get3A_285 = tpu.vector_load %arg7[%get3A_283, %get3A_284] {strides = array<i32>} : memref<200x16xf32, #tpu.memory_space<vmem>>, vector<16xf32>,
        %add3A_286 = arith.addf %scan3A_262, %get3A_285 : vector<16xf32>
        %mul3A_287 = arith.constant 8 : i32
        %mul3A_288 = arith.muli %scan3A_259, %mul3A_287 : i32
        %add3A_289 = arith.constant 3 : i32
        %add3A_290 = arith.addi %mul3A_288, %add3A_289 : i32
        %get3A_291 = arith.index_cast %add3A_290 : i32 to index
        %get3A_292 = arith.constant 0 : index
        %get3A_293 = tpu.vector_load %arg7[%get3A_291, %get3A_292] {strides = array<i32>} : memref<200x16xf32, #tpu.memory_space<vmem>>, vector<16xf32>,
        %add3A_294 = arith.addf %scan3A_263, %get3A_293 : vector<16xf32>
        %mul3A_295 = arith.constant 8 : i32
        %mul3A_296 = arith.muli %scan3A_259, %mul3A_295 : i32
        %add3A_297 = arith.constant 4 : i32
        %add3A_298 = arith.addi %mul3A_296, %add3A_297 : i32
        %get3A_299 = arith.index_cast %add3A_298 : i32 to index
        %get3A_300 = arith.constant 0 : index
        %get3A_301 = tpu.vector_load %arg7[%get3A_299, %get3A_300] {strides = array<i32>} : memref<200x16xf32, #tpu.memory_space<vmem>>, vector<16xf32>,
        %add3A_302 = arith.addf %add3A_270, %get3A_301 : vector<16xf32>
        %mul3A_303 = arith.constant 8 : i32
        %mul3A_304 = arith.muli %scan3A_259, %mul3A_303 : i32
        %add3A_305 = arith.constant 5 : i32
        %add3A_306 = arith.addi %mul3A_304, %add3A_305 : i32
        %get3A_307 = arith.index_cast %add3A_306 : i32 to index
        %get3A_308 = arith.constant 0 : index
        %get3A_309 = tpu.vector_load %arg7[%get3A_307, %get3A_308] {strides = array<i32>} : memref<200x16xf32, #tpu.memory_space<vmem>>, vector<16xf32>,
        %add3A_310 = arith.addf %add3A_278, %get3A_309 : vector<16xf32>
        %mul3A_311 = arith.constant 8 : i32
        %mul3A_312 = arith.muli %scan3A_259, %mul3A_311 : i32
        %add3A_313 = arith.constant 6 : i32
        %add3A_314 = arith.addi %mul3A_312, %add3A_313 : i32
        %get3A_315 = arith.index_cast %add3A_314 : i32 to index
        %get3A_316 = arith.constant 0 : index
        %get3A_317 = tpu.vector_load %arg7[%get3A_315, %get3A_316] {strides = array<i32>} : memref<200x16xf32, #tpu.memory_space<vmem>>, vector<16xf32>,
        %add3A_318 = arith.addf %add3A_286, %get3A_317 : vector<16xf32>
        %mul3A_319 = arith.constant 8 : i32
        %mul3A_320 = arith.muli %scan3A_259, %mul3A_319 : i32
        %add3A_321 = arith.constant 7 : i32
        %add3A_322 = arith.addi %mul3A_320, %add3A_321 : i32
        %get3A_323 = arith.index_cast %add3A_322 : i32 to index
        %get3A_324 = arith.constant 0 : index
        %get3A_325 = tpu.vector_load %arg7[%get3A_323, %get3A_324] {strides = array<i32>} : memref<200x16xf32, #tpu.memory_space<vmem>>, vector<16xf32>,
        %add3A_326 = arith.addf %add3A_294, %get3A_325 : vector<16xf32>
        scf.yield %add3A_302, %add3A_310, %add3A_318, %add3A_326 : vector<16xf32>, vector<16xf32>, vector<16xf32>, vector<16xf32>
      }
      %scan3A_150 = arith.constant 25 : i32
      %add3A_151 = arith.addf %scan3A_149#0, %scan3A_149#1 : vector<16xf32>
      %add3A_152 = arith.addf %scan3A_149#2, %scan3A_149#3 : vector<16xf32>
      %add3A_153 = arith.addf %add3A_151, %add3A_152 : vector<16xf32>
      %swap3A_154 = arith.index_cast %add3A_136 : i32 to index
      %swap3A_155 = arith.constant 0 : index
      %swap3A_156 = tpu.vector_load %arg10[%swap3A_154, %swap3A_155] {strides = array<i32>} : memref<128x16xf32, #tpu.memory_space<vmem>>, vector<16xf32>,
      tpu.vector_store %arg10[%swap3A_154, %swap3A_155], %add3A_153 {strides = array<i32>} : memref<128x16xf32, #tpu.memory_space<vmem>>, vector<16xf32>,
      %add3A_157 = arith.constant 2 : i32
      %add3A_158 = arith.addi %add3A_60, %add3A_157 : i32
      %add3A_159 = arith.constant 3 : i32
      %add3A_160 = arith.addi %add3A_158, %add3A_159 : i32
      %lt3A_161 = arith.constant 128 : i32
      %lt3A_162 = arith.cmpi slt, %add3A_160, %lt3A_161 : i32
      %convert_element_type3A_163 = arith.extui %lt3A_162 : i1 to i32
      %cond3A_164 = arith.constant 0 : i32
      %cond3A_165 = arith.cmpi ne, %convert_element_type3A_163, %cond3A_164 : i32
      scf.if %cond3A_165 {
        %add3A_259 = arith.constant 2 : i32
        %add3A_260 = arith.addi %add3A_60, %add3A_259 : i32
        %add3A_261 = arith.constant 3 : i32
        %add3A_262 = arith.addi %add3A_260, %add3A_261 : i32
        %mul3A_263 = arith.constant 200 : i32
        %mul3A_264 = arith.muli %add3A_262, %mul3A_263 : i32
        %dma_start3A_265 = arith.constant 0 : i32
        %dma_start3A_266 = arith.constant 0 : i32
        %dma_start3A_267 = tpu.memref_slice %arg7[%dma_start3A_265, %dma_start3A_266] : memref<200x16xf32, #tpu.memory_space<vmem>> -> memref<104x16xf32, #tpu.memory_space<vmem>>
        %dma_start3A_268 = tpu.memref_slice %arg5[%mul3A_264] : memref<25600xi32, #tpu.memory_space<vmem>> -> memref<104xi32, #tpu.memory_space<vmem>>
        %dma_start3A_269 = arith.constant 0 : i32
        %dma_start3A_270 = arith.constant 0 : i32
        %dma_start3A_271 = tpu.memref_slice %arg3[%dma_start3A_269, %dma_start3A_270] : memref<1048576x16xf32, #tpu.memory_space<hbm>> -> memref<1048576x16xf32, #tpu.memory_space<hbm>>
        tpu.enqueue_indirect_dma source(%dma_start3A_271 : memref<1048576x16xf32, #tpu.memory_space<hbm>>) target(%dma_start3A_267 : memref<104x16xf32, #tpu.memory_space<vmem>>) offsets(%dma_start3A_268 : memref<104xi32, #tpu.memory_space<vmem>>) semaphore(%arg12 : memref<!tpu.dma_semaphore, #tpu.memory_space<semaphore_mem>>)
        %add3A_272 = arith.constant 104 : i32
        %add3A_273 = arith.addi %mul3A_264, %add3A_272 : i32
        %dma_start3A_274 = arith.constant 104 : i32
        %dma_start3A_275 = arith.constant 0 : i32
        %dma_start3A_276 = tpu.memref_slice %arg7[%dma_start3A_274, %dma_start3A_275] : memref<200x16xf32, #tpu.memory_space<vmem>> -> memref<96x16xf32, #tpu.memory_space<vmem>>
        %dma_start3A_277 = tpu.memref_slice %arg5[%add3A_273] : memref<25600xi32, #tpu.memory_space<vmem>> -> memref<96xi32, #tpu.memory_space<vmem>>
        %dma_start3A_278 = arith.constant 0 : i32
        %dma_start3A_279 = arith.constant 0 : i32
        %dma_start3A_280 = tpu.memref_slice %arg3[%dma_start3A_278, %dma_start3A_279] : memref<1048576x16xf32, #tpu.memory_space<hbm>> -> memref<1048576x16xf32, #tpu.memory_space<hbm>>
        tpu.enqueue_indirect_dma source(%dma_start3A_280 : memref<1048576x16xf32, #tpu.memory_space<hbm>>) target(%dma_start3A_276 : memref<96x16xf32, #tpu.memory_space<vmem>>) offsets(%dma_start3A_277 : memref<96xi32, #tpu.memory_space<vmem>>) semaphore(%arg12 : memref<!tpu.dma_semaphore, #tpu.memory_space<semaphore_mem>>)
      } else {
      }
      %add3A_166 = arith.constant 2 : i32
      %add3A_167 = arith.addi %add3A_60, %add3A_166 : i32
      %mul3A_168 = arith.constant 200 : i32
      %mul3A_169 = arith.muli %add3A_167, %mul3A_168 : i32
      %dma_wait3A_170 = arith.constant 0 : i32
      %dma_wait3A_171 = arith.constant 0 : i32
      %dma_wait3A_172 = tpu.memref_slice %arg8[%dma_wait3A_170, %dma_wait3A_171] : memref<200x16xf32, #tpu.memory_space<vmem>> -> memref<104x16xf32, #tpu.memory_space<vmem>>
      %dma_wait3A_173 = tpu.memref_slice %arg5[%mul3A_169] : memref<25600xi32, #tpu.memory_space<vmem>> -> memref<104xi32, #tpu.memory_space<vmem>>
      %dma_wait3A_174 = arith.constant 0 : i32
      %dma_wait3A_175 = arith.constant 0 : i32
      %dma_wait3A_176 = tpu.memref_slice %arg3[%dma_wait3A_174, %dma_wait3A_175] : memref<1048576x16xf32, #tpu.memory_space<hbm>> -> memref<1048576x16xf32, #tpu.memory_space<hbm>>
      tpu.wait_indirect_dma semaphore(%arg13 : memref<!tpu.dma_semaphore, #tpu.memory_space<semaphore_mem>>) src(%dma_wait3A_176 : memref<1048576x16xf32, #tpu.memory_space<hbm>>) dst(%dma_wait3A_172 : memref<104x16xf32, #tpu.memory_space<vmem>>)
      %add3A_177 = arith.constant 104 : i32
      %add3A_178 = arith.addi %mul3A_169, %add3A_177 : i32
      %dma_wait3A_179 = arith.constant 104 : i32
      %dma_wait3A_180 = arith.constant 0 : i32
      %dma_wait3A_181 = tpu.memref_slice %arg8[%dma_wait3A_179, %dma_wait3A_180] : memref<200x16xf32, #tpu.memory_space<vmem>> -> memref<96x16xf32, #tpu.memory_space<vmem>>
      %dma_wait3A_182 = tpu.memref_slice %arg5[%add3A_178] : memref<25600xi32, #tpu.memory_space<vmem>> -> memref<96xi32, #tpu.memory_space<vmem>>
      %dma_wait3A_183 = arith.constant 0 : i32
      %dma_wait3A_184 = arith.constant 0 : i32
      %dma_wait3A_185 = tpu.memref_slice %arg3[%dma_wait3A_183, %dma_wait3A_184] : memref<1048576x16xf32, #tpu.memory_space<hbm>> -> memref<1048576x16xf32, #tpu.memory_space<hbm>>
      tpu.wait_indirect_dma semaphore(%arg13 : memref<!tpu.dma_semaphore, #tpu.memory_space<semaphore_mem>>) src(%dma_wait3A_185 : memref<1048576x16xf32, #tpu.memory_space<hbm>>) dst(%dma_wait3A_181 : memref<96x16xf32, #tpu.memory_space<vmem>>)
      %add3A_186 = arith.constant 2 : i32
      %add3A_187 = arith.addi %add3A_60, %add3A_186 : i32
      %broadcast_in_dim3A_188 = arith.constant 0.000000e+00 : f32
      %broadcast_in_dim3A_189 = vector.broadcast %broadcast_in_dim3A_188 : f32 to vector<16xf32>
      %broadcast_in_dim3A_190 = arith.constant 0.000000e+00 : f32
      %broadcast_in_dim3A_191 = vector.broadcast %broadcast_in_dim3A_190 : f32 to vector<16xf32>
      %broadcast_in_dim3A_192 = arith.constant 0.000000e+00 : f32
      %broadcast_in_dim3A_193 = vector.broadcast %broadcast_in_dim3A_192 : f32 to vector<16xf32>
      %broadcast_in_dim3A_194 = arith.constant 0.000000e+00 : f32
      %broadcast_in_dim3A_195 = vector.broadcast %broadcast_in_dim3A_194 : f32 to vector<16xf32>
      %scan3A_196 = arith.constant 0 : i32
      %scan3A_197 = arith.constant 25 : i32
      %scan3A_198 = arith.addi %scan3A_196, %scan3A_197 : i32
      %scan3A_199 = arith.constant 1 : i32
      %scan3A_200:4 = scf.for %scan3A_259 = %scan3A_196 to %scan3A_198 step %scan3A_199 iter_args(%scan3A_260 = %broadcast_in_dim3A_189, %scan3A_261 = %broadcast_in_dim3A_191, %scan3A_262 = %broadcast_in_dim3A_193, %scan3A_263 = %broadcast_in_dim3A_195) -> (vector<16xf32>, vector<16xf32>, vector<16xf32>, vector<16xf32>)  : i32 {
        %mul3A_264 = arith.constant 8 : i32
        %mul3A_265 = arith.muli %scan3A_259, %mul3A_264 : i32
        %add3A_266 = arith.constant 0 : i32
        %add3A_267 = arith.addi %mul3A_265, %add3A_266 : i32
        %get3A = arith.index_cast %add3A_267 : i32 to index
        %get3A_268 = arith.constant 0 : index
        %get3A_269 = tpu.vector_load %arg8[%get3A, %get3A_268] {strides = array<i32>} : memref<200x16xf32, #tpu.memory_space<vmem>>, vector<16xf32>,
        %add3A_270 = arith.addf %scan3A_260, %get3A_269 : vector<16xf32>
        %mul3A_271 = arith.constant 8 : i32
        %mul3A_272 = arith.muli %scan3A_259, %mul3A_271 : i32
        %add3A_273 = arith.constant 1 : i32
        %add3A_274 = arith.addi %mul3A_272, %add3A_273 : i32
        %get3A_275 = arith.index_cast %add3A_274 : i32 to index
        %get3A_276 = arith.constant 0 : index
        %get3A_277 = tpu.vector_load %arg8[%get3A_275, %get3A_276] {strides = array<i32>} : memref<200x16xf32, #tpu.memory_space<vmem>>, vector<16xf32>,
        %add3A_278 = arith.addf %scan3A_261, %get3A_277 : vector<16xf32>
        %mul3A_279 = arith.constant 8 : i32
        %mul3A_280 = arith.muli %scan3A_259, %mul3A_279 : i32
        %add3A_281 = arith.constant 2 : i32
        %add3A_282 = arith.addi %mul3A_280, %add3A_281 : i32
        %get3A_283 = arith.index_cast %add3A_282 : i32 to index
        %get3A_284 = arith.constant 0 : index
        %get3A_285 = tpu.vector_load %arg8[%get3A_283, %get3A_284] {strides = array<i32>} : memref<200x16xf32, #tpu.memory_space<vmem>>, vector<16xf32>,
        %add3A_286 = arith.addf %scan3A_262, %get3A_285 : vector<16xf32>
        %mul3A_287 = arith.constant 8 : i32
        %mul3A_288 = arith.muli %scan3A_259, %mul3A_287 : i32
        %add3A_289 = arith.constant 3 : i32
        %add3A_290 = arith.addi %mul3A_288, %add3A_289 : i32
        %get3A_291 = arith.index_cast %add3A_290 : i32 to index
        %get3A_292 = arith.constant 0 : index
        %get3A_293 = tpu.vector_load %arg8[%get3A_291, %get3A_292] {strides = array<i32>} : memref<200x16xf32, #tpu.memory_space<vmem>>, vector<16xf32>,
        %add3A_294 = arith.addf %scan3A_263, %get3A_293 : vector<16xf32>
        %mul3A_295 = arith.constant 8 : i32
        %mul3A_296 = arith.muli %scan3A_259, %mul3A_295 : i32
        %add3A_297 = arith.constant 4 : i32
        %add3A_298 = arith.addi %mul3A_296, %add3A_297 : i32
        %get3A_299 = arith.index_cast %add3A_298 : i32 to index
        %get3A_300 = arith.constant 0 : index
        %get3A_301 = tpu.vector_load %arg8[%get3A_299, %get3A_300] {strides = array<i32>} : memref<200x16xf32, #tpu.memory_space<vmem>>, vector<16xf32>,
        %add3A_302 = arith.addf %add3A_270, %get3A_301 : vector<16xf32>
        %mul3A_303 = arith.constant 8 : i32
        %mul3A_304 = arith.muli %scan3A_259, %mul3A_303 : i32
        %add3A_305 = arith.constant 5 : i32
        %add3A_306 = arith.addi %mul3A_304, %add3A_305 : i32
        %get3A_307 = arith.index_cast %add3A_306 : i32 to index
        %get3A_308 = arith.constant 0 : index
        %get3A_309 = tpu.vector_load %arg8[%get3A_307, %get3A_308] {strides = array<i32>} : memref<200x16xf32, #tpu.memory_space<vmem>>, vector<16xf32>,
        %add3A_310 = arith.addf %add3A_278, %get3A_309 : vector<16xf32>
        %mul3A_311 = arith.constant 8 : i32
        %mul3A_312 = arith.muli %scan3A_259, %mul3A_311 : i32
        %add3A_313 = arith.constant 6 : i32
        %add3A_314 = arith.addi %mul3A_312, %add3A_313 : i32
        %get3A_315 = arith.index_cast %add3A_314 : i32 to index
        %get3A_316 = arith.constant 0 : index
        %get3A_317 = tpu.vector_load %arg8[%get3A_315, %get3A_316] {strides = array<i32>} : memref<200x16xf32, #tpu.memory_space<vmem>>, vector<16xf32>,
        %add3A_318 = arith.addf %add3A_286, %get3A_317 : vector<16xf32>
        %mul3A_319 = arith.constant 8 : i32
        %mul3A_320 = arith.muli %scan3A_259, %mul3A_319 : i32
        %add3A_321 = arith.constant 7 : i32
        %add3A_322 = arith.addi %mul3A_320, %add3A_321 : i32
        %get3A_323 = arith.index_cast %add3A_322 : i32 to index
        %get3A_324 = arith.constant 0 : index
        %get3A_325 = tpu.vector_load %arg8[%get3A_323, %get3A_324] {strides = array<i32>} : memref<200x16xf32, #tpu.memory_space<vmem>>, vector<16xf32>,
        %add3A_326 = arith.addf %add3A_294, %get3A_325 : vector<16xf32>
        scf.yield %add3A_302, %add3A_310, %add3A_318, %add3A_326 : vector<16xf32>, vector<16xf32>, vector<16xf32>, vector<16xf32>
      }
      %scan3A_201 = arith.constant 25 : i32
      %add3A_202 = arith.addf %scan3A_200#0, %scan3A_200#1 : vector<16xf32>
      %add3A_203 = arith.addf %scan3A_200#2, %scan3A_200#3 : vector<16xf32>
      %add3A_204 = arith.addf %add3A_202, %add3A_203 : vector<16xf32>
      %swap3A_205 = arith.index_cast %add3A_187 : i32 to index
      %swap3A_206 = arith.constant 0 : index
      %swap3A_207 = tpu.vector_load %arg10[%swap3A_205, %swap3A_206] {strides = array<i32>} : memref<128x16xf32, #tpu.memory_space<vmem>>, vector<16xf32>,
      tpu.vector_store %arg10[%swap3A_205, %swap3A_206], %add3A_204 {strides = array<i32>} : memref<128x16xf32, #tpu.memory_space<vmem>>, vector<16xf32>,
      %add3A_208 = arith.constant 3 : i32
      %add3A_209 = arith.addi %add3A_60, %add3A_208 : i32
      %add3A_210 = arith.constant 3 : i32
      %add3A_211 = arith.addi %add3A_209, %add3A_210 : i32
      %lt3A_212 = arith.constant 128 : i32
      %lt3A_213 = arith.cmpi slt, %add3A_211, %lt3A_212 : i32
      %convert_element_type3A_214 = arith.extui %lt3A_213 : i1 to i32
      %cond3A_215 = arith.constant 0 : i32
      %cond3A_216 = arith.cmpi ne, %convert_element_type3A_214, %cond3A_215 : i32
      scf.if %cond3A_216 {
        %add3A_259 = arith.constant 3 : i32
        %add3A_260 = arith.addi %add3A_60, %add3A_259 : i32
        %add3A_261 = arith.constant 3 : i32
        %add3A_262 = arith.addi %add3A_260, %add3A_261 : i32
        %mul3A_263 = arith.constant 200 : i32
        %mul3A_264 = arith.muli %add3A_262, %mul3A_263 : i32
        %dma_start3A_265 = arith.constant 0 : i32
        %dma_start3A_266 = arith.constant 0 : i32
        %dma_start3A_267 = tpu.memref_slice %arg8[%dma_start3A_265, %dma_start3A_266] : memref<200x16xf32, #tpu.memory_space<vmem>> -> memref<104x16xf32, #tpu.memory_space<vmem>>
        %dma_start3A_268 = tpu.memref_slice %arg5[%mul3A_264] : memref<25600xi32, #tpu.memory_space<vmem>> -> memref<104xi32, #tpu.memory_space<vmem>>
        %dma_start3A_269 = arith.constant 0 : i32
        %dma_start3A_270 = arith.constant 0 : i32
        %dma_start3A_271 = tpu.memref_slice %arg3[%dma_start3A_269, %dma_start3A_270] : memref<1048576x16xf32, #tpu.memory_space<hbm>> -> memref<1048576x16xf32, #tpu.memory_space<hbm>>
        tpu.enqueue_indirect_dma source(%dma_start3A_271 : memref<1048576x16xf32, #tpu.memory_space<hbm>>) target(%dma_start3A_267 : memref<104x16xf32, #tpu.memory_space<vmem>>) offsets(%dma_start3A_268 : memref<104xi32, #tpu.memory_space<vmem>>) semaphore(%arg13 : memref<!tpu.dma_semaphore, #tpu.memory_space<semaphore_mem>>)
        %add3A_272 = arith.constant 104 : i32
        %add3A_273 = arith.addi %mul3A_264, %add3A_272 : i32
        %dma_start3A_274 = arith.constant 104 : i32
        %dma_start3A_275 = arith.constant 0 : i32
        %dma_start3A_276 = tpu.memref_slice %arg8[%dma_start3A_274, %dma_start3A_275] : memref<200x16xf32, #tpu.memory_space<vmem>> -> memref<96x16xf32, #tpu.memory_space<vmem>>
        %dma_start3A_277 = tpu.memref_slice %arg5[%add3A_273] : memref<25600xi32, #tpu.memory_space<vmem>> -> memref<96xi32, #tpu.memory_space<vmem>>
        %dma_start3A_278 = arith.constant 0 : i32
        %dma_start3A_279 = arith.constant 0 : i32
        %dma_start3A_280 = tpu.memref_slice %arg3[%dma_start3A_278, %dma_start3A_279] : memref<1048576x16xf32, #tpu.memory_space<hbm>> -> memref<1048576x16xf32, #tpu.memory_space<hbm>>
        tpu.enqueue_indirect_dma source(%dma_start3A_280 : memref<1048576x16xf32, #tpu.memory_space<hbm>>) target(%dma_start3A_276 : memref<96x16xf32, #tpu.memory_space<vmem>>) offsets(%dma_start3A_277 : memref<96xi32, #tpu.memory_space<vmem>>) semaphore(%arg13 : memref<!tpu.dma_semaphore, #tpu.memory_space<semaphore_mem>>)
      } else {
      }
      %add3A_217 = arith.constant 3 : i32
      %add3A_218 = arith.addi %add3A_60, %add3A_217 : i32
      %mul3A_219 = arith.constant 200 : i32
      %mul3A_220 = arith.muli %add3A_218, %mul3A_219 : i32
      %dma_wait3A_221 = arith.constant 0 : i32
      %dma_wait3A_222 = arith.constant 0 : i32
      %dma_wait3A_223 = tpu.memref_slice %arg9[%dma_wait3A_221, %dma_wait3A_222] : memref<200x16xf32, #tpu.memory_space<vmem>> -> memref<104x16xf32, #tpu.memory_space<vmem>>
      %dma_wait3A_224 = tpu.memref_slice %arg5[%mul3A_220] : memref<25600xi32, #tpu.memory_space<vmem>> -> memref<104xi32, #tpu.memory_space<vmem>>
      %dma_wait3A_225 = arith.constant 0 : i32
      %dma_wait3A_226 = arith.constant 0 : i32
      %dma_wait3A_227 = tpu.memref_slice %arg3[%dma_wait3A_225, %dma_wait3A_226] : memref<1048576x16xf32, #tpu.memory_space<hbm>> -> memref<1048576x16xf32, #tpu.memory_space<hbm>>
      tpu.wait_indirect_dma semaphore(%arg14 : memref<!tpu.dma_semaphore, #tpu.memory_space<semaphore_mem>>) src(%dma_wait3A_227 : memref<1048576x16xf32, #tpu.memory_space<hbm>>) dst(%dma_wait3A_223 : memref<104x16xf32, #tpu.memory_space<vmem>>)
      %add3A_228 = arith.constant 104 : i32
      %add3A_229 = arith.addi %mul3A_220, %add3A_228 : i32
      %dma_wait3A_230 = arith.constant 104 : i32
      %dma_wait3A_231 = arith.constant 0 : i32
      %dma_wait3A_232 = tpu.memref_slice %arg9[%dma_wait3A_230, %dma_wait3A_231] : memref<200x16xf32, #tpu.memory_space<vmem>> -> memref<96x16xf32, #tpu.memory_space<vmem>>
      %dma_wait3A_233 = tpu.memref_slice %arg5[%add3A_229] : memref<25600xi32, #tpu.memory_space<vmem>> -> memref<96xi32, #tpu.memory_space<vmem>>
      %dma_wait3A_234 = arith.constant 0 : i32
      %dma_wait3A_235 = arith.constant 0 : i32
      %dma_wait3A_236 = tpu.memref_slice %arg3[%dma_wait3A_234, %dma_wait3A_235] : memref<1048576x16xf32, #tpu.memory_space<hbm>> -> memref<1048576x16xf32, #tpu.memory_space<hbm>>
      tpu.wait_indirect_dma semaphore(%arg14 : memref<!tpu.dma_semaphore, #tpu.memory_space<semaphore_mem>>) src(%dma_wait3A_236 : memref<1048576x16xf32, #tpu.memory_space<hbm>>) dst(%dma_wait3A_232 : memref<96x16xf32, #tpu.memory_space<vmem>>)
      %add3A_237 = arith.constant 3 : i32
      %add3A_238 = arith.addi %add3A_60, %add3A_237 : i32
      %broadcast_in_dim3A_239 = arith.constant 0.000000e+00 : f32
      %broadcast_in_dim3A_240 = vector.broadcast %broadcast_in_dim3A_239 : f32 to vector<16xf32>
      %broadcast_in_dim3A_241 = arith.constant 0.000000e+00 : f32
      %broadcast_in_dim3A_242 = vector.broadcast %broadcast_in_dim3A_241 : f32 to vector<16xf32>
      %broadcast_in_dim3A_243 = arith.constant 0.000000e+00 : f32
      %broadcast_in_dim3A_244 = vector.broadcast %broadcast_in_dim3A_243 : f32 to vector<16xf32>
      %broadcast_in_dim3A_245 = arith.constant 0.000000e+00 : f32
      %broadcast_in_dim3A_246 = vector.broadcast %broadcast_in_dim3A_245 : f32 to vector<16xf32>
      %scan3A_247 = arith.constant 0 : i32
      %scan3A_248 = arith.constant 25 : i32
      %scan3A_249 = arith.addi %scan3A_247, %scan3A_248 : i32
      %scan3A_250 = arith.constant 1 : i32
      %scan3A_251:4 = scf.for %scan3A_259 = %scan3A_247 to %scan3A_249 step %scan3A_250 iter_args(%scan3A_260 = %broadcast_in_dim3A_240, %scan3A_261 = %broadcast_in_dim3A_242, %scan3A_262 = %broadcast_in_dim3A_244, %scan3A_263 = %broadcast_in_dim3A_246) -> (vector<16xf32>, vector<16xf32>, vector<16xf32>, vector<16xf32>)  : i32 {
        %mul3A_264 = arith.constant 8 : i32
        %mul3A_265 = arith.muli %scan3A_259, %mul3A_264 : i32
        %add3A_266 = arith.constant 0 : i32
        %add3A_267 = arith.addi %mul3A_265, %add3A_266 : i32
        %get3A = arith.index_cast %add3A_267 : i32 to index
        %get3A_268 = arith.constant 0 : index
        %get3A_269 = tpu.vector_load %arg9[%get3A, %get3A_268] {strides = array<i32>} : memref<200x16xf32, #tpu.memory_space<vmem>>, vector<16xf32>,
        %add3A_270 = arith.addf %scan3A_260, %get3A_269 : vector<16xf32>
        %mul3A_271 = arith.constant 8 : i32
        %mul3A_272 = arith.muli %scan3A_259, %mul3A_271 : i32
        %add3A_273 = arith.constant 1 : i32
        %add3A_274 = arith.addi %mul3A_272, %add3A_273 : i32
        %get3A_275 = arith.index_cast %add3A_274 : i32 to index
        %get3A_276 = arith.constant 0 : index
        %get3A_277 = tpu.vector_load %arg9[%get3A_275, %get3A_276] {strides = array<i32>} : memref<200x16xf32, #tpu.memory_space<vmem>>, vector<16xf32>,
        %add3A_278 = arith.addf %scan3A_261, %get3A_277 : vector<16xf32>
        %mul3A_279 = arith.constant 8 : i32
        %mul3A_280 = arith.muli %scan3A_259, %mul3A_279 : i32
        %add3A_281 = arith.constant 2 : i32
        %add3A_282 = arith.addi %mul3A_280, %add3A_281 : i32
        %get3A_283 = arith.index_cast %add3A_282 : i32 to index
        %get3A_284 = arith.constant 0 : index
        %get3A_285 = tpu.vector_load %arg9[%get3A_283, %get3A_284] {strides = array<i32>} : memref<200x16xf32, #tpu.memory_space<vmem>>, vector<16xf32>,
        %add3A_286 = arith.addf %scan3A_262, %get3A_285 : vector<16xf32>
        %mul3A_287 = arith.constant 8 : i32
        %mul3A_288 = arith.muli %scan3A_259, %mul3A_287 : i32
        %add3A_289 = arith.constant 3 : i32
        %add3A_290 = arith.addi %mul3A_288, %add3A_289 : i32
        %get3A_291 = arith.index_cast %add3A_290 : i32 to index
        %get3A_292 = arith.constant 0 : index
        %get3A_293 = tpu.vector_load %arg9[%get3A_291, %get3A_292] {strides = array<i32>} : memref<200x16xf32, #tpu.memory_space<vmem>>, vector<16xf32>,
        %add3A_294 = arith.addf %scan3A_263, %get3A_293 : vector<16xf32>
        %mul3A_295 = arith.constant 8 : i32
        %mul3A_296 = arith.muli %scan3A_259, %mul3A_295 : i32
        %add3A_297 = arith.constant 4 : i32
        %add3A_298 = arith.addi %mul3A_296, %add3A_297 : i32
        %get3A_299 = arith.index_cast %add3A_298 : i32 to index
        %get3A_300 = arith.constant 0 : index
        %get3A_301 = tpu.vector_load %arg9[%get3A_299, %get3A_300] {strides = array<i32>} : memref<200x16xf32, #tpu.memory_space<vmem>>, vector<16xf32>,
        %add3A_302 = arith.addf %add3A_270, %get3A_301 : vector<16xf32>
        %mul3A_303 = arith.constant 8 : i32
        %mul3A_304 = arith.muli %scan3A_259, %mul3A_303 : i32
        %add3A_305 = arith.constant 5 : i32
        %add3A_306 = arith.addi %mul3A_304, %add3A_305 : i32
        %get3A_307 = arith.index_cast %add3A_306 : i32 to index
        %get3A_308 = arith.constant 0 : index
        %get3A_309 = tpu.vector_load %arg9[%get3A_307, %get3A_308] {strides = array<i32>} : memref<200x16xf32, #tpu.memory_space<vmem>>, vector<16xf32>,
        %add3A_310 = arith.addf %add3A_278, %get3A_309 : vector<16xf32>
        %mul3A_311 = arith.constant 8 : i32
        %mul3A_312 = arith.muli %scan3A_259, %mul3A_311 : i32
        %add3A_313 = arith.constant 6 : i32
        %add3A_314 = arith.addi %mul3A_312, %add3A_313 : i32
        %get3A_315 = arith.index_cast %add3A_314 : i32 to index
        %get3A_316 = arith.constant 0 : index
        %get3A_317 = tpu.vector_load %arg9[%get3A_315, %get3A_316] {strides = array<i32>} : memref<200x16xf32, #tpu.memory_space<vmem>>, vector<16xf32>,
        %add3A_318 = arith.addf %add3A_286, %get3A_317 : vector<16xf32>
        %mul3A_319 = arith.constant 8 : i32
        %mul3A_320 = arith.muli %scan3A_259, %mul3A_319 : i32
        %add3A_321 = arith.constant 7 : i32
        %add3A_322 = arith.addi %mul3A_320, %add3A_321 : i32
        %get3A_323 = arith.index_cast %add3A_322 : i32 to index
        %get3A_324 = arith.constant 0 : index
        %get3A_325 = tpu.vector_load %arg9[%get3A_323, %get3A_324] {strides = array<i32>} : memref<200x16xf32, #tpu.memory_space<vmem>>, vector<16xf32>,
        %add3A_326 = arith.addf %add3A_294, %get3A_325 : vector<16xf32>
        scf.yield %add3A_302, %add3A_310, %add3A_318, %add3A_326 : vector<16xf32>, vector<16xf32>, vector<16xf32>, vector<16xf32>
      }
      %scan3A_252 = arith.constant 25 : i32
      %add3A_253 = arith.addf %scan3A_251#0, %scan3A_251#1 : vector<16xf32>
      %add3A_254 = arith.addf %scan3A_251#2, %scan3A_251#3 : vector<16xf32>
      %add3A_255 = arith.addf %add3A_253, %add3A_254 : vector<16xf32>
      %swap3A_256 = arith.index_cast %add3A_238 : i32 to index
      %swap3A_257 = arith.constant 0 : index
      %swap3A_258 = tpu.vector_load %arg10[%swap3A_256, %swap3A_257] {strides = array<i32>} : memref<128x16xf32, #tpu.memory_space<vmem>>, vector<16xf32>,
      tpu.vector_store %arg10[%swap3A_256, %swap3A_257], %add3A_255 {strides = array<i32>} : memref<128x16xf32, #tpu.memory_space<vmem>>, vector<16xf32>,
    }
    %scan3A_53 = arith.constant 32 : i32
    %mul3A_54 = arith.constant 128 : i32
    %mul3A_55 = arith.muli %add3A, %mul3A_54 : i32
    "tpu.region"() ({
      %run_scoped3A = tpu.sem_alloc : memref<!tpu.dma_semaphore, #tpu.memory_space<semaphore_mem>>
      %dma_start3A_56 = arith.constant 0 : i32
      %dma_start3A_57 = tpu.memref_slice %arg4[%mul3A_55, %dma_start3A_56] : memref<4096x16xf32, #tpu.memory_space<hbm>> -> memref<128x16xf32, #tpu.memory_space<hbm>>
      %dma_start3A_58 = arith.constant 0 : i32
      %dma_start3A_59 = tpu.memref_slice %arg4[%mul3A_55, %dma_start3A_58] : memref<4096x16xf32, #tpu.memory_space<hbm>> -> memref<128x16xf32, #tpu.memory_space<hbm>>
      tpu.enqueue_dma source(%arg10 : memref<128x16xf32, #tpu.memory_space<vmem>>) target(%dma_start3A_59 : memref<128x16xf32, #tpu.memory_space<hbm>>) target_semaphore(%run_scoped3A : memref<!tpu.dma_semaphore, #tpu.memory_space<semaphore_mem>>)
      %dma_wait3A = arith.constant 0 : i32
      %dma_wait3A_60 = tpu.memref_slice %arg4[%mul3A_55, %dma_wait3A] : memref<4096x16xf32, #tpu.memory_space<hbm>> -> memref<128x16xf32, #tpu.memory_space<hbm>>
      %dma_wait3A_61 = arith.constant 0 : i32
      %dma_wait3A_62 = tpu.memref_slice %arg4[%mul3A_55, %dma_wait3A_61] : memref<4096x16xf32, #tpu.memory_space<hbm>> -> memref<128x16xf32, #tpu.memory_space<hbm>>
      tpu.wait_dma2 semaphore(%run_scoped3A : memref<!tpu.dma_semaphore, #tpu.memory_space<semaphore_mem>>) src(%arg10 : memref<128x16xf32, #tpu.memory_space<vmem>>) dst(%dma_wait3A_62 : memref<128x16xf32, #tpu.memory_space<hbm>>)
      tpu.yield
    }) : () -> ()
    return
  }
}

module attributes {stable_mosaic.version = 14 : i64} {
  func.func @body(%arg0: i32, %arg1: memref<2x64xf32, #tpu.memory_space<vmem>>, %arg2: memref<64x65536xf32, #tpu.memory_space<vmem>>, %arg3: memref<2x65536xf32, #tpu.memory_space<vmem>>) attributes {dimension_semantics = [#tpu.dimension_semantics<arbitrary>], iteration_bounds = array<i64: 16>, scalar_prefetch = 0 : i64, scratch_operands = 0 : i64, tpu.core_type = #tpu.core_type<tc>, window_params = [{pipeline_mode = #tpu.pipeline_mode<synchronous>, transform_indices = @transform_0, window_bounds = array<i64: 2, 64>}, {transform_indices = @transform_1, window_bounds = array<i64: 64, 65536>}, {transform_indices = @transform_2, window_bounds = array<i64: 2, 65536>}]} {
    %get3A = arith.constant 0 : index
    %get3A_0 = arith.constant 0 : index
    %get3A_1 = vector.load %arg1[%get3A, %get3A_0] : memref<2x64xf32, #tpu.memory_space<vmem>>, vector<2x64xf32>
    %get3A_2 = arith.constant 0 : index
    %get3A_3 = arith.constant 0 : index
    %get3A_4 = vector.load %arg2[%get3A_2, %get3A_3] : memref<64x65536xf32, #tpu.memory_space<vmem>>, vector<64x65536xf32>
    %dot_general3A = arith.constant dense<0.000000e+00> : vector<2x65536xf32>
    %dot_general3A_5 = tpu.matmul %get3A_1, %get3A_4, %dot_general3A {dimension_numbers = #tpu.dot_dimension_numbers<[1], [0], [0], [1], [0, 0, 1, 1], [], []>, transpose_lhs_hint = false} : vector<2x64xf32>, vector<64x65536xf32>, vector<2x65536xf32> -> vector<2x65536xf32>
    %swap3A = arith.constant 0 : index
    %swap3A_6 = arith.constant 0 : index
    %swap3A_7 = vector.load %arg3[%swap3A, %swap3A_6] : memref<2x65536xf32, #tpu.memory_space<vmem>>, vector<2x65536xf32>
    tpu.vector_store %arg3[%swap3A, %swap3A_6], %dot_general3A_5 {strides = array<i32>} : memref<2x65536xf32, #tpu.memory_space<vmem>>, vector<2x65536xf32>,
    return
  }
  func.func @transform_0(%arg0: i32) -> (i32, i32) {
    %c0_i32 = arith.constant 0 : i32
    %c0_i32_0 = arith.constant 0 : i32
    %c0_i32_1 = arith.constant 0 : i32
    return %c0_i32, %c0_i32_0 : i32, i32
  }
  func.func @transform_1(%arg0: i32) -> (i32, i32) {
    %c0_i32 = arith.constant 0 : i32
    %c0_i32_0 = arith.constant 0 : i32
    return %c0_i32, %arg0 : i32, i32
  }
  func.func @transform_2(%arg0: i32) -> (i32, i32) {
    %c0_i32 = arith.constant 0 : i32
    %c0_i32_0 = arith.constant 0 : i32
    return %c0_i32, %arg0 : i32, i32
  }
}

module attributes {stable_mosaic.version = 14 : i64} {
  func.func @body(%arg0: memref<4096x16xf32, #tpu.memory_space<vmem>>, %arg1: memref<1x2xf32, #tpu.memory_space<vmem>>, %arg2: memref<4096x2xf32, #tpu.memory_space<vmem>>) attributes {dimension_semantics = [], scalar_prefetch = 0 : i64, scratch_operands = 0 : i64, tpu.core_type = #tpu.core_type<tc>} {
    %get3A = arith.constant 0 : index
    %get3A_0 = arith.constant 0 : index
    %get3A_1 = vector.load %arg0[%get3A, %get3A_0] : memref<4096x16xf32, #tpu.memory_space<vmem>>, vector<4096x2xf32>
    %mul3A = arith.constant 5.000000e-03 : f32
    %mul3A_2 = vector.broadcast %mul3A : f32 to vector<4096x2xf32>
    %mul3A_3 = arith.mulf %get3A_1, %mul3A_2 : vector<4096x2xf32>
    %get3A_4 = arith.constant 0 : index
    %get3A_5 = arith.constant 0 : index
    %get3A_6 = vector.load %arg1[%get3A_4, %get3A_5] : memref<1x2xf32, #tpu.memory_space<vmem>>, vector<1x2xf32>
    %add3A = vector.broadcast %get3A_6 : vector<1x2xf32> to vector<4096x2xf32>
    %add3A_7 = arith.addf %mul3A_3, %add3A : vector<4096x2xf32>
    %swap3A = arith.constant 0 : index
    %swap3A_8 = arith.constant 0 : index
    %swap3A_9 = vector.load %arg2[%swap3A, %swap3A_8] : memref<4096x2xf32, #tpu.memory_space<vmem>>, vector<4096x2xf32>
    tpu.vector_store %arg2[%swap3A, %swap3A_8], %add3A_7 {strides = array<i32>} : memref<4096x2xf32, #tpu.memory_space<vmem>>, vector<4096x2xf32>,
    return
  }
}

</mosaic_0001>

<sc_bundles>
// kernel: kernel.6.cloned.1.call-start
scs
__scs_entry_jumppad:
0x0: {  	(pc) =	sbr.rel $0x88, $3  }
0x1: {  	(tag) =	ssettag $0x0;
	lr =	simm.s32 $0x1  }
0x2: {  	[smem:$0x3F9D] =	sst lr;
	_ =	strace $0xD0000000  }
0x3: {  	_ = 	snop  }
0x4: {  	_ = 	snop  }
0x5: {  	_ = 	snop  }
0x6: {  	_ = 	snop  }
0x7: {  	_ = 	snop  }
__scs_overlays_trampoline_lowered:
0x8: {  	[smem:$0x3FAC] =	sst s0  }
0x9: {  	[smem:$0x3FAD] =	sst s1  }
0xa: {  	[smem:$0x3FAE] =	sst s2  }
0xb: {  	[smem:$0x3FAF] =	sst s3  }
0xc: {  	[smem:$0x3FB0] =	sst s4  }
0xd: {  	[smem:$0x3FB1] =	sst s5  }
0xe: {  	[smem:$0x3FB2] =	sst s6  }
0xf: {  	[smem:$0x3FB3] =	sst s7  }
0x10: {  	[smem:$0x3FB4] =	sst s8  }
0x11: {  	[smem:$0x3FB5] =	sst s9;
	s0 =	simm.s32 @!p0 $0x0  }
0x12: {  	s1 =	sld [smem:$0x3F9B];
	s0 =	simm.s32 @p0 $0x1  }
0x13: {  	[smem:$0x3FB6] =	sst s0;
	s0 =	simm.s32 @!p1 $0x0  }
0x14: {  	s2 =	sld [smem:$0x3F9A];
	s0 =	simm.s32 @p1 $0x1  }
0x15: {  	[smem:$0x3FB7] =	sst s0;
	s0 =	simm.s32 @!p2 $0x0  }
0x16: {  	s3 =	sld [smem:$0x3FDB];
	s0 =	simm.s32 @p2 $0x1  }
0x17: {  	s4 =	simm.s32 $0x1BF5;
	[smem:$0x3FB9] =	sst s0  }
0x18: {  	s0 =	sld [smem:$0x3F9C];
	_ =	swait.ge [sflag:s4], $0x0  }
0x19: {  	s7 =	sld [smem:$0x3F9D]  }
0x1a: {  	s8 =	sadd.s32 $0xFFFFE003, lr  }
0x1b: {  	s9 =	sadd.s32 $0xFFFFFEF7, lr;
	s5 =	simm.s32 $0xFFFFFFFF;
	p2 =	slt.u32 s8, $0xFFFFF086  }
0x1c: {  	p1 =	slt.u32 s9, $0xF7A;
	s5 =	simm.s32 @!p2 $0x0  }
0x1d: {  	s5 =	simm.s32 @p1 $0x1;
	p0 =	seq.s32 s7, s2  }
0x1e: {  	s7 =	smul.u32 @!p0 $0xF7A, s2;
	p2 =	seq.s32 @!p0 s5, $0x0  }
0x1f: {  	s9 =	smul.u32 $0xF7A, s1;
	s8 =	simm.s32 @!p0 $0x1BF5;
	p2 =	por !p2, p0  }
0x20: {  	[sflag:s8] =	ssyncset.s32 @!p0 $0xFFFFF086;
	s6 =	sadd.s32 @!p0 s3, s7;
	s7 =	simm.s32 @!p0 $0x108  }
0x21: {  	s3 =	sadd.s32 s3, s9;
	s6 =	sadd.s32 @!p0 $0x88, s6;
	s7 =	simm.s32 @p2 $0x1082  }
0x22: {  	[simem:s7], [sflag:s8] =	dma.local @!p0 [hbm:s6], $0xF7A  }
0x23: {  	s9 =	sor.u32 $0xD0000000, s2;
	s6 =	simm.s32 $0x108;
	_ =	swait.ge @!p0 [sflag:s8], $0x0  }
0x24: {  	s3 =	sadd.s32 $0x88, s3;
	s6 =	simm.s32 @!p1 $0x1082;
	[sflag:s4] =	ssyncset.s32 $0xFFFFF086  }
0x25: {  	[simem:s6], [sflag:s4] =	dma.local [hbm:s3], $0xF7A  }
0x26: {  	[smem:$0x3F9D] =	sst s1;
	(tag) =	ssettag s2;
	_ =	strace s9  }
0x27: {  	s1 =	sld [smem:$0x3FAD]  }
0x28: {  	s2 =	sld [smem:$0x3FAE]  }
0x29: {  	s4 =	sld [smem:$0x3FB0]  }
0x2a: {  	p0 =	seq.s32 s5, $0x0;
	s5 =	sld [smem:$0x3FB1]  }
0x2b: {  	s6 =	sld [smem:$0x3FB2]  }
0x2c: {  	s7 =	sld [smem:$0x3FB3]  }
0x2d: {  	s3 =	simm.s32 $0x108;
	s8 =	sld [smem:$0x3FB4]  }
0x2e: {  	s3 =	simm.s32 @!p0 $0x1082;
	s9 =	sld [smem:$0x3FB5]  }
0x2f: {  	lr =	sadd.s32 s0, s3;
	s0 =	sld [smem:$0x3FAC]  }
0x30: {  	s3 =	sld [smem:$0x3FAF]  }
0x31: {  	[smem:$0x3FB8] =	sst s10  }
0x32: {  	s10 =	sld [smem:$0x3FB6];
	_ =	sdelay $0x3  }
0x33: {  	p0 =	seq.s32 s10, $0x1;
	s10 =	sld [smem:$0x3FB8];
	_ =	sdelay $0x3  }
0x34: {  	[smem:$0x3FB8] =	sst s10  }
0x35: {  	s10 =	sld [smem:$0x3FB7];
	_ =	sdelay $0x3  }
0x36: {  	p1 =	seq.s32 s10, $0x1;
	s10 =	sld [smem:$0x3FB8];
	_ =	sdelay $0x3  }
0x37: {  	[smem:$0x3FB8] =	sst s10  }
0x38: {  	s10 =	sld [smem:$0x3FB9]  }
0x39: {  	_ = 	snop;
	(pc) =	sbr.ind lr, $3  }
0x3a: {  	_ = 	snop  }
0x3b: {  	_ = 	snop  }
0x3c: {  	p2 =	seq.s32 s10, $0x1;
	s10 =	sld [smem:$0x3FB8]  }
0x3d: {  	_ =	shalt  }
0x3e: {  	_ =	shalt  }
0x3f: {  	_ =	shalt  }
0x40: {  	_ =	shalt  }
0x41: {  	_ =	shalt  }
0x42: {  	_ =	shalt  }
0x43: {  	_ =	shalt  }
0x44: {  	_ =	shalt  }
0x45: {  	_ =	shalt  }
0x46: {  	_ =	shalt  }
0x47: {  	_ =	shalt  }
0x48: {  	_ =	shalt  }
0x49: {  	_ =	shalt  }
0x4a: {  	_ =	shalt  }
0x4b: {  	_ =	shalt  }
0x4c: {  	_ =	shalt  }
0x4d: {  	_ =	shalt  }
0x4e: {  	_ =	shalt  }
0x4f: {  	_ =	shalt  }
0x50: {  	_ =	shalt  }
0x51: {  	_ =	shalt  }
0x52: {  	_ =	shalt  }
0x53: {  	_ =	shalt  }
0x54: {  	_ =	shalt  }
0x55: {  	_ =	shalt  }
0x56: {  	_ =	shalt  }
0x57: {  	_ =	shalt  }
0x58: {  	_ =	shalt  }
0x59: {  	_ =	shalt  }
0x5a: {  	_ =	shalt  }
0x5b: {  	_ =	shalt  }
0x5c: {  	_ =	shalt  }
0x5d: {  	_ =	shalt  }
0x5e: {  	_ =	shalt  }
0x5f: {  	_ =	shalt  }
0x60: {  	_ =	shalt  }
0x61: {  	_ =	shalt  }
0x62: {  	_ =	shalt  }
0x63: {  	_ =	shalt  }
0x64: {  	_ =	shalt  }
0x65: {  	_ =	shalt  }
0x66: {  	_ =	shalt  }
0x67: {  	_ =	shalt  }
0x68: {  	_ =	shalt  }
0x69: {  	_ =	shalt  }
0x6a: {  	_ =	shalt  }
0x6b: {  	_ =	shalt  }
0x6c: {  	_ =	shalt  }
0x6d: {  	_ =	shalt  }
0x6e: {  	_ =	shalt  }
0x6f: {  	_ =	shalt  }
0x70: {  	_ =	shalt  }
0x71: {  	_ =	shalt  }
0x72: {  	_ =	shalt  }
0x73: {  	_ =	shalt  }
0x74: {  	_ =	shalt  }
0x75: {  	_ =	shalt  }
0x76: {  	_ =	shalt  }
0x77: {  	_ =	shalt  }
0x78: {  	_ =	shalt  }
0x79: {  	_ =	shalt  }
0x7a: {  	_ =	shalt  }
0x7b: {  	_ =	shalt  }
0x7c: {  	_ =	shalt  }
0x7d: {  	_ =	shalt  }
0x7e: {  	_ =	shalt  }
0x7f: {  	_ =	shalt  }
0x80: {  	_ =	shalt  }
0x81: {  	_ =	shalt  }
0x82: {  	_ =	shalt  }
0x83: {  	_ =	shalt  }
0x84: {  	_ =	shalt  }
0x85: {  	_ =	shalt  }
0x86: {  	_ =	shalt  }
0x87: {  	_ =	shalt  }
.Lfunc_end0:
.L_simem_size_0:
called_computation_lowered:
.L_overlay_start_0:
0x88: {  	s2 =	sld [smem:$0x3FD9]  }
0x89: {  	s3 =	sld [smem:$0x3FFE];
	_ =	sdelay $0x1  }
0x8a: {  	s1 =	srdreg.scid  }
0x8b: {  	s0 =	sand.u32 $0x1, s1  }
0x8c: {  	s16 =	sshll.u32 s0, $0xA;
	s2 =	sadd.s32 s3, s2  }
0x8d: {  	s2 =	sadd.s32 s2, s16  }
0x8e: {  	[smem:$0x3FC4] =	sst s2  }
0x8f: {  	_ = 	snop  }
0x90: {  	(tm) =	ssettm $0x1  }
0x91: {  	s17 =	sld [smem:$0x3FFB];
	_ =	sdelay $0x3  }
0x92: {  	_ =	strace s17  }
0x93: {  	s2 =	sld [smem:$0x3FFC];
	_ =	sdelay $0x3  }
0x94: {  	_ =	strace s2  }
0x95: {  	s2 =	sld [smem:$0x3FFD];
	_ =	sdelay $0x3  }
0x96: {  	_ =	strace s2  }
0x97: {  	_ =	strace $0x8FFFFFFF  }
0x98: {  	s18 =	sld [smem:$0x3FDB];
	_ =	sdelay $0x1  }
0x99: {  	s19 =	simm.s32 $_scs_section_size  }
0x9a: {  	s4 =	simm.s32 $_size__tile_overlayer_lowered;
	s5 =	simm.s32 $_tile_overlayer_lowered  }
0x9b: {  	s22 =	simm.s32 $0x1BFF;
	s21 =	sshll.u32 s5, $0x1;
	s2 =	sadd.s32 s19, s18  }
0x9c: {  	s6 =	simm.s32 $0x0;
	s20 =	sshll.u32 s4, $0x1;
	s4 =	sadd.s32 s21, s2  }
0x9d: {  	[timem:s6], [sflag:s22] =	dma.local [hbm:s4], s20  }
0x9e: {  	_ =	swait.ge [sflag:s22], s20  }
0x9f: {  	s3 =	ssub.s32 $0x0, s20;
	[sflag:s22] =	ssyncset.done $0x0  }
0xa0: {  	[sflag:s22] =	ssyncadd.s32 s3;
	_ =	sdelay $0x1  }
0xa1: {  	s23 =	simm.s32 $0x1B8B  }
0xa2: {  	_ =	swait.ge [sflag:s23], $0x1  }
0xa3: {  	[sflag:s23] =	ssyncset.done $0x0  }
0xa4: {  	s25 =	simm.s32 $0x1B8E;
	s24 =	sld [smem:$0x3FFE];
	[sflag:s23] =	ssyncadd.s32 $0xFFFFFFFF  }
0xa5: {  	s26 =	simm.s32 $execute0_lowered;
	[smem:$0x3FD2] =	sst s25  }
0xa6: {  	s4 =	sshll.u32 s26, $0x1;
	_ =	strace $0x80000046;
	[dreg:$0x1] =	wrdreg $0xFFFFFFFF  }
0xa7: {  	s28 =	simm.s32 $_size_execute0_lowered;
	s2 =	sadd.s32 s2, s4;
	[dreg:$0x0] =	wrdreg $0x0  }
0xa8: {  	s4 =	sshll.u32 s28, $0x1;
	[dreg:$0x2] =	wrdreg s2  }
0xa9: {  	[dreg:$0x3] =	wrdreg s4  }
0xaa: {  	[dreg:$0x4] =	wrdreg $0xC0  }
0xab: {  	_ =	task [dreg:s6], $0x5FFFF  }
0xac: {  	[dreg:$0x1] =	wrdreg $0xFFFFFFFF  }
0xad: {  	[dreg:$0x0] =	wrdreg $0x60  }
0xae: {  	[dreg:$0x2] =	wrdreg s24  }
0xaf: {  	[dreg:$0x3] =	wrdreg $0x9  }
0xb0: {  	_ =	task.clear_ibuf [dreg:s6], $0x4FFFF;
	_ =	strace $0x90000046  }
0xb1: {  	s29 =	simm.s32 $0x9;
	_ =	strace $0x80000048  }
0xb2: {  	_ =	swait.ge [sflag:s29], $0x1  }
0xb3: {  	[sflag:s29] =	ssyncadd.s32 $0xFFFFFFFF  }
0xb4: {  	_ =	strace $0x90000048  }
0xb5: {  	_ =	sfence  }
0xb6: {  	s30 =	sld [smem:$0x0];
	_ =	sdelay $0x2  }
0xb7: {  	s31 =	sshll.u32 s1, $0xD;
	s1 =	sshrl.u32 s1, $0x2  }
0xb8: {  	s3 =	sand.u32 $0x4000, s31;
	s1 =	sadd.s32 s1, s30  }
0xb9: {  	s0 =	sor.u32 s3, s0;
	s1 =	sshll.u32 s1, $0x11  }
0xba: {  	s0 =	sor.u32 s1, s0  }
0xbb: {  	s0 =	sadd.s32 $0x8F2B, s0  }
0xbc: {  	[sflag:s0] =	ssyncadd.remote.s32 $0x1  }
0xbd: {  	_ =	sfence.sel $0xFFFF  }
0xbe: {  	[dreg:$0x0] =	wrdreg $0xFFFFFFFF;
	(pc) =	sbr.abs _section_cstart, $3  }
0xbf: {  	[dreg:$0x1] =	wrdreg $0xFFFFFFFF  }
0xc0: {  	_ =	task.clear_ibuf [dreg:s6], $0x2FFFF;
	_ =	strace $0x9FFFFFFF  }
0xc1: {  	(tm) =	ssettm $0x7FFFFFFF  }
tec
execute0_lowered:
.L_overlay_start_1:
0x0: {  	(tag) =	ssettag $0x1  }
0x1: {  	s0 =	srdreg.scid  }
0x2: {  	s2 =	stileid.u32;
	s0 =	sand.u32 $0x1, s0  }
0x3: {  	s1 =	rddreg [dreg:$0x0];
	s2 =	sshll.u32 s2, $0x10;
	s4 =	sshll.u32 s0, $0xF  }
0x4: {  	s3 =	sadd.s32 $0x21000, s1;
	s0 =	ssub.s32 $0x2, s0;
	s2 =	sor.u32 s4, s2  }
0x5: {  	s5 =	sadd.s32 $0x1000, s1;
	s13 =	sshrl.u32 s0, $0x1;
	s6 =	sshrl.u32 s2, $0x3  }
0x6: {  	s0 =	ssub.s32 s0, s13;
	s4 =	sor.u32 $0x800, s2;
	s10 =	sor.u32 $0x2800, s2  }
0x7: {  	s12 =	sor.u32 $0x3000, s2;
	s13 =	sor.u32 $0x4000, s2;
	s14 =	sadd.s32 s3, s6  }
0x8: {  	s6 =	sadd.s32 s5, s6;
	s8 =	sshrl.u32 s4, $0x3;
	[dreg:$0x2] =	wrdreg s14  }
0x9: {  	s19 =	sshrl.u32 s10, $0x3;
	[dreg:$0x3] =	wrdreg s6;
	s7 =	sadd.s32 s3, s8  }
0xa: {  	s21 =	sshrl.u32 s12, $0x3;
	s8 =	sadd.s32 s5, s8;
	[dreg:$0x4] =	wrdreg s7  }
0xb: {  	s24 =	sshrl.u32 s13, $0x3;
	s20 =	sadd.s32 s3, s19;
	[dreg:$0x5] =	wrdreg s8  }
0xc: {  	s6 =	sor.u32 $0x1000, s2;
	s22 =	sadd.s32 s3, s21;
	[dreg:$0xc] =	wrdreg s20  }
0xd: {  	s25 =	sadd.s32 s3, s24;
	s9 =	sshrl.u32 s6, $0x3;
	[dreg:$0xe] =	wrdreg s22  }
0xe: {  	[dreg:$0x12] =	wrdreg s25;
	s15 =	sadd.s32 s3, s9  }
0xf: {  	s7 =	sor.u32 $0x1800, s2;
	s9 =	sadd.s32 s5, s9;
	[dreg:$0x6] =	wrdreg s15  }
0x10: {  	s28 =	simm.s32 $0x2;
	s16 =	sshrl.u32 s7, $0x3;
	[dreg:$0x7] =	wrdreg s9  }
0x11: {  	s17 =	sadd.s32 s3, s16;
	s9 =	sor.u32 $0x2000, s2;
	s8 =	sadd.s32 s5, s16  }
0x12: {  	s15 =	sor.u32 $0x4800, s2;
	[dreg:$0x8] =	wrdreg s17;
	s18 =	sshrl.u32 s9, $0x3  }
0x13: {  	s16 =	sor.u32 $0x5800, s2;
	[dreg:$0x9] =	wrdreg s8;
	s11 =	sadd.s32 s3, s18  }
0x14: {  	s26 =	sshrl.u32 s15, $0x3;
	s8 =	sadd.s32 s5, s18;
	[dreg:$0xa] =	wrdreg s11  }
0x15: {  	s30 =	sadd.s32 s3, s26;
	s18 =	sor.u32 $0x6000, s2;
	[dreg:$0xb] =	wrdreg s8  }
0x16: {  	s11 =	sadd.s32 s5, s19;
	s8 =	sadd.s32 s5, s21;
	[dreg:$0x14] =	wrdreg s30  }
0x17: {  	s19 =	sshrl.u32 s16, $0x3;
	s21 =	sshrl.u32 s18, $0x3;
	[dreg:$0xd] =	wrdreg s11  }
0x18: {  	s11 =	sor.u32 $0x3800, s2;
	[dreg:$0xf] =	wrdreg s8;
	s20 =	sadd.s32 s3, s19  }
0x19: {  	s22 =	sadd.s32 s3, s21;
	s23 =	sshrl.u32 s11, $0x3;
	[dreg:$0x18] =	wrdreg s20  }
0x1a: {  	s29 =	simm.s32 $0x0;
	[dreg:$0x1a] =	wrdreg s22;
	s14 =	sadd.s32 s3, s23  }
0x1b: {  	s1 =	sadd.s32 $0x41000, s1;
	[dreg:$0x10] =	wrdreg s14;
	s14 =	sadd.s32 s5, s24  }
0x1c: {  	s8 =	sadd.s32 s5, s23;
	[dreg:$0x13] =	wrdreg s14;
	s14 =	sor.u32 $0x5000, s2  }
0x1d: {  	[dreg:$0x11] =	wrdreg s8;
	s8 =	sadd.s32 s5, s26;
	s31 =	sshrl.u32 s14, $0x3  }
0x1e: {  	s6 =	sshll.u32 s6, $0x1;
	[dreg:$0x15] =	wrdreg s8;
	s17 =	sadd.s32 s3, s31  }
0x1f: {  	s7 =	sshll.u32 s7, $0x1;
	s8 =	sadd.s32 s5, s31;
	[dreg:$0x16] =	wrdreg s17  }
0x20: {  	s22 =	sshll.u32 s15, $0x1;
	s31 =	simm.s32 $0x0;
	[dreg:$0x17] =	wrdreg s8  }
0x21: {  	s17 =	sadd.s32 s5, s19;
	s8 =	sadd.s32 s5, s21;
	[smem:$0x7FF] =	sst s31  }
0x22: {  	s19 =	sor.u32 $0x7000, s2;
	s21 =	sor.u32 $0x7800, s2;
	[dreg:$0x19] =	wrdreg s17  }
0x23: {  	s17 =	sor.u32 $0x6800, s2;
	[dreg:$0x1b] =	wrdreg s8;
	s24 =	sshrl.u32 s19, $0x3  }
0x24: {  	s26 =	sshrl.u32 s21, $0x3;
	s2 =	sshll.u32 s2, $0x1;
	s31 =	sshll.u32 s21, $0x1  }
0x25: {  	s21 =	simm.s32 $0x1000;
	s23 =	sshrl.u32 s17, $0x3;
	s25 =	sadd.s32 s3, s24  }
0x26: {  	s30 =	sadd.s32 s5, s26;
	s2 =	sadd.s32 s1, s2;
	[dreg:$0x1e] =	wrdreg s25  }
0x27: {  	s20 =	sadd.s32 s3, s23;
	s8 =	sadd.s32 s5, s23;
	[smem:$0x7FC] =	sst s30  }
0x28: {  	s3 =	sadd.s32 s3, s26;
	[smem:$0x7FD] =	sst s2;
	s23 =	sshll.u32 s14, $0x1  }
0x29: {  	s25 =	sshll.u32 s18, $0x1;
	s26 =	sshll.u32 s17, $0x1;
	s30 =	sshll.u32 s19, $0x1  }
0x2a: {  	s17 =	sadd.s32 s1, s31;
	s18 =	smax.u32 s0, $0x1;
	[dreg:$0x1c] =	wrdreg s20  }
0x2b: {  	s19 =	simm.s32 $0x800;
	[dreg:$0x1d] =	wrdreg s8;
	s20 =	sadd.s32 s5, s24  }
0x2c: {  	[smem:$0x7FB] =	sst s3;
	s5 =	sshll.u32 s4, $0x1;
	s4 =	sadd.s32 s1, s6  }
0x2d: {  	s8 =	sshll.u32 s9, $0x1;
	s9 =	sshll.u32 s10, $0x1;
	s10 =	sshll.u32 s12, $0x1  }
0x2e: {  	s12 =	sshll.u32 s11, $0x1;
	s11 =	sadd.s32 s1, s22;
	s24 =	sshll.u32 s16, $0x1  }
0x2f: {  	s14 =	sadd.s32 s1, s25;
	s15 =	sadd.s32 s1, s26;
	s16 =	sadd.s32 s1, s30  }
0x30: {  	s22 =	simm.s32 $0x1800;
	s25 =	simm.s32 $0xA000;
	s26 =	simm.s32 $0x1  }
0x31: {  	[dreg:$0x1f] =	wrdreg s20;
	s3 =	sadd.s32 s1, s5;
	s5 =	sadd.s32 s1, s7  }
0x32: {  	s6 =	sadd.s32 s1, s8;
	s7 =	sadd.s32 s1, s9;
	s8 =	sadd.s32 s1, s10  }
0x33: {  	s9 =	sadd.s32 s1, s12;
	s20 =	sshll.u32 s13, $0x1;
	s12 =	sadd.s32 s1, s23  }
0x34: {  	v1 =	vlaneseq.u32;
	s13 =	sadd.s32 s1, s24;
	s23 =	simm.s32 $0x2000;
	s24 =	simm.s32 $0x4  }
0x35: {  	v0 =	vimm.f32 $0.0e+00;
	v1 =	vmul.u32 $0x10, v1;
	s10 =	sadd.s32 s1, s20;
	_ =	strace $0x80000047;
	s20 =	simm.s32 $0x3  }
.LBB2_1:
0x36: {  	s0 =	simm.s32 $0x0  }
.LBB2_2:
0x37: {  	p0 =	sne.s32 s0, $0x1FFC0  }
.Ltmp0:
0x38: {  	_ = 	snop;
	(pc) =	sbr.rel @p0 .LBB2_2-.Ltmp0, $3  }
0x39: {  	_ =	sdelay $0x1  }
0x3a: {  	s1 =	sshra.s32 s0, $0x2  }
0x3b: {  	s0 =	sadd.s32 $0x40, s0;
	[tilespmem:s1+$0x2000] =	vst v0  }
0x3c: {  	s0 =	simm.s32 $0x40;
	s1 =	simm.s32 $0x0  }
.LBB2_4:
0x3d: {  	p0 =	sne.s32 s0, $0x1FFC0;
	[tilespmem:s1+$0xA000] =	vst v0;
	s1 =	smov.u32 s0;
	s0 =	sadd.s32 $0x40, s0  }
.Ltmp1:
0x3e: {  	(pc) =	sbr.rel @p0 .LBB2_4-.Ltmp1, $2  }
0x3f: {  	_ =	sdelay $0x2  }
0x40: {  	s1 =	sshra.s32 s1, $0x2  }
0x41: {  	[tilespmem:s1+$0xA000] =	vst v0;
	s0 =	simm.s32 $0x0;
	s2 =	rddreg [dreg:$0x2]  }
0x42: {  	[tilespmem:s0], [sflag:$0x3] =	stream.linear.gather [hbm4b:s2+s0], $0x800, $0x38;
	[tilespmem:$0x12000] =	vst v63  }
0x43: {  	s2 =	rddreg [dreg:$0x3]  }
0x44: {  	[tilespmem:s19], [sflag:$0x3] =	stream.linear.gather [hbm4b:s2+s0], $0x800, $0x38;
	[tilespmem:$0x12000] =	vst v63  }
0x45: {  	_ =	swait.ge [sflag:s20], $0x800  }
0x46: {  	[sflag:s20] =	ssyncset.done $0x0  }
0x47: {  	[sflag:s20] =	ssyncadd.s32 $0xFFFFF800  }
0x48: {  	_ =	swait.ge [sflag:s20], $0x800  }
0x49: {  	[sflag:s20] =	ssyncset.done $0x0  }
0x4a: {  	s2 =	rddreg [dreg:$0x4];
	[sflag:s20] =	ssyncadd.s32 $0xFFFFF800  }
0x4b: {  	[tilespmem:s21], [sflag:$0x4] =	stream.linear.gather [hbm4b:s2+s0], $0x800, $0x38;
	[tilespmem:$0x12000] =	vst v63  }
0x4c: {  	s30 =	simm.s32 $0x20;
	v2 =	vmov s0;
	s2 =	rddreg [dreg:$0x5]  }
0x4d: {  	v2 =	vshll.u32 v2, $0x4;
	[tilespmem:s22], [sflag:$0x4] =	stream.linear.gather [hbm4b:s2+s0], $0x800, $0x38;
	[tilespmem:$0x12000] =	vst v63  }
0x4e: {  	v2 =	vor.u32 v1, v2;
	v3 =	vld [tilespmem:s30+$0xFFFFFFE0];
	_ =	sdelay $0x4  }
0x4f: {  	s31 =	simm.s32 $0x820;
	[tilespmem:v2+s23+$0x0] =	vst.idx.msk $0xffff, v3  }
0x50: {  	v2 =	vor.u32 $0x1, v2;
	v3 =	vld [tilespmem:s31+$0xFFFFFFE0];
	_ =	sdelay $0x2  }
0x51: {  	s2 =	simm.s32 $0x10  }
0x52: {  	v4 =	vmov s2  }
0x53: {  	[tilespmem:v2+s23+$0x0] =	vst.idx.msk $0xffff, v3;
	v2 =	vshll.u32 v4, $0x4  }
0x54: {  	v3 =	vld [tilespmem:s30+$0xFFFFFFF0];
	v2 =	vor.u32 v1, v2;
	_ =	sdelay $0x4  }
0x55: {  	[tilespmem:v2+s23+$0x0] =	vst.idx.msk $0xffff, v3  }
0x56: {  	v2 =	vor.u32 $0x1, v2;
	v3 =	vld [tilespmem:s31+$0xFFFFFFF0];
	_ =	sdelay $0x2  }
0x57: {  	s1 =	simm.s32 $0x20  }
0x58: {  	v4 =	vmov s1  }
0x59: {  	[tilespmem:v2+s23+$0x0] =	vst.idx.msk $0xffff, v3;
	v2 =	vshll.u32 v4, $0x4  }
0x5a: {  	v3 =	vld [tilespmem:s30+$0x0];
	v2 =	vor.u32 v1, v2;
	_ =	sdelay $0x4  }
0x5b: {  	[tilespmem:v2+s23+$0x0] =	vst.idx.msk $0xffff, v3  }
0x5c: {  	v2 =	vor.u32 $0x1, v2;
	v3 =	vld [tilespmem:s31+$0x0];
	_ =	sdelay $0x2  }
0x5d: {  	s2 =	simm.s32 $0x30  }
0x5e: {  	v4 =	vmov s2  }
0x5f: {  	[tilespmem:v2+s23+$0x0] =	vst.idx.msk $0xffff, v3;
	v2 =	vshll.u32 v4, $0x4  }
0x60: {  	v3 =	vld [tilespmem:s30+$0x10];
	v4 =	vor.u32 v1, v2;
	_ =	sdelay $0x4  }
0x61: {  	[tilespmem:v4+s23+$0x0] =	vst.idx.msk $0xffff, v3  }
0x62: {  	v3 =	vor.u32 $0x1, v4;
	v2 =	vld [tilespmem:s31+$0x10];
	_ =	sdelay $0x2  }
0x63: {  	s0 =	simm.s32 $0x40  }
0x64: {  	s1 =	simm.s32 $0x80;
	v4 =	vmov s0  }
.LBB2_6:
0x65: {  	p0 =	sne.s32 s1, $0x7C0;
	v4 =	vshll.u32 v4, $0x4;
	[tilespmem:v3+s23+$0x0] =	vst.idx.msk $0xffff, v2;
	s30 =	sadd.s32 $0x40, s30  }
0x66: {  	v2 =	vld [tilespmem:s30+$0xFFFFFFE0];
	v3 =	vor.u32 v1, v4;
	_ =	sdelay $0x4  }
0x67: {  	s31 =	sadd.s32 $0x40, s31;
	[tilespmem:v3+s23+$0x0] =	vst.idx.msk $0xffff, v2  }
0x68: {  	v3 =	vor.u32 $0x1, v3;
	v2 =	vld [tilespmem:s31+$0xFFFFFFE0];
	_ =	sdelay $0x2  }
0x69: {  	s2 =	sadd.s32 $0x10, s0  }
0x6a: {  	v4 =	vmov s2  }
0x6b: {  	[tilespmem:v3+s23+$0x0] =	vst.idx.msk $0xffff, v2;
	v2 =	vshll.u32 v4, $0x4  }
0x6c: {  	v3 =	vld [tilespmem:s30+$0xFFFFFFF0];
	v2 =	vor.u32 v1, v2;
	_ =	sdelay $0x4  }
0x6d: {  	[tilespmem:v2+s23+$0x0] =	vst.idx.msk $0xffff, v3  }
0x6e: {  	v2 =	vor.u32 $0x1, v2;
	v3 =	vld [tilespmem:s31+$0xFFFFFFF0];
	_ =	sdelay $0x2  }
0x6f: {  	s2 =	sadd.s32 $0x20, s0  }
0x70: {  	v4 =	vmov s2  }
0x71: {  	[tilespmem:v2+s23+$0x0] =	vst.idx.msk $0xffff, v3;
	v2 =	vshll.u32 v4, $0x4  }
0x72: {  	v3 =	vld [tilespmem:s30+$0x0];
	v2 =	vor.u32 v1, v2;
	_ =	sdelay $0x4  }
0x73: {  	[tilespmem:v2+s23+$0x0] =	vst.idx.msk $0xffff, v3  }
0x74: {  	v2 =	vor.u32 $0x1, v2;
	v3 =	vld [tilespmem:s31+$0x0];
	_ =	sdelay $0x2  }
0x75: {  	s2 =	sadd.s32 $0x30, s0;
	s0 =	smov.u32 s1  }
0x76: {  	v4 =	vmov s2  }
0x77: {  	[tilespmem:v2+s23+$0x0] =	vst.idx.msk $0xffff, v3;
	v2 =	vshll.u32 v4, $0x4  }
0x78: {  	v3 =	vld [tilespmem:s30+$0x10];
	v4 =	vor.u32 v1, v2;
	_ =	sdelay $0x4  }
0x79: {  	[tilespmem:v4+s23+$0x0] =	vst.idx.msk $0xffff, v3  }
.Ltmp2:
0x7a: {  	v3 =	vor.u32 $0x1, v4;
	v2 =	vld [tilespmem:s31+$0x10];
	(pc) =	sbr.rel @p0 .LBB2_6-.Ltmp2, $2  }
0x7b: {  	_ =	sdelay $0x2  }
0x7c: {  	s1 =	sadd.s32 $0x40, s1;
	v4 =	vmov s0  }
0x7d: {  	_ =	sdelay $0x3  }
0x7e: {  	v4 =	vshll.u32 v4, $0x4;
	[tilespmem:v3+s23+$0x0] =	vst.idx.msk $0xffff, v2;
	s1 =	sadd.s32 $0x40, s30  }
0x7f: {  	v2 =	vld [tilespmem:s1+$0xFFFFFFE0];
	v3 =	vor.u32 v1, v4;
	_ =	sdelay $0x4  }
0x80: {  	s2 =	sadd.s32 $0x40, s31;
	[tilespmem:v3+s23+$0x0] =	vst.idx.msk $0xffff, v2  }
0x81: {  	v3 =	vor.u32 $0x1, v3;
	v2 =	vld [tilespmem:s2+$0xFFFFFFE0];
	_ =	sdelay $0x2  }
0x82: {  	s30 =	sadd.s32 $0x10, s0  }
0x83: {  	v4 =	vmov s30  }
0x84: {  	[tilespmem:v3+s23+$0x0] =	vst.idx.msk $0xffff, v2;
	v2 =	vshll.u32 v4, $0x4  }
0x85: {  	v3 =	vld [tilespmem:s1+$0xFFFFFFF0];
	v2 =	vor.u32 v1, v2;
	_ =	sdelay $0x4  }
0x86: {  	[tilespmem:v2+s23+$0x0] =	vst.idx.msk $0xffff, v3  }
0x87: {  	v2 =	vor.u32 $0x1, v2;
	v3 =	vld [tilespmem:s2+$0xFFFFFFF0];
	_ =	sdelay $0x2  }
0x88: {  	s30 =	sadd.s32 $0x20, s0  }
0x89: {  	v4 =	vmov s30  }
0x8a: {  	[tilespmem:v2+s23+$0x0] =	vst.idx.msk $0xffff, v3;
	v2 =	vshll.u32 v4, $0x4  }
0x8b: {  	v3 =	vld [tilespmem:s1+$0x0];
	v2 =	vor.u32 v1, v2;
	_ =	sdelay $0x4  }
0x8c: {  	[tilespmem:v2+s23+$0x0] =	vst.idx.msk $0xffff, v3  }
0x8d: {  	v2 =	vor.u32 $0x1, v2;
	v3 =	vld [tilespmem:s2+$0x0];
	_ =	sdelay $0x2  }
0x8e: {  	s0 =	sadd.s32 $0x30, s0  }
0x8f: {  	v4 =	vmov s0  }
0x90: {  	[tilespmem:v2+s23+$0x0] =	vst.idx.msk $0xffff, v3;
	v2 =	vshll.u32 v4, $0x4  }
0x91: {  	v3 =	vld [tilespmem:s1+$0x10];
	v2 =	vor.u32 v1, v2;
	_ =	sdelay $0x4  }
0x92: {  	[tilespmem:v2+s23+$0x0] =	vst.idx.msk $0xffff, v3  }
0x93: {  	v2 =	vor.u32 $0x1, v2;
	v3 =	vld [tilespmem:s2+$0x10];
	_ =	sdelay $0x2  }
0x94: {  	s2 =	sld [smem:$0x7FD];
	_ =	sdelay $0x1  }
0x95: {  	s0 =	simm.s32 $0x0;
	[tilespmem:v2+s23+$0x0] =	vst.idx.msk $0xffff, v3  }
0x96: {  	[hbm4b:s2+s0] =	stream.linear.scatter [tilespmem:s23], [sflag:$0x1], $0x8000, $0x38;
	[tilespmem:$0x12000] =	vst v63  }
0x97: {  	_ =	swait.ge [sflag:s24], $0x800  }
0x98: {  	[sflag:s24] =	ssyncset.done $0x0  }
0x99: {  	[sflag:s24] =	ssyncadd.s32 $0xFFFFF800  }
0x9a: {  	_ =	swait.ge [sflag:s24], $0x800  }
0x9b: {  	[sflag:s24] =	ssyncset.done $0x0  }
0x9c: {  	s2 =	rddreg [dreg:$0x6];
	[sflag:s24] =	ssyncadd.s32 $0xFFFFF800  }
0x9d: {  	[tilespmem:s0], [sflag:$0x3] =	stream.linear.gather [hbm4b:s2+s0], $0x800, $0x38;
	[tilespmem:$0x12000] =	vst v63  }
0x9e: {  	s30 =	simm.s32 $0x1020;
	v2 =	vmov s0;
	s2 =	rddreg [dreg:$0x7]  }
0x9f: {  	v2 =	vshll.u32 v2, $0x4;
	[tilespmem:s19], [sflag:$0x3] =	stream.linear.gather [hbm4b:s2+s0], $0x800, $0x38;
	[tilespmem:$0x12000] =	vst v63  }
0xa0: {  	v2 =	vor.u32 v1, v2;
	v3 =	vld [tilespmem:s30+$0xFFFFFFE0];
	_ =	sdelay $0x4  }
0xa1: {  	s31 =	simm.s32 $0x1820;
	[tilespmem:v2+s25+$0x0] =	vst.idx.msk $0xffff, v3  }
0xa2: {  	v2 =	vor.u32 $0x1, v2;
	v3 =	vld [tilespmem:s31+$0xFFFFFFE0];
	_ =	sdelay $0x2  }
0xa3: {  	s2 =	simm.s32 $0x10  }
0xa4: {  	v4 =	vmov s2  }
0xa5: {  	[tilespmem:v2+s25+$0x0] =	vst.idx.msk $0xffff, v3;
	v2 =	vshll.u32 v4, $0x4  }
0xa6: {  	v3 =	vld [tilespmem:s30+$0xFFFFFFF0];
	v2 =	vor.u32 v1, v2;
	_ =	sdelay $0x4  }
0xa7: {  	[tilespmem:v2+s25+$0x0] =	vst.idx.msk $0xffff, v3  }
0xa8: {  	v2 =	vor.u32 $0x1, v2;
	v3 =	vld [tilespmem:s31+$0xFFFFFFF0];
	_ =	sdelay $0x2  }
0xa9: {  	s1 =	simm.s32 $0x20  }
0xaa: {  	v4 =	vmov s1  }
0xab: {  	[tilespmem:v2+s25+$0x0] =	vst.idx.msk $0xffff, v3;
	v2 =	vshll.u32 v4, $0x4  }
0xac: {  	v3 =	vld [tilespmem:s30+$0x0];
	v2 =	vor.u32 v1, v2;
	_ =	sdelay $0x4  }
0xad: {  	[tilespmem:v2+s25+$0x0] =	vst.idx.msk $0xffff, v3  }
0xae: {  	v2 =	vor.u32 $0x1, v2;
	v3 =	vld [tilespmem:s31+$0x0];
	_ =	sdelay $0x2  }
0xaf: {  	s2 =	simm.s32 $0x30  }
0xb0: {  	v4 =	vmov s2  }
0xb1: {  	[tilespmem:v2+s25+$0x0] =	vst.idx.msk $0xffff, v3;
	v2 =	vshll.u32 v4, $0x4  }
0xb2: {  	v3 =	vld [tilespmem:s30+$0x10];
	v4 =	vor.u32 v1, v2;
	_ =	sdelay $0x4  }
0xb3: {  	[tilespmem:v4+s25+$0x0] =	vst.idx.msk $0xffff, v3  }
0xb4: {  	v3 =	vor.u32 $0x1, v4;
	v2 =	vld [tilespmem:s31+$0x10];
	_ =	sdelay $0x2  }
0xb5: {  	s0 =	simm.s32 $0x40  }
0xb6: {  	s1 =	simm.s32 $0x80;
	v4 =	vmov s0  }
.LBB2_8:
0xb7: {  	p0 =	sne.s32 s1, $0x7C0;
	v4 =	vshll.u32 v4, $0x4;
	[tilespmem:v3+s25+$0x0] =	vst.idx.msk $0xffff, v2;
	s30 =	sadd.s32 $0x40, s30  }
0xb8: {  	v2 =	vld [tilespmem:s30+$0xFFFFFFE0];
	v3 =	vor.u32 v1, v4;
	_ =	sdelay $0x4  }
0xb9: {  	s31 =	sadd.s32 $0x40, s31;
	[tilespmem:v3+s25+$0x0] =	vst.idx.msk $0xffff, v2  }
0xba: {  	v3 =	vor.u32 $0x1, v3;
	v2 =	vld [tilespmem:s31+$0xFFFFFFE0];
	_ =	sdelay $0x2  }
0xbb: {  	s2 =	sadd.s32 $0x10, s0  }
0xbc: {  	v4 =	vmov s2  }
0xbd: {  	[tilespmem:v3+s25+$0x0] =	vst.idx.msk $0xffff, v2;
	v2 =	vshll.u32 v4, $0x4  }
0xbe: {  	v3 =	vld [tilespmem:s30+$0xFFFFFFF0];
	v2 =	vor.u32 v1, v2;
	_ =	sdelay $0x4  }
0xbf: {  	[tilespmem:v2+s25+$0x0] =	vst.idx.msk $0xffff, v3  }
0xc0: {  	v2 =	vor.u32 $0x1, v2;
	v3 =	vld [tilespmem:s31+$0xFFFFFFF0];
	_ =	sdelay $0x2  }
0xc1: {  	s2 =	sadd.s32 $0x20, s0  }
0xc2: {  	v4 =	vmov s2  }
0xc3: {  	[tilespmem:v2+s25+$0x0] =	vst.idx.msk $0xffff, v3;
	v2 =	vshll.u32 v4, $0x4  }
0xc4: {  	v3 =	vld [tilespmem:s30+$0x0];
	v2 =	vor.u32 v1, v2;
	_ =	sdelay $0x4  }
0xc5: {  	[tilespmem:v2+s25+$0x0] =	vst.idx.msk $0xffff, v3  }
0xc6: {  	v2 =	vor.u32 $0x1, v2;
	v3 =	vld [tilespmem:s31+$0x0];
	_ =	sdelay $0x2  }
0xc7: {  	s2 =	sadd.s32 $0x30, s0;
	s0 =	smov.u32 s1  }
0xc8: {  	v4 =	vmov s2  }
0xc9: {  	[tilespmem:v2+s25+$0x0] =	vst.idx.msk $0xffff, v3;
	v2 =	vshll.u32 v4, $0x4  }
0xca: {  	v3 =	vld [tilespmem:s30+$0x10];
	v4 =	vor.u32 v1, v2;
	_ =	sdelay $0x4  }
0xcb: {  	[tilespmem:v4+s25+$0x0] =	vst.idx.msk $0xffff, v3  }
.Ltmp3:
0xcc: {  	v3 =	vor.u32 $0x1, v4;
	v2 =	vld [tilespmem:s31+$0x10];
	(pc) =	sbr.rel @p0 .LBB2_8-.Ltmp3, $2  }
0xcd: {  	_ =	sdelay $0x2  }
0xce: {  	s1 =	sadd.s32 $0x40, s1;
	v4 =	vmov s0  }
0xcf: {  	_ =	sdelay $0x3  }
0xd0: {  	v4 =	vshll.u32 v4, $0x4;
	[tilespmem:v3+s25+$0x0] =	vst.idx.msk $0xffff, v2;
	s1 =	sadd.s32 $0x40, s30  }
0xd1: {  	v2 =	vld [tilespmem:s1+$0xFFFFFFE0];
	v3 =	vor.u32 v1, v4;
	_ =	sdelay $0x4  }
0xd2: {  	s2 =	sadd.s32 $0x40, s31;
	[tilespmem:v3+s25+$0x0] =	vst.idx.msk $0xffff, v2  }
0xd3: {  	v3 =	vor.u32 $0x1, v3;
	v2 =	vld [tilespmem:s2+$0xFFFFFFE0];
	_ =	sdelay $0x2  }
0xd4: {  	s30 =	sadd.s32 $0x10, s0  }
0xd5: {  	v4 =	vmov s30  }
0xd6: {  	[tilespmem:v3+s25+$0x0] =	vst.idx.msk $0xffff, v2;
	v2 =	vshll.u32 v4, $0x4  }
0xd7: {  	v3 =	vld [tilespmem:s1+$0xFFFFFFF0];
	v2 =	vor.u32 v1, v2;
	_ =	sdelay $0x4  }
0xd8: {  	[tilespmem:v2+s25+$0x0] =	vst.idx.msk $0xffff, v3  }
0xd9: {  	v2 =	vor.u32 $0x1, v2;
	v3 =	vld [tilespmem:s2+$0xFFFFFFF0];
	_ =	sdelay $0x2  }
0xda: {  	s30 =	sadd.s32 $0x20, s0  }
0xdb: {  	v4 =	vmov s30  }
0xdc: {  	[tilespmem:v2+s25+$0x0] =	vst.idx.msk $0xffff, v3;
	v2 =	vshll.u32 v4, $0x4  }
0xdd: {  	v3 =	vld [tilespmem:s1+$0x0];
	v2 =	vor.u32 v1, v2;
	_ =	sdelay $0x4  }
0xde: {  	[tilespmem:v2+s25+$0x0] =	vst.idx.msk $0xffff, v3  }
0xdf: {  	v2 =	vor.u32 $0x1, v2;
	v3 =	vld [tilespmem:s2+$0x0];
	_ =	sdelay $0x2  }
0xe0: {  	s0 =	sadd.s32 $0x30, s0  }
0xe1: {  	v4 =	vmov s0  }
0xe2: {  	[tilespmem:v2+s25+$0x0] =	vst.idx.msk $0xffff, v3;
	v2 =	vshll.u32 v4, $0x4  }
0xe3: {  	v3 =	vld [tilespmem:s1+$0x10];
	v2 =	vor.u32 v1, v2;
	_ =	sdelay $0x4  }
0xe4: {  	[tilespmem:v2+s25+$0x0] =	vst.idx.msk $0xffff, v3  }
0xe5: {  	v2 =	vor.u32 $0x1, v2;
	v3 =	vld [tilespmem:s2+$0x10];
	_ =	sdelay $0x4  }
0xe6: {  	s0 =	simm.s32 $0x0;
	[tilespmem:v2+s25+$0x0] =	vst.idx.msk $0xffff, v3  }
0xe7: {  	[hbm4b:s3+s0] =	stream.linear.scatter [tilespmem:s25], [sflag:$0x2], $0x8000, $0x38;
	[tilespmem:$0x12000] =	vst v63  }
0xe8: {  	_ =	swait.ge [sflag:s26], $0x8000  }
0xe9: {  	[sflag:s26] =	ssyncset.done $0x0  }
0xea: {  	[sflag:s26] =	ssyncadd.s32 $0xFFFF8000  }
0xeb: {  	_ =	swait.ge [sflag:s20], $0x800  }
0xec: {  	[sflag:s20] =	ssyncset.done $0x0  }
0xed: {  	[sflag:s20] =	ssyncadd.s32 $0xFFFFF800  }
0xee: {  	_ =	swait.ge [sflag:s20], $0x800  }
0xef: {  	[sflag:s20] =	ssyncset.done $0x0  }
0xf0: {  	s2 =	rddreg [dreg:$0x8];
	[sflag:s20] =	ssyncadd.s32 $0xFFFFF800  }
0xf1: {  	[tilespmem:s21], [sflag:$0x4] =	stream.linear.gather [hbm4b:s2+s0], $0x800, $0x38;
	[tilespmem:$0x12000] =	vst v63  }
0xf2: {  	s30 =	simm.s32 $0x20;
	v2 =	vmov s0;
	s2 =	rddreg [dreg:$0x9]  }
0xf3: {  	v2 =	vshll.u32 v2, $0x4;
	[tilespmem:s22], [sflag:$0x4] =	stream.linear.gather [hbm4b:s2+s0], $0x800, $0x38;
	[tilespmem:$0x12000] =	vst v63  }
0xf4: {  	v2 =	vor.u32 v1, v2;
	v3 =	vld [tilespmem:s30+$0xFFFFFFE0];
	_ =	sdelay $0x4  }
0xf5: {  	s31 =	simm.s32 $0x820;
	[tilespmem:v2+s23+$0x0] =	vst.idx.msk $0xffff, v3  }
0xf6: {  	v2 =	vor.u32 $0x1, v2;
	v3 =	vld [tilespmem:s31+$0xFFFFFFE0];
	_ =	sdelay $0x2  }
0xf7: {  	s2 =	simm.s32 $0x10  }
0xf8: {  	v4 =	vmov s2  }
0xf9: {  	[tilespmem:v2+s23+$0x0] =	vst.idx.msk $0xffff, v3;
	v2 =	vshll.u32 v4, $0x4  }
0xfa: {  	v3 =	vld [tilespmem:s30+$0xFFFFFFF0];
	v2 =	vor.u32 v1, v2;
	_ =	sdelay $0x4  }
0xfb: {  	[tilespmem:v2+s23+$0x0] =	vst.idx.msk $0xffff, v3  }
0xfc: {  	v2 =	vor.u32 $0x1, v2;
	v3 =	vld [tilespmem:s31+$0xFFFFFFF0];
	_ =	sdelay $0x2  }
0xfd: {  	s1 =	simm.s32 $0x20  }
0xfe: {  	v4 =	vmov s1  }
0xff: {  	[tilespmem:v2+s23+$0x0] =	vst.idx.msk $0xffff, v3;
	v2 =	vshll.u32 v4, $0x4  }
0x100: {  	v3 =	vld [tilespmem:s30+$0x0];
	v2 =	vor.u32 v1, v2;
	_ =	sdelay $0x4  }
0x101: {  	[tilespmem:v2+s23+$0x0] =	vst.idx.msk $0xffff, v3  }
0x102: {  	v2 =	vor.u32 $0x1, v2;
	v3 =	vld [tilespmem:s31+$0x0];
	_ =	sdelay $0x2  }
0x103: {  	s2 =	simm.s32 $0x30  }
0x104: {  	v4 =	vmov s2  }
0x105: {  	[tilespmem:v2+s23+$0x0] =	vst.idx.msk $0xffff, v3;
	v2 =	vshll.u32 v4, $0x4  }
0x106: {  	v3 =	vld [tilespmem:s30+$0x10];
	v4 =	vor.u32 v1, v2;
	_ =	sdelay $0x4  }
0x107: {  	[tilespmem:v4+s23+$0x0] =	vst.idx.msk $0xffff, v3  }
0x108: {  	v3 =	vor.u32 $0x1, v4;
	v2 =	vld [tilespmem:s31+$0x10];
	_ =	sdelay $0x2  }
0x109: {  	s0 =	simm.s32 $0x40  }
0x10a: {  	s1 =	simm.s32 $0x80;
	v4 =	vmov s0  }
.LBB2_10:
0x10b: {  	p0 =	sne.s32 s1, $0x7C0;
	v4 =	vshll.u32 v4, $0x4;
	[tilespmem:v3+s23+$0x0] =	vst.idx.msk $0xffff, v2;
	s30 =	sadd.s32 $0x40, s30  }
0x10c: {  	v2 =	vld [tilespmem:s30+$0xFFFFFFE0];
	v3 =	vor.u32 v1, v4;
	_ =	sdelay $0x4  }
0x10d: {  	s31 =	sadd.s32 $0x40, s31;
	[tilespmem:v3+s23+$0x0] =	vst.idx.msk $0xffff, v2  }
0x10e: {  	v3 =	vor.u32 $0x1, v3;
	v2 =	vld [tilespmem:s31+$0xFFFFFFE0];
	_ =	sdelay $0x2  }
0x10f: {  	s2 =	sadd.s32 $0x10, s0  }
0x110: {  	v4 =	vmov s2  }
0x111: {  	[tilespmem:v3+s23+$0x0] =	vst.idx.msk $0xffff, v2;
	v2 =	vshll.u32 v4, $0x4  }
0x112: {  	v3 =	vld [tilespmem:s30+$0xFFFFFFF0];
	v2 =	vor.u32 v1, v2;
	_ =	sdelay $0x4  }
0x113: {  	[tilespmem:v2+s23+$0x0] =	vst.idx.msk $0xffff, v3  }
0x114: {  	v2 =	vor.u32 $0x1, v2;
	v3 =	vld [tilespmem:s31+$0xFFFFFFF0];
	_ =	sdelay $0x2  }
0x115: {  	s2 =	sadd.s32 $0x20, s0  }
0x116: {  	v4 =	vmov s2  }
0x117: {  	[tilespmem:v2+s23+$0x0] =	vst.idx.msk $0xffff, v3;
	v2 =	vshll.u32 v4, $0x4  }
0x118: {  	v3 =	vld [tilespmem:s30+$0x0];
	v2 =	vor.u32 v1, v2;
	_ =	sdelay $0x4  }
0x119: {  	[tilespmem:v2+s23+$0x0] =	vst.idx.msk $0xffff, v3  }
0x11a: {  	v2 =	vor.u32 $0x1, v2;
	v3 =	vld [tilespmem:s31+$0x0];
	_ =	sdelay $0x2  }
0x11b: {  	s2 =	sadd.s32 $0x30, s0;
	s0 =	smov.u32 s1  }
0x11c: {  	v4 =	vmov s2  }
0x11d: {  	[tilespmem:v2+s23+$0x0] =	vst.idx.msk $0xffff, v3;
	v2 =	vshll.u32 v4, $0x4  }
0x11e: {  	v3 =	vld [tilespmem:s30+$0x10];
	v4 =	vor.u32 v1, v2;
	_ =	sdelay $0x4  }
0x11f: {  	[tilespmem:v4+s23+$0x0] =	vst.idx.msk $0xffff, v3  }
.Ltmp4:
0x120: {  	v3 =	vor.u32 $0x1, v4;
	v2 =	vld [tilespmem:s31+$0x10];
	(pc) =	sbr.rel @p0 .LBB2_10-.Ltmp4, $2  }
0x121: {  	_ =	sdelay $0x2  }
0x122: {  	s1 =	sadd.s32 $0x40, s1;
	v4 =	vmov s0  }
0x123: {  	_ =	sdelay $0x3  }
0x124: {  	v4 =	vshll.u32 v4, $0x4;
	[tilespmem:v3+s23+$0x0] =	vst.idx.msk $0xffff, v2;
	s1 =	sadd.s32 $0x40, s30  }
0x125: {  	v2 =	vld [tilespmem:s1+$0xFFFFFFE0];
	v3 =	vor.u32 v1, v4;
	_ =	sdelay $0x4  }
0x126: {  	s2 =	sadd.s32 $0x40, s31;
	[tilespmem:v3+s23+$0x0] =	vst.idx.msk $0xffff, v2  }
0x127: {  	v3 =	vor.u32 $0x1, v3;
	v2 =	vld [tilespmem:s2+$0xFFFFFFE0];
	_ =	sdelay $0x2  }
0x128: {  	s30 =	sadd.s32 $0x10, s0  }
0x129: {  	v4 =	vmov s30  }
0x12a: {  	[tilespmem:v3+s23+$0x0] =	vst.idx.msk $0xffff, v2;
	v2 =	vshll.u32 v4, $0x4  }
0x12b: {  	v3 =	vld [tilespmem:s1+$0xFFFFFFF0];
	v2 =	vor.u32 v1, v2;
	_ =	sdelay $0x4  }
0x12c: {  	[tilespmem:v2+s23+$0x0] =	vst.idx.msk $0xffff, v3  }
0x12d: {  	v2 =	vor.u32 $0x1, v2;
	v3 =	vld [tilespmem:s2+$0xFFFFFFF0];
	_ =	sdelay $0x2  }
0x12e: {  	s30 =	sadd.s32 $0x20, s0  }
0x12f: {  	v4 =	vmov s30  }
0x130: {  	[tilespmem:v2+s23+$0x0] =	vst.idx.msk $0xffff, v3;
	v2 =	vshll.u32 v4, $0x4  }
0x131: {  	v3 =	vld [tilespmem:s1+$0x0];
	v2 =	vor.u32 v1, v2;
	_ =	sdelay $0x4  }
0x132: {  	[tilespmem:v2+s23+$0x0] =	vst.idx.msk $0xffff, v3  }
0x133: {  	v2 =	vor.u32 $0x1, v2;
	v3 =	vld [tilespmem:s2+$0x0];
	_ =	sdelay $0x2  }
0x134: {  	s0 =	sadd.s32 $0x30, s0  }
0x135: {  	v4 =	vmov s0  }
0x136: {  	[tilespmem:v2+s23+$0x0] =	vst.idx.msk $0xffff, v3;
	v2 =	vshll.u32 v4, $0x4  }
0x137: {  	v3 =	vld [tilespmem:s1+$0x10];
	v2 =	vor.u32 v1, v2;
	_ =	sdelay $0x4  }
0x138: {  	[tilespmem:v2+s23+$0x0] =	vst.idx.msk $0xffff, v3  }
0x139: {  	v2 =	vor.u32 $0x1, v2;
	v3 =	vld [tilespmem:s2+$0x10];
	_ =	sdelay $0x4  }
0x13a: {  	s0 =	simm.s32 $0x0;
	[tilespmem:v2+s23+$0x0] =	vst.idx.msk $0xffff, v3  }
0x13b: {  	[hbm4b:s4+s0] =	stream.linear.scatter [tilespmem:s23], [sflag:$0x1], $0x8000, $0x38;
	[tilespmem:$0x12000] =	vst v63  }
0x13c: {  	_ =	swait.ge [sflag:s28], $0x8000  }
0x13d: {  	[sflag:s28] =	ssyncset.done $0x0  }
0x13e: {  	[sflag:s28] =	ssyncadd.s32 $0xFFFF8000  }
0x13f: {  	_ =	swait.ge [sflag:s24], $0x800  }
0x140: {  	[sflag:s24] =	ssyncset.done $0x0  }
0x141: {  	[sflag:s24] =	ssyncadd.s32 $0xFFFFF800  }
0x142: {  	_ =	swait.ge [sflag:s24], $0x800  }
0x143: {  	[sflag:s24] =	ssyncset.done $0x0  }
0x144: {  	s2 =	rddreg [dreg:$0xa];
	[sflag:s24] =	ssyncadd.s32 $0xFFFFF800  }
0x145: {  	[tilespmem:s0], [sflag:$0x3] =	stream.linear.gather [hbm4b:s2+s0], $0x800, $0x38;
	[tilespmem:$0x12000] =	vst v63  }
0x146: {  	s30 =	simm.s32 $0x1020;
	v2 =	vmov s0;
	s2 =	rddreg [dreg:$0xb]  }
0x147: {  	v2 =	vshll.u32 v2, $0x4;
	[tilespmem:s19], [sflag:$0x3] =	stream.linear.gather [hbm4b:s2+s0], $0x800, $0x38;
	[tilespmem:$0x12000] =	vst v63  }
0x148: {  	v2 =	vor.u32 v1, v2;
	v3 =	vld [tilespmem:s30+$0xFFFFFFE0];
	_ =	sdelay $0x4  }
0x149: {  	s31 =	simm.s32 $0x1820;
	[tilespmem:v2+s25+$0x0] =	vst.idx.msk $0xffff, v3  }
0x14a: {  	v2 =	vor.u32 $0x1, v2;
	v3 =	vld [tilespmem:s31+$0xFFFFFFE0];
	_ =	sdelay $0x2  }
0x14b: {  	s2 =	simm.s32 $0x10  }
0x14c: {  	v4 =	vmov s2  }
0x14d: {  	[tilespmem:v2+s25+$0x0] =	vst.idx.msk $0xffff, v3;
	v2 =	vshll.u32 v4, $0x4  }
0x14e: {  	v3 =	vld [tilespmem:s30+$0xFFFFFFF0];
	v2 =	vor.u32 v1, v2;
	_ =	sdelay $0x4  }
0x14f: {  	[tilespmem:v2+s25+$0x0] =	vst.idx.msk $0xffff, v3  }
0x150: {  	v2 =	vor.u32 $0x1, v2;
	v3 =	vld [tilespmem:s31+$0xFFFFFFF0];
	_ =	sdelay $0x2  }
0x151: {  	s1 =	simm.s32 $0x20  }
0x152: {  	v4 =	vmov s1  }
0x153: {  	[tilespmem:v2+s25+$0x0] =	vst.idx.msk $0xffff, v3;
	v2 =	vshll.u32 v4, $0x4  }
0x154: {  	v3 =	vld [tilespmem:s30+$0x0];
	v2 =	vor.u32 v1, v2;
	_ =	sdelay $0x4  }
0x155: {  	[tilespmem:v2+s25+$0x0] =	vst.idx.msk $0xffff, v3  }
0x156: {  	v2 =	vor.u32 $0x1, v2;
	v3 =	vld [tilespmem:s31+$0x0];
	_ =	sdelay $0x2  }
0x157: {  	s2 =	simm.s32 $0x30  }
0x158: {  	v4 =	vmov s2  }
0x159: {  	[tilespmem:v2+s25+$0x0] =	vst.idx.msk $0xffff, v3;
	v2 =	vshll.u32 v4, $0x4  }
0x15a: {  	v3 =	vld [tilespmem:s30+$0x10];
	v4 =	vor.u32 v1, v2;
	_ =	sdelay $0x4  }
0x15b: {  	[tilespmem:v4+s25+$0x0] =	vst.idx.msk $0xffff, v3  }
0x15c: {  	v3 =	vor.u32 $0x1, v4;
	v2 =	vld [tilespmem:s31+$0x10];
	_ =	sdelay $0x2  }
0x15d: {  	s0 =	simm.s32 $0x40  }
0x15e: {  	s1 =	simm.s32 $0x80;
	v4 =	vmov s0  }
.LBB2_12:
0x15f: {  	p0 =	sne.s32 s1, $0x7C0;
	v4 =	vshll.u32 v4, $0x4;
	[tilespmem:v3+s25+$0x0] =	vst.idx.msk $0xffff, v2;
	s30 =	sadd.s32 $0x40, s30  }
0x160: {  	v2 =	vld [tilespmem:s30+$0xFFFFFFE0];
	v3 =	vor.u32 v1, v4;
	_ =	sdelay $0x4  }
0x161: {  	s31 =	sadd.s32 $0x40, s31;
	[tilespmem:v3+s25+$0x0] =	vst.idx.msk $0xffff, v2  }
0x162: {  	v3 =	vor.u32 $0x1, v3;
	v2 =	vld [tilespmem:s31+$0xFFFFFFE0];
	_ =	sdelay $0x2  }
0x163: {  	s2 =	sadd.s32 $0x10, s0  }
0x164: {  	v4 =	vmov s2  }
0x165: {  	[tilespmem:v3+s25+$0x0] =	vst.idx.msk $0xffff, v2;
	v2 =	vshll.u32 v4, $0x4  }
0x166: {  	v3 =	vld [tilespmem:s30+$0xFFFFFFF0];
	v2 =	vor.u32 v1, v2;
	_ =	sdelay $0x4  }
0x167: {  	[tilespmem:v2+s25+$0x0] =	vst.idx.msk $0xffff, v3  }
0x168: {  	v2 =	vor.u32 $0x1, v2;
	v3 =	vld [tilespmem:s31+$0xFFFFFFF0];
	_ =	sdelay $0x2  }
0x169: {  	s2 =	sadd.s32 $0x20, s0  }
0x16a: {  	v4 =	vmov s2  }
0x16b: {  	[tilespmem:v2+s25+$0x0] =	vst.idx.msk $0xffff, v3;
	v2 =	vshll.u32 v4, $0x4  }
0x16c: {  	v3 =	vld [tilespmem:s30+$0x0];
	v2 =	vor.u32 v1, v2;
	_ =	sdelay $0x4  }
0x16d: {  	[tilespmem:v2+s25+$0x0] =	vst.idx.msk $0xffff, v3  }
0x16e: {  	v2 =	vor.u32 $0x1, v2;
	v3 =	vld [tilespmem:s31+$0x0];
	_ =	sdelay $0x2  }
0x16f: {  	s2 =	sadd.s32 $0x30, s0;
	s0 =	smov.u32 s1  }
0x170: {  	v4 =	vmov s2  }
0x171: {  	[tilespmem:v2+s25+$0x0] =	vst.idx.msk $0xffff, v3;
	v2 =	vshll.u32 v4, $0x4  }
0x172: {  	v3 =	vld [tilespmem:s30+$0x10];
	v4 =	vor.u32 v1, v2;
	_ =	sdelay $0x4  }
0x173: {  	[tilespmem:v4+s25+$0x0] =	vst.idx.msk $0xffff, v3  }
.Ltmp5:
0x174: {  	v3 =	vor.u32 $0x1, v4;
	v2 =	vld [tilespmem:s31+$0x10];
	(pc) =	sbr.rel @p0 .LBB2_12-.Ltmp5, $2  }
0x175: {  	_ =	sdelay $0x2  }
0x176: {  	s1 =	sadd.s32 $0x40, s1;
	v4 =	vmov s0  }
0x177: {  	_ =	sdelay $0x3  }
0x178: {  	v4 =	vshll.u32 v4, $0x4;
	[tilespmem:v3+s25+$0x0] =	vst.idx.msk $0xffff, v2;
	s1 =	sadd.s32 $0x40, s30  }
0x179: {  	v2 =	vld [tilespmem:s1+$0xFFFFFFE0];
	v3 =	vor.u32 v1, v4;
	_ =	sdelay $0x4  }
0x17a: {  	s2 =	sadd.s32 $0x40, s31;
	[tilespmem:v3+s25+$0x0] =	vst.idx.msk $0xffff, v2  }
0x17b: {  	v3 =	vor.u32 $0x1, v3;
	v2 =	vld [tilespmem:s2+$0xFFFFFFE0];
	_ =	sdelay $0x2  }
0x17c: {  	s30 =	sadd.s32 $0x10, s0  }
0x17d: {  	v4 =	vmov s30  }
0x17e: {  	[tilespmem:v3+s25+$0x0] =	vst.idx.msk $0xffff, v2;
	v2 =	vshll.u32 v4, $0x4  }
0x17f: {  	v3 =	vld [tilespmem:s1+$0xFFFFFFF0];
	v2 =	vor.u32 v1, v2;
	_ =	sdelay $0x4  }
0x180: {  	[tilespmem:v2+s25+$0x0] =	vst.idx.msk $0xffff, v3  }
0x181: {  	v2 =	vor.u32 $0x1, v2;
	v3 =	vld [tilespmem:s2+$0xFFFFFFF0];
	_ =	sdelay $0x2  }
0x182: {  	s30 =	sadd.s32 $0x20, s0  }
0x183: {  	v4 =	vmov s30  }
0x184: {  	[tilespmem:v2+s25+$0x0] =	vst.idx.msk $0xffff, v3;
	v2 =	vshll.u32 v4, $0x4  }
0x185: {  	v3 =	vld [tilespmem:s1+$0x0];
	v2 =	vor.u32 v1, v2;
	_ =	sdelay $0x4  }
0x186: {  	[tilespmem:v2+s25+$0x0] =	vst.idx.msk $0xffff, v3  }
0x187: {  	v2 =	vor.u32 $0x1, v2;
	v3 =	vld [tilespmem:s2+$0x0];
	_ =	sdelay $0x2  }
0x188: {  	s0 =	sadd.s32 $0x30, s0  }
0x189: {  	v4 =	vmov s0  }
0x18a: {  	[tilespmem:v2+s25+$0x0] =	vst.idx.msk $0xffff, v3;
	v2 =	vshll.u32 v4, $0x4  }
0x18b: {  	v3 =	vld [tilespmem:s1+$0x10];
	v2 =	vor.u32 v1, v2;
	_ =	sdelay $0x4  }
0x18c: {  	[tilespmem:v2+s25+$0x0] =	vst.idx.msk $0xffff, v3  }
0x18d: {  	v2 =	vor.u32 $0x1, v2;
	v3 =	vld [tilespmem:s2+$0x10];
	_ =	sdelay $0x4  }
0x18e: {  	s0 =	simm.s32 $0x0;
	[tilespmem:v2+s25+$0x0] =	vst.idx.msk $0xffff, v3  }
0x18f: {  	[hbm4b:s5+s0] =	stream.linear.scatter [tilespmem:s25], [sflag:$0x2], $0x8000, $0x38;
	[tilespmem:$0x12000] =	vst v63  }
0x190: {  	_ =	swait.ge [sflag:s26], $0x8000  }
0x191: {  	[sflag:s26] =	ssyncset.done $0x0  }
0x192: {  	[sflag:s26] =	ssyncadd.s32 $0xFFFF8000  }
0x193: {  	_ =	swait.ge [sflag:s20], $0x800  }
0x194: {  	[sflag:s20] =	ssyncset.done $0x0  }
0x195: {  	[sflag:s20] =	ssyncadd.s32 $0xFFFFF800  }
0x196: {  	_ =	swait.ge [sflag:s20], $0x800  }
0x197: {  	[sflag:s20] =	ssyncset.done $0x0  }
0x198: {  	s2 =	rddreg [dreg:$0xc];
	[sflag:s20] =	ssyncadd.s32 $0xFFFFF800  }
0x199: {  	[tilespmem:s21], [sflag:$0x4] =	stream.linear.gather [hbm4b:s2+s0], $0x800, $0x38;
	[tilespmem:$0x12000] =	vst v63  }
0x19a: {  	s30 =	simm.s32 $0x20;
	v2 =	vmov s0;
	s2 =	rddreg [dreg:$0xd]  }
0x19b: {  	v2 =	vshll.u32 v2, $0x4;
	[tilespmem:s22], [sflag:$0x4] =	stream.linear.gather [hbm4b:s2+s0], $0x800, $0x38;
	[tilespmem:$0x12000] =	vst v63  }
0x19c: {  	v2 =	vor.u32 v1, v2;
	v3 =	vld [tilespmem:s30+$0xFFFFFFE0];
	_ =	sdelay $0x4  }
0x19d: {  	s31 =	simm.s32 $0x820;
	[tilespmem:v2+s23+$0x0] =	vst.idx.msk $0xffff, v3  }
0x19e: {  	v2 =	vor.u32 $0x1, v2;
	v3 =	vld [tilespmem:s31+$0xFFFFFFE0];
	_ =	sdelay $0x2  }
0x19f: {  	s2 =	simm.s32 $0x10  }
0x1a0: {  	v4 =	vmov s2  }
0x1a1: {  	[tilespmem:v2+s23+$0x0] =	vst.idx.msk $0xffff, v3;
	v2 =	vshll.u32 v4, $0x4  }
0x1a2: {  	v3 =	vld [tilespmem:s30+$0xFFFFFFF0];
	v2 =	vor.u32 v1, v2;
	_ =	sdelay $0x4  }
0x1a3: {  	[tilespmem:v2+s23+$0x0] =	vst.idx.msk $0xffff, v3  }
0x1a4: {  	v2 =	vor.u32 $0x1, v2;
	v3 =	vld [tilespmem:s31+$0xFFFFFFF0];
	_ =	sdelay $0x2  }
0x1a5: {  	s1 =	simm.s32 $0x20  }
0x1a6: {  	v4 =	vmov s1  }
0x1a7: {  	[tilespmem:v2+s23+$0x0] =	vst.idx.msk $0xffff, v3;
	v2 =	vshll.u32 v4, $0x4  }
0x1a8: {  	v3 =	vld [tilespmem:s30+$0x0];
	v2 =	vor.u32 v1, v2;
	_ =	sdelay $0x4  }
0x1a9: {  	[tilespmem:v2+s23+$0x0] =	vst.idx.msk $0xffff, v3  }
0x1aa: {  	v2 =	vor.u32 $0x1, v2;
	v3 =	vld [tilespmem:s31+$0x0];
	_ =	sdelay $0x2  }
0x1ab: {  	s2 =	simm.s32 $0x30  }
0x1ac: {  	v4 =	vmov s2  }
0x1ad: {  	[tilespmem:v2+s23+$0x0] =	vst.idx.msk $0xffff, v3;
	v2 =	vshll.u32 v4, $0x4  }
0x1ae: {  	v3 =	vld [tilespmem:s30+$0x10];
	v4 =	vor.u32 v1, v2;
	_ =	sdelay $0x4  }
0x1af: {  	[tilespmem:v4+s23+$0x0] =	vst.idx.msk $0xffff, v3  }
0x1b0: {  	v3 =	vor.u32 $0x1, v4;
	v2 =	vld [tilespmem:s31+$0x10];
	_ =	sdelay $0x2  }
0x1b1: {  	s0 =	simm.s32 $0x40  }
0x1b2: {  	s1 =	simm.s32 $0x80;
	v4 =	vmov s0  }
.LBB2_14:
0x1b3: {  	p0 =	sne.s32 s1, $0x7C0;
	v4 =	vshll.u32 v4, $0x4;
	[tilespmem:v3+s23+$0x0] =	vst.idx.msk $0xffff, v2;
	s30 =	sadd.s32 $0x40, s30  }
0x1b4: {  	v2 =	vld [tilespmem:s30+$0xFFFFFFE0];
	v3 =	vor.u32 v1, v4;
	_ =	sdelay $0x4  }
0x1b5: {  	s31 =	sadd.s32 $0x40, s31;
	[tilespmem:v3+s23+$0x0] =	vst.idx.msk $0xffff, v2  }
0x1b6: {  	v3 =	vor.u32 $0x1, v3;
	v2 =	vld [tilespmem:s31+$0xFFFFFFE0];
	_ =	sdelay $0x2  }
0x1b7: {  	s2 =	sadd.s32 $0x10, s0  }
0x1b8: {  	v4 =	vmov s2  }
0x1b9: {  	[tilespmem:v3+s23+$0x0] =	vst.idx.msk $0xffff, v2;
	v2 =	vshll.u32 v4, $0x4  }
0x1ba: {  	v3 =	vld [tilespmem:s30+$0xFFFFFFF0];
	v2 =	vor.u32 v1, v2;
	_ =	sdelay $0x4  }
0x1bb: {  	[tilespmem:v2+s23+$0x0] =	vst.idx.msk $0xffff, v3  }
0x1bc: {  	v2 =	vor.u32 $0x1, v2;
	v3 =	vld [tilespmem:s31+$0xFFFFFFF0];
	_ =	sdelay $0x2  }
0x1bd: {  	s2 =	sadd.s32 $0x20, s0  }
0x1be: {  	v4 =	vmov s2  }
0x1bf: {  	[tilespmem:v2+s23+$0x0] =	vst.idx.msk $0xffff, v3;
	v2 =	vshll.u32 v4, $0x4  }
0x1c0: {  	v3 =	vld [tilespmem:s30+$0x0];
	v2 =	vor.u32 v1, v2;
	_ =	sdelay $0x4  }
0x1c1: {  	[tilespmem:v2+s23+$0x0] =	vst.idx.msk $0xffff, v3  }
0x1c2: {  	v2 =	vor.u32 $0x1, v2;
	v3 =	vld [tilespmem:s31+$0x0];
	_ =	sdelay $0x2  }
0x1c3: {  	s2 =	sadd.s32 $0x30, s0;
	s0 =	smov.u32 s1  }
0x1c4: {  	v4 =	vmov s2  }
0x1c5: {  	[tilespmem:v2+s23+$0x0] =	vst.idx.msk $0xffff, v3;
	v2 =	vshll.u32 v4, $0x4  }
0x1c6: {  	v3 =	vld [tilespmem:s30+$0x10];
	v4 =	vor.u32 v1, v2;
	_ =	sdelay $0x4  }
0x1c7: {  	[tilespmem:v4+s23+$0x0] =	vst.idx.msk $0xffff, v3  }
.Ltmp6:
0x1c8: {  	v3 =	vor.u32 $0x1, v4;
	v2 =	vld [tilespmem:s31+$0x10];
	(pc) =	sbr.rel @p0 .LBB2_14-.Ltmp6, $2  }
0x1c9: {  	_ =	sdelay $0x2  }
0x1ca: {  	s1 =	sadd.s32 $0x40, s1;
	v4 =	vmov s0  }
0x1cb: {  	_ =	sdelay $0x3  }
0x1cc: {  	v4 =	vshll.u32 v4, $0x4;
	[tilespmem:v3+s23+$0x0] =	vst.idx.msk $0xffff, v2;
	s1 =	sadd.s32 $0x40, s30  }
0x1cd: {  	v2 =	vld [tilespmem:s1+$0xFFFFFFE0];
	v3 =	vor.u32 v1, v4;
	_ =	sdelay $0x4  }
0x1ce: {  	s2 =	sadd.s32 $0x40, s31;
	[tilespmem:v3+s23+$0x0] =	vst.idx.msk $0xffff, v2  }
0x1cf: {  	v3 =	vor.u32 $0x1, v3;
	v2 =	vld [tilespmem:s2+$0xFFFFFFE0];
	_ =	sdelay $0x2  }
0x1d0: {  	s30 =	sadd.s32 $0x10, s0  }
0x1d1: {  	v4 =	vmov s30  }
0x1d2: {  	[tilespmem:v3+s23+$0x0] =	vst.idx.msk $0xffff, v2;
	v2 =	vshll.u32 v4, $0x4  }
0x1d3: {  	v3 =	vld [tilespmem:s1+$0xFFFFFFF0];
	v2 =	vor.u32 v1, v2;
	_ =	sdelay $0x4  }
0x1d4: {  	[tilespmem:v2+s23+$0x0] =	vst.idx.msk $0xffff, v3  }
0x1d5: {  	v2 =	vor.u32 $0x1, v2;
	v3 =	vld [tilespmem:s2+$0xFFFFFFF0];
	_ =	sdelay $0x2  }
0x1d6: {  	s30 =	sadd.s32 $0x20, s0  }
0x1d7: {  	v4 =	vmov s30  }
0x1d8: {  	[tilespmem:v2+s23+$0x0] =	vst.idx.msk $0xffff, v3;
	v2 =	vshll.u32 v4, $0x4  }
0x1d9: {  	v3 =	vld [tilespmem:s1+$0x0];
	v2 =	vor.u32 v1, v2;
	_ =	sdelay $0x4  }
0x1da: {  	[tilespmem:v2+s23+$0x0] =	vst.idx.msk $0xffff, v3  }
0x1db: {  	v2 =	vor.u32 $0x1, v2;
	v3 =	vld [tilespmem:s2+$0x0];
	_ =	sdelay $0x2  }
0x1dc: {  	s0 =	sadd.s32 $0x30, s0  }
0x1dd: {  	v4 =	vmov s0  }
0x1de: {  	[tilespmem:v2+s23+$0x0] =	vst.idx.msk $0xffff, v3;
	v2 =	vshll.u32 v4, $0x4  }
0x1df: {  	v3 =	vld [tilespmem:s1+$0x10];
	v2 =	vor.u32 v1, v2;
	_ =	sdelay $0x4  }
0x1e0: {  	[tilespmem:v2+s23+$0x0] =	vst.idx.msk $0xffff, v3  }
0x1e1: {  	v2 =	vor.u32 $0x1, v2;
	v3 =	vld [tilespmem:s2+$0x10];
	_ =	sdelay $0x4  }
0x1e2: {  	s0 =	simm.s32 $0x0;
	[tilespmem:v2+s23+$0x0] =	vst.idx.msk $0xffff, v3  }
0x1e3: {  	[hbm4b:s6+s0] =	stream.linear.scatter [tilespmem:s23], [sflag:$0x1], $0x8000, $0x38;
	[tilespmem:$0x12000] =	vst v63  }
0x1e4: {  	_ =	swait.ge [sflag:s28], $0x8000  }
0x1e5: {  	[sflag:s28] =	ssyncset.done $0x0  }
0x1e6: {  	[sflag:s28] =	ssyncadd.s32 $0xFFFF8000  }
0x1e7: {  	_ =	swait.ge [sflag:s24], $0x800  }
0x1e8: {  	[sflag:s24] =	ssyncset.done $0x0  }
0x1e9: {  	[sflag:s24] =	ssyncadd.s32 $0xFFFFF800  }
0x1ea: {  	_ =	swait.ge [sflag:s24], $0x800  }
0x1eb: {  	[sflag:s24] =	ssyncset.done $0x0  }
0x1ec: {  	s2 =	rddreg [dreg:$0xe];
	[sflag:s24] =	ssyncadd.s32 $0xFFFFF800  }
0x1ed: {  	[tilespmem:s0], [sflag:$0x3] =	stream.linear.gather [hbm4b:s2+s0], $0x800, $0x38;
	[tilespmem:$0x12000] =	vst v63  }
0x1ee: {  	s30 =	simm.s32 $0x1020;
	v2 =	vmov s0;
	s2 =	rddreg [dreg:$0xf]  }
0x1ef: {  	v2 =	vshll.u32 v2, $0x4;
	[tilespmem:s19], [sflag:$0x3] =	stream.linear.gather [hbm4b:s2+s0], $0x800, $0x38;
	[tilespmem:$0x12000] =	vst v63  }
0x1f0: {  	v2 =	vor.u32 v1, v2;
	v3 =	vld [tilespmem:s30+$0xFFFFFFE0];
	_ =	sdelay $0x4  }
0x1f1: {  	s31 =	simm.s32 $0x1820;
	[tilespmem:v2+s25+$0x0] =	vst.idx.msk $0xffff, v3  }
0x1f2: {  	v2 =	vor.u32 $0x1, v2;
	v3 =	vld [tilespmem:s31+$0xFFFFFFE0];
	_ =	sdelay $0x2  }
0x1f3: {  	s2 =	simm.s32 $0x10  }
0x1f4: {  	v4 =	vmov s2  }
0x1f5: {  	[tilespmem:v2+s25+$0x0] =	vst.idx.msk $0xffff, v3;
	v2 =	vshll.u32 v4, $0x4  }
0x1f6: {  	v3 =	vld [tilespmem:s30+$0xFFFFFFF0];
	v2 =	vor.u32 v1, v2;
	_ =	sdelay $0x4  }
0x1f7: {  	[tilespmem:v2+s25+$0x0] =	vst.idx.msk $0xffff, v3  }
0x1f8: {  	v2 =	vor.u32 $0x1, v2;
	v3 =	vld [tilespmem:s31+$0xFFFFFFF0];
	_ =	sdelay $0x2  }
0x1f9: {  	s1 =	simm.s32 $0x20  }
0x1fa: {  	v4 =	vmov s1  }
0x1fb: {  	[tilespmem:v2+s25+$0x0] =	vst.idx.msk $0xffff, v3;
	v2 =	vshll.u32 v4, $0x4  }
0x1fc: {  	v3 =	vld [tilespmem:s30+$0x0];
	v2 =	vor.u32 v1, v2;
	_ =	sdelay $0x4  }
0x1fd: {  	[tilespmem:v2+s25+$0x0] =	vst.idx.msk $0xffff, v3  }
0x1fe: {  	v2 =	vor.u32 $0x1, v2;
	v3 =	vld [tilespmem:s31+$0x0];
	_ =	sdelay $0x2  }
0x1ff: {  	s2 =	simm.s32 $0x30  }
0x200: {  	v4 =	vmov s2  }
0x201: {  	[tilespmem:v2+s25+$0x0] =	vst.idx.msk $0xffff, v3;
	v2 =	vshll.u32 v4, $0x4  }
0x202: {  	v3 =	vld [tilespmem:s30+$0x10];
	v4 =	vor.u32 v1, v2;
	_ =	sdelay $0x4  }
0x203: {  	[tilespmem:v4+s25+$0x0] =	vst.idx.msk $0xffff, v3  }
0x204: {  	v3 =	vor.u32 $0x1, v4;
	v2 =	vld [tilespmem:s31+$0x10];
	_ =	sdelay $0x2  }
0x205: {  	s0 =	simm.s32 $0x40  }
0x206: {  	s1 =	simm.s32 $0x80;
	v4 =	vmov s0  }
.LBB2_16:
0x207: {  	p0 =	sne.s32 s1, $0x7C0;
	v4 =	vshll.u32 v4, $0x4;
	[tilespmem:v3+s25+$0x0] =	vst.idx.msk $0xffff, v2;
	s30 =	sadd.s32 $0x40, s30  }
0x208: {  	v2 =	vld [tilespmem:s30+$0xFFFFFFE0];
	v3 =	vor.u32 v1, v4;
	_ =	sdelay $0x4  }
0x209: {  	s31 =	sadd.s32 $0x40, s31;
	[tilespmem:v3+s25+$0x0] =	vst.idx.msk $0xffff, v2  }
0x20a: {  	v3 =	vor.u32 $0x1, v3;
	v2 =	vld [tilespmem:s31+$0xFFFFFFE0];
	_ =	sdelay $0x2  }
0x20b: {  	s2 =	sadd.s32 $0x10, s0  }
0x20c: {  	v4 =	vmov s2  }
0x20d: {  	[tilespmem:v3+s25+$0x0] =	vst.idx.msk $0xffff, v2;
	v2 =	vshll.u32 v4, $0x4  }
0x20e: {  	v3 =	vld [tilespmem:s30+$0xFFFFFFF0];
	v2 =	vor.u32 v1, v2;
	_ =	sdelay $0x4  }
0x20f: {  	[tilespmem:v2+s25+$0x0] =	vst.idx.msk $0xffff, v3  }
0x210: {  	v2 =	vor.u32 $0x1, v2;
	v3 =	vld [tilespmem:s31+$0xFFFFFFF0];
	_ =	sdelay $0x2  }
0x211: {  	s2 =	sadd.s32 $0x20, s0  }
0x212: {  	v4 =	vmov s2  }
0x213: {  	[tilespmem:v2+s25+$0x0] =	vst.idx.msk $0xffff, v3;
	v2 =	vshll.u32 v4, $0x4  }
0x214: {  	v3 =	vld [tilespmem:s30+$0x0];
	v2 =	vor.u32 v1, v2;
	_ =	sdelay $0x4  }
0x215: {  	[tilespmem:v2+s25+$0x0] =	vst.idx.msk $0xffff, v3  }
0x216: {  	v2 =	vor.u32 $0x1, v2;
	v3 =	vld [tilespmem:s31+$0x0];
	_ =	sdelay $0x2  }
0x217: {  	s2 =	sadd.s32 $0x30, s0;
	s0 =	smov.u32 s1  }
0x218: {  	v4 =	vmov s2  }
0x219: {  	[tilespmem:v2+s25+$0x0] =	vst.idx.msk $0xffff, v3;
	v2 =	vshll.u32 v4, $0x4  }
0x21a: {  	v3 =	vld [tilespmem:s30+$0x10];
	v4 =	vor.u32 v1, v2;
	_ =	sdelay $0x4  }
0x21b: {  	[tilespmem:v4+s25+$0x0] =	vst.idx.msk $0xffff, v3  }
.Ltmp7:
0x21c: {  	v3 =	vor.u32 $0x1, v4;
	v2 =	vld [tilespmem:s31+$0x10];
	(pc) =	sbr.rel @p0 .LBB2_16-.Ltmp7, $2  }
0x21d: {  	_ =	sdelay $0x2  }
0x21e: {  	s1 =	sadd.s32 $0x40, s1;
	v4 =	vmov s0  }
0x21f: {  	_ =	sdelay $0x3  }
0x220: {  	v4 =	vshll.u32 v4, $0x4;
	[tilespmem:v3+s25+$0x0] =	vst.idx.msk $0xffff, v2;
	s1 =	sadd.s32 $0x40, s30  }
0x221: {  	v2 =	vld [tilespmem:s1+$0xFFFFFFE0];
	v3 =	vor.u32 v1, v4;
	_ =	sdelay $0x4  }
0x222: {  	s2 =	sadd.s32 $0x40, s31;
	[tilespmem:v3+s25+$0x0] =	vst.idx.msk $0xffff, v2  }
0x223: {  	v3 =	vor.u32 $0x1, v3;
	v2 =	vld [tilespmem:s2+$0xFFFFFFE0];
	_ =	sdelay $0x2  }
0x224: {  	s30 =	sadd.s32 $0x10, s0  }
0x225: {  	v4 =	vmov s30  }
0x226: {  	[tilespmem:v3+s25+$0x0] =	vst.idx.msk $0xffff, v2;
	v2 =	vshll.u32 v4, $0x4  }
0x227: {  	v3 =	vld [tilespmem:s1+$0xFFFFFFF0];
	v2 =	vor.u32 v1, v2;
	_ =	sdelay $0x4  }
0x228: {  	[tilespmem:v2+s25+$0x0] =	vst.idx.msk $0xffff, v3  }
0x229: {  	v2 =	vor.u32 $0x1, v2;
	v3 =	vld [tilespmem:s2+$0xFFFFFFF0];
	_ =	sdelay $0x2  }
0x22a: {  	s30 =	sadd.s32 $0x20, s0  }
0x22b: {  	v4 =	vmov s30  }
0x22c: {  	[tilespmem:v2+s25+$0x0] =	vst.idx.msk $0xffff, v3;
	v2 =	vshll.u32 v4, $0x4  }
0x22d: {  	v3 =	vld [tilespmem:s1+$0x0];
	v2 =	vor.u32 v1, v2;
	_ =	sdelay $0x4  }
0x22e: {  	[tilespmem:v2+s25+$0x0] =	vst.idx.msk $0xffff, v3  }
0x22f: {  	v2 =	vor.u32 $0x1, v2;
	v3 =	vld [tilespmem:s2+$0x0];
	_ =	sdelay $0x2  }
0x230: {  	s0 =	sadd.s32 $0x30, s0  }
0x231: {  	v4 =	vmov s0  }
0x232: {  	[tilespmem:v2+s25+$0x0] =	vst.idx.msk $0xffff, v3;
	v2 =	vshll.u32 v4, $0x4  }
0x233: {  	v3 =	vld [tilespmem:s1+$0x10];
	v2 =	vor.u32 v1, v2;
	_ =	sdelay $0x4  }
0x234: {  	[tilespmem:v2+s25+$0x0] =	vst.idx.msk $0xffff, v3  }
0x235: {  	v2 =	vor.u32 $0x1, v2;
	v3 =	vld [tilespmem:s2+$0x10];
	_ =	sdelay $0x4  }
0x236: {  	s0 =	simm.s32 $0x0;
	[tilespmem:v2+s25+$0x0] =	vst.idx.msk $0xffff, v3  }
0x237: {  	[hbm4b:s7+s0] =	stream.linear.scatter [tilespmem:s25], [sflag:$0x2], $0x8000, $0x38;
	[tilespmem:$0x12000] =	vst v63  }
0x238: {  	_ =	swait.ge [sflag:s26], $0x8000  }
0x239: {  	[sflag:s26] =	ssyncset.done $0x0  }
0x23a: {  	[sflag:s26] =	ssyncadd.s32 $0xFFFF8000  }
0x23b: {  	_ =	swait.ge [sflag:s20], $0x800  }
0x23c: {  	[sflag:s20] =	ssyncset.done $0x0  }
0x23d: {  	[sflag:s20] =	ssyncadd.s32 $0xFFFFF800  }
0x23e: {  	_ =	swait.ge [sflag:s20], $0x800  }
0x23f: {  	[sflag:s20] =	ssyncset.done $0x0  }
0x240: {  	s2 =	rddreg [dreg:$0x10];
	[sflag:s20] =	ssyncadd.s32 $0xFFFFF800  }
0x241: {  	[tilespmem:s21], [sflag:$0x4] =	stream.linear.gather [hbm4b:s2+s0], $0x800, $0x38;
	[tilespmem:$0x12000] =	vst v63  }
0x242: {  	s30 =	simm.s32 $0x20;
	v2 =	vmov s0;
	s2 =	rddreg [dreg:$0x11]  }
0x243: {  	v2 =	vshll.u32 v2, $0x4;
	[tilespmem:s22], [sflag:$0x4] =	stream.linear.gather [hbm4b:s2+s0], $0x800, $0x38;
	[tilespmem:$0x12000] =	vst v63  }
0x244: {  	v2 =	vor.u32 v1, v2;
	v3 =	vld [tilespmem:s30+$0xFFFFFFE0];
	_ =	sdelay $0x4  }
0x245: {  	s31 =	simm.s32 $0x820;
	[tilespmem:v2+s23+$0x0] =	vst.idx.msk $0xffff, v3  }
0x246: {  	v2 =	vor.u32 $0x1, v2;
	v3 =	vld [tilespmem:s31+$0xFFFFFFE0];
	_ =	sdelay $0x2  }
0x247: {  	s2 =	simm.s32 $0x10  }
0x248: {  	v4 =	vmov s2  }
0x249: {  	[tilespmem:v2+s23+$0x0] =	vst.idx.msk $0xffff, v3;
	v2 =	vshll.u32 v4, $0x4  }
0x24a: {  	v3 =	vld [tilespmem:s30+$0xFFFFFFF0];
	v2 =	vor.u32 v1, v2;
	_ =	sdelay $0x4  }
0x24b: {  	[tilespmem:v2+s23+$0x0] =	vst.idx.msk $0xffff, v3  }
0x24c: {  	v2 =	vor.u32 $0x1, v2;
	v3 =	vld [tilespmem:s31+$0xFFFFFFF0];
	_ =	sdelay $0x2  }
0x24d: {  	s1 =	simm.s32 $0x20  }
0x24e: {  	v4 =	vmov s1  }
0x24f: {  	[tilespmem:v2+s23+$0x0] =	vst.idx.msk $0xffff, v3;
	v2 =	vshll.u32 v4, $0x4  }
0x250: {  	v3 =	vld [tilespmem:s30+$0x0];
	v2 =	vor.u32 v1, v2;
	_ =	sdelay $0x4  }
0x251: {  	[tilespmem:v2+s23+$0x0] =	vst.idx.msk $0xffff, v3  }
0x252: {  	v2 =	vor.u32 $0x1, v2;
	v3 =	vld [tilespmem:s31+$0x0];
	_ =	sdelay $0x2  }
0x253: {  	s2 =	simm.s32 $0x30  }
0x254: {  	v4 =	vmov s2  }
0x255: {  	[tilespmem:v2+s23+$0x0] =	vst.idx.msk $0xffff, v3;
	v2 =	vshll.u32 v4, $0x4  }
0x256: {  	v3 =	vld [tilespmem:s30+$0x10];
	v4 =	vor.u32 v1, v2;
	_ =	sdelay $0x4  }
0x257: {  	[tilespmem:v4+s23+$0x0] =	vst.idx.msk $0xffff, v3  }
0x258: {  	v3 =	vor.u32 $0x1, v4;
	v2 =	vld [tilespmem:s31+$0x10];
	_ =	sdelay $0x2  }
0x259: {  	s0 =	simm.s32 $0x40  }
0x25a: {  	s1 =	simm.s32 $0x80;
	v4 =	vmov s0  }
.LBB2_18:
0x25b: {  	p0 =	sne.s32 s1, $0x7C0;
	v4 =	vshll.u32 v4, $0x4;
	[tilespmem:v3+s23+$0x0] =	vst.idx.msk $0xffff, v2;
	s30 =	sadd.s32 $0x40, s30  }
0x25c: {  	v2 =	vld [tilespmem:s30+$0xFFFFFFE0];
	v3 =	vor.u32 v1, v4;
	_ =	sdelay $0x4  }
0x25d: {  	s31 =	sadd.s32 $0x40, s31;
	[tilespmem:v3+s23+$0x0] =	vst.idx.msk $0xffff, v2  }
0x25e: {  	v3 =	vor.u32 $0x1, v3;
	v2 =	vld [tilespmem:s31+$0xFFFFFFE0];
	_ =	sdelay $0x2  }
0x25f: {  	s2 =	sadd.s32 $0x10, s0  }
0x260: {  	v4 =	vmov s2  }
0x261: {  	[tilespmem:v3+s23+$0x0] =	vst.idx.msk $0xffff, v2;
	v2 =	vshll.u32 v4, $0x4  }
0x262: {  	v3 =	vld [tilespmem:s30+$0xFFFFFFF0];
	v2 =	vor.u32 v1, v2;
	_ =	sdelay $0x4  }
0x263: {  	[tilespmem:v2+s23+$0x0] =	vst.idx.msk $0xffff, v3  }
0x264: {  	v2 =	vor.u32 $0x1, v2;
	v3 =	vld [tilespmem:s31+$0xFFFFFFF0];
	_ =	sdelay $0x2  }
0x265: {  	s2 =	sadd.s32 $0x20, s0  }
0x266: {  	v4 =	vmov s2  }
0x267: {  	[tilespmem:v2+s23+$0x0] =	vst.idx.msk $0xffff, v3;
	v2 =	vshll.u32 v4, $0x4  }
0x268: {  	v3 =	vld [tilespmem:s30+$0x0];
	v2 =	vor.u32 v1, v2;
	_ =	sdelay $0x4  }
0x269: {  	[tilespmem:v2+s23+$0x0] =	vst.idx.msk $0xffff, v3  }
0x26a: {  	v2 =	vor.u32 $0x1, v2;
	v3 =	vld [tilespmem:s31+$0x0];
	_ =	sdelay $0x2  }
0x26b: {  	s2 =	sadd.s32 $0x30, s0;
	s0 =	smov.u32 s1  }
0x26c: {  	v4 =	vmov s2  }
0x26d: {  	[tilespmem:v2+s23+$0x0] =	vst.idx.msk $0xffff, v3;
	v2 =	vshll.u32 v4, $0x4  }
0x26e: {  	v3 =	vld [tilespmem:s30+$0x10];
	v4 =	vor.u32 v1, v2;
	_ =	sdelay $0x4  }
0x26f: {  	[tilespmem:v4+s23+$0x0] =	vst.idx.msk $0xffff, v3  }
.Ltmp8:
0x270: {  	v3 =	vor.u32 $0x1, v4;
	v2 =	vld [tilespmem:s31+$0x10];
	(pc) =	sbr.rel @p0 .LBB2_18-.Ltmp8, $2  }
0x271: {  	_ =	sdelay $0x2  }
0x272: {  	s1 =	sadd.s32 $0x40, s1;
	v4 =	vmov s0  }
0x273: {  	_ =	sdelay $0x3  }
0x274: {  	v4 =	vshll.u32 v4, $0x4;
	[tilespmem:v3+s23+$0x0] =	vst.idx.msk $0xffff, v2;
	s1 =	sadd.s32 $0x40, s30  }
0x275: {  	v2 =	vld [tilespmem:s1+$0xFFFFFFE0];
	v3 =	vor.u32 v1, v4;
	_ =	sdelay $0x4  }
0x276: {  	s2 =	sadd.s32 $0x40, s31;
	[tilespmem:v3+s23+$0x0] =	vst.idx.msk $0xffff, v2  }
0x277: {  	v3 =	vor.u32 $0x1, v3;
	v2 =	vld [tilespmem:s2+$0xFFFFFFE0];
	_ =	sdelay $0x2  }
0x278: {  	s30 =	sadd.s32 $0x10, s0  }
0x279: {  	v4 =	vmov s30  }
0x27a: {  	[tilespmem:v3+s23+$0x0] =	vst.idx.msk $0xffff, v2;
	v2 =	vshll.u32 v4, $0x4  }
0x27b: {  	v3 =	vld [tilespmem:s1+$0xFFFFFFF0];
	v2 =	vor.u32 v1, v2;
	_ =	sdelay $0x4  }
0x27c: {  	[tilespmem:v2+s23+$0x0] =	vst.idx.msk $0xffff, v3  }
0x27d: {  	v2 =	vor.u32 $0x1, v2;
	v3 =	vld [tilespmem:s2+$0xFFFFFFF0];
	_ =	sdelay $0x2  }
0x27e: {  	s30 =	sadd.s32 $0x20, s0  }
0x27f: {  	v4 =	vmov s30  }
0x280: {  	[tilespmem:v2+s23+$0x0] =	vst.idx.msk $0xffff, v3;
	v2 =	vshll.u32 v4, $0x4  }
0x281: {  	v3 =	vld [tilespmem:s1+$0x0];
	v2 =	vor.u32 v1, v2;
	_ =	sdelay $0x4  }
0x282: {  	[tilespmem:v2+s23+$0x0] =	vst.idx.msk $0xffff, v3  }
0x283: {  	v2 =	vor.u32 $0x1, v2;
	v3 =	vld [tilespmem:s2+$0x0];
	_ =	sdelay $0x2  }
0x284: {  	s0 =	sadd.s32 $0x30, s0  }
0x285: {  	v4 =	vmov s0  }
0x286: {  	[tilespmem:v2+s23+$0x0] =	vst.idx.msk $0xffff, v3;
	v2 =	vshll.u32 v4, $0x4  }
0x287: {  	v3 =	vld [tilespmem:s1+$0x10];
	v2 =	vor.u32 v1, v2;
	_ =	sdelay $0x4  }
0x288: {  	[tilespmem:v2+s23+$0x0] =	vst.idx.msk $0xffff, v3  }
0x289: {  	v2 =	vor.u32 $0x1, v2;
	v3 =	vld [tilespmem:s2+$0x10];
	_ =	sdelay $0x4  }
0x28a: {  	s0 =	simm.s32 $0x0;
	[tilespmem:v2+s23+$0x0] =	vst.idx.msk $0xffff, v3  }
0x28b: {  	[hbm4b:s8+s0] =	stream.linear.scatter [tilespmem:s23], [sflag:$0x1], $0x8000, $0x38;
	[tilespmem:$0x12000] =	vst v63  }
0x28c: {  	_ =	swait.ge [sflag:s28], $0x8000  }
0x28d: {  	[sflag:s28] =	ssyncset.done $0x0  }
0x28e: {  	[sflag:s28] =	ssyncadd.s32 $0xFFFF8000  }
0x28f: {  	_ =	swait.ge [sflag:s24], $0x800  }
0x290: {  	[sflag:s24] =	ssyncset.done $0x0  }
0x291: {  	[sflag:s24] =	ssyncadd.s32 $0xFFFFF800  }
0x292: {  	_ =	swait.ge [sflag:s24], $0x800  }
0x293: {  	[sflag:s24] =	ssyncset.done $0x0  }
0x294: {  	s2 =	rddreg [dreg:$0x12];
	[sflag:s24] =	ssyncadd.s32 $0xFFFFF800  }
0x295: {  	[tilespmem:s0], [sflag:$0x3] =	stream.linear.gather [hbm4b:s2+s0], $0x800, $0x38;
	[tilespmem:$0x12000] =	vst v63  }
0x296: {  	s30 =	simm.s32 $0x1020;
	v2 =	vmov s0;
	s2 =	rddreg [dreg:$0x13]  }
0x297: {  	v2 =	vshll.u32 v2, $0x4;
	[tilespmem:s19], [sflag:$0x3] =	stream.linear.gather [hbm4b:s2+s0], $0x800, $0x38;
	[tilespmem:$0x12000] =	vst v63  }
0x298: {  	v2 =	vor.u32 v1, v2;
	v3 =	vld [tilespmem:s30+$0xFFFFFFE0];
	_ =	sdelay $0x4  }
0x299: {  	s31 =	simm.s32 $0x1820;
	[tilespmem:v2+s25+$0x0] =	vst.idx.msk $0xffff, v3  }
0x29a: {  	v2 =	vor.u32 $0x1, v2;
	v3 =	vld [tilespmem:s31+$0xFFFFFFE0];
	_ =	sdelay $0x2  }
0x29b: {  	s2 =	simm.s32 $0x10  }
0x29c: {  	v4 =	vmov s2  }
0x29d: {  	[tilespmem:v2+s25+$0x0] =	vst.idx.msk $0xffff, v3;
	v2 =	vshll.u32 v4, $0x4  }
0x29e: {  	v3 =	vld [tilespmem:s30+$0xFFFFFFF0];
	v2 =	vor.u32 v1, v2;
	_ =	sdelay $0x4  }
0x29f: {  	[tilespmem:v2+s25+$0x0] =	vst.idx.msk $0xffff, v3  }
0x2a0: {  	v2 =	vor.u32 $0x1, v2;
	v3 =	vld [tilespmem:s31+$0xFFFFFFF0];
	_ =	sdelay $0x2  }
0x2a1: {  	s1 =	simm.s32 $0x20  }
0x2a2: {  	v4 =	vmov s1  }
0x2a3: {  	[tilespmem:v2+s25+$0x0] =	vst.idx.msk $0xffff, v3;
	v2 =	vshll.u32 v4, $0x4  }
0x2a4: {  	v3 =	vld [tilespmem:s30+$0x0];
	v2 =	vor.u32 v1, v2;
	_ =	sdelay $0x4  }
0x2a5: {  	[tilespmem:v2+s25+$0x0] =	vst.idx.msk $0xffff, v3  }
0x2a6: {  	v2 =	vor.u32 $0x1, v2;
	v3 =	vld [tilespmem:s31+$0x0];
	_ =	sdelay $0x2  }
0x2a7: {  	s2 =	simm.s32 $0x30  }
0x2a8: {  	v4 =	vmov s2  }
0x2a9: {  	[tilespmem:v2+s25+$0x0] =	vst.idx.msk $0xffff, v3;
	v2 =	vshll.u32 v4, $0x4  }
0x2aa: {  	v3 =	vld [tilespmem:s30+$0x10];
	v4 =	vor.u32 v1, v2;
	_ =	sdelay $0x4  }
0x2ab: {  	[tilespmem:v4+s25+$0x0] =	vst.idx.msk $0xffff, v3  }
0x2ac: {  	v3 =	vor.u32 $0x1, v4;
	v2 =	vld [tilespmem:s31+$0x10];
	_ =	sdelay $0x2  }
0x2ad: {  	s0 =	simm.s32 $0x40  }
0x2ae: {  	s1 =	simm.s32 $0x80;
	v4 =	vmov s0  }
.LBB2_20:
0x2af: {  	p0 =	sne.s32 s1, $0x7C0;
	v4 =	vshll.u32 v4, $0x4;
	[tilespmem:v3+s25+$0x0] =	vst.idx.msk $0xffff, v2;
	s30 =	sadd.s32 $0x40, s30  }
0x2b0: {  	v2 =	vld [tilespmem:s30+$0xFFFFFFE0];
	v3 =	vor.u32 v1, v4;
	_ =	sdelay $0x4  }
0x2b1: {  	s31 =	sadd.s32 $0x40, s31;
	[tilespmem:v3+s25+$0x0] =	vst.idx.msk $0xffff, v2  }
0x2b2: {  	v3 =	vor.u32 $0x1, v3;
	v2 =	vld [tilespmem:s31+$0xFFFFFFE0];
	_ =	sdelay $0x2  }
0x2b3: {  	s2 =	sadd.s32 $0x10, s0  }
0x2b4: {  	v4 =	vmov s2  }
0x2b5: {  	[tilespmem:v3+s25+$0x0] =	vst.idx.msk $0xffff, v2;
	v2 =	vshll.u32 v4, $0x4  }
0x2b6: {  	v3 =	vld [tilespmem:s30+$0xFFFFFFF0];
	v2 =	vor.u32 v1, v2;
	_ =	sdelay $0x4  }
0x2b7: {  	[tilespmem:v2+s25+$0x0] =	vst.idx.msk $0xffff, v3  }
0x2b8: {  	v2 =	vor.u32 $0x1, v2;
	v3 =	vld [tilespmem:s31+$0xFFFFFFF0];
	_ =	sdelay $0x2  }
0x2b9: {  	s2 =	sadd.s32 $0x20, s0  }
0x2ba: {  	v4 =	vmov s2  }
0x2bb: {  	[tilespmem:v2+s25+$0x0] =	vst.idx.msk $0xffff, v3;
	v2 =	vshll.u32 v4, $0x4  }
0x2bc: {  	v3 =	vld [tilespmem:s30+$0x0];
	v2 =	vor.u32 v1, v2;
	_ =	sdelay $0x4  }
0x2bd: {  	[tilespmem:v2+s25+$0x0] =	vst.idx.msk $0xffff, v3  }
0x2be: {  	v2 =	vor.u32 $0x1, v2;
	v3 =	vld [tilespmem:s31+$0x0];
	_ =	sdelay $0x2  }
0x2bf: {  	s2 =	sadd.s32 $0x30, s0;
	s0 =	smov.u32 s1  }
0x2c0: {  	v4 =	vmov s2  }
0x2c1: {  	[tilespmem:v2+s25+$0x0] =	vst.idx.msk $0xffff, v3;
	v2 =	vshll.u32 v4, $0x4  }
0x2c2: {  	v3 =	vld [tilespmem:s30+$0x10];
	v4 =	vor.u32 v1, v2;
	_ =	sdelay $0x4  }
0x2c3: {  	[tilespmem:v4+s25+$0x0] =	vst.idx.msk $0xffff, v3  }
.Ltmp9:
0x2c4: {  	v3 =	vor.u32 $0x1, v4;
	v2 =	vld [tilespmem:s31+$0x10];
	(pc) =	sbr.rel @p0 .LBB2_20-.Ltmp9, $2  }
0x2c5: {  	_ =	sdelay $0x2  }
0x2c6: {  	s1 =	sadd.s32 $0x40, s1;
	v4 =	vmov s0  }
0x2c7: {  	_ =	sdelay $0x3  }
0x2c8: {  	v4 =	vshll.u32 v4, $0x4;
	[tilespmem:v3+s25+$0x0] =	vst.idx.msk $0xffff, v2;
	s1 =	sadd.s32 $0x40, s30  }
0x2c9: {  	v2 =	vld [tilespmem:s1+$0xFFFFFFE0];
	v3 =	vor.u32 v1, v4;
	_ =	sdelay $0x4  }
0x2ca: {  	s2 =	sadd.s32 $0x40, s31;
	[tilespmem:v3+s25+$0x0] =	vst.idx.msk $0xffff, v2  }
0x2cb: {  	v3 =	vor.u32 $0x1, v3;
	v2 =	vld [tilespmem:s2+$0xFFFFFFE0];
	_ =	sdelay $0x2  }
0x2cc: {  	s30 =	sadd.s32 $0x10, s0  }
0x2cd: {  	v4 =	vmov s30  }
0x2ce: {  	[tilespmem:v3+s25+$0x0] =	vst.idx.msk $0xffff, v2;
	v2 =	vshll.u32 v4, $0x4  }
0x2cf: {  	v3 =	vld [tilespmem:s1+$0xFFFFFFF0];
	v2 =	vor.u32 v1, v2;
	_ =	sdelay $0x4  }
0x2d0: {  	[tilespmem:v2+s25+$0x0] =	vst.idx.msk $0xffff, v3  }
0x2d1: {  	v2 =	vor.u32 $0x1, v2;
	v3 =	vld [tilespmem:s2+$0xFFFFFFF0];
	_ =	sdelay $0x2  }
0x2d2: {  	s30 =	sadd.s32 $0x20, s0  }
0x2d3: {  	v4 =	vmov s30  }
0x2d4: {  	[tilespmem:v2+s25+$0x0] =	vst.idx.msk $0xffff, v3;
	v2 =	vshll.u32 v4, $0x4  }
0x2d5: {  	v3 =	vld [tilespmem:s1+$0x0];
	v2 =	vor.u32 v1, v2;
	_ =	sdelay $0x4  }
0x2d6: {  	[tilespmem:v2+s25+$0x0] =	vst.idx.msk $0xffff, v3  }
0x2d7: {  	v2 =	vor.u32 $0x1, v2;
	v3 =	vld [tilespmem:s2+$0x0];
	_ =	sdelay $0x2  }
0x2d8: {  	s0 =	sadd.s32 $0x30, s0  }
0x2d9: {  	v4 =	vmov s0  }
0x2da: {  	[tilespmem:v2+s25+$0x0] =	vst.idx.msk $0xffff, v3;
	v2 =	vshll.u32 v4, $0x4  }
0x2db: {  	v3 =	vld [tilespmem:s1+$0x10];
	v2 =	vor.u32 v1, v2;
	_ =	sdelay $0x4  }
0x2dc: {  	[tilespmem:v2+s25+$0x0] =	vst.idx.msk $0xffff, v3  }
0x2dd: {  	v2 =	vor.u32 $0x1, v2;
	v3 =	vld [tilespmem:s2+$0x10];
	_ =	sdelay $0x4  }
0x2de: {  	s0 =	simm.s32 $0x0;
	[tilespmem:v2+s25+$0x0] =	vst.idx.msk $0xffff, v3  }
0x2df: {  	[hbm4b:s9+s0] =	stream.linear.scatter [tilespmem:s25], [sflag:$0x2], $0x8000, $0x38;
	[tilespmem:$0x12000] =	vst v63  }
0x2e0: {  	_ =	swait.ge [sflag:s26], $0x8000  }
0x2e1: {  	[sflag:s26] =	ssyncset.done $0x0  }
0x2e2: {  	[sflag:s26] =	ssyncadd.s32 $0xFFFF8000  }
0x2e3: {  	_ =	swait.ge [sflag:s20], $0x800  }
0x2e4: {  	[sflag:s20] =	ssyncset.done $0x0  }
0x2e5: {  	[sflag:s20] =	ssyncadd.s32 $0xFFFFF800  }
0x2e6: {  	_ =	swait.ge [sflag:s20], $0x800  }
0x2e7: {  	[sflag:s20] =	ssyncset.done $0x0  }
0x2e8: {  	s2 =	rddreg [dreg:$0x14];
	[sflag:s20] =	ssyncadd.s32 $0xFFFFF800  }
0x2e9: {  	[tilespmem:s21], [sflag:$0x4] =	stream.linear.gather [hbm4b:s2+s0], $0x800, $0x38;
	[tilespmem:$0x12000] =	vst v63  }
0x2ea: {  	s30 =	simm.s32 $0x20;
	v2 =	vmov s0;
	s2 =	rddreg [dreg:$0x15]  }
0x2eb: {  	v2 =	vshll.u32 v2, $0x4;
	[tilespmem:s22], [sflag:$0x4] =	stream.linear.gather [hbm4b:s2+s0], $0x800, $0x38;
	[tilespmem:$0x12000] =	vst v63  }
0x2ec: {  	v2 =	vor.u32 v1, v2;
	v3 =	vld [tilespmem:s30+$0xFFFFFFE0];
	_ =	sdelay $0x4  }
0x2ed: {  	s31 =	simm.s32 $0x820;
	[tilespmem:v2+s23+$0x0] =	vst.idx.msk $0xffff, v3  }
0x2ee: {  	v2 =	vor.u32 $0x1, v2;
	v3 =	vld [tilespmem:s31+$0xFFFFFFE0];
	_ =	sdelay $0x2  }
0x2ef: {  	s2 =	simm.s32 $0x10  }
0x2f0: {  	v4 =	vmov s2  }
0x2f1: {  	[tilespmem:v2+s23+$0x0] =	vst.idx.msk $0xffff, v3;
	v2 =	vshll.u32 v4, $0x4  }
0x2f2: {  	v3 =	vld [tilespmem:s30+$0xFFFFFFF0];
	v2 =	vor.u32 v1, v2;
	_ =	sdelay $0x4  }
0x2f3: {  	[tilespmem:v2+s23+$0x0] =	vst.idx.msk $0xffff, v3  }
0x2f4: {  	v2 =	vor.u32 $0x1, v2;
	v3 =	vld [tilespmem:s31+$0xFFFFFFF0];
	_ =	sdelay $0x2  }
0x2f5: {  	s1 =	simm.s32 $0x20  }
0x2f6: {  	v4 =	vmov s1  }
0x2f7: {  	[tilespmem:v2+s23+$0x0] =	vst.idx.msk $0xffff, v3;
	v2 =	vshll.u32 v4, $0x4  }
0x2f8: {  	v3 =	vld [tilespmem:s30+$0x0];
	v2 =	vor.u32 v1, v2;
	_ =	sdelay $0x4  }
0x2f9: {  	[tilespmem:v2+s23+$0x0] =	vst.idx.msk $0xffff, v3  }
0x2fa: {  	v2 =	vor.u32 $0x1, v2;
	v3 =	vld [tilespmem:s31+$0x0];
	_ =	sdelay $0x2  }
0x2fb: {  	s2 =	simm.s32 $0x30  }
0x2fc: {  	v4 =	vmov s2  }
0x2fd: {  	[tilespmem:v2+s23+$0x0] =	vst.idx.msk $0xffff, v3;
	v2 =	vshll.u32 v4, $0x4  }
0x2fe: {  	v3 =	vld [tilespmem:s30+$0x10];
	v4 =	vor.u32 v1, v2;
	_ =	sdelay $0x4  }
0x2ff: {  	[tilespmem:v4+s23+$0x0] =	vst.idx.msk $0xffff, v3  }
0x300: {  	v3 =	vor.u32 $0x1, v4;
	v2 =	vld [tilespmem:s31+$0x10];
	_ =	sdelay $0x2  }
0x301: {  	s0 =	simm.s32 $0x40  }
0x302: {  	s1 =	simm.s32 $0x80;
	v4 =	vmov s0  }
.LBB2_22:
0x303: {  	p0 =	sne.s32 s1, $0x7C0;
	v4 =	vshll.u32 v4, $0x4;
	[tilespmem:v3+s23+$0x0] =	vst.idx.msk $0xffff, v2;
	s30 =	sadd.s32 $0x40, s30  }
0x304: {  	v2 =	vld [tilespmem:s30+$0xFFFFFFE0];
	v3 =	vor.u32 v1, v4;
	_ =	sdelay $0x4  }
0x305: {  	s31 =	sadd.s32 $0x40, s31;
	[tilespmem:v3+s23+$0x0] =	vst.idx.msk $0xffff, v2  }
0x306: {  	v3 =	vor.u32 $0x1, v3;
	v2 =	vld [tilespmem:s31+$0xFFFFFFE0];
	_ =	sdelay $0x2  }
0x307: {  	s2 =	sadd.s32 $0x10, s0  }
0x308: {  	v4 =	vmov s2  }
0x309: {  	[tilespmem:v3+s23+$0x0] =	vst.idx.msk $0xffff, v2;
	v2 =	vshll.u32 v4, $0x4  }
0x30a: {  	v3 =	vld [tilespmem:s30+$0xFFFFFFF0];
	v2 =	vor.u32 v1, v2;
	_ =	sdelay $0x4  }
0x30b: {  	[tilespmem:v2+s23+$0x0] =	vst.idx.msk $0xffff, v3  }
0x30c: {  	v2 =	vor.u32 $0x1, v2;
	v3 =	vld [tilespmem:s31+$0xFFFFFFF0];
	_ =	sdelay $0x2  }
0x30d: {  	s2 =	sadd.s32 $0x20, s0  }
0x30e: {  	v4 =	vmov s2  }
0x30f: {  	[tilespmem:v2+s23+$0x0] =	vst.idx.msk $0xffff, v3;
	v2 =	vshll.u32 v4, $0x4  }
0x310: {  	v3 =	vld [tilespmem:s30+$0x0];
	v2 =	vor.u32 v1, v2;
	_ =	sdelay $0x4  }
0x311: {  	[tilespmem:v2+s23+$0x0] =	vst.idx.msk $0xffff, v3  }
0x312: {  	v2 =	vor.u32 $0x1, v2;
	v3 =	vld [tilespmem:s31+$0x0];
	_ =	sdelay $0x2  }
0x313: {  	s2 =	sadd.s32 $0x30, s0;
	s0 =	smov.u32 s1  }
0x314: {  	v4 =	vmov s2  }
0x315: {  	[tilespmem:v2+s23+$0x0] =	vst.idx.msk $0xffff, v3;
	v2 =	vshll.u32 v4, $0x4  }
0x316: {  	v3 =	vld [tilespmem:s30+$0x10];
	v4 =	vor.u32 v1, v2;
	_ =	sdelay $0x4  }
0x317: {  	[tilespmem:v4+s23+$0x0] =	vst.idx.msk $0xffff, v3  }
.Ltmp10:
0x318: {  	v3 =	vor.u32 $0x1, v4;
	v2 =	vld [tilespmem:s31+$0x10];
	(pc) =	sbr.rel @p0 .LBB2_22-.Ltmp10, $2  }
0x319: {  	_ =	sdelay $0x2  }
0x31a: {  	s1 =	sadd.s32 $0x40, s1;
	v4 =	vmov s0  }
0x31b: {  	_ =	sdelay $0x3  }
0x31c: {  	v4 =	vshll.u32 v4, $0x4;
	[tilespmem:v3+s23+$0x0] =	vst.idx.msk $0xffff, v2;
	s1 =	sadd.s32 $0x40, s30  }
0x31d: {  	v2 =	vld [tilespmem:s1+$0xFFFFFFE0];
	v3 =	vor.u32 v1, v4;
	_ =	sdelay $0x4  }
0x31e: {  	s2 =	sadd.s32 $0x40, s31;
	[tilespmem:v3+s23+$0x0] =	vst.idx.msk $0xffff, v2  }
0x31f: {  	v3 =	vor.u32 $0x1, v3;
	v2 =	vld [tilespmem:s2+$0xFFFFFFE0];
	_ =	sdelay $0x2  }
0x320: {  	s30 =	sadd.s32 $0x10, s0  }
0x321: {  	v4 =	vmov s30  }
0x322: {  	[tilespmem:v3+s23+$0x0] =	vst.idx.msk $0xffff, v2;
	v2 =	vshll.u32 v4, $0x4  }
0x323: {  	v3 =	vld [tilespmem:s1+$0xFFFFFFF0];
	v2 =	vor.u32 v1, v2;
	_ =	sdelay $0x4  }
0x324: {  	[tilespmem:v2+s23+$0x0] =	vst.idx.msk $0xffff, v3  }
0x325: {  	v2 =	vor.u32 $0x1, v2;
	v3 =	vld [tilespmem:s2+$0xFFFFFFF0];
	_ =	sdelay $0x2  }
0x326: {  	s30 =	sadd.s32 $0x20, s0  }
0x327: {  	v4 =	vmov s30  }
0x328: {  	[tilespmem:v2+s23+$0x0] =	vst.idx.msk $0xffff, v3;
	v2 =	vshll.u32 v4, $0x4  }
0x329: {  	v3 =	vld [tilespmem:s1+$0x0];
	v2 =	vor.u32 v1, v2;
	_ =	sdelay $0x4  }
0x32a: {  	[tilespmem:v2+s23+$0x0] =	vst.idx.msk $0xffff, v3  }
0x32b: {  	v2 =	vor.u32 $0x1, v2;
	v3 =	vld [tilespmem:s2+$0x0];
	_ =	sdelay $0x2  }
0x32c: {  	s0 =	sadd.s32 $0x30, s0  }
0x32d: {  	v4 =	vmov s0  }
0x32e: {  	[tilespmem:v2+s23+$0x0] =	vst.idx.msk $0xffff, v3;
	v2 =	vshll.u32 v4, $0x4  }
0x32f: {  	v3 =	vld [tilespmem:s1+$0x10];
	v2 =	vor.u32 v1, v2;
	_ =	sdelay $0x4  }
0x330: {  	[tilespmem:v2+s23+$0x0] =	vst.idx.msk $0xffff, v3  }
0x331: {  	v2 =	vor.u32 $0x1, v2;
	v3 =	vld [tilespmem:s2+$0x10];
	_ =	sdelay $0x4  }
0x332: {  	s0 =	simm.s32 $0x0;
	[tilespmem:v2+s23+$0x0] =	vst.idx.msk $0xffff, v3  }
0x333: {  	[hbm4b:s10+s0] =	stream.linear.scatter [tilespmem:s23], [sflag:$0x1], $0x8000, $0x38;
	[tilespmem:$0x12000] =	vst v63  }
0x334: {  	_ =	swait.ge [sflag:s28], $0x8000  }
0x335: {  	[sflag:s28] =	ssyncset.done $0x0  }
0x336: {  	[sflag:s28] =	ssyncadd.s32 $0xFFFF8000  }
0x337: {  	_ =	swait.ge [sflag:s24], $0x800  }
0x338: {  	[sflag:s24] =	ssyncset.done $0x0  }
0x339: {  	[sflag:s24] =	ssyncadd.s32 $0xFFFFF800  }
0x33a: {  	_ =	swait.ge [sflag:s24], $0x800  }
0x33b: {  	[sflag:s24] =	ssyncset.done $0x0  }
0x33c: {  	s2 =	rddreg [dreg:$0x16];
	[sflag:s24] =	ssyncadd.s32 $0xFFFFF800  }
0x33d: {  	[tilespmem:s0], [sflag:$0x3] =	stream.linear.gather [hbm4b:s2+s0], $0x800, $0x38;
	[tilespmem:$0x12000] =	vst v63  }
0x33e: {  	s30 =	simm.s32 $0x1020;
	v2 =	vmov s0;
	s2 =	rddreg [dreg:$0x17]  }
0x33f: {  	v2 =	vshll.u32 v2, $0x4;
	[tilespmem:s19], [sflag:$0x3] =	stream.linear.gather [hbm4b:s2+s0], $0x800, $0x38;
	[tilespmem:$0x12000] =	vst v63  }
0x340: {  	v2 =	vor.u32 v1, v2;
	v3 =	vld [tilespmem:s30+$0xFFFFFFE0];
	_ =	sdelay $0x4  }
0x341: {  	s31 =	simm.s32 $0x1820;
	[tilespmem:v2+s25+$0x0] =	vst.idx.msk $0xffff, v3  }
0x342: {  	v2 =	vor.u32 $0x1, v2;
	v3 =	vld [tilespmem:s31+$0xFFFFFFE0];
	_ =	sdelay $0x2  }
0x343: {  	s2 =	simm.s32 $0x10  }
0x344: {  	v4 =	vmov s2  }
0x345: {  	[tilespmem:v2+s25+$0x0] =	vst.idx.msk $0xffff, v3;
	v2 =	vshll.u32 v4, $0x4  }
0x346: {  	v3 =	vld [tilespmem:s30+$0xFFFFFFF0];
	v2 =	vor.u32 v1, v2;
	_ =	sdelay $0x4  }
0x347: {  	[tilespmem:v2+s25+$0x0] =	vst.idx.msk $0xffff, v3  }
0x348: {  	v2 =	vor.u32 $0x1, v2;
	v3 =	vld [tilespmem:s31+$0xFFFFFFF0];
	_ =	sdelay $0x2  }
0x349: {  	s1 =	simm.s32 $0x20  }
0x34a: {  	v4 =	vmov s1  }
0x34b: {  	[tilespmem:v2+s25+$0x0] =	vst.idx.msk $0xffff, v3;
	v2 =	vshll.u32 v4, $0x4  }
0x34c: {  	v3 =	vld [tilespmem:s30+$0x0];
	v2 =	vor.u32 v1, v2;
	_ =	sdelay $0x4  }
0x34d: {  	[tilespmem:v2+s25+$0x0] =	vst.idx.msk $0xffff, v3  }
0x34e: {  	v2 =	vor.u32 $0x1, v2;
	v3 =	vld [tilespmem:s31+$0x0];
	_ =	sdelay $0x2  }
0x34f: {  	s2 =	simm.s32 $0x30  }
0x350: {  	v4 =	vmov s2  }
0x351: {  	[tilespmem:v2+s25+$0x0] =	vst.idx.msk $0xffff, v3;
	v2 =	vshll.u32 v4, $0x4  }
0x352: {  	v3 =	vld [tilespmem:s30+$0x10];
	v4 =	vor.u32 v1, v2;
	_ =	sdelay $0x4  }
0x353: {  	[tilespmem:v4+s25+$0x0] =	vst.idx.msk $0xffff, v3  }
0x354: {  	v3 =	vor.u32 $0x1, v4;
	v2 =	vld [tilespmem:s31+$0x10];
	_ =	sdelay $0x2  }
0x355: {  	s0 =	simm.s32 $0x40  }
0x356: {  	s1 =	simm.s32 $0x80;
	v4 =	vmov s0  }
.LBB2_24:
0x357: {  	p0 =	sne.s32 s1, $0x7C0;
	v4 =	vshll.u32 v4, $0x4;
	[tilespmem:v3+s25+$0x0] =	vst.idx.msk $0xffff, v2;
	s30 =	sadd.s32 $0x40, s30  }
0x358: {  	v2 =	vld [tilespmem:s30+$0xFFFFFFE0];
	v3 =	vor.u32 v1, v4;
	_ =	sdelay $0x4  }
0x359: {  	s31 =	sadd.s32 $0x40, s31;
	[tilespmem:v3+s25+$0x0] =	vst.idx.msk $0xffff, v2  }
0x35a: {  	v3 =	vor.u32 $0x1, v3;
	v2 =	vld [tilespmem:s31+$0xFFFFFFE0];
	_ =	sdelay $0x2  }
0x35b: {  	s2 =	sadd.s32 $0x10, s0  }
0x35c: {  	v4 =	vmov s2  }
0x35d: {  	[tilespmem:v3+s25+$0x0] =	vst.idx.msk $0xffff, v2;
	v2 =	vshll.u32 v4, $0x4  }
0x35e: {  	v3 =	vld [tilespmem:s30+$0xFFFFFFF0];
	v2 =	vor.u32 v1, v2;
	_ =	sdelay $0x4  }
0x35f: {  	[tilespmem:v2+s25+$0x0] =	vst.idx.msk $0xffff, v3  }
0x360: {  	v2 =	vor.u32 $0x1, v2;
	v3 =	vld [tilespmem:s31+$0xFFFFFFF0];
	_ =	sdelay $0x2  }
0x361: {  	s2 =	sadd.s32 $0x20, s0  }
0x362: {  	v4 =	vmov s2  }
0x363: {  	[tilespmem:v2+s25+$0x0] =	vst.idx.msk $0xffff, v3;
	v2 =	vshll.u32 v4, $0x4  }
0x364: {  	v3 =	vld [tilespmem:s30+$0x0];
	v2 =	vor.u32 v1, v2;
	_ =	sdelay $0x4  }
0x365: {  	[tilespmem:v2+s25+$0x0] =	vst.idx.msk $0xffff, v3  }
0x366: {  	v2 =	vor.u32 $0x1, v2;
	v3 =	vld [tilespmem:s31+$0x0];
	_ =	sdelay $0x2  }
0x367: {  	s2 =	sadd.s32 $0x30, s0;
	s0 =	smov.u32 s1  }
0x368: {  	v4 =	vmov s2  }
0x369: {  	[tilespmem:v2+s25+$0x0] =	vst.idx.msk $0xffff, v3;
	v2 =	vshll.u32 v4, $0x4  }
0x36a: {  	v3 =	vld [tilespmem:s30+$0x10];
	v4 =	vor.u32 v1, v2;
	_ =	sdelay $0x4  }
0x36b: {  	[tilespmem:v4+s25+$0x0] =	vst.idx.msk $0xffff, v3  }
.Ltmp11:
0x36c: {  	v3 =	vor.u32 $0x1, v4;
	v2 =	vld [tilespmem:s31+$0x10];
	(pc) =	sbr.rel @p0 .LBB2_24-.Ltmp11, $2  }
0x36d: {  	_ =	sdelay $0x2  }
0x36e: {  	s1 =	sadd.s32 $0x40, s1;
	v4 =	vmov s0  }
0x36f: {  	_ =	sdelay $0x3  }
0x370: {  	v4 =	vshll.u32 v4, $0x4;
	[tilespmem:v3+s25+$0x0] =	vst.idx.msk $0xffff, v2;
	s1 =	sadd.s32 $0x40, s30  }
0x371: {  	v2 =	vld [tilespmem:s1+$0xFFFFFFE0];
	v3 =	vor.u32 v1, v4;
	_ =	sdelay $0x4  }
0x372: {  	s2 =	sadd.s32 $0x40, s31;
	[tilespmem:v3+s25+$0x0] =	vst.idx.msk $0xffff, v2  }
0x373: {  	v3 =	vor.u32 $0x1, v3;
	v2 =	vld [tilespmem:s2+$0xFFFFFFE0];
	_ =	sdelay $0x2  }
0x374: {  	s30 =	sadd.s32 $0x10, s0  }
0x375: {  	v4 =	vmov s30  }
0x376: {  	[tilespmem:v3+s25+$0x0] =	vst.idx.msk $0xffff, v2;
	v2 =	vshll.u32 v4, $0x4  }
0x377: {  	v3 =	vld [tilespmem:s1+$0xFFFFFFF0];
	v2 =	vor.u32 v1, v2;
	_ =	sdelay $0x4  }
0x378: {  	[tilespmem:v2+s25+$0x0] =	vst.idx.msk $0xffff, v3  }
0x379: {  	v2 =	vor.u32 $0x1, v2;
	v3 =	vld [tilespmem:s2+$0xFFFFFFF0];
	_ =	sdelay $0x2  }
0x37a: {  	s30 =	sadd.s32 $0x20, s0  }
0x37b: {  	v4 =	vmov s30  }
0x37c: {  	[tilespmem:v2+s25+$0x0] =	vst.idx.msk $0xffff, v3;
	v2 =	vshll.u32 v4, $0x4  }
0x37d: {  	v3 =	vld [tilespmem:s1+$0x0];
	v2 =	vor.u32 v1, v2;
	_ =	sdelay $0x4  }
0x37e: {  	[tilespmem:v2+s25+$0x0] =	vst.idx.msk $0xffff, v3  }
0x37f: {  	v2 =	vor.u32 $0x1, v2;
	v3 =	vld [tilespmem:s2+$0x0];
	_ =	sdelay $0x2  }
0x380: {  	s0 =	sadd.s32 $0x30, s0  }
0x381: {  	v4 =	vmov s0  }
0x382: {  	[tilespmem:v2+s25+$0x0] =	vst.idx.msk $0xffff, v3;
	v2 =	vshll.u32 v4, $0x4  }
0x383: {  	v3 =	vld [tilespmem:s1+$0x10];
	v2 =	vor.u32 v1, v2;
	_ =	sdelay $0x4  }
0x384: {  	[tilespmem:v2+s25+$0x0] =	vst.idx.msk $0xffff, v3  }
0x385: {  	v2 =	vor.u32 $0x1, v2;
	v3 =	vld [tilespmem:s2+$0x10];
	_ =	sdelay $0x4  }
0x386: {  	s0 =	simm.s32 $0x0;
	[tilespmem:v2+s25+$0x0] =	vst.idx.msk $0xffff, v3  }
0x387: {  	[hbm4b:s11+s0] =	stream.linear.scatter [tilespmem:s25], [sflag:$0x2], $0x8000, $0x38;
	[tilespmem:$0x12000] =	vst v63  }
0x388: {  	_ =	swait.ge [sflag:s26], $0x8000  }
0x389: {  	[sflag:s26] =	ssyncset.done $0x0  }
0x38a: {  	[sflag:s26] =	ssyncadd.s32 $0xFFFF8000  }
0x38b: {  	_ =	swait.ge [sflag:s20], $0x800  }
0x38c: {  	[sflag:s20] =	ssyncset.done $0x0  }
0x38d: {  	[sflag:s20] =	ssyncadd.s32 $0xFFFFF800  }
0x38e: {  	_ =	swait.ge [sflag:s20], $0x800  }
0x38f: {  	[sflag:s20] =	ssyncset.done $0x0  }
0x390: {  	s2 =	rddreg [dreg:$0x18];
	[sflag:s20] =	ssyncadd.s32 $0xFFFFF800  }
0x391: {  	[tilespmem:s21], [sflag:$0x4] =	stream.linear.gather [hbm4b:s2+s0], $0x800, $0x38;
	[tilespmem:$0x12000] =	vst v63  }
0x392: {  	s30 =	simm.s32 $0x20;
	v2 =	vmov s0;
	s2 =	rddreg [dreg:$0x19]  }
0x393: {  	v2 =	vshll.u32 v2, $0x4;
	[tilespmem:s22], [sflag:$0x4] =	stream.linear.gather [hbm4b:s2+s0], $0x800, $0x38;
	[tilespmem:$0x12000] =	vst v63  }
0x394: {  	v2 =	vor.u32 v1, v2;
	v3 =	vld [tilespmem:s30+$0xFFFFFFE0];
	_ =	sdelay $0x4  }
0x395: {  	s31 =	simm.s32 $0x820;
	[tilespmem:v2+s23+$0x0] =	vst.idx.msk $0xffff, v3  }
0x396: {  	v2 =	vor.u32 $0x1, v2;
	v3 =	vld [tilespmem:s31+$0xFFFFFFE0];
	_ =	sdelay $0x2  }
0x397: {  	s2 =	simm.s32 $0x10  }
0x398: {  	v4 =	vmov s2  }
0x399: {  	[tilespmem:v2+s23+$0x0] =	vst.idx.msk $0xffff, v3;
	v2 =	vshll.u32 v4, $0x4  }
0x39a: {  	v3 =	vld [tilespmem:s30+$0xFFFFFFF0];
	v2 =	vor.u32 v1, v2;
	_ =	sdelay $0x4  }
0x39b: {  	[tilespmem:v2+s23+$0x0] =	vst.idx.msk $0xffff, v3  }
0x39c: {  	v2 =	vor.u32 $0x1, v2;
	v3 =	vld [tilespmem:s31+$0xFFFFFFF0];
	_ =	sdelay $0x2  }
0x39d: {  	s1 =	simm.s32 $0x20  }
0x39e: {  	v4 =	vmov s1  }
0x39f: {  	[tilespmem:v2+s23+$0x0] =	vst.idx.msk $0xffff, v3;
	v2 =	vshll.u32 v4, $0x4  }
0x3a0: {  	v3 =	vld [tilespmem:s30+$0x0];
	v2 =	vor.u32 v1, v2;
	_ =	sdelay $0x4  }
0x3a1: {  	[tilespmem:v2+s23+$0x0] =	vst.idx.msk $0xffff, v3  }
0x3a2: {  	v2 =	vor.u32 $0x1, v2;
	v3 =	vld [tilespmem:s31+$0x0];
	_ =	sdelay $0x2  }
0x3a3: {  	s2 =	simm.s32 $0x30  }
0x3a4: {  	v4 =	vmov s2  }
0x3a5: {  	[tilespmem:v2+s23+$0x0] =	vst.idx.msk $0xffff, v3;
	v2 =	vshll.u32 v4, $0x4  }
0x3a6: {  	v3 =	vld [tilespmem:s30+$0x10];
	v4 =	vor.u32 v1, v2;
	_ =	sdelay $0x4  }
0x3a7: {  	[tilespmem:v4+s23+$0x0] =	vst.idx.msk $0xffff, v3  }
0x3a8: {  	v3 =	vor.u32 $0x1, v4;
	v2 =	vld [tilespmem:s31+$0x10];
	_ =	sdelay $0x2  }
0x3a9: {  	s0 =	simm.s32 $0x40  }
0x3aa: {  	s1 =	simm.s32 $0x80;
	v4 =	vmov s0  }
.LBB2_26:
0x3ab: {  	p0 =	sne.s32 s1, $0x7C0;
	v4 =	vshll.u32 v4, $0x4;
	[tilespmem:v3+s23+$0x0] =	vst.idx.msk $0xffff, v2;
	s30 =	sadd.s32 $0x40, s30  }
0x3ac: {  	v2 =	vld [tilespmem:s30+$0xFFFFFFE0];
	v3 =	vor.u32 v1, v4;
	_ =	sdelay $0x4  }
0x3ad: {  	s31 =	sadd.s32 $0x40, s31;
	[tilespmem:v3+s23+$0x0] =	vst.idx.msk $0xffff, v2  }
0x3ae: {  	v3 =	vor.u32 $0x1, v3;
	v2 =	vld [tilespmem:s31+$0xFFFFFFE0];
	_ =	sdelay $0x2  }
0x3af: {  	s2 =	sadd.s32 $0x10, s0  }
0x3b0: {  	v4 =	vmov s2  }
0x3b1: {  	[tilespmem:v3+s23+$0x0] =	vst.idx.msk $0xffff, v2;
	v2 =	vshll.u32 v4, $0x4  }
0x3b2: {  	v3 =	vld [tilespmem:s30+$0xFFFFFFF0];
	v2 =	vor.u32 v1, v2;
	_ =	sdelay $0x4  }
0x3b3: {  	[tilespmem:v2+s23+$0x0] =	vst.idx.msk $0xffff, v3  }
0x3b4: {  	v2 =	vor.u32 $0x1, v2;
	v3 =	vld [tilespmem:s31+$0xFFFFFFF0];
	_ =	sdelay $0x2  }
0x3b5: {  	s2 =	sadd.s32 $0x20, s0  }
0x3b6: {  	v4 =	vmov s2  }
0x3b7: {  	[tilespmem:v2+s23+$0x0] =	vst.idx.msk $0xffff, v3;
	v2 =	vshll.u32 v4, $0x4  }
0x3b8: {  	v3 =	vld [tilespmem:s30+$0x0];
	v2 =	vor.u32 v1, v2;
	_ =	sdelay $0x4  }
0x3b9: {  	[tilespmem:v2+s23+$0x0] =	vst.idx.msk $0xffff, v3  }
0x3ba: {  	v2 =	vor.u32 $0x1, v2;
	v3 =	vld [tilespmem:s31+$0x0];
	_ =	sdelay $0x2  }
0x3bb: {  	s2 =	sadd.s32 $0x30, s0;
	s0 =	smov.u32 s1  }
0x3bc: {  	v4 =	vmov s2  }
0x3bd: {  	[tilespmem:v2+s23+$0x0] =	vst.idx.msk $0xffff, v3;
	v2 =	vshll.u32 v4, $0x4  }
0x3be: {  	v3 =	vld [tilespmem:s30+$0x10];
	v4 =	vor.u32 v1, v2;
	_ =	sdelay $0x4  }
0x3bf: {  	[tilespmem:v4+s23+$0x0] =	vst.idx.msk $0xffff, v3  }
.Ltmp12:
0x3c0: {  	v3 =	vor.u32 $0x1, v4;
	v2 =	vld [tilespmem:s31+$0x10];
	(pc) =	sbr.rel @p0 .LBB2_26-.Ltmp12, $2  }
0x3c1: {  	_ =	sdelay $0x2  }
0x3c2: {  	s1 =	sadd.s32 $0x40, s1;
	v4 =	vmov s0  }
0x3c3: {  	_ =	sdelay $0x3  }
0x3c4: {  	v4 =	vshll.u32 v4, $0x4;
	[tilespmem:v3+s23+$0x0] =	vst.idx.msk $0xffff, v2;
	s1 =	sadd.s32 $0x40, s30  }
0x3c5: {  	v2 =	vld [tilespmem:s1+$0xFFFFFFE0];
	v3 =	vor.u32 v1, v4;
	_ =	sdelay $0x4  }
0x3c6: {  	s2 =	sadd.s32 $0x40, s31;
	[tilespmem:v3+s23+$0x0] =	vst.idx.msk $0xffff, v2  }
0x3c7: {  	v3 =	vor.u32 $0x1, v3;
	v2 =	vld [tilespmem:s2+$0xFFFFFFE0];
	_ =	sdelay $0x2  }
0x3c8: {  	s30 =	sadd.s32 $0x10, s0  }
0x3c9: {  	v4 =	vmov s30  }
0x3ca: {  	[tilespmem:v3+s23+$0x0] =	vst.idx.msk $0xffff, v2;
	v2 =	vshll.u32 v4, $0x4  }
0x3cb: {  	v3 =	vld [tilespmem:s1+$0xFFFFFFF0];
	v2 =	vor.u32 v1, v2;
	_ =	sdelay $0x4  }
0x3cc: {  	[tilespmem:v2+s23+$0x0] =	vst.idx.msk $0xffff, v3  }
0x3cd: {  	v2 =	vor.u32 $0x1, v2;
	v3 =	vld [tilespmem:s2+$0xFFFFFFF0];
	_ =	sdelay $0x2  }
0x3ce: {  	s30 =	sadd.s32 $0x20, s0  }
0x3cf: {  	v4 =	vmov s30  }
0x3d0: {  	[tilespmem:v2+s23+$0x0] =	vst.idx.msk $0xffff, v3;
	v2 =	vshll.u32 v4, $0x4  }
0x3d1: {  	v3 =	vld [tilespmem:s1+$0x0];
	v2 =	vor.u32 v1, v2;
	_ =	sdelay $0x4  }
0x3d2: {  	[tilespmem:v2+s23+$0x0] =	vst.idx.msk $0xffff, v3  }
0x3d3: {  	v2 =	vor.u32 $0x1, v2;
	v3 =	vld [tilespmem:s2+$0x0];
	_ =	sdelay $0x2  }
0x3d4: {  	s0 =	sadd.s32 $0x30, s0  }
0x3d5: {  	v4 =	vmov s0  }
0x3d6: {  	[tilespmem:v2+s23+$0x0] =	vst.idx.msk $0xffff, v3;
	v2 =	vshll.u32 v4, $0x4  }
0x3d7: {  	v3 =	vld [tilespmem:s1+$0x10];
	v2 =	vor.u32 v1, v2;
	_ =	sdelay $0x4  }
0x3d8: {  	[tilespmem:v2+s23+$0x0] =	vst.idx.msk $0xffff, v3  }
0x3d9: {  	v2 =	vor.u32 $0x1, v2;
	v3 =	vld [tilespmem:s2+$0x10];
	_ =	sdelay $0x4  }
0x3da: {  	s0 =	simm.s32 $0x0;
	[tilespmem:v2+s23+$0x0] =	vst.idx.msk $0xffff, v3  }
0x3db: {  	[hbm4b:s12+s0] =	stream.linear.scatter [tilespmem:s23], [sflag:$0x1], $0x8000, $0x38;
	[tilespmem:$0x12000] =	vst v63  }
0x3dc: {  	_ =	swait.ge [sflag:s28], $0x8000  }
0x3dd: {  	[sflag:s28] =	ssyncset.done $0x0  }
0x3de: {  	[sflag:s28] =	ssyncadd.s32 $0xFFFF8000  }
0x3df: {  	_ =	swait.ge [sflag:s24], $0x800  }
0x3e0: {  	[sflag:s24] =	ssyncset.done $0x0  }
0x3e1: {  	[sflag:s24] =	ssyncadd.s32 $0xFFFFF800  }
0x3e2: {  	_ =	swait.ge [sflag:s24], $0x800  }
0x3e3: {  	[sflag:s24] =	ssyncset.done $0x0  }
0x3e4: {  	s2 =	rddreg [dreg:$0x1a];
	[sflag:s24] =	ssyncadd.s32 $0xFFFFF800  }
0x3e5: {  	[tilespmem:s0], [sflag:$0x3] =	stream.linear.gather [hbm4b:s2+s0], $0x800, $0x38;
	[tilespmem:$0x12000] =	vst v63  }
0x3e6: {  	s30 =	simm.s32 $0x1020;
	v2 =	vmov s0;
	s2 =	rddreg [dreg:$0x1b]  }
0x3e7: {  	v2 =	vshll.u32 v2, $0x4;
	[tilespmem:s19], [sflag:$0x3] =	stream.linear.gather [hbm4b:s2+s0], $0x800, $0x38;
	[tilespmem:$0x12000] =	vst v63  }
0x3e8: {  	v2 =	vor.u32 v1, v2;
	v3 =	vld [tilespmem:s30+$0xFFFFFFE0];
	_ =	sdelay $0x4  }
0x3e9: {  	s31 =	simm.s32 $0x1820;
	[tilespmem:v2+s25+$0x0] =	vst.idx.msk $0xffff, v3  }
0x3ea: {  	v2 =	vor.u32 $0x1, v2;
	v3 =	vld [tilespmem:s31+$0xFFFFFFE0];
	_ =	sdelay $0x2  }
0x3eb: {  	s2 =	simm.s32 $0x10  }
0x3ec: {  	v4 =	vmov s2  }
0x3ed: {  	[tilespmem:v2+s25+$0x0] =	vst.idx.msk $0xffff, v3;
	v2 =	vshll.u32 v4, $0x4  }
0x3ee: {  	v3 =	vld [tilespmem:s30+$0xFFFFFFF0];
	v2 =	vor.u32 v1, v2;
	_ =	sdelay $0x4  }
0x3ef: {  	[tilespmem:v2+s25+$0x0] =	vst.idx.msk $0xffff, v3  }
0x3f0: {  	v2 =	vor.u32 $0x1, v2;
	v3 =	vld [tilespmem:s31+$0xFFFFFFF0];
	_ =	sdelay $0x2  }
0x3f1: {  	s1 =	simm.s32 $0x20  }
0x3f2: {  	v4 =	vmov s1  }
0x3f3: {  	[tilespmem:v2+s25+$0x0] =	vst.idx.msk $0xffff, v3;
	v2 =	vshll.u32 v4, $0x4  }
0x3f4: {  	v3 =	vld [tilespmem:s30+$0x0];
	v2 =	vor.u32 v1, v2;
	_ =	sdelay $0x4  }
0x3f5: {  	[tilespmem:v2+s25+$0x0] =	vst.idx.msk $0xffff, v3  }
0x3f6: {  	v2 =	vor.u32 $0x1, v2;
	v3 =	vld [tilespmem:s31+$0x0];
	_ =	sdelay $0x2  }
0x3f7: {  	s2 =	simm.s32 $0x30  }
0x3f8: {  	v4 =	vmov s2  }
0x3f9: {  	[tilespmem:v2+s25+$0x0] =	vst.idx.msk $0xffff, v3;
	v2 =	vshll.u32 v4, $0x4  }
0x3fa: {  	v3 =	vld [tilespmem:s30+$0x10];
	v4 =	vor.u32 v1, v2;
	_ =	sdelay $0x4  }
0x3fb: {  	[tilespmem:v4+s25+$0x0] =	vst.idx.msk $0xffff, v3  }
0x3fc: {  	v3 =	vor.u32 $0x1, v4;
	v2 =	vld [tilespmem:s31+$0x10];
	_ =	sdelay $0x2  }
0x3fd: {  	s0 =	simm.s32 $0x40  }
0x3fe: {  	s1 =	simm.s32 $0x80;
	v4 =	vmov s0  }
.LBB2_28:
0x3ff: {  	p0 =	sne.s32 s1, $0x7C0;
	v4 =	vshll.u32 v4, $0x4;
	[tilespmem:v3+s25+$0x0] =	vst.idx.msk $0xffff, v2;
	s30 =	sadd.s32 $0x40, s30  }
0x400: {  	v2 =	vld [tilespmem:s30+$0xFFFFFFE0];
	v3 =	vor.u32 v1, v4;
	_ =	sdelay $0x4  }
0x401: {  	s31 =	sadd.s32 $0x40, s31;
	[tilespmem:v3+s25+$0x0] =	vst.idx.msk $0xffff, v2  }
0x402: {  	v3 =	vor.u32 $0x1, v3;
	v2 =	vld [tilespmem:s31+$0xFFFFFFE0];
	_ =	sdelay $0x2  }
0x403: {  	s2 =	sadd.s32 $0x10, s0  }
0x404: {  	v4 =	vmov s2  }
0x405: {  	[tilespmem:v3+s25+$0x0] =	vst.idx.msk $0xffff, v2;
	v2 =	vshll.u32 v4, $0x4  }
0x406: {  	v3 =	vld [tilespmem:s30+$0xFFFFFFF0];
	v2 =	vor.u32 v1, v2;
	_ =	sdelay $0x4  }
0x407: {  	[tilespmem:v2+s25+$0x0] =	vst.idx.msk $0xffff, v3  }
0x408: {  	v2 =	vor.u32 $0x1, v2;
	v3 =	vld [tilespmem:s31+$0xFFFFFFF0];
	_ =	sdelay $0x2  }
0x409: {  	s2 =	sadd.s32 $0x20, s0  }
0x40a: {  	v4 =	vmov s2  }
0x40b: {  	[tilespmem:v2+s25+$0x0] =	vst.idx.msk $0xffff, v3;
	v2 =	vshll.u32 v4, $0x4  }
0x40c: {  	v3 =	vld [tilespmem:s30+$0x0];
	v2 =	vor.u32 v1, v2;
	_ =	sdelay $0x4  }
0x40d: {  	[tilespmem:v2+s25+$0x0] =	vst.idx.msk $0xffff, v3  }
0x40e: {  	v2 =	vor.u32 $0x1, v2;
	v3 =	vld [tilespmem:s31+$0x0];
	_ =	sdelay $0x2  }
0x40f: {  	s2 =	sadd.s32 $0x30, s0;
	s0 =	smov.u32 s1  }
0x410: {  	v4 =	vmov s2  }
0x411: {  	[tilespmem:v2+s25+$0x0] =	vst.idx.msk $0xffff, v3;
	v2 =	vshll.u32 v4, $0x4  }
0x412: {  	v3 =	vld [tilespmem:s30+$0x10];
	v4 =	vor.u32 v1, v2;
	_ =	sdelay $0x4  }
0x413: {  	[tilespmem:v4+s25+$0x0] =	vst.idx.msk $0xffff, v3  }
.Ltmp13:
0x414: {  	v3 =	vor.u32 $0x1, v4;
	v2 =	vld [tilespmem:s31+$0x10];
	(pc) =	sbr.rel @p0 .LBB2_28-.Ltmp13, $2  }
0x415: {  	_ =	sdelay $0x2  }
0x416: {  	s1 =	sadd.s32 $0x40, s1;
	v4 =	vmov s0  }
0x417: {  	_ =	sdelay $0x3  }
0x418: {  	v4 =	vshll.u32 v4, $0x4;
	[tilespmem:v3+s25+$0x0] =	vst.idx.msk $0xffff, v2;
	s1 =	sadd.s32 $0x40, s30  }
0x419: {  	v2 =	vld [tilespmem:s1+$0xFFFFFFE0];
	v3 =	vor.u32 v1, v4;
	_ =	sdelay $0x4  }
0x41a: {  	s2 =	sadd.s32 $0x40, s31;
	[tilespmem:v3+s25+$0x0] =	vst.idx.msk $0xffff, v2  }
0x41b: {  	v3 =	vor.u32 $0x1, v3;
	v2 =	vld [tilespmem:s2+$0xFFFFFFE0];
	_ =	sdelay $0x2  }
0x41c: {  	s30 =	sadd.s32 $0x10, s0  }
0x41d: {  	v4 =	vmov s30  }
0x41e: {  	[tilespmem:v3+s25+$0x0] =	vst.idx.msk $0xffff, v2;
	v2 =	vshll.u32 v4, $0x4  }
0x41f: {  	v3 =	vld [tilespmem:s1+$0xFFFFFFF0];
	v2 =	vor.u32 v1, v2;
	_ =	sdelay $0x4  }
0x420: {  	[tilespmem:v2+s25+$0x0] =	vst.idx.msk $0xffff, v3  }
0x421: {  	v2 =	vor.u32 $0x1, v2;
	v3 =	vld [tilespmem:s2+$0xFFFFFFF0];
	_ =	sdelay $0x2  }
0x422: {  	s30 =	sadd.s32 $0x20, s0  }
0x423: {  	v4 =	vmov s30  }
0x424: {  	[tilespmem:v2+s25+$0x0] =	vst.idx.msk $0xffff, v3;
	v2 =	vshll.u32 v4, $0x4  }
0x425: {  	v3 =	vld [tilespmem:s1+$0x0];
	v2 =	vor.u32 v1, v2;
	_ =	sdelay $0x4  }
0x426: {  	[tilespmem:v2+s25+$0x0] =	vst.idx.msk $0xffff, v3  }
0x427: {  	v2 =	vor.u32 $0x1, v2;
	v3 =	vld [tilespmem:s2+$0x0];
	_ =	sdelay $0x2  }
0x428: {  	s0 =	sadd.s32 $0x30, s0  }
0x429: {  	v4 =	vmov s0  }
0x42a: {  	[tilespmem:v2+s25+$0x0] =	vst.idx.msk $0xffff, v3;
	v2 =	vshll.u32 v4, $0x4  }
0x42b: {  	v3 =	vld [tilespmem:s1+$0x10];
	v2 =	vor.u32 v1, v2;
	_ =	sdelay $0x4  }
0x42c: {  	[tilespmem:v2+s25+$0x0] =	vst.idx.msk $0xffff, v3  }
0x42d: {  	v2 =	vor.u32 $0x1, v2;
	v3 =	vld [tilespmem:s2+$0x10];
	_ =	sdelay $0x4  }
0x42e: {  	s0 =	simm.s32 $0x0;
	[tilespmem:v2+s25+$0x0] =	vst.idx.msk $0xffff, v3  }
0x42f: {  	[hbm4b:s13+s0] =	stream.linear.scatter [tilespmem:s25], [sflag:$0x2], $0x8000, $0x38;
	[tilespmem:$0x12000] =	vst v63  }
0x430: {  	_ =	swait.ge [sflag:s26], $0x8000  }
0x431: {  	[sflag:s26] =	ssyncset.done $0x0  }
0x432: {  	[sflag:s26] =	ssyncadd.s32 $0xFFFF8000  }
0x433: {  	_ =	swait.ge [sflag:s20], $0x800  }
0x434: {  	[sflag:s20] =	ssyncset.done $0x0  }
0x435: {  	[sflag:s20] =	ssyncadd.s32 $0xFFFFF800  }
0x436: {  	_ =	swait.ge [sflag:s20], $0x800  }
0x437: {  	[sflag:s20] =	ssyncset.done $0x0  }
0x438: {  	s2 =	rddreg [dreg:$0x1c];
	[sflag:s20] =	ssyncadd.s32 $0xFFFFF800  }
0x439: {  	[tilespmem:s21], [sflag:$0x4] =	stream.linear.gather [hbm4b:s2+s0], $0x800, $0x38;
	[tilespmem:$0x12000] =	vst v63  }
0x43a: {  	s30 =	simm.s32 $0x20;
	v2 =	vmov s0;
	s2 =	rddreg [dreg:$0x1d]  }
0x43b: {  	v2 =	vshll.u32 v2, $0x4;
	[tilespmem:s22], [sflag:$0x4] =	stream.linear.gather [hbm4b:s2+s0], $0x800, $0x38;
	[tilespmem:$0x12000] =	vst v63  }
0x43c: {  	v2 =	vor.u32 v1, v2;
	v3 =	vld [tilespmem:s30+$0xFFFFFFE0];
	_ =	sdelay $0x4  }
0x43d: {  	s31 =	simm.s32 $0x820;
	[tilespmem:v2+s23+$0x0] =	vst.idx.msk $0xffff, v3  }
0x43e: {  	v2 =	vor.u32 $0x1, v2;
	v3 =	vld [tilespmem:s31+$0xFFFFFFE0];
	_ =	sdelay $0x2  }
0x43f: {  	s2 =	simm.s32 $0x10  }
0x440: {  	v4 =	vmov s2  }
0x441: {  	[tilespmem:v2+s23+$0x0] =	vst.idx.msk $0xffff, v3;
	v2 =	vshll.u32 v4, $0x4  }
0x442: {  	v3 =	vld [tilespmem:s30+$0xFFFFFFF0];
	v2 =	vor.u32 v1, v2;
	_ =	sdelay $0x4  }
0x443: {  	[tilespmem:v2+s23+$0x0] =	vst.idx.msk $0xffff, v3  }
0x444: {  	v2 =	vor.u32 $0x1, v2;
	v3 =	vld [tilespmem:s31+$0xFFFFFFF0];
	_ =	sdelay $0x2  }
0x445: {  	s1 =	simm.s32 $0x20  }
0x446: {  	v4 =	vmov s1  }
0x447: {  	[tilespmem:v2+s23+$0x0] =	vst.idx.msk $0xffff, v3;
	v2 =	vshll.u32 v4, $0x4  }
0x448: {  	v3 =	vld [tilespmem:s30+$0x0];
	v2 =	vor.u32 v1, v2;
	_ =	sdelay $0x4  }
0x449: {  	[tilespmem:v2+s23+$0x0] =	vst.idx.msk $0xffff, v3  }
0x44a: {  	v2 =	vor.u32 $0x1, v2;
	v3 =	vld [tilespmem:s31+$0x0];
	_ =	sdelay $0x2  }
0x44b: {  	s2 =	simm.s32 $0x30  }
0x44c: {  	v4 =	vmov s2  }
0x44d: {  	[tilespmem:v2+s23+$0x0] =	vst.idx.msk $0xffff, v3;
	v2 =	vshll.u32 v4, $0x4  }
0x44e: {  	v3 =	vld [tilespmem:s30+$0x10];
	v4 =	vor.u32 v1, v2;
	_ =	sdelay $0x4  }
0x44f: {  	[tilespmem:v4+s23+$0x0] =	vst.idx.msk $0xffff, v3  }
0x450: {  	v3 =	vor.u32 $0x1, v4;
	v2 =	vld [tilespmem:s31+$0x10];
	_ =	sdelay $0x2  }
0x451: {  	s0 =	simm.s32 $0x40  }
0x452: {  	s1 =	simm.s32 $0x80;
	v4 =	vmov s0  }
.LBB2_30:
0x453: {  	p0 =	sne.s32 s1, $0x7C0;
	v4 =	vshll.u32 v4, $0x4;
	[tilespmem:v3+s23+$0x0] =	vst.idx.msk $0xffff, v2;
	s30 =	sadd.s32 $0x40, s30  }
0x454: {  	v2 =	vld [tilespmem:s30+$0xFFFFFFE0];
	v3 =	vor.u32 v1, v4;
	_ =	sdelay $0x4  }
0x455: {  	s31 =	sadd.s32 $0x40, s31;
	[tilespmem:v3+s23+$0x0] =	vst.idx.msk $0xffff, v2  }
0x456: {  	v3 =	vor.u32 $0x1, v3;
	v2 =	vld [tilespmem:s31+$0xFFFFFFE0];
	_ =	sdelay $0x2  }
0x457: {  	s2 =	sadd.s32 $0x10, s0  }
0x458: {  	v4 =	vmov s2  }
0x459: {  	[tilespmem:v3+s23+$0x0] =	vst.idx.msk $0xffff, v2;
	v2 =	vshll.u32 v4, $0x4  }
0x45a: {  	v3 =	vld [tilespmem:s30+$0xFFFFFFF0];
	v2 =	vor.u32 v1, v2;
	_ =	sdelay $0x4  }
0x45b: {  	[tilespmem:v2+s23+$0x0] =	vst.idx.msk $0xffff, v3  }
0x45c: {  	v2 =	vor.u32 $0x1, v2;
	v3 =	vld [tilespmem:s31+$0xFFFFFFF0];
	_ =	sdelay $0x2  }
0x45d: {  	s2 =	sadd.s32 $0x20, s0  }
0x45e: {  	v4 =	vmov s2  }
0x45f: {  	[tilespmem:v2+s23+$0x0] =	vst.idx.msk $0xffff, v3;
	v2 =	vshll.u32 v4, $0x4  }
0x460: {  	v3 =	vld [tilespmem:s30+$0x0];
	v2 =	vor.u32 v1, v2;
	_ =	sdelay $0x4  }
0x461: {  	[tilespmem:v2+s23+$0x0] =	vst.idx.msk $0xffff, v3  }
0x462: {  	v2 =	vor.u32 $0x1, v2;
	v3 =	vld [tilespmem:s31+$0x0];
	_ =	sdelay $0x2  }
0x463: {  	s2 =	sadd.s32 $0x30, s0;
	s0 =	smov.u32 s1  }
0x464: {  	v4 =	vmov s2  }
0x465: {  	[tilespmem:v2+s23+$0x0] =	vst.idx.msk $0xffff, v3;
	v2 =	vshll.u32 v4, $0x4  }
0x466: {  	v3 =	vld [tilespmem:s30+$0x10];
	v4 =	vor.u32 v1, v2;
	_ =	sdelay $0x4  }
0x467: {  	[tilespmem:v4+s23+$0x0] =	vst.idx.msk $0xffff, v3  }
.Ltmp14:
0x468: {  	v3 =	vor.u32 $0x1, v4;
	v2 =	vld [tilespmem:s31+$0x10];
	(pc) =	sbr.rel @p0 .LBB2_30-.Ltmp14, $2  }
0x469: {  	_ =	sdelay $0x2  }
0x46a: {  	s1 =	sadd.s32 $0x40, s1;
	v4 =	vmov s0  }
0x46b: {  	_ =	sdelay $0x3  }
0x46c: {  	v4 =	vshll.u32 v4, $0x4;
	[tilespmem:v3+s23+$0x0] =	vst.idx.msk $0xffff, v2;
	s1 =	sadd.s32 $0x40, s30  }
0x46d: {  	v2 =	vld [tilespmem:s1+$0xFFFFFFE0];
	v3 =	vor.u32 v1, v4;
	_ =	sdelay $0x4  }
0x46e: {  	s2 =	sadd.s32 $0x40, s31;
	[tilespmem:v3+s23+$0x0] =	vst.idx.msk $0xffff, v2  }
0x46f: {  	v3 =	vor.u32 $0x1, v3;
	v2 =	vld [tilespmem:s2+$0xFFFFFFE0];
	_ =	sdelay $0x2  }
0x470: {  	s30 =	sadd.s32 $0x10, s0  }
0x471: {  	v4 =	vmov s30  }
0x472: {  	[tilespmem:v3+s23+$0x0] =	vst.idx.msk $0xffff, v2;
	v2 =	vshll.u32 v4, $0x4  }
0x473: {  	v3 =	vld [tilespmem:s1+$0xFFFFFFF0];
	v2 =	vor.u32 v1, v2;
	_ =	sdelay $0x4  }
0x474: {  	[tilespmem:v2+s23+$0x0] =	vst.idx.msk $0xffff, v3  }
0x475: {  	v2 =	vor.u32 $0x1, v2;
	v3 =	vld [tilespmem:s2+$0xFFFFFFF0];
	_ =	sdelay $0x2  }
0x476: {  	s30 =	sadd.s32 $0x20, s0  }
0x477: {  	v4 =	vmov s30  }
0x478: {  	[tilespmem:v2+s23+$0x0] =	vst.idx.msk $0xffff, v3;
	v2 =	vshll.u32 v4, $0x4  }
0x479: {  	v3 =	vld [tilespmem:s1+$0x0];
	v2 =	vor.u32 v1, v2;
	_ =	sdelay $0x4  }
0x47a: {  	[tilespmem:v2+s23+$0x0] =	vst.idx.msk $0xffff, v3  }
0x47b: {  	v2 =	vor.u32 $0x1, v2;
	v3 =	vld [tilespmem:s2+$0x0];
	_ =	sdelay $0x2  }
0x47c: {  	s0 =	sadd.s32 $0x30, s0  }
0x47d: {  	v4 =	vmov s0  }
0x47e: {  	[tilespmem:v2+s23+$0x0] =	vst.idx.msk $0xffff, v3;
	v2 =	vshll.u32 v4, $0x4  }
0x47f: {  	v3 =	vld [tilespmem:s1+$0x10];
	v2 =	vor.u32 v1, v2;
	_ =	sdelay $0x4  }
0x480: {  	[tilespmem:v2+s23+$0x0] =	vst.idx.msk $0xffff, v3  }
0x481: {  	v2 =	vor.u32 $0x1, v2;
	v3 =	vld [tilespmem:s2+$0x10];
	_ =	sdelay $0x4  }
0x482: {  	s0 =	simm.s32 $0x0;
	[tilespmem:v2+s23+$0x0] =	vst.idx.msk $0xffff, v3  }
0x483: {  	[hbm4b:s14+s0] =	stream.linear.scatter [tilespmem:s23], [sflag:$0x1], $0x8000, $0x38;
	[tilespmem:$0x12000] =	vst v63  }
0x484: {  	_ =	swait.ge [sflag:s28], $0x8000  }
0x485: {  	[sflag:s28] =	ssyncset.done $0x0  }
0x486: {  	[sflag:s28] =	ssyncadd.s32 $0xFFFF8000  }
0x487: {  	_ =	swait.ge [sflag:s24], $0x800  }
0x488: {  	[sflag:s24] =	ssyncset.done $0x0  }
0x489: {  	[sflag:s24] =	ssyncadd.s32 $0xFFFFF800  }
0x48a: {  	_ =	swait.ge [sflag:s24], $0x800  }
0x48b: {  	[sflag:s24] =	ssyncset.done $0x0  }
0x48c: {  	s2 =	rddreg [dreg:$0x1e];
	[sflag:s24] =	ssyncadd.s32 $0xFFFFF800  }
0x48d: {  	[tilespmem:s0], [sflag:$0x3] =	stream.linear.gather [hbm4b:s2+s0], $0x800, $0x38;
	[tilespmem:$0x12000] =	vst v63  }
0x48e: {  	s30 =	simm.s32 $0x1020;
	v2 =	vmov s0;
	s2 =	rddreg [dreg:$0x1f]  }
0x48f: {  	v2 =	vshll.u32 v2, $0x4;
	[tilespmem:s19], [sflag:$0x3] =	stream.linear.gather [hbm4b:s2+s0], $0x800, $0x38;
	[tilespmem:$0x12000] =	vst v63  }
0x490: {  	v2 =	vor.u32 v1, v2;
	v3 =	vld [tilespmem:s30+$0xFFFFFFE0];
	_ =	sdelay $0x4  }
0x491: {  	s31 =	simm.s32 $0x1820;
	[tilespmem:v2+s25+$0x0] =	vst.idx.msk $0xffff, v3  }
0x492: {  	v2 =	vor.u32 $0x1, v2;
	v3 =	vld [tilespmem:s31+$0xFFFFFFE0];
	_ =	sdelay $0x2  }
0x493: {  	s2 =	simm.s32 $0x10  }
0x494: {  	v4 =	vmov s2  }
0x495: {  	[tilespmem:v2+s25+$0x0] =	vst.idx.msk $0xffff, v3;
	v2 =	vshll.u32 v4, $0x4  }
0x496: {  	v3 =	vld [tilespmem:s30+$0xFFFFFFF0];
	v2 =	vor.u32 v1, v2;
	_ =	sdelay $0x4  }
0x497: {  	[tilespmem:v2+s25+$0x0] =	vst.idx.msk $0xffff, v3  }
0x498: {  	v2 =	vor.u32 $0x1, v2;
	v3 =	vld [tilespmem:s31+$0xFFFFFFF0];
	_ =	sdelay $0x2  }
0x499: {  	s1 =	simm.s32 $0x20  }
0x49a: {  	v4 =	vmov s1  }
0x49b: {  	[tilespmem:v2+s25+$0x0] =	vst.idx.msk $0xffff, v3;
	v2 =	vshll.u32 v4, $0x4  }
0x49c: {  	v3 =	vld [tilespmem:s30+$0x0];
	v2 =	vor.u32 v1, v2;
	_ =	sdelay $0x4  }
0x49d: {  	[tilespmem:v2+s25+$0x0] =	vst.idx.msk $0xffff, v3  }
0x49e: {  	v2 =	vor.u32 $0x1, v2;
	v3 =	vld [tilespmem:s31+$0x0];
	_ =	sdelay $0x2  }
0x49f: {  	s2 =	simm.s32 $0x30  }
0x4a0: {  	v4 =	vmov s2  }
0x4a1: {  	[tilespmem:v2+s25+$0x0] =	vst.idx.msk $0xffff, v3;
	v2 =	vshll.u32 v4, $0x4  }
0x4a2: {  	v3 =	vld [tilespmem:s30+$0x10];
	v4 =	vor.u32 v1, v2;
	_ =	sdelay $0x4  }
0x4a3: {  	[tilespmem:v4+s25+$0x0] =	vst.idx.msk $0xffff, v3  }
0x4a4: {  	v3 =	vor.u32 $0x1, v4;
	v2 =	vld [tilespmem:s31+$0x10];
	_ =	sdelay $0x2  }
0x4a5: {  	s0 =	simm.s32 $0x40  }
0x4a6: {  	s1 =	simm.s32 $0x80;
	v4 =	vmov s0  }
.LBB2_32:
0x4a7: {  	p0 =	sne.s32 s1, $0x7C0;
	v4 =	vshll.u32 v4, $0x4;
	[tilespmem:v3+s25+$0x0] =	vst.idx.msk $0xffff, v2;
	s30 =	sadd.s32 $0x40, s30  }
0x4a8: {  	v2 =	vld [tilespmem:s30+$0xFFFFFFE0];
	v3 =	vor.u32 v1, v4;
	_ =	sdelay $0x4  }
0x4a9: {  	s31 =	sadd.s32 $0x40, s31;
	[tilespmem:v3+s25+$0x0] =	vst.idx.msk $0xffff, v2  }
0x4aa: {  	v3 =	vor.u32 $0x1, v3;
	v2 =	vld [tilespmem:s31+$0xFFFFFFE0];
	_ =	sdelay $0x2  }
0x4ab: {  	s2 =	sadd.s32 $0x10, s0  }
0x4ac: {  	v4 =	vmov s2  }
0x4ad: {  	[tilespmem:v3+s25+$0x0] =	vst.idx.msk $0xffff, v2;
	v2 =	vshll.u32 v4, $0x4  }
0x4ae: {  	v3 =	vld [tilespmem:s30+$0xFFFFFFF0];
	v2 =	vor.u32 v1, v2;
	_ =	sdelay $0x4  }
0x4af: {  	[tilespmem:v2+s25+$0x0] =	vst.idx.msk $0xffff, v3  }
0x4b0: {  	v2 =	vor.u32 $0x1, v2;
	v3 =	vld [tilespmem:s31+$0xFFFFFFF0];
	_ =	sdelay $0x2  }
0x4b1: {  	s2 =	sadd.s32 $0x20, s0  }
0x4b2: {  	v4 =	vmov s2  }
0x4b3: {  	[tilespmem:v2+s25+$0x0] =	vst.idx.msk $0xffff, v3;
	v2 =	vshll.u32 v4, $0x4  }
0x4b4: {  	v3 =	vld [tilespmem:s30+$0x0];
	v2 =	vor.u32 v1, v2;
	_ =	sdelay $0x4  }
0x4b5: {  	[tilespmem:v2+s25+$0x0] =	vst.idx.msk $0xffff, v3  }
0x4b6: {  	v2 =	vor.u32 $0x1, v2;
	v3 =	vld [tilespmem:s31+$0x0];
	_ =	sdelay $0x2  }
0x4b7: {  	s2 =	sadd.s32 $0x30, s0;
	s0 =	smov.u32 s1  }
0x4b8: {  	v4 =	vmov s2  }
0x4b9: {  	[tilespmem:v2+s25+$0x0] =	vst.idx.msk $0xffff, v3;
	v2 =	vshll.u32 v4, $0x4  }
0x4ba: {  	v3 =	vld [tilespmem:s30+$0x10];
	v4 =	vor.u32 v1, v2;
	_ =	sdelay $0x4  }
0x4bb: {  	[tilespmem:v4+s25+$0x0] =	vst.idx.msk $0xffff, v3  }
.Ltmp15:
0x4bc: {  	v3 =	vor.u32 $0x1, v4;
	v2 =	vld [tilespmem:s31+$0x10];
	(pc) =	sbr.rel @p0 .LBB2_32-.Ltmp15, $2  }
0x4bd: {  	_ =	sdelay $0x2  }
0x4be: {  	s1 =	sadd.s32 $0x40, s1;
	v4 =	vmov s0  }
0x4bf: {  	_ =	sdelay $0x3  }
0x4c0: {  	v4 =	vshll.u32 v4, $0x4;
	[tilespmem:v3+s25+$0x0] =	vst.idx.msk $0xffff, v2;
	s1 =	sadd.s32 $0x40, s30  }
0x4c1: {  	v2 =	vld [tilespmem:s1+$0xFFFFFFE0];
	v3 =	vor.u32 v1, v4;
	_ =	sdelay $0x4  }
0x4c2: {  	s2 =	sadd.s32 $0x40, s31;
	[tilespmem:v3+s25+$0x0] =	vst.idx.msk $0xffff, v2  }
0x4c3: {  	v3 =	vor.u32 $0x1, v3;
	v2 =	vld [tilespmem:s2+$0xFFFFFFE0];
	_ =	sdelay $0x2  }
0x4c4: {  	s30 =	sadd.s32 $0x10, s0  }
0x4c5: {  	v4 =	vmov s30  }
0x4c6: {  	[tilespmem:v3+s25+$0x0] =	vst.idx.msk $0xffff, v2;
	v2 =	vshll.u32 v4, $0x4  }
0x4c7: {  	v3 =	vld [tilespmem:s1+$0xFFFFFFF0];
	v2 =	vor.u32 v1, v2;
	_ =	sdelay $0x4  }
0x4c8: {  	[tilespmem:v2+s25+$0x0] =	vst.idx.msk $0xffff, v3  }
0x4c9: {  	v2 =	vor.u32 $0x1, v2;
	v3 =	vld [tilespmem:s2+$0xFFFFFFF0];
	_ =	sdelay $0x2  }
0x4ca: {  	s30 =	sadd.s32 $0x20, s0  }
0x4cb: {  	v4 =	vmov s30  }
0x4cc: {  	[tilespmem:v2+s25+$0x0] =	vst.idx.msk $0xffff, v3;
	v2 =	vshll.u32 v4, $0x4  }
0x4cd: {  	v3 =	vld [tilespmem:s1+$0x0];
	v2 =	vor.u32 v1, v2;
	_ =	sdelay $0x4  }
0x4ce: {  	[tilespmem:v2+s25+$0x0] =	vst.idx.msk $0xffff, v3  }
0x4cf: {  	v2 =	vor.u32 $0x1, v2;
	v3 =	vld [tilespmem:s2+$0x0];
	_ =	sdelay $0x2  }
0x4d0: {  	s0 =	sadd.s32 $0x30, s0  }
0x4d1: {  	v4 =	vmov s0  }
0x4d2: {  	[tilespmem:v2+s25+$0x0] =	vst.idx.msk $0xffff, v3;
	v2 =	vshll.u32 v4, $0x4  }
0x4d3: {  	v3 =	vld [tilespmem:s1+$0x10];
	v2 =	vor.u32 v1, v2;
	_ =	sdelay $0x4  }
0x4d4: {  	[tilespmem:v2+s25+$0x0] =	vst.idx.msk $0xffff, v3  }
0x4d5: {  	v2 =	vor.u32 $0x1, v2;
	v3 =	vld [tilespmem:s2+$0x10];
	_ =	sdelay $0x4  }
0x4d6: {  	s0 =	simm.s32 $0x0;
	[tilespmem:v2+s25+$0x0] =	vst.idx.msk $0xffff, v3  }
0x4d7: {  	[hbm4b:s15+s0] =	stream.linear.scatter [tilespmem:s25], [sflag:$0x2], $0x8000, $0x38;
	[tilespmem:$0x12000] =	vst v63  }
0x4d8: {  	_ =	swait.ge [sflag:s26], $0x8000  }
0x4d9: {  	[sflag:s26] =	ssyncset.done $0x0  }
0x4da: {  	[sflag:s26] =	ssyncadd.s32 $0xFFFF8000  }
0x4db: {  	_ =	swait.ge [sflag:s20], $0x800  }
0x4dc: {  	[sflag:s20] =	ssyncset.done $0x0  }
0x4dd: {  	[sflag:s20] =	ssyncadd.s32 $0xFFFFF800  }
0x4de: {  	_ =	swait.ge [sflag:s20], $0x800  }
0x4df: {  	s2 =	sld [smem:$0x7FB]  }
0x4e0: {  	[sflag:s20] =	ssyncset.done $0x0  }
0x4e1: {  	[sflag:s20] =	ssyncadd.s32 $0xFFFFF800  }
0x4e2: {  	[tilespmem:s21], [sflag:$0x4] =	stream.linear.gather [hbm4b:s2+s0], $0x800, $0x38;
	[tilespmem:$0x12000] =	vst v63  }
0x4e3: {  	s2 =	sld [smem:$0x7FC];
	_ =	sdelay $0x1  }
0x4e4: {  	s30 =	simm.s32 $0x20;
	v2 =	vmov s0  }
0x4e5: {  	v2 =	vshll.u32 v2, $0x4;
	[tilespmem:s22], [sflag:$0x4] =	stream.linear.gather [hbm4b:s2+s0], $0x800, $0x38;
	[tilespmem:$0x12000] =	vst v63  }
0x4e6: {  	v2 =	vor.u32 v1, v2;
	v3 =	vld [tilespmem:s30+$0xFFFFFFE0];
	_ =	sdelay $0x4  }
0x4e7: {  	s31 =	simm.s32 $0x820;
	[tilespmem:v2+s23+$0x0] =	vst.idx.msk $0xffff, v3  }
0x4e8: {  	v2 =	vor.u32 $0x1, v2;
	v3 =	vld [tilespmem:s31+$0xFFFFFFE0];
	_ =	sdelay $0x2  }
0x4e9: {  	s2 =	simm.s32 $0x10  }
0x4ea: {  	v4 =	vmov s2  }
0x4eb: {  	[tilespmem:v2+s23+$0x0] =	vst.idx.msk $0xffff, v3;
	v2 =	vshll.u32 v4, $0x4  }
0x4ec: {  	v3 =	vld [tilespmem:s30+$0xFFFFFFF0];
	v2 =	vor.u32 v1, v2;
	_ =	sdelay $0x4  }
0x4ed: {  	[tilespmem:v2+s23+$0x0] =	vst.idx.msk $0xffff, v3  }
0x4ee: {  	v2 =	vor.u32 $0x1, v2;
	v3 =	vld [tilespmem:s31+$0xFFFFFFF0];
	_ =	sdelay $0x2  }
0x4ef: {  	s1 =	simm.s32 $0x20  }
0x4f0: {  	v4 =	vmov s1  }
0x4f1: {  	[tilespmem:v2+s23+$0x0] =	vst.idx.msk $0xffff, v3;
	v2 =	vshll.u32 v4, $0x4  }
0x4f2: {  	v3 =	vld [tilespmem:s30+$0x0];
	v2 =	vor.u32 v1, v2;
	_ =	sdelay $0x4  }
0x4f3: {  	[tilespmem:v2+s23+$0x0] =	vst.idx.msk $0xffff, v3  }
0x4f4: {  	v2 =	vor.u32 $0x1, v2;
	v3 =	vld [tilespmem:s31+$0x0];
	_ =	sdelay $0x2  }
0x4f5: {  	s2 =	simm.s32 $0x30  }
0x4f6: {  	v4 =	vmov s2  }
0x4f7: {  	[tilespmem:v2+s23+$0x0] =	vst.idx.msk $0xffff, v3;
	v2 =	vshll.u32 v4, $0x4  }
0x4f8: {  	v3 =	vld [tilespmem:s30+$0x10];
	v4 =	vor.u32 v1, v2;
	_ =	sdelay $0x4  }
0x4f9: {  	[tilespmem:v4+s23+$0x0] =	vst.idx.msk $0xffff, v3  }
0x4fa: {  	v3 =	vor.u32 $0x1, v4;
	v2 =	vld [tilespmem:s31+$0x10];
	_ =	sdelay $0x2  }
0x4fb: {  	s0 =	simm.s32 $0x40  }
0x4fc: {  	s1 =	simm.s32 $0x80;
	v4 =	vmov s0  }
.LBB2_34:
0x4fd: {  	p0 =	sne.s32 s1, $0x7C0;
	v4 =	vshll.u32 v4, $0x4;
	[tilespmem:v3+s23+$0x0] =	vst.idx.msk $0xffff, v2;
	s30 =	sadd.s32 $0x40, s30  }
0x4fe: {  	v2 =	vld [tilespmem:s30+$0xFFFFFFE0];
	v3 =	vor.u32 v1, v4;
	_ =	sdelay $0x4  }
0x4ff: {  	s31 =	sadd.s32 $0x40, s31;
	[tilespmem:v3+s23+$0x0] =	vst.idx.msk $0xffff, v2  }
0x500: {  	v3 =	vor.u32 $0x1, v3;
	v2 =	vld [tilespmem:s31+$0xFFFFFFE0];
	_ =	sdelay $0x2  }
0x501: {  	s2 =	sadd.s32 $0x10, s0  }
0x502: {  	v4 =	vmov s2  }
0x503: {  	[tilespmem:v3+s23+$0x0] =	vst.idx.msk $0xffff, v2;
	v2 =	vshll.u32 v4, $0x4  }
0x504: {  	v3 =	vld [tilespmem:s30+$0xFFFFFFF0];
	v2 =	vor.u32 v1, v2;
	_ =	sdelay $0x4  }
0x505: {  	[tilespmem:v2+s23+$0x0] =	vst.idx.msk $0xffff, v3  }
0x506: {  	v2 =	vor.u32 $0x1, v2;
	v3 =	vld [tilespmem:s31+$0xFFFFFFF0];
	_ =	sdelay $0x2  }
0x507: {  	s2 =	sadd.s32 $0x20, s0  }
0x508: {  	v4 =	vmov s2  }
0x509: {  	[tilespmem:v2+s23+$0x0] =	vst.idx.msk $0xffff, v3;
	v2 =	vshll.u32 v4, $0x4  }
0x50a: {  	v3 =	vld [tilespmem:s30+$0x0];
	v2 =	vor.u32 v1, v2;
	_ =	sdelay $0x4  }
0x50b: {  	[tilespmem:v2+s23+$0x0] =	vst.idx.msk $0xffff, v3  }
0x50c: {  	v2 =	vor.u32 $0x1, v2;
	v3 =	vld [tilespmem:s31+$0x0];
	_ =	sdelay $0x2  }
0x50d: {  	s2 =	sadd.s32 $0x30, s0;
	s0 =	smov.u32 s1  }
0x50e: {  	v4 =	vmov s2  }
0x50f: {  	[tilespmem:v2+s23+$0x0] =	vst.idx.msk $0xffff, v3;
	v2 =	vshll.u32 v4, $0x4  }
0x510: {  	v3 =	vld [tilespmem:s30+$0x10];
	v4 =	vor.u32 v1, v2;
	_ =	sdelay $0x4  }
0x511: {  	[tilespmem:v4+s23+$0x0] =	vst.idx.msk $0xffff, v3  }
.Ltmp16:
0x512: {  	v3 =	vor.u32 $0x1, v4;
	v2 =	vld [tilespmem:s31+$0x10];
	(pc) =	sbr.rel @p0 .LBB2_34-.Ltmp16, $2  }
0x513: {  	_ =	sdelay $0x2  }
0x514: {  	s1 =	sadd.s32 $0x40, s1;
	v4 =	vmov s0  }
0x515: {  	_ =	sdelay $0x3  }
0x516: {  	v4 =	vshll.u32 v4, $0x4;
	[tilespmem:v3+s23+$0x0] =	vst.idx.msk $0xffff, v2;
	s1 =	sadd.s32 $0x40, s30  }
0x517: {  	v2 =	vld [tilespmem:s1+$0xFFFFFFE0];
	v3 =	vor.u32 v1, v4;
	_ =	sdelay $0x4  }
0x518: {  	s2 =	sadd.s32 $0x40, s31;
	[tilespmem:v3+s23+$0x0] =	vst.idx.msk $0xffff, v2  }
0x519: {  	v3 =	vor.u32 $0x1, v3;
	v2 =	vld [tilespmem:s2+$0xFFFFFFE0];
	_ =	sdelay $0x2  }
0x51a: {  	s30 =	sadd.s32 $0x10, s0  }
0x51b: {  	v4 =	vmov s30  }
0x51c: {  	[tilespmem:v3+s23+$0x0] =	vst.idx.msk $0xffff, v2;
	v2 =	vshll.u32 v4, $0x4  }
0x51d: {  	v3 =	vld [tilespmem:s1+$0xFFFFFFF0];
	v2 =	vor.u32 v1, v2;
	_ =	sdelay $0x4  }
0x51e: {  	[tilespmem:v2+s23+$0x0] =	vst.idx.msk $0xffff, v3  }
0x51f: {  	v2 =	vor.u32 $0x1, v2;
	v3 =	vld [tilespmem:s2+$0xFFFFFFF0];
	_ =	sdelay $0x2  }
0x520: {  	s30 =	sadd.s32 $0x20, s0  }
0x521: {  	v4 =	vmov s30  }
0x522: {  	[tilespmem:v2+s23+$0x0] =	vst.idx.msk $0xffff, v3;
	v2 =	vshll.u32 v4, $0x4  }
0x523: {  	v3 =	vld [tilespmem:s1+$0x0];
	v2 =	vor.u32 v1, v2;
	_ =	sdelay $0x4  }
0x524: {  	[tilespmem:v2+s23+$0x0] =	vst.idx.msk $0xffff, v3  }
0x525: {  	v2 =	vor.u32 $0x1, v2;
	v3 =	vld [tilespmem:s2+$0x0];
	_ =	sdelay $0x2  }
0x526: {  	s0 =	sadd.s32 $0x30, s0  }
0x527: {  	v4 =	vmov s0  }
0x528: {  	[tilespmem:v2+s23+$0x0] =	vst.idx.msk $0xffff, v3;
	v2 =	vshll.u32 v4, $0x4  }
0x529: {  	v3 =	vld [tilespmem:s1+$0x10];
	v2 =	vor.u32 v1, v2;
	_ =	sdelay $0x4  }
0x52a: {  	[tilespmem:v2+s23+$0x0] =	vst.idx.msk $0xffff, v3  }
0x52b: {  	v2 =	vor.u32 $0x1, v2;
	v3 =	vld [tilespmem:s2+$0x10];
	_ =	sdelay $0x4  }
0x52c: {  	s1 =	simm.s32 $0x0;
	[tilespmem:v2+s23+$0x0] =	vst.idx.msk $0xffff, v3  }
0x52d: {  	[hbm4b:s16+s1] =	stream.linear.scatter [tilespmem:s23], [sflag:$0x1], $0x8000, $0x38;
	[tilespmem:$0x12000] =	vst v63  }
0x52e: {  	_ =	swait.ge [sflag:s28], $0x8000  }
0x52f: {  	[sflag:s28] =	ssyncset.done $0x0  }
0x530: {  	[sflag:s28] =	ssyncadd.s32 $0xFFFF8000  }
0x531: {  	_ =	swait.ge [sflag:s24], $0x800  }
0x532: {  	[sflag:s24] =	ssyncset.done $0x0  }
0x533: {  	[sflag:s24] =	ssyncadd.s32 $0xFFFFF800  }
0x534: {  	_ =	swait.ge [sflag:s24], $0x800  }
0x535: {  	v2 =	vmov s1;
	[sflag:s24] =	ssyncset.done $0x0  }
0x536: {  	s30 =	simm.s32 $0x1020;
	v2 =	vshll.u32 v2, $0x4;
	[sflag:s24] =	ssyncadd.s32 $0xFFFFF800  }
0x537: {  	v2 =	vor.u32 v1, v2;
	v3 =	vld [tilespmem:s30+$0xFFFFFFE0];
	_ =	sdelay $0x4  }
0x538: {  	s31 =	simm.s32 $0x1820;
	[tilespmem:v2+s25+$0x0] =	vst.idx.msk $0xffff, v3  }
0x539: {  	v2 =	vor.u32 $0x1, v2;
	v3 =	vld [tilespmem:s31+$0xFFFFFFE0];
	_ =	sdelay $0x2  }
0x53a: {  	s2 =	simm.s32 $0x10  }
0x53b: {  	v4 =	vmov s2  }
0x53c: {  	[tilespmem:v2+s25+$0x0] =	vst.idx.msk $0xffff, v3;
	v2 =	vshll.u32 v4, $0x4  }
0x53d: {  	v3 =	vld [tilespmem:s30+$0xFFFFFFF0];
	v2 =	vor.u32 v1, v2;
	_ =	sdelay $0x4  }
0x53e: {  	[tilespmem:v2+s25+$0x0] =	vst.idx.msk $0xffff, v3  }
0x53f: {  	v2 =	vor.u32 $0x1, v2;
	v3 =	vld [tilespmem:s31+$0xFFFFFFF0];
	_ =	sdelay $0x2  }
0x540: {  	s1 =	simm.s32 $0x20  }
0x541: {  	v4 =	vmov s1  }
0x542: {  	[tilespmem:v2+s25+$0x0] =	vst.idx.msk $0xffff, v3;
	v2 =	vshll.u32 v4, $0x4  }
0x543: {  	v3 =	vld [tilespmem:s30+$0x0];
	v2 =	vor.u32 v1, v2;
	_ =	sdelay $0x4  }
0x544: {  	[tilespmem:v2+s25+$0x0] =	vst.idx.msk $0xffff, v3  }
0x545: {  	v2 =	vor.u32 $0x1, v2;
	v3 =	vld [tilespmem:s31+$0x0];
	_ =	sdelay $0x2  }
0x546: {  	s2 =	simm.s32 $0x30  }
0x547: {  	v4 =	vmov s2  }
0x548: {  	[tilespmem:v2+s25+$0x0] =	vst.idx.msk $0xffff, v3;
	v2 =	vshll.u32 v4, $0x4  }
0x549: {  	v3 =	vld [tilespmem:s30+$0x10];
	v4 =	vor.u32 v1, v2;
	_ =	sdelay $0x4  }
0x54a: {  	[tilespmem:v4+s25+$0x0] =	vst.idx.msk $0xffff, v3  }
0x54b: {  	v3 =	vor.u32 $0x1, v4;
	v2 =	vld [tilespmem:s31+$0x10];
	_ =	sdelay $0x2  }
0x54c: {  	s0 =	simm.s32 $0x40  }
0x54d: {  	s1 =	simm.s32 $0x80;
	v4 =	vmov s0  }
.LBB2_36:
0x54e: {  	p0 =	sne.s32 s1, $0x7C0;
	v4 =	vshll.u32 v4, $0x4;
	[tilespmem:v3+s25+$0x0] =	vst.idx.msk $0xffff, v2;
	s30 =	sadd.s32 $0x40, s30  }
0x54f: {  	v2 =	vld [tilespmem:s30+$0xFFFFFFE0];
	v3 =	vor.u32 v1, v4;
	_ =	sdelay $0x4  }
0x550: {  	s31 =	sadd.s32 $0x40, s31;
	[tilespmem:v3+s25+$0x0] =	vst.idx.msk $0xffff, v2  }
0x551: {  	v3 =	vor.u32 $0x1, v3;
	v2 =	vld [tilespmem:s31+$0xFFFFFFE0];
	_ =	sdelay $0x2  }
0x552: {  	s2 =	sadd.s32 $0x10, s0  }
0x553: {  	v4 =	vmov s2  }
0x554: {  	[tilespmem:v3+s25+$0x0] =	vst.idx.msk $0xffff, v2;
	v2 =	vshll.u32 v4, $0x4  }
0x555: {  	v3 =	vld [tilespmem:s30+$0xFFFFFFF0];
	v2 =	vor.u32 v1, v2;
	_ =	sdelay $0x4  }
0x556: {  	[tilespmem:v2+s25+$0x0] =	vst.idx.msk $0xffff, v3  }
0x557: {  	v2 =	vor.u32 $0x1, v2;
	v3 =	vld [tilespmem:s31+$0xFFFFFFF0];
	_ =	sdelay $0x2  }
0x558: {  	s2 =	sadd.s32 $0x20, s0  }
0x559: {  	v4 =	vmov s2  }
0x55a: {  	[tilespmem:v2+s25+$0x0] =	vst.idx.msk $0xffff, v3;
	v2 =	vshll.u32 v4, $0x4  }
0x55b: {  	v3 =	vld [tilespmem:s30+$0x0];
	v2 =	vor.u32 v1, v2;
	_ =	sdelay $0x4  }
0x55c: {  	[tilespmem:v2+s25+$0x0] =	vst.idx.msk $0xffff, v3  }
0x55d: {  	v2 =	vor.u32 $0x1, v2;
	v3 =	vld [tilespmem:s31+$0x0];
	_ =	sdelay $0x2  }
0x55e: {  	s2 =	sadd.s32 $0x30, s0;
	s0 =	smov.u32 s1  }
0x55f: {  	v4 =	vmov s2  }
0x560: {  	[tilespmem:v2+s25+$0x0] =	vst.idx.msk $0xffff, v3;
	v2 =	vshll.u32 v4, $0x4  }
0x561: {  	v3 =	vld [tilespmem:s30+$0x10];
	v4 =	vor.u32 v1, v2;
	_ =	sdelay $0x4  }
0x562: {  	[tilespmem:v4+s25+$0x0] =	vst.idx.msk $0xffff, v3  }
.Ltmp17:
0x563: {  	v3 =	vor.u32 $0x1, v4;
	v2 =	vld [tilespmem:s31+$0x10];
	(pc) =	sbr.rel @p0 .LBB2_36-.Ltmp17, $2  }
0x564: {  	_ =	sdelay $0x2  }
0x565: {  	s1 =	sadd.s32 $0x40, s1;
	v4 =	vmov s0  }
0x566: {  	_ =	sdelay $0x3  }
0x567: {  	v4 =	vshll.u32 v4, $0x4;
	[tilespmem:v3+s25+$0x0] =	vst.idx.msk $0xffff, v2;
	s1 =	sadd.s32 $0x40, s30  }
0x568: {  	v2 =	vld [tilespmem:s1+$0xFFFFFFE0];
	v3 =	vor.u32 v1, v4;
	_ =	sdelay $0x4  }
0x569: {  	s2 =	sadd.s32 $0x40, s31;
	[tilespmem:v3+s25+$0x0] =	vst.idx.msk $0xffff, v2  }
0x56a: {  	v3 =	vor.u32 $0x1, v3;
	v2 =	vld [tilespmem:s2+$0xFFFFFFE0];
	_ =	sdelay $0x2  }
0x56b: {  	s31 =	sadd.s32 $0x10, s0  }
0x56c: {  	v61 =	vmov s31  }
0x56d: {  	[tilespmem:v3+s25+$0x0] =	vst.idx.msk $0xffff, v2;
	v2 =	vshll.u32 v61, $0x4  }
0x56e: {  	v3 =	vld [tilespmem:s1+$0xFFFFFFF0];
	v2 =	vor.u32 v1, v2;
	_ =	sdelay $0x4  }
0x56f: {  	[tilespmem:v2+s25+$0x0] =	vst.idx.msk $0xffff, v3  }
0x570: {  	v2 =	vor.u32 $0x1, v2;
	v3 =	vld [tilespmem:s2+$0xFFFFFFF0];
	_ =	sdelay $0x2  }
0x571: {  	s31 =	sadd.s32 $0x20, s0  }
0x572: {  	v62 =	vmov s31  }
0x573: {  	[tilespmem:v2+s25+$0x0] =	vst.idx.msk $0xffff, v3;
	v2 =	vshll.u32 v62, $0x4  }
0x574: {  	v3 =	vld [tilespmem:s1+$0x0];
	v2 =	vor.u32 v1, v2;
	_ =	sdelay $0x4  }
0x575: {  	[tilespmem:v2+s25+$0x0] =	vst.idx.msk $0xffff, v3  }
0x576: {  	v2 =	vor.u32 $0x1, v2;
	v3 =	vld [tilespmem:s2+$0x0];
	_ =	sdelay $0x2  }
0x577: {  	s30 =	sadd.s32 $0x30, s0  }
0x578: {  	v63 =	vmov s30  }
0x579: {  	[tilespmem:v2+s25+$0x0] =	vst.idx.msk $0xffff, v3;
	v2 =	vshll.u32 v63, $0x4  }
0x57a: {  	v3 =	vld [tilespmem:s1+$0x10];
	v2 =	vor.u32 v1, v2;
	_ =	sdelay $0x4  }
0x57b: {  	[tilespmem:v2+s25+$0x0] =	vst.idx.msk $0xffff, v3  }
0x57c: {  	v2 =	vor.u32 $0x1, v2;
	v3 =	vld [tilespmem:s2+$0x10];
	_ =	sdelay $0x4  }
0x57d: {  	s29 =	sadd.s32 $0x1, s29;
	s31 =	simm.s32 $0x0;
	[tilespmem:v2+s25+$0x0] =	vst.idx.msk $0xffff, v3  }
0x57e: {  	[hbm4b:s17+s31] =	stream.linear.scatter [tilespmem:s25], [sflag:$0x2], $0x8000, $0x38;
	[tilespmem:$0x12000] =	vst v63  }
0x57f: {  	p0 =	sne.s32 s29, s18;
	_ =	swait.ge [sflag:s26], $0x8000  }
.Ltmp18:
0x580: {  	[sflag:s26] =	ssyncset.done $0x0;
	(pc) =	sbr.rel @p0 .LBB2_1-.Ltmp18, $4  }
0x581: {  	[sflag:s26] =	ssyncadd.s32 $0xFFFF8000  }
0x582: {  	_ =	swait.ge [sflag:s28], $0x8000  }
0x583: {  	[sflag:s28] =	ssyncset.done $0x0  }
0x584: {  	[sflag:s28] =	ssyncadd.s32 $0xFFFF8000  }
0x585: {  	_ =	sfence.sel $0x180000  }
0x586: {  	[bflag:$0x0] =	sbarrier.arrive $0xFFFF  }
0x587: {  	_ =	strace $0x90000047  }
0x588: {  	s0 =	stileid.u32;
	[bflag:$0x2] =	sbarrier.arrive $0xFFFF  }
0x589: {  	p0 =	sne.s32 s0, $0x0;
	s0 =	rddreg [dreg:$0x1]  }
0x58a: {  	s0 =	sadd.s32 @!p0 $0x100000, s0  }
0x58b: {  	[sflag:s0] =	ssyncadd.tile.s32 @!p0 $0x1;
	_ =	shalt  }
.Lfunc_end2:
_tile_overlayer_lowered:
.L_overlay_start_2:
0x58c: {  	(tag) =	ssettag $0x2  }
0x58d: {  	s0 =	rddreg [dreg:$0x0];
	s2 =	stileid.u32  }
0x58e: {  	s1 =	rddreg [dreg:$0x1];
	p0 =	sne.s32 s2, $0x0  }
0x58f: {  	s3 =	rddreg [dreg:$0x2];
	[bflag:$0x3] =	sbarrier.arrive $0xFFFF;
	s2 =	simm.s32 @!p0 $0x1C05  }
0x590: {  	[timem:s3], [sflag:s2] =	dma.local @!p0 [hbm:s0], s1  }
0x591: {  	s0 =	simm.s32 @!p0 $0x5  }
0x592: {  	_ =	swait.ge @!p0 [sflag:s0], s1  }
0x593: {  	s1 =	ssub.s32 @!p0 $0x0, s1;
	[sflag:s0] =	ssyncset.done @!p0 $0x0  }
0x594: {  	[sflag:s0] =	ssyncadd.s32 @!p0 s1  }
0x595: {  	[bflag:$0x3] =	sbarrier.arrive $0xFFFF  }
0x596: {  	_ =	shalt  }

// kernel: kernel.9.cloned.1.call-start
scs
__scs_entry_jumppad:
0x0: {  	(pc) =	sbr.rel $0x88, $3  }
0x1: {  	(tag) =	ssettag $0x0;
	lr =	simm.s32 $0x1  }
0x2: {  	[smem:$0x3F9D] =	sst lr;
	_ =	strace $0xD0000000  }
0x3: {  	_ = 	snop  }
0x4: {  	_ = 	snop  }
0x5: {  	_ = 	snop  }
0x6: {  	_ = 	snop  }
0x7: {  	_ = 	snop  }
__scs_overlays_trampoline_lowered:
0x8: {  	[smem:$0x3FAC] =	sst s0  }
0x9: {  	[smem:$0x3FAD] =	sst s1  }
0xa: {  	[smem:$0x3FAE] =	sst s2  }
0xb: {  	[smem:$0x3FAF] =	sst s3  }
0xc: {  	[smem:$0x3FB0] =	sst s4  }
0xd: {  	[smem:$0x3FB1] =	sst s5  }
0xe: {  	[smem:$0x3FB2] =	sst s6  }
0xf: {  	[smem:$0x3FB3] =	sst s7  }
0x10: {  	[smem:$0x3FB4] =	sst s8  }
0x11: {  	[smem:$0x3FB5] =	sst s9;
	s0 =	simm.s32 @!p0 $0x0  }
0x12: {  	s1 =	sld [smem:$0x3F9B];
	s0 =	simm.s32 @p0 $0x1  }
0x13: {  	[smem:$0x3FB6] =	sst s0;
	s0 =	simm.s32 @!p1 $0x0  }
0x14: {  	s2 =	sld [smem:$0x3F9A];
	s0 =	simm.s32 @p1 $0x1  }
0x15: {  	[smem:$0x3FB7] =	sst s0;
	s0 =	simm.s32 @!p2 $0x0  }
0x16: {  	s3 =	sld [smem:$0x3FDB];
	s0 =	simm.s32 @p2 $0x1  }
0x17: {  	s4 =	simm.s32 $0x1BF5;
	[smem:$0x3FB9] =	sst s0  }
0x18: {  	s0 =	sld [smem:$0x3F9C];
	_ =	swait.ge [sflag:s4], $0x0  }
0x19: {  	s7 =	sld [smem:$0x3F9D]  }
0x1a: {  	s8 =	sadd.s32 $0xFFFFE003, lr  }
0x1b: {  	s9 =	sadd.s32 $0xFFFFFEF7, lr;
	s5 =	simm.s32 $0xFFFFFFFF;
	p2 =	slt.u32 s8, $0xFFFFF086  }
0x1c: {  	p1 =	slt.u32 s9, $0xF7A;
	s5 =	simm.s32 @!p2 $0x0  }
0x1d: {  	s5 =	simm.s32 @p1 $0x1;
	p0 =	seq.s32 s7, s2  }
0x1e: {  	s7 =	smul.u32 @!p0 $0xF7A, s2;
	p2 =	seq.s32 @!p0 s5, $0x0  }
0x1f: {  	s9 =	smul.u32 $0xF7A, s1;
	s8 =	simm.s32 @!p0 $0x1BF5;
	p2 =	por !p2, p0  }
0x20: {  	[sflag:s8] =	ssyncset.s32 @!p0 $0xFFFFF086;
	s6 =	sadd.s32 @!p0 s3, s7;
	s7 =	simm.s32 @!p0 $0x108  }
0x21: {  	s3 =	sadd.s32 s3, s9;
	s6 =	sadd.s32 @!p0 $0x88, s6;
	s7 =	simm.s32 @p2 $0x1082  }
0x22: {  	[simem:s7], [sflag:s8] =	dma.local @!p0 [hbm:s6], $0xF7A  }
0x23: {  	s9 =	sor.u32 $0xD0000000, s2;
	s6 =	simm.s32 $0x108;
	_ =	swait.ge @!p0 [sflag:s8], $0x0  }
0x24: {  	s3 =	sadd.s32 $0x88, s3;
	s6 =	simm.s32 @!p1 $0x1082;
	[sflag:s4] =	ssyncset.s32 $0xFFFFF086  }
0x25: {  	[simem:s6], [sflag:s4] =	dma.local [hbm:s3], $0xF7A  }
0x26: {  	[smem:$0x3F9D] =	sst s1;
	(tag) =	ssettag s2;
	_ =	strace s9  }
0x27: {  	s1 =	sld [smem:$0x3FAD]  }
0x28: {  	s2 =	sld [smem:$0x3FAE]  }
0x29: {  	s4 =	sld [smem:$0x3FB0]  }
0x2a: {  	p0 =	seq.s32 s5, $0x0;
	s5 =	sld [smem:$0x3FB1]  }
0x2b: {  	s6 =	sld [smem:$0x3FB2]  }
0x2c: {  	s7 =	sld [smem:$0x3FB3]  }
0x2d: {  	s3 =	simm.s32 $0x108;
	s8 =	sld [smem:$0x3FB4]  }
0x2e: {  	s3 =	simm.s32 @!p0 $0x1082;
	s9 =	sld [smem:$0x3FB5]  }
0x2f: {  	lr =	sadd.s32 s0, s3;
	s0 =	sld [smem:$0x3FAC]  }
0x30: {  	s3 =	sld [smem:$0x3FAF]  }
0x31: {  	[smem:$0x3FB8] =	sst s10  }
0x32: {  	s10 =	sld [smem:$0x3FB6];
	_ =	sdelay $0x3  }
0x33: {  	p0 =	seq.s32 s10, $0x1;
	s10 =	sld [smem:$0x3FB8];
	_ =	sdelay $0x3  }
0x34: {  	[smem:$0x3FB8] =	sst s10  }
0x35: {  	s10 =	sld [smem:$0x3FB7];
	_ =	sdelay $0x3  }
0x36: {  	p1 =	seq.s32 s10, $0x1;
	s10 =	sld [smem:$0x3FB8];
	_ =	sdelay $0x3  }
0x37: {  	[smem:$0x3FB8] =	sst s10  }
0x38: {  	s10 =	sld [smem:$0x3FB9]  }
0x39: {  	_ = 	snop;
	(pc) =	sbr.ind lr, $3  }
0x3a: {  	_ = 	snop  }
0x3b: {  	_ = 	snop  }
0x3c: {  	p2 =	seq.s32 s10, $0x1;
	s10 =	sld [smem:$0x3FB8]  }
0x3d: {  	_ =	shalt  }
0x3e: {  	_ =	shalt  }
0x3f: {  	_ =	shalt  }
0x40: {  	_ =	shalt  }
0x41: {  	_ =	shalt  }
0x42: {  	_ =	shalt  }
0x43: {  	_ =	shalt  }
0x44: {  	_ =	shalt  }
0x45: {  	_ =	shalt  }
0x46: {  	_ =	shalt  }
0x47: {  	_ =	shalt  }
0x48: {  	_ =	shalt  }
0x49: {  	_ =	shalt  }
0x4a: {  	_ =	shalt  }
0x4b: {  	_ =	shalt  }
0x4c: {  	_ =	shalt  }
0x4d: {  	_ =	shalt  }
0x4e: {  	_ =	shalt  }
0x4f: {  	_ =	shalt  }
0x50: {  	_ =	shalt  }
0x51: {  	_ =	shalt  }
0x52: {  	_ =	shalt  }
0x53: {  	_ =	shalt  }
0x54: {  	_ =	shalt  }
0x55: {  	_ =	shalt  }
0x56: {  	_ =	shalt  }
0x57: {  	_ =	shalt  }
0x58: {  	_ =	shalt  }
0x59: {  	_ =	shalt  }
0x5a: {  	_ =	shalt  }
0x5b: {  	_ =	shalt  }
0x5c: {  	_ =	shalt  }
0x5d: {  	_ =	shalt  }
0x5e: {  	_ =	shalt  }
0x5f: {  	_ =	shalt  }
0x60: {  	_ =	shalt  }
0x61: {  	_ =	shalt  }
0x62: {  	_ =	shalt  }
0x63: {  	_ =	shalt  }
0x64: {  	_ =	shalt  }
0x65: {  	_ =	shalt  }
0x66: {  	_ =	shalt  }
0x67: {  	_ =	shalt  }
0x68: {  	_ =	shalt  }
0x69: {  	_ =	shalt  }
0x6a: {  	_ =	shalt  }
0x6b: {  	_ =	shalt  }
0x6c: {  	_ =	shalt  }
0x6d: {  	_ =	shalt  }
0x6e: {  	_ =	shalt  }
0x6f: {  	_ =	shalt  }
0x70: {  	_ =	shalt  }
0x71: {  	_ =	shalt  }
0x72: {  	_ =	shalt  }
0x73: {  	_ =	shalt  }
0x74: {  	_ =	shalt  }
0x75: {  	_ =	shalt  }
0x76: {  	_ =	shalt  }
0x77: {  	_ =	shalt  }
0x78: {  	_ =	shalt  }
0x79: {  	_ =	shalt  }
0x7a: {  	_ =	shalt  }
0x7b: {  	_ =	shalt  }
0x7c: {  	_ =	shalt  }
0x7d: {  	_ =	shalt  }
0x7e: {  	_ =	shalt  }
0x7f: {  	_ =	shalt  }
0x80: {  	_ =	shalt  }
0x81: {  	_ =	shalt  }
0x82: {  	_ =	shalt  }
0x83: {  	_ =	shalt  }
0x84: {  	_ =	shalt  }
0x85: {  	_ =	shalt  }
0x86: {  	_ =	shalt  }
0x87: {  	_ =	shalt  }
.Lfunc_end0:
.L_simem_size_0:
called_computation.1_lowered:
.L_overlay_start_0:
0x88: {  	s2 =	sld [smem:$0x3FD9]  }
0x89: {  	s3 =	sld [smem:$0x3FFE];
	_ =	sdelay $0x1  }
0x8a: {  	s1 =	srdreg.scid  }
0x8b: {  	s0 =	sand.u32 $0x1, s1  }
0x8c: {  	s16 =	sshll.u32 s0, $0xA;
	s2 =	sadd.s32 s3, s2  }
0x8d: {  	s2 =	sadd.s32 s2, s16  }
0x8e: {  	[smem:$0x3FC4] =	sst s2  }
0x8f: {  	_ = 	snop  }
0x90: {  	(tm) =	ssettm $0x1  }
0x91: {  	s17 =	sld [smem:$0x3FFB];
	_ =	sdelay $0x3  }
0x92: {  	_ =	strace s17  }
0x93: {  	s2 =	sld [smem:$0x3FFC];
	_ =	sdelay $0x3  }
0x94: {  	_ =	strace s2  }
0x95: {  	s2 =	sld [smem:$0x3FFD];
	_ =	sdelay $0x3  }
0x96: {  	_ =	strace s2  }
0x97: {  	_ =	strace $0x8FFFFFFF  }
0x98: {  	s18 =	sld [smem:$0x3FDB];
	_ =	sdelay $0x1  }
0x99: {  	s19 =	simm.s32 $_scs_section_size  }
0x9a: {  	s4 =	simm.s32 $_size__tile_overlayer_lowered;
	s5 =	simm.s32 $_tile_overlayer_lowered  }
0x9b: {  	s22 =	simm.s32 $0x1BFF;
	s21 =	sshll.u32 s5, $0x1;
	s2 =	sadd.s32 s19, s18  }
0x9c: {  	s6 =	simm.s32 $0x0;
	s20 =	sshll.u32 s4, $0x1;
	s4 =	sadd.s32 s21, s2  }
0x9d: {  	[timem:s6], [sflag:s22] =	dma.local [hbm:s4], s20  }
0x9e: {  	_ =	swait.ge [sflag:s22], s20  }
0x9f: {  	s3 =	ssub.s32 $0x0, s20;
	[sflag:s22] =	ssyncset.done $0x0  }
0xa0: {  	[sflag:s22] =	ssyncadd.s32 s3;
	_ =	sdelay $0x1  }
0xa1: {  	s23 =	simm.s32 $0x1B8B  }
0xa2: {  	_ =	swait.ge [sflag:s23], $0x1  }
0xa3: {  	[sflag:s23] =	ssyncset.done $0x0  }
0xa4: {  	s25 =	simm.s32 $0x1B8E;
	s24 =	sld [smem:$0x3FFE];
	[sflag:s23] =	ssyncadd.s32 $0xFFFFFFFF  }
0xa5: {  	s26 =	simm.s32 $execute0_lowered;
	[smem:$0x3FD2] =	sst s25  }
0xa6: {  	s4 =	sshll.u32 s26, $0x1;
	_ =	strace $0x80000049;
	[dreg:$0x1] =	wrdreg $0xFFFFFFFF  }
0xa7: {  	s28 =	simm.s32 $_size_execute0_lowered;
	s2 =	sadd.s32 s2, s4;
	[dreg:$0x0] =	wrdreg $0x0  }
0xa8: {  	s4 =	sshll.u32 s28, $0x1;
	[dreg:$0x2] =	wrdreg s2  }
0xa9: {  	[dreg:$0x3] =	wrdreg s4  }
0xaa: {  	[dreg:$0x4] =	wrdreg $0xC0  }
0xab: {  	_ =	task [dreg:s6], $0x5FFFF  }
0xac: {  	[dreg:$0x1] =	wrdreg $0xFFFFFFFF  }
0xad: {  	[dreg:$0x0] =	wrdreg $0x60  }
0xae: {  	[dreg:$0x2] =	wrdreg s24  }
0xaf: {  	[dreg:$0x3] =	wrdreg $0x9  }
0xb0: {  	_ =	task.clear_ibuf [dreg:s6], $0x4FFFF;
	_ =	strace $0x90000049  }
0xb1: {  	s29 =	simm.s32 $0x9;
	_ =	strace $0x8000004B  }
0xb2: {  	_ =	swait.ge [sflag:s29], $0x1  }
0xb3: {  	[sflag:s29] =	ssyncadd.s32 $0xFFFFFFFF  }
0xb4: {  	_ =	strace $0x9000004B  }
0xb5: {  	_ =	sfence  }
0xb6: {  	s30 =	sld [smem:$0x0];
	_ =	sdelay $0x2  }
0xb7: {  	s31 =	sshll.u32 s1, $0xD;
	s1 =	sshrl.u32 s1, $0x2  }
0xb8: {  	s3 =	sand.u32 $0x4000, s31;
	s1 =	sadd.s32 s1, s30  }
0xb9: {  	s0 =	sor.u32 s3, s0;
	s1 =	sshll.u32 s1, $0x11  }
0xba: {  	s0 =	sor.u32 s1, s0  }
0xbb: {  	s0 =	sadd.s32 $0x8F2B, s0  }
0xbc: {  	[sflag:s0] =	ssyncadd.remote.s32 $0x1  }
0xbd: {  	_ =	sfence.sel $0xFFFF  }
0xbe: {  	[dreg:$0x0] =	wrdreg $0xFFFFFFFF;
	(pc) =	sbr.abs _section_cstart, $3  }
0xbf: {  	[dreg:$0x1] =	wrdreg $0xFFFFFFFF  }
0xc0: {  	_ =	task.clear_ibuf [dreg:s6], $0x2FFFF;
	_ =	strace $0x9FFFFFFF  }
0xc1: {  	(tm) =	ssettm $0x7FFFFFFF  }
tec
execute0_lowered:
.L_overlay_start_1:
0x0: {  	(tag) =	ssettag $0x1  }
0x1: {  	s0 =	srdreg.scid  }
0x2: {  	s2 =	stileid.u32;
	s1 =	rddreg [dreg:$0x0]  }
0x3: {  	s7 =	simm.s32 $0x5;
	s8 =	simm.s32 $0x68;
	s10 =	simm.s32 $0x60  }
0x4: {  	s12 =	simm.s32 $0xC8;
	s13 =	simm.s32 $0x7080;
	s14 =	simm.s32 $0x130  }
0x5: {  	s15 =	simm.s32 $0x7700;
	s16 =	simm.s32 $0x190;
	s17 =	simm.s32 $0x7D00  }
0x6: {  	s18 =	simm.s32 $0x1F8;
	s19 =	simm.s32 $0x8380;
	s20 =	simm.s32 $0x8980  }
0x7: {  	s21 =	simm.s32 $0x9000;
	s22 =	simm.s32 $0x1;
	s23 =	simm.s32 $0x2  }
0x8: {  	s24 =	simm.s32 $0x3;
	s25 =	simm.s32 $0x4;
	s26 =	simm.s32 $0x9600  }
0x9: {  	s0 =	sand.u32 $0x1, s0;
	s3 =	sshll.u32 s2, $0x1;
	s2 =	simm.s32 $0x0  }
0xa: {  	s28 =	simm.s32 $0x0;
	s3 =	sor.u32 s0, s3;
	[smem:$0x7FF] =	sst s2  }
0xb: {  	s0 =	ssub.s32 $0x2, s0;
	s4 =	smul.u32 $0xC80, s3;
	_ =	strace $0x8000004A  }
0xc: {  	s5 =	sshll.u32 s3, $0x8;
	s6 =	sshrl.u32 s0, $0x1;
	s3 =	sadd.s32 $0x41000, s1  }
0xd: {  	s0 =	ssub.s32 s0, s6;
	s4 =	sadd.s32 s4, s1;
	s1 =	sadd.s32 s5, s1  }
0xe: {  	s6 =	smax.u32 s0, $0x1;
	s4 =	sadd.s32 $0x241000, s4;
	s5 =	sadd.s32 $0x1000, s1  }
.LBB2_1:
0xf: {  	[tilespmem:s2], [sflag:$0x5] =	stream.linear.gather [hbm4b:s4+s2], $0x6400, $0x38;
	[tilespmem:$0x9E00] =	vst v63  }
0x10: {  	_ =	swait.ge [sflag:s7], $0x6400  }
0x11: {  	[sflag:s7] =	ssyncset.done $0x0  }
0x12: {  	s0 =	simm.s32 $0x6400;
	[sflag:s7] =	ssyncadd.s32 $0xFFFF9C00  }
0x13: {  	[tilespmem:s0], [sflag:$0x1] =	stream.indirect.gather [hbm4b:s3+s8], $0x10, s2, s8, $0xb8;
	[tilespmem:$0x9E00] =	vst v63  }
0x14: {  	s31 =	simm.s32 $0x6A80  }
0x15: {  	[tilespmem:s31], [sflag:$0x1] =	stream.indirect.gather [hbm4b:s3+s10], $0x10, s8, s10, $0xb8;
	[tilespmem:$0x9E00] =	vst v63  }
0x16: {  	_ = 	snop  }
0x17: {  	[tilespmem:s13], [sflag:$0x2] =	stream.indirect.gather [hbm4b:s3+s8], $0x10, s12, s8, $0xb8;
	[tilespmem:$0x9E00] =	vst v63  }
0x18: {  	_ = 	snop  }
0x19: {  	[tilespmem:s15], [sflag:$0x2] =	stream.indirect.gather [hbm4b:s3+s10], $0x10, s14, s10, $0xb8;
	[tilespmem:$0x9E00] =	vst v63  }
0x1a: {  	_ = 	snop  }
0x1b: {  	[tilespmem:s17], [sflag:$0x3] =	stream.indirect.gather [hbm4b:s3+s8], $0x10, s16, s8, $0xb8;
	[tilespmem:$0x9E00] =	vst v63  }
0x1c: {  	s29 =	simm.s32 $0x0  }
0x1d: {  	[tilespmem:s19], [sflag:$0x3] =	stream.indirect.gather [hbm4b:s3+s10], $0x10, s18, s10, $0xb8;
	[tilespmem:$0x9E00] =	vst v63  }
.LBB2_2:
0x1e: {  	s30 =	sshllo.u32 s29, $0x2  }
0x1f: {  	s0 =	smul.u32 $0x320, s30;
	_ =	sdelay $0x1  }
0x20: {  	s0 =	sshra.s32 s0, $0x2  }
0x21: {  	[tilespmem:s20], [sflag:$0x4] =	stream.indirect.gather [hbm4b:s3+s8], $0x10, s0, s8, $0xb8;
	[tilespmem:$0x9E00] =	vst v63  }
0x22: {  	s0 =	sadd.s32 $0x68, s0  }
0x23: {  	[tilespmem:s21], [sflag:$0x4] =	stream.indirect.gather [hbm4b:s3+s10], $0x10, s0, s10, $0xb8;
	[tilespmem:$0x9E00] =	vst v63  }
0x24: {  	_ =	swait.ge [sflag:s22], $0x680  }
0x25: {  	[sflag:s22] =	ssyncset.done $0x0  }
0x26: {  	[sflag:s22] =	ssyncadd.s32 $0xFFFFF980  }
0x27: {  	_ =	swait.ge [sflag:s22], $0x600  }
0x28: {  	[sflag:s22] =	ssyncset.done $0x0  }
0x29: {  	s1 =	simm.s32 $0x0;
	[sflag:s22] =	ssyncadd.s32 $0xFFFFFA00  }
0x2a: {  	v1 =	vld [tilespmem:s1+$0x6440]  }
0x2b: {  	v0 =	vld [tilespmem:s1+$0x6450]  }
0x2c: {  	v2 =	vld [tilespmem:s1+$0x6400]  }
0x2d: {  	v5 =	vimm.f32 $0.0e+00;
	v3 =	vld [tilespmem:s1+$0x6410]  }
0x2e: {  	v6 =	vimm.f32 $0.0e+00;
	v7 =	vimm.f32 $0.0e+00;
	v8 =	vimm.f32 $0.0e+00;
	s0 =	simm.s32 $0x200;
	v4 =	vld [tilespmem:s1+$0x6420]  }
.LBB2_3:
0x2f: {  	p0 =	sne.s32 s0, $0x3000;
	v9 =	vld [tilespmem:s1+$0x6430];
	v10 =	vmov v1  }
0x30: {  	v11 =	vld [tilespmem:s1+$0x6460];
	v12 =	vmov v0  }
0x31: {  	v13 =	vld [tilespmem:s1+$0x6470];
	s1 =	sshra.s32 s0, $0x2  }
.Ltmp0:
0x32: {  	v1 =	vld [tilespmem:s1+$0x6440];
	(pc) =	sbr.rel @p0 .LBB2_3-.Ltmp0, $4  }
0x33: {  	v5 =	vadd.f32 v2, v5;
	v6 =	vadd.f32 v3, v6;
	v0 =	vld [tilespmem:s1+$0x6450]  }
0x34: {  	v7 =	vadd.f32 v4, v7;
	v2 =	vld [tilespmem:s1+$0x6400];
	v8 =	vadd.f32 v9, v8  }
0x35: {  	v5 =	vadd.f32 v10, v5;
	v6 =	vadd.f32 v12, v6;
	v3 =	vld [tilespmem:s1+$0x6410]  }
0x36: {  	s0 =	sadd.s32 $0x200, s0;
	v7 =	vadd.f32 v11, v7;
	v4 =	vld [tilespmem:s1+$0x6420];
	v8 =	vadd.f32 v13, v8  }
0x37: {  	v9 =	vld [tilespmem:s1+$0x6430]  }
0x38: {  	v10 =	vld [tilespmem:s1+$0x6460]  }
0x39: {  	v11 =	vld [tilespmem:s1+$0x6470];
	_ =	sdelay $0x1  }
0x3a: {  	v2 =	vadd.f32 v2, v5;
	v3 =	vadd.f32 v3, v6  }
0x3b: {  	v4 =	vadd.f32 v4, v7;
	v5 =	vadd.f32 v9, v8  }
0x3c: {  	v1 =	vadd.f32 v1, v2;
	v0 =	vadd.f32 v0, v3  }
0x3d: {  	v2 =	vadd.f32 v10, v4;
	v3 =	vadd.f32 v11, v5;
	_ =	sdelay $0x1  }
0x3e: {  	p0 =	seq.s32 s29, $0x1F;
	v0 =	vadd.f32 v0, v1;
	v1 =	vadd.f32 v3, v2  }
0x3f: {  	s0 =	smul.u32 @!p0 $0xC80, s29  }
0x40: {  	s11 =	sshll.u32 s29, $0x6;
	v0 =	vadd.f32 v1, v0  }
0x41: {  	s1 =	sand.u32 $0x3FFFFFC0, s11;
	s31 =	sshra.s32 @!p0 s0, $0x2  }
0x42: {  	s9 =	simm.s32 @!p0 $0x68;
	s11 =	simm.s32 @!p0 $0x6400;
	s0 =	sadd.s32 @!p0 $0x320, s31;
	[tilespmem:s1+$0x9600] =	vst v0  }
0x43: {  	[tilespmem:s11], [sflag:$0x1] =	stream.indirect.gather @!p0 [hbm4b:s3+s9], $0x10, s0, s9, $0xb8;
	[tilespmem:$0x9E00] =	vst v63  }
0x44: {  	s0 =	sadd.s32 @!p0 $0x388, s31;
	s9 =	simm.s32 @!p0 $0x60;
	s11 =	simm.s32 @!p0 $0x6A80  }
0x45: {  	[tilespmem:s11], [sflag:$0x1] =	stream.indirect.gather @!p0 [hbm4b:s3+s9], $0x10, s0, s9, $0xb8;
	[tilespmem:$0x9E00] =	vst v63  }
0x46: {  	_ =	swait.ge [sflag:s23], $0x680  }
0x47: {  	[sflag:s23] =	ssyncset.done $0x0  }
0x48: {  	[sflag:s23] =	ssyncadd.s32 $0xFFFFF980  }
0x49: {  	_ =	swait.ge [sflag:s23], $0x600  }
0x4a: {  	[sflag:s23] =	ssyncset.done $0x0  }
0x4b: {  	s0 =	simm.s32 $0x0;
	[sflag:s23] =	ssyncadd.s32 $0xFFFFFA00  }
0x4c: {  	v1 =	vld [tilespmem:s0+$0x70C0]  }
0x4d: {  	v0 =	vld [tilespmem:s0+$0x70D0]  }
0x4e: {  	v2 =	vld [tilespmem:s0+$0x7080]  }
0x4f: {  	v6 =	vimm.f32 $0.0e+00;
	v3 =	vld [tilespmem:s0+$0x7090]  }
0x50: {  	v7 =	vimm.f32 $0.0e+00;
	v8 =	vimm.f32 $0.0e+00;
	v5 =	vimm.f32 $0.0e+00;
	s9 =	simm.s32 $0x200;
	v4 =	vld [tilespmem:s0+$0x70A0]  }
.LBB2_5:
0x51: {  	p1 =	sne.s32 s9, $0x3000;
	v9 =	vld [tilespmem:s0+$0x70B0];
	v10 =	vmov v1  }
0x52: {  	v11 =	vld [tilespmem:s0+$0x70E0];
	v12 =	vmov v0  }
0x53: {  	v13 =	vld [tilespmem:s0+$0x70F0];
	s0 =	sshra.s32 s9, $0x2  }
.Ltmp1:
0x54: {  	v1 =	vld [tilespmem:s0+$0x70C0];
	(pc) =	sbr.rel @p1 .LBB2_5-.Ltmp1, $4  }
0x55: {  	v5 =	vadd.f32 v2, v5;
	v6 =	vadd.f32 v3, v6;
	v0 =	vld [tilespmem:s0+$0x70D0]  }
0x56: {  	v7 =	vadd.f32 v4, v7;
	v2 =	vld [tilespmem:s0+$0x7080];
	v8 =	vadd.f32 v9, v8  }
0x57: {  	v5 =	vadd.f32 v10, v5;
	v6 =	vadd.f32 v12, v6;
	v3 =	vld [tilespmem:s0+$0x7090]  }
0x58: {  	s9 =	sadd.s32 $0x200, s9;
	v7 =	vadd.f32 v11, v7;
	v4 =	vld [tilespmem:s0+$0x70A0];
	v8 =	vadd.f32 v13, v8  }
0x59: {  	v9 =	vld [tilespmem:s0+$0x70B0]  }
0x5a: {  	v10 =	vld [tilespmem:s0+$0x70E0]  }
0x5b: {  	v11 =	vld [tilespmem:s0+$0x70F0];
	_ =	sdelay $0x1  }
0x5c: {  	v2 =	vadd.f32 v2, v5;
	v3 =	vadd.f32 v3, v6  }
0x5d: {  	v4 =	vadd.f32 v4, v7;
	v5 =	vadd.f32 v9, v8  }
0x5e: {  	v1 =	vadd.f32 v1, v2;
	v0 =	vadd.f32 v0, v3  }
0x5f: {  	v2 =	vadd.f32 v10, v4;
	v3 =	vadd.f32 v11, v5;
	_ =	sdelay $0x1  }
0x60: {  	v0 =	vadd.f32 v0, v1;
	v1 =	vadd.f32 v3, v2;
	_ =	sdelay $0x1  }
0x61: {  	v0 =	vadd.f32 v1, v0;
	_ =	sdelay $0x1  }
0x62: {  	s0 =	sadd.s32 @!p0 $0x3E8, s31;
	s9 =	simm.s32 @!p0 $0x68;
	s11 =	simm.s32 @!p0 $0x7080;
	[tilespmem:s1+$0x9610] =	vst v0  }
0x63: {  	[tilespmem:s11], [sflag:$0x2] =	stream.indirect.gather @!p0 [hbm4b:s3+s9], $0x10, s0, s9, $0xb8;
	[tilespmem:$0x9E00] =	vst v63  }
0x64: {  	s0 =	sadd.s32 @!p0 $0x450, s31;
	s9 =	simm.s32 @!p0 $0x60;
	s11 =	simm.s32 @!p0 $0x7700  }
0x65: {  	[tilespmem:s11], [sflag:$0x2] =	stream.indirect.gather @!p0 [hbm4b:s3+s9], $0x10, s0, s9, $0xb8;
	[tilespmem:$0x9E00] =	vst v63  }
0x66: {  	_ =	swait.ge [sflag:s24], $0x680  }
0x67: {  	[sflag:s24] =	ssyncset.done $0x0  }
0x68: {  	[sflag:s24] =	ssyncadd.s32 $0xFFFFF980  }
0x69: {  	_ =	swait.ge [sflag:s24], $0x600  }
0x6a: {  	[sflag:s24] =	ssyncset.done $0x0  }
0x6b: {  	s0 =	simm.s32 $0x0;
	[sflag:s24] =	ssyncadd.s32 $0xFFFFFA00  }
0x6c: {  	v1 =	vld [tilespmem:s0+$0x7D40]  }
0x6d: {  	v0 =	vld [tilespmem:s0+$0x7D50]  }
0x6e: {  	v2 =	vld [tilespmem:s0+$0x7D00]  }
0x6f: {  	v6 =	vimm.f32 $0.0e+00;
	v3 =	vld [tilespmem:s0+$0x7D10]  }
0x70: {  	v7 =	vimm.f32 $0.0e+00;
	v8 =	vimm.f32 $0.0e+00;
	v5 =	vimm.f32 $0.0e+00;
	s9 =	simm.s32 $0x200;
	v4 =	vld [tilespmem:s0+$0x7D20]  }
.LBB2_7:
0x71: {  	p1 =	sne.s32 s9, $0x3000;
	v9 =	vld [tilespmem:s0+$0x7D30];
	v10 =	vmov v1  }
0x72: {  	v11 =	vld [tilespmem:s0+$0x7D60];
	v12 =	vmov v0  }
0x73: {  	v13 =	vld [tilespmem:s0+$0x7D70];
	s0 =	sshra.s32 s9, $0x2  }
.Ltmp2:
0x74: {  	v1 =	vld [tilespmem:s0+$0x7D40];
	(pc) =	sbr.rel @p1 .LBB2_7-.Ltmp2, $4  }
0x75: {  	v5 =	vadd.f32 v2, v5;
	v6 =	vadd.f32 v3, v6;
	v0 =	vld [tilespmem:s0+$0x7D50]  }
0x76: {  	v7 =	vadd.f32 v4, v7;
	v2 =	vld [tilespmem:s0+$0x7D00];
	v8 =	vadd.f32 v9, v8  }
0x77: {  	v5 =	vadd.f32 v10, v5;
	v6 =	vadd.f32 v12, v6;
	v3 =	vld [tilespmem:s0+$0x7D10]  }
0x78: {  	s9 =	sadd.s32 $0x200, s9;
	v7 =	vadd.f32 v11, v7;
	v4 =	vld [tilespmem:s0+$0x7D20];
	v8 =	vadd.f32 v13, v8  }
0x79: {  	v9 =	vld [tilespmem:s0+$0x7D30]  }
0x7a: {  	v10 =	vld [tilespmem:s0+$0x7D60]  }
0x7b: {  	v11 =	vld [tilespmem:s0+$0x7D70];
	_ =	sdelay $0x1  }
0x7c: {  	v2 =	vadd.f32 v2, v5;
	v3 =	vadd.f32 v3, v6  }
0x7d: {  	v4 =	vadd.f32 v4, v7;
	v5 =	vadd.f32 v9, v8  }
0x7e: {  	v1 =	vadd.f32 v1, v2;
	v0 =	vadd.f32 v0, v3  }
0x7f: {  	v2 =	vadd.f32 v10, v4;
	v3 =	vadd.f32 v11, v5;
	_ =	sdelay $0x1  }
0x80: {  	v0 =	vadd.f32 v0, v1;
	v1 =	vadd.f32 v3, v2;
	_ =	sdelay $0x1  }
0x81: {  	v0 =	vadd.f32 v1, v0;
	_ =	sdelay $0x1  }
0x82: {  	s0 =	sadd.s32 @!p0 $0x4B0, s31;
	s9 =	simm.s32 @!p0 $0x7D00;
	[tilespmem:s1+$0x9620] =	vst v0;
	s1 =	simm.s32 @!p0 $0x68  }
0x83: {  	[tilespmem:s9], [sflag:$0x3] =	stream.indirect.gather @!p0 [hbm4b:s3+s1], $0x10, s0, s1, $0xb8;
	[tilespmem:$0x9E00] =	vst v63  }
0x84: {  	s0 =	sadd.s32 @!p0 $0x518, s31;
	s1 =	simm.s32 @!p0 $0x60;
	s9 =	simm.s32 @!p0 $0x8380  }
0x85: {  	[tilespmem:s9], [sflag:$0x3] =	stream.indirect.gather @!p0 [hbm4b:s3+s1], $0x10, s0, s1, $0xb8;
	[tilespmem:$0x9E00] =	vst v63  }
0x86: {  	_ =	swait.ge [sflag:s25], $0x680  }
0x87: {  	[sflag:s25] =	ssyncset.done $0x0  }
0x88: {  	[sflag:s25] =	ssyncadd.s32 $0xFFFFF980  }
0x89: {  	_ =	swait.ge [sflag:s25], $0x600  }
0x8a: {  	[sflag:s25] =	ssyncset.done $0x0  }
0x8b: {  	s0 =	simm.s32 $0x0;
	[sflag:s25] =	ssyncadd.s32 $0xFFFFFA00  }
0x8c: {  	v1 =	vld [tilespmem:s0+$0x89C0]  }
0x8d: {  	v0 =	vld [tilespmem:s0+$0x89D0]  }
0x8e: {  	v2 =	vld [tilespmem:s0+$0x8980]  }
0x8f: {  	v6 =	vimm.f32 $0.0e+00;
	v3 =	vld [tilespmem:s0+$0x8990]  }
0x90: {  	v7 =	vimm.f32 $0.0e+00;
	v8 =	vimm.f32 $0.0e+00;
	v5 =	vimm.f32 $0.0e+00;
	s1 =	simm.s32 $0x200;
	v4 =	vld [tilespmem:s0+$0x89A0]  }
.LBB2_9:
0x91: {  	p0 =	sne.s32 s1, $0x3000;
	v9 =	vld [tilespmem:s0+$0x89B0];
	v10 =	vmov v1  }
0x92: {  	v11 =	vld [tilespmem:s0+$0x89E0];
	v12 =	vmov v0  }
0x93: {  	v13 =	vld [tilespmem:s0+$0x89F0];
	s0 =	sshra.s32 s1, $0x2  }
.Ltmp3:
0x94: {  	v1 =	vld [tilespmem:s0+$0x89C0];
	(pc) =	sbr.rel @p0 .LBB2_9-.Ltmp3, $4  }
0x95: {  	v5 =	vadd.f32 v2, v5;
	v6 =	vadd.f32 v3, v6;
	v0 =	vld [tilespmem:s0+$0x89D0]  }
0x96: {  	v7 =	vadd.f32 v4, v7;
	v2 =	vld [tilespmem:s0+$0x8980];
	v8 =	vadd.f32 v9, v8  }
0x97: {  	v5 =	vadd.f32 v10, v5;
	v6 =	vadd.f32 v12, v6;
	v3 =	vld [tilespmem:s0+$0x8990]  }
0x98: {  	s1 =	sadd.s32 $0x200, s1;
	v7 =	vadd.f32 v11, v7;
	v4 =	vld [tilespmem:s0+$0x89A0];
	v8 =	vadd.f32 v13, v8  }
0x99: {  	v9 =	vld [tilespmem:s0+$0x89B0]  }
0x9a: {  	v10 =	vld [tilespmem:s0+$0x89E0]  }
0x9b: {  	v11 =	vld [tilespmem:s0+$0x89F0];
	_ =	sdelay $0x1  }
0x9c: {  	v2 =	vadd.f32 v2, v5;
	v3 =	vadd.f32 v3, v6  }
0x9d: {  	v4 =	vadd.f32 v4, v7;
	v60 =	vadd.f32 v9, v8  }
0x9e: {  	v1 =	vadd.f32 v1, v2;
	v0 =	vadd.f32 v0, v3  }
0x9f: {  	s29 =	sadd.s32 $0x1, s29;
	v61 =	vadd.f32 v10, v4;
	v62 =	vadd.f32 v11, v60  }
0xa0: {  	p0 =	sne.s32 s29, $0x20  }
.Ltmp4:
0xa1: {  	v0 =	vadd.f32 v0, v1;
	v63 =	vadd.f32 v62, v61;
	(pc) =	sbr.rel @p0 .LBB2_2-.Ltmp4, $4  }
0xa2: {  	_ = 	snop  }
0xa3: {  	s31 =	sshll.u32 s30, $0x4;
	v0 =	vadd.f32 v63, v0  }
0xa4: {  	s0 =	sand.u32 $0x3FFFFFF0, s31  }
0xa5: {  	[tilespmem:s0+$0x9600] =	vst v0  }
0xa6: {  	s28 =	sadd.s32 $0x1, s28  }
0xa7: {  	p0 =	sne.s32 s28, s6  }
.Ltmp5:
0xa8: {  	_ = 	snop;
	(pc) =	sbr.rel @p0 .LBB2_1-.Ltmp5, $4  }
0xa9: {  	[hbm4b:s5+s2] =	stream.linear.scatter [tilespmem:s26], [sflag:$0x5], $0x800, $0x38;
	[tilespmem:$0x9E00] =	vst v63  }
0xaa: {  	_ =	swait.ge [sflag:s7], $0x800  }
0xab: {  	[sflag:s7] =	ssyncset.done $0x0  }
0xac: {  	[sflag:s7] =	ssyncadd.s32 $0xFFFFF800  }
0xad: {  	_ =	sfence.sel $0x180000  }
0xae: {  	[bflag:$0x0] =	sbarrier.arrive $0xFFFF  }
0xaf: {  	_ =	strace $0x9000004A  }
0xb0: {  	s0 =	stileid.u32;
	[bflag:$0x2] =	sbarrier.arrive $0xFFFF  }
0xb1: {  	p0 =	sne.s32 s0, $0x0;
	s0 =	rddreg [dreg:$0x1]  }
0xb2: {  	s0 =	sadd.s32 @!p0 $0x100000, s0  }
0xb3: {  	[sflag:s0] =	ssyncadd.tile.s32 @!p0 $0x1;
	_ =	shalt  }
.Lfunc_end2:
_tile_overlayer_lowered:
.L_overlay_start_2:
0xb4: {  	(tag) =	ssettag $0x2  }
0xb5: {  	s0 =	rddreg [dreg:$0x0];
	s2 =	stileid.u32  }
0xb6: {  	s1 =	rddreg [dreg:$0x1];
	p0 =	sne.s32 s2, $0x0  }
0xb7: {  	s3 =	rddreg [dreg:$0x2];
	[bflag:$0x3] =	sbarrier.arrive $0xFFFF;
	s2 =	simm.s32 @!p0 $0x1C05  }
0xb8: {  	[timem:s3], [sflag:s2] =	dma.local @!p0 [hbm:s0], s1  }
0xb9: {  	s0 =	simm.s32 @!p0 $0x5  }
0xba: {  	_ =	swait.ge @!p0 [sflag:s0], s1  }
0xbb: {  	s1 =	ssub.s32 @!p0 $0x0, s1;
	[sflag:s0] =	ssyncset.done @!p0 $0x0  }
0xbc: {  	[sflag:s0] =	ssyncadd.s32 @!p0 s1  }
0xbd: {  	[bflag:$0x3] =	sbarrier.arrive $0xFFFF  }
0xbe: {  	_ =	shalt  }

</sc_bundles>
